<compile_context>
chip_gen: v7x
topology: tpu7x:2x2x1
jax: 0.10.2.dev20260603
libtpu: 0.0.44.dev20260713+nightly
codegen_flags: <defaults>
</compile_context>

<pallas_src>
import functools

import jax
import jax.numpy as jnp
from jax import lax
from jax.experimental import pallas as pl
from jax.experimental.pallas import tpu as pltpu
from jax.experimental.pallas import tpu_sc as plsc

_N = 10000
_NP = 10240
_E = 160000
_H = 256
_HH = 128
_G = 64

_NC = 2
_NS = 16

_EPW_D = _E // (_NC * _NS)
_DCH = 80
_DNCH = _EPW_D // _DCH
_DTAIL = _EPW_D - _DNCH * _DCH
_RPW = _NP // _NS

_CH = 128
_NCHT = _E // _CH
_CPS = _NCHT // _NS
_NPAIR = _CPS // 2

_mesh = plsc.VectorSubcoreMesh(core_axis_name="core", subcore_axis_name="subcore")


@functools.partial(
    pl.kernel,
    out_type=jax.ShapeDtypeStruct((2 * _NP, _HH), jnp.float32),
    mesh=_mesh,
    scratch_types=[
        pltpu.VMEM((_DCH,), jnp.int32),
        pltpu.VMEM((_DTAIL,), jnp.int32),
        pltpu.VMEM((_DCH, _HH), jnp.float32),
        pltpu.VMEM_SHARED((_NP, _HH), jnp.float32),
    ],
)
def _sc_deg(dst_hbm, ones_hbm, zeros_hbm, degp,
            idx_v, idxt_v, ones_v, acc_sh):
    c = lax.axis_index("core")
    s = lax.axis_index("subcore")
    r0 = s * _RPW
    pltpu.sync_copy(zeros_hbm, acc_sh.at[pl.ds(r0, _RPW)])
    pltpu.sync_copy(ones_hbm, ones_v)
    plsc.subcore_barrier()

    base = c * (_E // _NC) + s * _EPW_D

    @pl.loop(0, _DNCH)
    def _chunks(i):
        off = base + i * _DCH
        pltpu.sync_copy(dst_hbm.at[pl.ds(off, _DCH)], idx_v)
        pltpu.sync_copy(ones_v, acc_sh.at[idx_v], add=True)

    toff = base + _DNCH * _DCH
    pltpu.sync_copy(dst_hbm.at[pl.ds(toff, _DTAIL)], idxt_v)
    pltpu.sync_copy(ones_v.at[pl.ds(0, _DTAIL)], acc_sh.at[idxt_v], add=True)

    plsc.subcore_barrier()
    pltpu.sync_copy(acc_sh.at[pl.ds(r0, _RPW)],
                    degp.at[pl.ds(c * _NP + r0, _RPW)])


@functools.partial(
    pl.kernel,
    out_type=[jax.ShapeDtypeStruct((_NP, _HH), jnp.float32),
              jax.ShapeDtypeStruct((_NP, _HH), jnp.float32)],
    mesh=_mesh,
    scratch_types=[
        pltpu.VMEM((2, _CH), jnp.int32),
        pltpu.VMEM((2, _CH), jnp.int32),
        pltpu.VMEM((_CH, _HH), jnp.float32),
        pltpu.VMEM((_CH, _HH), jnp.float32),
        pltpu.VMEM_SHARED((_NP, _HH), jnp.float32),
        pltpu.SemaphoreType.DMA,
        pltpu.SemaphoreType.DMA,
    ],
)
def _sc_prop(mta_hbm, mtb_hbm, eidx_hbm, outa, outb,
             e0_v, e1_v, rows0_v, rows1_v, acc_sh, gsem0, gsem1):
    c = lax.axis_index("core")
    s = lax.axis_index("subcore")
    r0 = s * _RPW
    bc = _CPS * s + jnp.minimum(s, 2)

    def half(tab_hbm, out_hbm):
        pltpu.sync_copy(tab_hbm.at[pl.ds(r0, _RPW)], acc_sh.at[pl.ds(r0, _RPW)])
        plsc.subcore_barrier()

        def load_idx(k, ebuf):
            pltpu.sync_copy(eidx_hbm.at[:, pl.ds((bc + k) * _CH, _CH)], ebuf)

        def gather_start(ebuf, rbuf, sem):
            pltpu.async_copy(tab_hbm.at[ebuf.at[0]], rbuf, sem)

        def gather_wait(ebuf, rbuf, sem):
            pltpu.make_async_copy(tab_hbm.at[ebuf.at[0]], rbuf, sem).wait()

        def scatter(ebuf, rbuf):
            pltpu.sync_copy(rbuf, acc_sh.at[ebuf.at[1]], add=True)

        load_idx(0, e0_v)
        gather_start(e0_v, rows0_v, gsem0)

        @pl.loop(0, _NPAIR)
        def _pair(j):
            load_idx(2 * j + 1, e1_v)
            gather_start(e1_v, rows1_v, gsem1)
            gather_wait(e0_v, rows0_v, gsem0)
            scatter(e0_v, rows0_v)

            @pl.when(j < _NPAIR - 1)
            def _():
                load_idx(2 * j + 2, e0_v)
                gather_start(e0_v, rows0_v, gsem0)

            gather_wait(e1_v, rows1_v, gsem1)
            scatter(e1_v, rows1_v)

        @pl.when(s < 2)
        def _():
            load_idx(_CPS, e0_v)
            pltpu.sync_copy(tab_hbm.at[e0_v.at[0]], rows0_v)
            scatter(e0_v, rows0_v)

        plsc.subcore_barrier()
        pltpu.sync_copy(acc_sh.at[pl.ds(r0, _RPW)], out_hbm.at[pl.ds(r0, _RPW)])

    @pl.when(c == 0)
    def _():
        half(mta_hbm, outa)

    @pl.when(c == 1)
    def _():
        half(mtb_hbm, outb)


_RT = 1024
_NT = _NP // _RT
_PREC = lax.Precision.HIGHEST


def _tc_prep_kernel(x_ref, emb_ref, w0_ref, degp_ref,
                    dinv_ref, mta_ref, mtb_ref):
    deg = degp_ref[0, :, 0:1] + degp_ref[1, :, 0:1] + 1.0
    dinv = lax.rsqrt(deg)
    dinv_ref[...] = dinv
    ids = lax.broadcasted_iota(jnp.int32, (_RT, 128), 1)
    oh = jnp.where(x_ref[...] == ids, 1.0, 0.0)
    h0 = jnp.dot(oh, emb_ref[...], preferred_element_type=jnp.float32)
    m0 = jnp.dot(h0, w0_ref[...], preferred_element_type=jnp.float32)
    mt = m0 * dinv
    mta_ref[...] = mt[:, :_HH]
    mtb_ref[...] = mt[:, _HH:]


def _tc_prep(xc, emb_p, w0, degp3):
    return pl.pallas_call(
        _tc_prep_kernel,
        grid=(_NT,),
        in_specs=[
            pl.BlockSpec((_RT, 1), lambda i: (i, 0)),
            pl.BlockSpec((128, _H), lambda i: (0, 0)),
            pl.BlockSpec((_H, _H), lambda i: (0, 0)),
            pl.BlockSpec((2, _RT, _HH), lambda i: (0, i, 0)),
        ],
        out_specs=[
            pl.BlockSpec((_RT, 1), lambda i: (i, 0)),
            pl.BlockSpec((_RT, _HH), lambda i: (i, 0)),
            pl.BlockSpec((_RT, _HH), lambda i: (i, 0)),
        ],
        out_shape=[jax.ShapeDtypeStruct((_NP, 1), jnp.float32),
                   jax.ShapeDtypeStruct((_NP, _HH), jnp.float32),
                   jax.ShapeDtypeStruct((_NP, _HH), jnp.float32)],
    )(xc, emb_p, w0, degp3)


def _tc_mid_kernel(acca_ref, accb_ref, dinv_ref, b_ref, w_ref,
                   mta_ref, mtb_ref):
    dinv = dinv_ref[...]
    h = jnp.maximum(
        jnp.concatenate([acca_ref[...], accb_ref[...]], axis=1) * dinv
        + b_ref[...], 0.0)
    mt = jnp.dot(h, w_ref[...], preferred_element_type=jnp.float32) * dinv
    mta_ref[...] = mt[:, :_HH]
    mtb_ref[...] = mt[:, _HH:]


def _tc_mid(acca, accb, dinv, b2d, w):
    return pl.pallas_call(
        _tc_mid_kernel,
        grid=(_NT,),
        in_specs=[
            pl.BlockSpec((_RT, _HH), lambda i: (i, 0)),
            pl.BlockSpec((_RT, _HH), lambda i: (i, 0)),
            pl.BlockSpec((_RT, 1), lambda i: (i, 0)),
            pl.BlockSpec((1, _H), lambda i: (0, 0)),
            pl.BlockSpec((_H, _H), lambda i: (0, 0)),
        ],
        out_specs=[
            pl.BlockSpec((_RT, _HH), lambda i: (i, 0)),
            pl.BlockSpec((_RT, _HH), lambda i: (i, 0)),
        ],
        out_shape=[jax.ShapeDtypeStruct((_NP, _HH), jnp.float32),
                   jax.ShapeDtypeStruct((_NP, _HH), jnp.float32)],
    )(acca, accb, dinv, b2d, w)


def _tc_h3_kernel(acca_ref, accb_ref, dinv_ref, b_ref, h_ref):
    h_ref[...] = jnp.maximum(
        jnp.concatenate([acca_ref[...], accb_ref[...]], axis=1) * dinv_ref[...]
        + b_ref[...], 0.0)


def _tc_h3(acca, accb, dinv, b2d):
    return pl.pallas_call(
        _tc_h3_kernel,
        grid=(_NT,),
        in_specs=[
            pl.BlockSpec((_RT, _HH), lambda i: (i, 0)),
            pl.BlockSpec((_RT, _HH), lambda i: (i, 0)),
            pl.BlockSpec((_RT, 1), lambda i: (i, 0)),
            pl.BlockSpec((1, _H), lambda i: (0, 0)),
        ],
        out_specs=pl.BlockSpec((_RT, _H), lambda i: (i, 0)),
        out_shape=jax.ShapeDtypeStruct((_NP, _H), jnp.float32),
    )(acca, accb, dinv, b2d)


@jax.jit
def _run(x, edge_index, batch, emb, W0, b0, W1, b1, W2, b2,
         fc1_W, fc1_b, fc2_W, fc2_b, fc3_W, fc3_b):
    eidx = edge_index.astype(jnp.int32)
    dst = eidx[1]
    xc = jnp.pad(x.astype(jnp.int32).reshape(_N, 1),
                 ((0, _NP - _N), (0, 0)))
    emb_p = jnp.zeros((128, _H), jnp.float32).at[:100, :].set(emb)
    ones_in = jnp.ones((_DCH, _HH), jnp.float32)
    zeros_in = jnp.zeros((_RPW, _HH), jnp.float32)

    degp = _sc_deg(dst, ones_in, zeros_in)
    dinv, mta, mtb = _tc_prep(xc, emb_p, W0, degp.reshape(2, _NP, _HH))
    acca, accb = _sc_prop(mta, mtb, eidx)
    mta, mtb = _tc_mid(acca, accb, dinv, b0.reshape(1, _H), W1)
    acca, accb = _sc_prop(mta, mtb, eidx)
    mta, mtb = _tc_mid(acca, accb, dinv, b1.reshape(1, _H), W2)
    acca, accb = _sc_prop(mta, mtb, eidx)
    h3 = _tc_h3(acca, accb, dinv, b2.reshape(1, _H))[:_N]
    sums = jax.ops.segment_sum(h3, batch, num_segments=_G)
    counts = jax.ops.segment_sum(jnp.ones((_N,), h3.dtype), batch,
                                 num_segments=_G)
    pooled = sums / jnp.maximum(counts, 1.0)[:, None]
    z = jax.nn.relu(pooled @ fc1_W + fc1_b)
    z = jax.nn.relu(z @ fc2_W + fc2_b)
    z = z @ fc3_W + fc3_b
    z = z.squeeze(-1)
    return z


def kernel(x, edge_index, edge_attr, batch, emb, W0, b0, W1, b1, W2, b2,
           fc1_W, fc1_b, fc2_W, fc2_b, fc3_W, fc3_b):
    del edge_attr
    return _run(x, edge_index, batch, emb, W0, b0, W1, b1, W2, b2,
                fc1_W, fc1_b, fc2_W, fc2_b, fc3_W, fc3_b)

# --- scband reference (transcript-rebuilt; emitter-appended) ---
"""Pipeline reference for scband-cgcnn-35570919146059 (READ-ONLY COPY).

The authoritative reference and input builder live on the scoring server;
editing this copy changes nothing except your own understanding.
"""

import jax, jax.numpy as jnp
import numpy as np

N = 10000
E = 160000
H = 256
NUM_GRAPHS = 64


def setup_inputs(seed: int = 0) -> dict:
    key = jax.random.key(seed)
    k = jax.random.split(key, 16)
    x = jax.random.randint(k[0], (N, 1), 0, 100)
    edge_index = jax.random.randint(k[1], (2, E), 0, N)
    edge_attr = jax.random.normal(k[2], (E, 4), dtype=jnp.float32)
    batch = jnp.sort(jax.random.randint(k[3], (N,), 0, NUM_GRAPHS))
    emb = jax.random.normal(k[4], (100, H), dtype=jnp.float32) * 0.05
    s = 1.0 / np.sqrt(H)
    W0 = jax.random.normal(k[5], (H, H), dtype=jnp.float32) * s
    W1 = jax.random.normal(k[6], (H, H), dtype=jnp.float32) * s
    W2 = jax.random.normal(k[7], (H, H), dtype=jnp.float32) * s
    b0 = jnp.zeros((H,), jnp.float32)
    b1 = jnp.zeros((H,), jnp.float32)
    b2 = jnp.zeros((H,), jnp.float32)
    fc1_W = jax.random.normal(k[8], (H, H // 2), dtype=jnp.float32) * s
    fc1_b = jnp.zeros((H // 2,), jnp.float32)
    fc2_W = jax.random.normal(k[9], (H // 2, H // 4), dtype=jnp.float32) * (1.0 / np.sqrt(H // 2))
    fc2_b = jnp.zeros((H // 4,), jnp.float32)
    fc3_W = jax.random.normal(k[10], (H // 4, 1), dtype=jnp.float32) * (1.0 / np.sqrt(H // 4))
    fc3_b = jnp.zeros((1,), jnp.float32)
    return {"x": x, "edge_index": edge_index, "edge_attr": edge_attr, "batch": batch,
            "emb": emb, "W0": W0, "b0": b0, "W1": W1, "b1": b1, "W2": W2, "b2": b2,
            "fc1_W": fc1_W, "fc1_b": fc1_b, "fc2_W": fc2_W, "fc2_b": fc2_b,
            "fc3_W": fc3_W, "fc3_b": fc3_b}


def _gcn_conv(h, src, dst, W, b):
    # PyG GCNConv semantics: add self-loops, symmetric normalization, linear transform
    loop = jnp.arange(N)
    s = jnp.concatenate([src, loop])
    d = jnp.concatenate([dst, loop])
    deg = jax.ops.segment_sum(jnp.ones_like(s, dtype=h.dtype), d, num_segments=N)
    dinv = jnp.where(deg > 0, deg ** -0.5, 0.0)
    norm = dinv[s] * dinv[d]
    m = h @ W
    msg = m[s] * norm[:, None]
    out = jax.ops.segment_sum(msg, d, num_segments=N)
    return out + b


def reference(x, edge_index, edge_attr, batch, emb, W0, b0, W1, b1, W2, b2,
              fc1_W, fc1_b, fc2_W, fc2_b, fc3_W, fc3_b):
    # edge_attr is carried by the Data object but unused by GCNConv in this model
    src, dst = edge_index[0], edge_index[1]
    h = jnp.take(emb, x[:, 0], axis=0)
    for W, b in ((W0, b0), (W1, b1), (W2, b2)):
        h = jax.nn.relu(_gcn_conv(h, src, dst, W, b))
        # dropout is identity in eval mode
    sums = jax.ops.segment_sum(h, batch, num_segments=NUM_GRAPHS)
    counts = jax.ops.segment_sum(jnp.ones((N,), h.dtype), batch, num_segments=NUM_GRAPHS)
    pooled = sums / jnp.maximum(counts, 1.0)[:, None]
    z = jax.nn.relu(pooled @ fc1_W + fc1_b)
    z = jax.nn.relu(z @ fc2_W + fc2_b)
    z = z @ fc3_W + fc3_b
    return z.squeeze(-1)


if False:  # reference __main__ guard neutralized (emitter)
    out = reference(**setup_inputs())
    print(out.shape, out.dtype)

if __name__ == "__main__":
    import jax
    _d = setup_inputs()
    print(jax.jit(kernel)(*tuple(_d.values())))

</pallas_src>

<mosaic_0001>
#map = affine_map<(d0, d1) -> (0)>
#map1 = affine_map<(d0, d1) -> (0, 0)>
module attributes {stable_mosaic.version = 14 : i64} {
  func.func @_sc_deg(%arg0: i32, %arg1: i32, %arg2: memref<160000xi32, #tpu.memory_space<hbm>>, %arg3: memref<80x128xf32, #tpu.memory_space<hbm>>, %arg4: memref<640x128xf32, #tpu.memory_space<hbm>>, %arg5: memref<20480x128xf32, #tpu.memory_space<hbm>>, %arg6: memref<80xi32, #tpu.memory_space<vmem>>, %arg7: memref<40xi32, #tpu.memory_space<vmem>>, %arg8: memref<80x128xf32, #tpu.memory_space<vmem>>, %arg9: memref<10240x128xf32, #tpu.memory_space<vmem_shared>>) attributes {dimension_semantics = [#tpu.dimension_semantics<core_parallel>, #tpu.dimension_semantics<subcore_parallel>], iteration_bounds = array<i64: 2, 16>, scalar_prefetch = 0 : i64, scratch_operands = 4 : i64, tpu.core_type = #tpu.core_type<sc_vector_subcore>, window_params = [{transform_indices = #map}, {transform_indices = #map1}, {transform_indices = #map1}, {transform_indices = #map1}]} {
    %mul3A = arith.constant 640 : i32
    %mul3A_0 = arith.muli %arg1, %mul3A : i32
    "tpu.region"() ({
      %run_scoped3A = tpu.sem_alloc : memref<!tpu.dma_semaphore, #tpu.memory_space<semaphore_mem>>
      %dma_start3A = arith.constant 0 : i32
      %dma_start3A_15 = tpu.memref_slice %arg9[%mul3A_0, %dma_start3A] : memref<10240x128xf32, #tpu.memory_space<vmem_shared>> -> memref<640x128xf32, #tpu.memory_space<vmem_shared>>
      tpu.enqueue_dma source(%arg4 : memref<640x128xf32, #tpu.memory_space<hbm>>) target(%dma_start3A_15 : memref<640x128xf32, #tpu.memory_space<vmem_shared>>) target_semaphore(%run_scoped3A : memref<!tpu.dma_semaphore, #tpu.memory_space<semaphore_mem>>)
      %dma_wait3A = arith.constant 0 : i32
      %dma_wait3A_16 = tpu.memref_slice %arg9[%mul3A_0, %dma_wait3A] : memref<10240x128xf32, #tpu.memory_space<vmem_shared>> -> memref<640x128xf32, #tpu.memory_space<vmem_shared>>
      tpu.wait_dma2 semaphore(%run_scoped3A : memref<!tpu.dma_semaphore, #tpu.memory_space<semaphore_mem>>) src(%arg4 : memref<640x128xf32, #tpu.memory_space<hbm>>) dst(%dma_wait3A_16 : memref<640x128xf32, #tpu.memory_space<vmem_shared>>)
      tpu.yield
    }) : () -> ()
    "tpu.region"() ({
      %run_scoped3A = tpu.sem_alloc : memref<!tpu.dma_semaphore, #tpu.memory_space<semaphore_mem>>
      tpu.enqueue_dma source(%arg3 : memref<80x128xf32, #tpu.memory_space<hbm>>) target(%arg8 : memref<80x128xf32, #tpu.memory_space<vmem>>) target_semaphore(%run_scoped3A : memref<!tpu.dma_semaphore, #tpu.memory_space<semaphore_mem>>)
      tpu.wait_dma2 semaphore(%run_scoped3A : memref<!tpu.dma_semaphore, #tpu.memory_space<semaphore_mem>>) src(%arg3 : memref<80x128xf32, #tpu.memory_space<hbm>>) dst(%arg8 : memref<80x128xf32, #tpu.memory_space<vmem>>)
      tpu.yield
    }) : () -> ()
    %barrier3A = arith.constant 0 : index
    tpu.barrier barrier_id(%barrier3A)
    %mul3A_1 = arith.constant 80000 : i32
    %mul3A_2 = arith.muli %arg0, %mul3A_1 : i32
    %mul3A_3 = arith.constant 5000 : i32
    %mul3A_4 = arith.muli %arg1, %mul3A_3 : i32
    %add3A = arith.addi %mul3A_2, %mul3A_4 : i32
    %scan3A = arith.constant 0 : i32
    %scan3A_5 = arith.constant 62 : i32
    %scan3A_6 = arith.addi %scan3A, %scan3A_5 : i32
    %scan3A_7 = arith.constant 1 : i32
    scf.for %scan3A_15 = %scan3A to %scan3A_6 step %scan3A_7  : i32 {
      %mul3A_16 = arith.constant 1 : i32
      %mul3A_17 = arith.muli %scan3A_15, %mul3A_16 : i32
      %add3A_18 = arith.constant 0 : i32
      %add3A_19 = arith.addi %add3A_18, %mul3A_17 : i32
      %mul3A_20 = arith.constant 80 : i32
      %mul3A_21 = arith.muli %add3A_19, %mul3A_20 : i32
      %add3A_22 = arith.addi %add3A, %mul3A_21 : i32
      "tpu.region"() ({
        %run_scoped3A = tpu.sem_alloc : memref<!tpu.dma_semaphore, #tpu.memory_space<semaphore_mem>>
        %dma_start3A = tpu.memref_slice %arg2[%add3A_22] : memref<160000xi32, #tpu.memory_space<hbm>> -> memref<80xi32, #tpu.memory_space<hbm>>
        %dma_start3A_23 = tpu.memref_slice %arg2[%add3A_22] : memref<160000xi32, #tpu.memory_space<hbm>> -> memref<80xi32, #tpu.memory_space<hbm>>
        tpu.enqueue_dma source(%dma_start3A_23 : memref<80xi32, #tpu.memory_space<hbm>>) target(%arg6 : memref<80xi32, #tpu.memory_space<vmem>>) target_semaphore(%run_scoped3A : memref<!tpu.dma_semaphore, #tpu.memory_space<semaphore_mem>>)
        %dma_wait3A = tpu.memref_slice %arg2[%add3A_22] : memref<160000xi32, #tpu.memory_space<hbm>> -> memref<80xi32, #tpu.memory_space<hbm>>
        %dma_wait3A_24 = tpu.memref_slice %arg2[%add3A_22] : memref<160000xi32, #tpu.memory_space<hbm>> -> memref<80xi32, #tpu.memory_space<hbm>>
        tpu.wait_dma2 semaphore(%run_scoped3A : memref<!tpu.dma_semaphore, #tpu.memory_space<semaphore_mem>>) src(%dma_wait3A_24 : memref<80xi32, #tpu.memory_space<hbm>>) dst(%arg6 : memref<80xi32, #tpu.memory_space<vmem>>)
        tpu.yield
      }) : () -> ()
      "tpu.region"() ({
        %run_scoped3A = tpu.sem_alloc : memref<!tpu.dma_semaphore, #tpu.memory_space<semaphore_mem>>
        %dma_start3A = arith.constant 0 : i32
        %dma_start3A_23 = arith.constant 0 : i32
        %dma_start3A_24 = tpu.memref_slice %arg9[%dma_start3A, %dma_start3A_23] : memref<10240x128xf32, #tpu.memory_space<vmem_shared>> -> memref<10240x128xf32, #tpu.memory_space<vmem_shared>>
        tpu.enqueue_indirect_dma source(%arg8 : memref<80x128xf32, #tpu.memory_space<vmem>>) target(%dma_start3A_24 : memref<10240x128xf32, #tpu.memory_space<vmem_shared>>) offsets(%arg6 : memref<80xi32, #tpu.memory_space<vmem>>) semaphore(%run_scoped3A : memref<!tpu.dma_semaphore, #tpu.memory_space<semaphore_mem>>) {add = true}
        %dma_wait3A = arith.constant 0 : i32
        %dma_wait3A_25 = arith.constant 0 : i32
        %dma_wait3A_26 = tpu.memref_slice %arg9[%dma_wait3A, %dma_wait3A_25] : memref<10240x128xf32, #tpu.memory_space<vmem_shared>> -> memref<10240x128xf32, #tpu.memory_space<vmem_shared>>
        tpu.wait_indirect_dma semaphore(%run_scoped3A : memref<!tpu.dma_semaphore, #tpu.memory_space<semaphore_mem>>) src(%arg8 : memref<80x128xf32, #tpu.memory_space<vmem>>) dst(%dma_wait3A_26 : memref<10240x128xf32, #tpu.memory_space<vmem_shared>>)
        tpu.yield
      }) : () -> ()
    }
    %scan3A_8 = arith.constant 62 : i32
    %add3A_9 = arith.constant 4960 : i32
    %add3A_10 = arith.addi %add3A, %add3A_9 : i32
    "tpu.region"() ({
      %run_scoped3A = tpu.sem_alloc : memref<!tpu.dma_semaphore, #tpu.memory_space<semaphore_mem>>
      %dma_start3A = tpu.memref_slice %arg2[%add3A_10] : memref<160000xi32, #tpu.memory_space<hbm>> -> memref<40xi32, #tpu.memory_space<hbm>>
      %dma_start3A_15 = tpu.memref_slice %arg2[%add3A_10] : memref<160000xi32, #tpu.memory_space<hbm>> -> memref<40xi32, #tpu.memory_space<hbm>>
      tpu.enqueue_dma source(%dma_start3A_15 : memref<40xi32, #tpu.memory_space<hbm>>) target(%arg7 : memref<40xi32, #tpu.memory_space<vmem>>) target_semaphore(%run_scoped3A : memref<!tpu.dma_semaphore, #tpu.memory_space<semaphore_mem>>)
      %dma_wait3A = tpu.memref_slice %arg2[%add3A_10] : memref<160000xi32, #tpu.memory_space<hbm>> -> memref<40xi32, #tpu.memory_space<hbm>>
      %dma_wait3A_16 = tpu.memref_slice %arg2[%add3A_10] : memref<160000xi32, #tpu.memory_space<hbm>> -> memref<40xi32, #tpu.memory_space<hbm>>
      tpu.wait_dma2 semaphore(%run_scoped3A : memref<!tpu.dma_semaphore, #tpu.memory_space<semaphore_mem>>) src(%dma_wait3A_16 : memref<40xi32, #tpu.memory_space<hbm>>) dst(%arg7 : memref<40xi32, #tpu.memory_space<vmem>>)
      tpu.yield
    }) : () -> ()
    "tpu.region"() ({
      %run_scoped3A = tpu.sem_alloc : memref<!tpu.dma_semaphore, #tpu.memory_space<semaphore_mem>>
      %dma_start3A = arith.constant 0 : i32
      %dma_start3A_15 = arith.constant 0 : i32
      %dma_start3A_16 = tpu.memref_slice %arg8[%dma_start3A, %dma_start3A_15] : memref<80x128xf32, #tpu.memory_space<vmem>> -> memref<40x128xf32, #tpu.memory_space<vmem>>
      %dma_start3A_17 = arith.constant 0 : i32
      %dma_start3A_18 = arith.constant 0 : i32
      %dma_start3A_19 = tpu.memref_slice %arg9[%dma_start3A_17, %dma_start3A_18] : memref<10240x128xf32, #tpu.memory_space<vmem_shared>> -> memref<10240x128xf32, #tpu.memory_space<vmem_shared>>
      tpu.enqueue_indirect_dma source(%dma_start3A_16 : memref<40x128xf32, #tpu.memory_space<vmem>>) target(%dma_start3A_19 : memref<10240x128xf32, #tpu.memory_space<vmem_shared>>) offsets(%arg7 : memref<40xi32, #tpu.memory_space<vmem>>) semaphore(%run_scoped3A : memref<!tpu.dma_semaphore, #tpu.memory_space<semaphore_mem>>) {add = true}
      %dma_wait3A = arith.constant 0 : i32
      %dma_wait3A_20 = arith.constant 0 : i32
      %dma_wait3A_21 = tpu.memref_slice %arg8[%dma_wait3A, %dma_wait3A_20] : memref<80x128xf32, #tpu.memory_space<vmem>> -> memref<40x128xf32, #tpu.memory_space<vmem>>
      %dma_wait3A_22 = arith.constant 0 : i32
      %dma_wait3A_23 = arith.constant 0 : i32
      %dma_wait3A_24 = tpu.memref_slice %arg9[%dma_wait3A_22, %dma_wait3A_23] : memref<10240x128xf32, #tpu.memory_space<vmem_shared>> -> memref<10240x128xf32, #tpu.memory_space<vmem_shared>>
      tpu.wait_indirect_dma semaphore(%run_scoped3A : memref<!tpu.dma_semaphore, #tpu.memory_space<semaphore_mem>>) src(%dma_wait3A_21 : memref<40x128xf32, #tpu.memory_space<vmem>>) dst(%dma_wait3A_24 : memref<10240x128xf32, #tpu.memory_space<vmem_shared>>)
      tpu.yield
    }) : () -> ()
    %barrier3A_11 = arith.constant 0 : index
    tpu.barrier barrier_id(%barrier3A_11)
    %mul3A_12 = arith.constant 10240 : i32
    %mul3A_13 = arith.muli %arg0, %mul3A_12 : i32
    %add3A_14 = arith.addi %mul3A_13, %mul3A_0 : i32
    "tpu.region"() ({
      %run_scoped3A = tpu.sem_alloc : memref<!tpu.dma_semaphore, #tpu.memory_space<semaphore_mem>>
      %dma_start3A = arith.constant 0 : i32
      %dma_start3A_15 = tpu.memref_slice %arg5[%add3A_14, %dma_start3A] : memref<20480x128xf32, #tpu.memory_space<hbm>> -> memref<640x128xf32, #tpu.memory_space<hbm>>
      %dma_start3A_16 = arith.constant 0 : i32
      %dma_start3A_17 = tpu.memref_slice %arg9[%mul3A_0, %dma_start3A_16] : memref<10240x128xf32, #tpu.memory_space<vmem_shared>> -> memref<640x128xf32, #tpu.memory_space<vmem_shared>>
      tpu.enqueue_dma source(%dma_start3A_17 : memref<640x128xf32, #tpu.memory_space<vmem_shared>>) target(%dma_start3A_15 : memref<640x128xf32, #tpu.memory_space<hbm>>) target_semaphore(%run_scoped3A : memref<!tpu.dma_semaphore, #tpu.memory_space<semaphore_mem>>)
      %dma_wait3A = arith.constant 0 : i32
      %dma_wait3A_18 = tpu.memref_slice %arg5[%add3A_14, %dma_wait3A] : memref<20480x128xf32, #tpu.memory_space<hbm>> -> memref<640x128xf32, #tpu.memory_space<hbm>>
      %dma_wait3A_19 = arith.constant 0 : i32
      %dma_wait3A_20 = tpu.memref_slice %arg9[%mul3A_0, %dma_wait3A_19] : memref<10240x128xf32, #tpu.memory_space<vmem_shared>> -> memref<640x128xf32, #tpu.memory_space<vmem_shared>>
      tpu.wait_dma2 semaphore(%run_scoped3A : memref<!tpu.dma_semaphore, #tpu.memory_space<semaphore_mem>>) src(%dma_wait3A_20 : memref<640x128xf32, #tpu.memory_space<vmem_shared>>) dst(%dma_wait3A_18 : memref<640x128xf32, #tpu.memory_space<hbm>>)
      tpu.yield
    }) : () -> ()
    return
  }
}

#map = affine_map<(d0, d1) -> (0, 0)>
module attributes {stable_mosaic.version = 14 : i64} {
  func.func @_sc_prop(%arg0: i32, %arg1: i32, %arg2: memref<10240x128xf32, #tpu.memory_space<hbm>>, %arg3: memref<10240x128xf32, #tpu.memory_space<hbm>>, %arg4: memref<2x160000xi32, #tpu.memory_space<hbm>>, %arg5: memref<10240x128xf32, #tpu.memory_space<hbm>>, %arg6: memref<10240x128xf32, #tpu.memory_space<hbm>>, %arg7: memref<2x128xi32, #tpu.memory_space<vmem>>, %arg8: memref<2x128xi32, #tpu.memory_space<vmem>>, %arg9: memref<128x128xf32, #tpu.memory_space<vmem>>, %arg10: memref<128x128xf32, #tpu.memory_space<vmem>>, %arg11: memref<10240x128xf32, #tpu.memory_space<vmem_shared>>, %arg12: memref<!tpu.dma_semaphore, #tpu.memory_space<semaphore_mem>>, %arg13: memref<!tpu.dma_semaphore, #tpu.memory_space<semaphore_mem>>) attributes {dimension_semantics = [#tpu.dimension_semantics<core_parallel>, #tpu.dimension_semantics<subcore_parallel>], iteration_bounds = array<i64: 2, 16>, scalar_prefetch = 0 : i64, scratch_operands = 7 : i64, tpu.core_type = #tpu.core_type<sc_vector_subcore>, window_params = [{transform_indices = #map}, {transform_indices = #map}, {transform_indices = #map}, {transform_indices = #map}, {transform_indices = #map}]} {
    %mul3A = arith.constant 640 : i32
    %mul3A_0 = arith.muli %arg1, %mul3A : i32
    %mul3A_1 = arith.constant 78 : i32
    %mul3A_2 = arith.muli %mul3A_1, %arg1 : i32
    %min3A = arith.constant 2 : i32
    %min3A_3 = arith.minsi %arg1, %min3A : i32
    %add3A = arith.addi %mul3A_2, %min3A_3 : i32
    %eq3A = arith.constant 0 : i32
    %eq3A_4 = arith.cmpi eq, %arg0, %eq3A : i32
    %convert_element_type3A = arith.extui %eq3A_4 : i1 to i32
    %cond3A = arith.constant 0 : i32
    %cond3A_5 = arith.cmpi ne, %convert_element_type3A, %cond3A : i32
    scf.if %cond3A_5 {
      "tpu.region"() ({
        %run_scoped3A = tpu.sem_alloc : memref<!tpu.dma_semaphore, #tpu.memory_space<semaphore_mem>>
        %dma_start3A_30 = arith.constant 0 : i32
        %dma_start3A_31 = tpu.memref_slice %arg11[%mul3A_0, %dma_start3A_30] : memref<10240x128xf32, #tpu.memory_space<vmem_shared>> -> memref<640x128xf32, #tpu.memory_space<vmem_shared>>
        %dma_start3A_32 = arith.constant 0 : i32
        %dma_start3A_33 = tpu.memref_slice %arg2[%mul3A_0, %dma_start3A_32] : memref<10240x128xf32, #tpu.memory_space<hbm>> -> memref<640x128xf32, #tpu.memory_space<hbm>>
        tpu.enqueue_dma source(%dma_start3A_33 : memref<640x128xf32, #tpu.memory_space<hbm>>) target(%dma_start3A_31 : memref<640x128xf32, #tpu.memory_space<vmem_shared>>) target_semaphore(%run_scoped3A : memref<!tpu.dma_semaphore, #tpu.memory_space<semaphore_mem>>)
        %dma_wait3A = arith.constant 0 : i32
        %dma_wait3A_34 = tpu.memref_slice %arg11[%mul3A_0, %dma_wait3A] : memref<10240x128xf32, #tpu.memory_space<vmem_shared>> -> memref<640x128xf32, #tpu.memory_space<vmem_shared>>
        %dma_wait3A_35 = arith.constant 0 : i32
        %dma_wait3A_36 = tpu.memref_slice %arg2[%mul3A_0, %dma_wait3A_35] : memref<10240x128xf32, #tpu.memory_space<hbm>> -> memref<640x128xf32, #tpu.memory_space<hbm>>
        tpu.wait_dma2 semaphore(%run_scoped3A : memref<!tpu.dma_semaphore, #tpu.memory_space<semaphore_mem>>) src(%dma_wait3A_36 : memref<640x128xf32, #tpu.memory_space<hbm>>) dst(%dma_wait3A_34 : memref<640x128xf32, #tpu.memory_space<vmem_shared>>)
        tpu.yield
      }) : () -> ()
      %barrier3A = arith.constant 0 : index
      tpu.barrier barrier_id(%barrier3A)
      %add3A_11 = arith.constant 0 : i32
      %add3A_12 = arith.addi %add3A, %add3A_11 : i32
      %mul3A_13 = arith.constant 128 : i32
      %mul3A_14 = arith.muli %add3A_12, %mul3A_13 : i32
      "tpu.region"() ({
        %run_scoped3A = tpu.sem_alloc : memref<!tpu.dma_semaphore, #tpu.memory_space<semaphore_mem>>
        %dma_start3A_30 = arith.constant 0 : i32
        %dma_start3A_31 = tpu.memref_slice %arg4[%dma_start3A_30, %mul3A_14] : memref<2x160000xi32, #tpu.memory_space<hbm>> -> memref<2x128xi32, #tpu.memory_space<hbm>>
        %dma_start3A_32 = arith.constant 0 : i32
        %dma_start3A_33 = tpu.memref_slice %arg4[%dma_start3A_32, %mul3A_14] : memref<2x160000xi32, #tpu.memory_space<hbm>> -> memref<2x128xi32, #tpu.memory_space<hbm>>
        tpu.enqueue_dma source(%dma_start3A_33 : memref<2x128xi32, #tpu.memory_space<hbm>>) target(%arg7 : memref<2x128xi32, #tpu.memory_space<vmem>>) target_semaphore(%run_scoped3A : memref<!tpu.dma_semaphore, #tpu.memory_space<semaphore_mem>>)
        %dma_wait3A = arith.constant 0 : i32
        %dma_wait3A_34 = tpu.memref_slice %arg4[%dma_wait3A, %mul3A_14] : memref<2x160000xi32, #tpu.memory_space<hbm>> -> memref<2x128xi32, #tpu.memory_space<hbm>>
        %dma_wait3A_35 = arith.constant 0 : i32
        %dma_wait3A_36 = tpu.memref_slice %arg4[%dma_wait3A_35, %mul3A_14] : memref<2x160000xi32, #tpu.memory_space<hbm>> -> memref<2x128xi32, #tpu.memory_space<hbm>>
        tpu.wait_dma2 semaphore(%run_scoped3A : memref<!tpu.dma_semaphore, #tpu.memory_space<semaphore_mem>>) src(%dma_wait3A_36 : memref<2x128xi32, #tpu.memory_space<hbm>>) dst(%arg7 : memref<2x128xi32, #tpu.memory_space<vmem>>)
        tpu.yield
      }) : () -> ()
      %dma_start3A = arith.constant 0 : i32
      %dma_start3A_15 = arith.constant 0 : i32
      %dma_start3A_16 = tpu.memref_slice %arg7[%dma_start3A, %dma_start3A_15] : memref<2x128xi32, #tpu.memory_space<vmem>> -> memref<1x128xi32, #tpu.memory_space<vmem>>
      %dma_start3A_17 = tpu.memref_squeeze %dma_start3A_16 : memref<1x128xi32, #tpu.memory_space<vmem>> -> memref<128xi32, #tpu.memory_space<vmem>>
      %dma_start3A_18 = arith.constant 0 : i32
      %dma_start3A_19 = arith.constant 0 : i32
      %dma_start3A_20 = tpu.memref_slice %arg2[%dma_start3A_18, %dma_start3A_19] : memref<10240x128xf32, #tpu.memory_space<hbm>> -> memref<10240x128xf32, #tpu.memory_space<hbm>>
      tpu.enqueue_indirect_dma source(%dma_start3A_20 : memref<10240x128xf32, #tpu.memory_space<hbm>>) target(%arg9 : memref<128x128xf32, #tpu.memory_space<vmem>>) offsets(%dma_start3A_17 : memref<128xi32, #tpu.memory_space<vmem>>) semaphore(%arg12 : memref<!tpu.dma_semaphore, #tpu.memory_space<semaphore_mem>>)
      %scan3A = arith.constant 0 : i32
      %scan3A_21 = arith.constant 39 : i32
      %scan3A_22 = arith.addi %scan3A, %scan3A_21 : i32
      %scan3A_23 = arith.constant 1 : i32
      scf.for %scan3A_30 = %scan3A to %scan3A_22 step %scan3A_23  : i32 {
        %mul3A_31 = arith.constant 1 : i32
        %mul3A_32 = arith.muli %scan3A_30, %mul3A_31 : i32
        %add3A_33 = arith.constant 0 : i32
        %add3A_34 = arith.addi %add3A_33, %mul3A_32 : i32
        %mul3A_35 = arith.constant 2 : i32
        %mul3A_36 = arith.muli %mul3A_35, %add3A_34 : i32
        %add3A_37 = arith.constant 1 : i32
        %add3A_38 = arith.addi %mul3A_36, %add3A_37 : i32
        %add3A_39 = arith.addi %add3A, %add3A_38 : i32
        %mul3A_40 = arith.constant 128 : i32
        %mul3A_41 = arith.muli %add3A_39, %mul3A_40 : i32
        "tpu.region"() ({
          %run_scoped3A_68 = tpu.sem_alloc : memref<!tpu.dma_semaphore, #tpu.memory_space<semaphore_mem>>
          %dma_start3A_69 = arith.constant 0 : i32
          %dma_start3A_70 = tpu.memref_slice %arg4[%dma_start3A_69, %mul3A_41] : memref<2x160000xi32, #tpu.memory_space<hbm>> -> memref<2x128xi32, #tpu.memory_space<hbm>>
          %dma_start3A_71 = arith.constant 0 : i32
          %dma_start3A_72 = tpu.memref_slice %arg4[%dma_start3A_71, %mul3A_41] : memref<2x160000xi32, #tpu.memory_space<hbm>> -> memref<2x128xi32, #tpu.memory_space<hbm>>
          tpu.enqueue_dma source(%dma_start3A_72 : memref<2x128xi32, #tpu.memory_space<hbm>>) target(%arg8 : memref<2x128xi32, #tpu.memory_space<vmem>>) target_semaphore(%run_scoped3A_68 : memref<!tpu.dma_semaphore, #tpu.memory_space<semaphore_mem>>)
          %dma_wait3A_73 = arith.constant 0 : i32
          %dma_wait3A_74 = tpu.memref_slice %arg4[%dma_wait3A_73, %mul3A_41] : memref<2x160000xi32, #tpu.memory_space<hbm>> -> memref<2x128xi32, #tpu.memory_space<hbm>>
          %dma_wait3A_75 = arith.constant 0 : i32
          %dma_wait3A_76 = tpu.memref_slice %arg4[%dma_wait3A_75, %mul3A_41] : memref<2x160000xi32, #tpu.memory_space<hbm>> -> memref<2x128xi32, #tpu.memory_space<hbm>>
          tpu.wait_dma2 semaphore(%run_scoped3A_68 : memref<!tpu.dma_semaphore, #tpu.memory_space<semaphore_mem>>) src(%dma_wait3A_76 : memref<2x128xi32, #tpu.memory_space<hbm>>) dst(%arg8 : memref<2x128xi32, #tpu.memory_space<vmem>>)
          tpu.yield
        }) : () -> ()
        %dma_start3A_42 = arith.constant 0 : i32
        %dma_start3A_43 = arith.constant 0 : i32
        %dma_start3A_44 = tpu.memref_slice %arg8[%dma_start3A_42, %dma_start3A_43] : memref<2x128xi32, #tpu.memory_space<vmem>> -> memref<1x128xi32, #tpu.memory_space<vmem>>
        %dma_start3A_45 = tpu.memref_squeeze %dma_start3A_44 : memref<1x128xi32, #tpu.memory_space<vmem>> -> memref<128xi32, #tpu.memory_space<vmem>>
        %dma_start3A_46 = arith.constant 0 : i32
        %dma_start3A_47 = arith.constant 0 : i32
        %dma_start3A_48 = tpu.memref_slice %arg2[%dma_start3A_46, %dma_start3A_47] : memref<10240x128xf32, #tpu.memory_space<hbm>> -> memref<10240x128xf32, #tpu.memory_space<hbm>>
        tpu.enqueue_indirect_dma source(%dma_start3A_48 : memref<10240x128xf32, #tpu.memory_space<hbm>>) target(%arg10 : memref<128x128xf32, #tpu.memory_space<vmem>>) offsets(%dma_start3A_45 : memref<128xi32, #tpu.memory_space<vmem>>) semaphore(%arg13 : memref<!tpu.dma_semaphore, #tpu.memory_space<semaphore_mem>>)
        %dma_wait3A = arith.constant 0 : i32
        %dma_wait3A_49 = arith.constant 0 : i32
        %dma_wait3A_50 = tpu.memref_slice %arg7[%dma_wait3A, %dma_wait3A_49] : memref<2x128xi32, #tpu.memory_space<vmem>> -> memref<1x128xi32, #tpu.memory_space<vmem>>
        %dma_wait3A_51 = tpu.memref_squeeze %dma_wait3A_50 : memref<1x128xi32, #tpu.memory_space<vmem>> -> memref<128xi32, #tpu.memory_space<vmem>>
        %dma_wait3A_52 = arith.constant 0 : i32
        %dma_wait3A_53 = arith.constant 0 : i32
        %dma_wait3A_54 = tpu.memref_slice %arg2[%dma_wait3A_52, %dma_wait3A_53] : memref<10240x128xf32, #tpu.memory_space<hbm>> -> memref<10240x128xf32, #tpu.memory_space<hbm>>
        tpu.wait_indirect_dma semaphore(%arg12 : memref<!tpu.dma_semaphore, #tpu.memory_space<semaphore_mem>>) src(%dma_wait3A_54 : memref<10240x128xf32, #tpu.memory_space<hbm>>) dst(%arg9 : memref<128x128xf32, #tpu.memory_space<vmem>>)
        %run_scoped3A = arith.constant 1 : i32
        "tpu.region"() ({
          %run_scoped3A_68 = tpu.sem_alloc : memref<!tpu.dma_semaphore, #tpu.memory_space<semaphore_mem>>
          %dma_start3A_69 = arith.constant 0 : i32
          %dma_start3A_70 = tpu.memref_slice %arg7[%run_scoped3A, %dma_start3A_69] : memref<2x128xi32, #tpu.memory_space<vmem>> -> memref<1x128xi32, #tpu.memory_space<vmem>>
          %dma_start3A_71 = tpu.memref_squeeze %dma_start3A_70 : memref<1x128xi32, #tpu.memory_space<vmem>> -> memref<128xi32, #tpu.memory_space<vmem>>
          %dma_start3A_72 = arith.constant 0 : i32
          %dma_start3A_73 = arith.constant 0 : i32
          %dma_start3A_74 = tpu.memref_slice %arg11[%dma_start3A_72, %dma_start3A_73] : memref<10240x128xf32, #tpu.memory_space<vmem_shared>> -> memref<10240x128xf32, #tpu.memory_space<vmem_shared>>
          tpu.enqueue_indirect_dma source(%arg9 : memref<128x128xf32, #tpu.memory_space<vmem>>) target(%dma_start3A_74 : memref<10240x128xf32, #tpu.memory_space<vmem_shared>>) offsets(%dma_start3A_71 : memref<128xi32, #tpu.memory_space<vmem>>) semaphore(%run_scoped3A_68 : memref<!tpu.dma_semaphore, #tpu.memory_space<semaphore_mem>>) {add = true}
          %dma_wait3A_75 = arith.constant 0 : i32
          %dma_wait3A_76 = tpu.memref_slice %arg7[%run_scoped3A, %dma_wait3A_75] : memref<2x128xi32, #tpu.memory_space<vmem>> -> memref<1x128xi32, #tpu.memory_space<vmem>>
          %dma_wait3A_77 = tpu.memref_squeeze %dma_wait3A_76 : memref<1x128xi32, #tpu.memory_space<vmem>> -> memref<128xi32, #tpu.memory_space<vmem>>
          %dma_wait3A_78 = arith.constant 0 : i32
          %dma_wait3A_79 = arith.constant 0 : i32
          %dma_wait3A_80 = tpu.memref_slice %arg11[%dma_wait3A_78, %dma_wait3A_79] : memref<10240x128xf32, #tpu.memory_space<vmem_shared>> -> memref<10240x128xf32, #tpu.memory_space<vmem_shared>>
          tpu.wait_indirect_dma semaphore(%run_scoped3A_68 : memref<!tpu.dma_semaphore, #tpu.memory_space<semaphore_mem>>) src(%arg9 : memref<128x128xf32, #tpu.memory_space<vmem>>) dst(%dma_wait3A_80 : memref<10240x128xf32, #tpu.memory_space<vmem_shared>>)
          tpu.yield
        }) : () -> ()
        %lt3A_55 = arith.constant 38 : i32
        %lt3A_56 = arith.cmpi slt, %add3A_34, %lt3A_55 : i32
        %convert_element_type3A_57 = arith.extui %lt3A_56 : i1 to i32
        %cond3A_58 = arith.constant 0 : i32
        %cond3A_59 = arith.cmpi ne, %convert_element_type3A_57, %cond3A_58 : i32
        scf.if %cond3A_59 {
          %mul3A_68 = arith.constant 2 : i32
          %mul3A_69 = arith.muli %mul3A_68, %add3A_34 : i32
          %add3A_70 = arith.constant 2 : i32
          %add3A_71 = arith.addi %mul3A_69, %add3A_70 : i32
          %add3A_72 = arith.addi %add3A, %add3A_71 : i32
          %mul3A_73 = arith.constant 128 : i32
          %mul3A_74 = arith.muli %add3A_72, %mul3A_73 : i32
          "tpu.region"() ({
            %run_scoped3A_82 = tpu.sem_alloc : memref<!tpu.dma_semaphore, #tpu.memory_space<semaphore_mem>>
            %dma_start3A_83 = arith.constant 0 : i32
            %dma_start3A_84 = tpu.memref_slice %arg4[%dma_start3A_83, %mul3A_74] : memref<2x160000xi32, #tpu.memory_space<hbm>> -> memref<2x128xi32, #tpu.memory_space<hbm>>
            %dma_start3A_85 = arith.constant 0 : i32
            %dma_start3A_86 = tpu.memref_slice %arg4[%dma_start3A_85, %mul3A_74] : memref<2x160000xi32, #tpu.memory_space<hbm>> -> memref<2x128xi32, #tpu.memory_space<hbm>>
            tpu.enqueue_dma source(%dma_start3A_86 : memref<2x128xi32, #tpu.memory_space<hbm>>) target(%arg7 : memref<2x128xi32, #tpu.memory_space<vmem>>) target_semaphore(%run_scoped3A_82 : memref<!tpu.dma_semaphore, #tpu.memory_space<semaphore_mem>>)
            %dma_wait3A_87 = arith.constant 0 : i32
            %dma_wait3A_88 = tpu.memref_slice %arg4[%dma_wait3A_87, %mul3A_74] : memref<2x160000xi32, #tpu.memory_space<hbm>> -> memref<2x128xi32, #tpu.memory_space<hbm>>
            %dma_wait3A_89 = arith.constant 0 : i32
            %dma_wait3A_90 = tpu.memref_slice %arg4[%dma_wait3A_89, %mul3A_74] : memref<2x160000xi32, #tpu.memory_space<hbm>> -> memref<2x128xi32, #tpu.memory_space<hbm>>
            tpu.wait_dma2 semaphore(%run_scoped3A_82 : memref<!tpu.dma_semaphore, #tpu.memory_space<semaphore_mem>>) src(%dma_wait3A_90 : memref<2x128xi32, #tpu.memory_space<hbm>>) dst(%arg7 : memref<2x128xi32, #tpu.memory_space<vmem>>)
            tpu.yield
          }) : () -> ()
          %dma_start3A_75 = arith.constant 0 : i32
          %dma_start3A_76 = arith.constant 0 : i32
          %dma_start3A_77 = tpu.memref_slice %arg7[%dma_start3A_75, %dma_start3A_76] : memref<2x128xi32, #tpu.memory_space<vmem>> -> memref<1x128xi32, #tpu.memory_space<vmem>>
          %dma_start3A_78 = tpu.memref_squeeze %dma_start3A_77 : memref<1x128xi32, #tpu.memory_space<vmem>> -> memref<128xi32, #tpu.memory_space<vmem>>
          %dma_start3A_79 = arith.constant 0 : i32
          %dma_start3A_80 = arith.constant 0 : i32
          %dma_start3A_81 = tpu.memref_slice %arg2[%dma_start3A_79, %dma_start3A_80] : memref<10240x128xf32, #tpu.memory_space<hbm>> -> memref<10240x128xf32, #tpu.memory_space<hbm>>
          tpu.enqueue_indirect_dma source(%dma_start3A_81 : memref<10240x128xf32, #tpu.memory_space<hbm>>) target(%arg9 : memref<128x128xf32, #tpu.memory_space<vmem>>) offsets(%dma_start3A_78 : memref<128xi32, #tpu.memory_space<vmem>>) semaphore(%arg12 : memref<!tpu.dma_semaphore, #tpu.memory_space<semaphore_mem>>)
        } else {
        }
        %dma_wait3A_60 = arith.constant 0 : i32
        %dma_wait3A_61 = arith.constant 0 : i32
        %dma_wait3A_62 = tpu.memref_slice %arg8[%dma_wait3A_60, %dma_wait3A_61] : memref<2x128xi32, #tpu.memory_space<vmem>> -> memref<1x128xi32, #tpu.memory_space<vmem>>
        %dma_wait3A_63 = tpu.memref_squeeze %dma_wait3A_62 : memref<1x128xi32, #tpu.memory_space<vmem>> -> memref<128xi32, #tpu.memory_space<vmem>>
        %dma_wait3A_64 = arith.constant 0 : i32
        %dma_wait3A_65 = arith.constant 0 : i32
        %dma_wait3A_66 = tpu.memref_slice %arg2[%dma_wait3A_64, %dma_wait3A_65] : memref<10240x128xf32, #tpu.memory_space<hbm>> -> memref<10240x128xf32, #tpu.memory_space<hbm>>
        tpu.wait_indirect_dma semaphore(%arg13 : memref<!tpu.dma_semaphore, #tpu.memory_space<semaphore_mem>>) src(%dma_wait3A_66 : memref<10240x128xf32, #tpu.memory_space<hbm>>) dst(%arg10 : memref<128x128xf32, #tpu.memory_space<vmem>>)
        %run_scoped3A_67 = arith.constant 1 : i32
        "tpu.region"() ({
          %run_scoped3A_68 = tpu.sem_alloc : memref<!tpu.dma_semaphore, #tpu.memory_space<semaphore_mem>>
          %dma_start3A_69 = arith.constant 0 : i32
          %dma_start3A_70 = tpu.memref_slice %arg8[%run_scoped3A_67, %dma_start3A_69] : memref<2x128xi32, #tpu.memory_space<vmem>> -> memref<1x128xi32, #tpu.memory_space<vmem>>
          %dma_start3A_71 = tpu.memref_squeeze %dma_start3A_70 : memref<1x128xi32, #tpu.memory_space<vmem>> -> memref<128xi32, #tpu.memory_space<vmem>>
          %dma_start3A_72 = arith.constant 0 : i32
          %dma_start3A_73 = arith.constant 0 : i32
          %dma_start3A_74 = tpu.memref_slice %arg11[%dma_start3A_72, %dma_start3A_73] : memref<10240x128xf32, #tpu.memory_space<vmem_shared>> -> memref<10240x128xf32, #tpu.memory_space<vmem_shared>>
          tpu.enqueue_indirect_dma source(%arg10 : memref<128x128xf32, #tpu.memory_space<vmem>>) target(%dma_start3A_74 : memref<10240x128xf32, #tpu.memory_space<vmem_shared>>) offsets(%dma_start3A_71 : memref<128xi32, #tpu.memory_space<vmem>>) semaphore(%run_scoped3A_68 : memref<!tpu.dma_semaphore, #tpu.memory_space<semaphore_mem>>) {add = true}
          %dma_wait3A_75 = arith.constant 0 : i32
          %dma_wait3A_76 = tpu.memref_slice %arg8[%run_scoped3A_67, %dma_wait3A_75] : memref<2x128xi32, #tpu.memory_space<vmem>> -> memref<1x128xi32, #tpu.memory_space<vmem>>
          %dma_wait3A_77 = tpu.memref_squeeze %dma_wait3A_76 : memref<1x128xi32, #tpu.memory_space<vmem>> -> memref<128xi32, #tpu.memory_space<vmem>>
          %dma_wait3A_78 = arith.constant 0 : i32
          %dma_wait3A_79 = arith.constant 0 : i32
          %dma_wait3A_80 = tpu.memref_slice %arg11[%dma_wait3A_78, %dma_wait3A_79] : memref<10240x128xf32, #tpu.memory_space<vmem_shared>> -> memref<10240x128xf32, #tpu.memory_space<vmem_shared>>
          tpu.wait_indirect_dma semaphore(%run_scoped3A_68 : memref<!tpu.dma_semaphore, #tpu.memory_space<semaphore_mem>>) src(%arg10 : memref<128x128xf32, #tpu.memory_space<vmem>>) dst(%dma_wait3A_80 : memref<10240x128xf32, #tpu.memory_space<vmem_shared>>)
          tpu.yield
        }) : () -> ()
      }
      %scan3A_24 = arith.constant 39 : i32
      %lt3A = arith.constant 2 : i32
      %lt3A_25 = arith.cmpi slt, %arg1, %lt3A : i32
      %convert_element_type3A_26 = arith.extui %lt3A_25 : i1 to i32
      %cond3A_27 = arith.constant 0 : i32
      %cond3A_28 = arith.cmpi ne, %convert_element_type3A_26, %cond3A_27 : i32
      scf.if %cond3A_28 {
        %add3A_30 = arith.constant 78 : i32
        %add3A_31 = arith.addi %add3A, %add3A_30 : i32
        %mul3A_32 = arith.constant 128 : i32
        %mul3A_33 = arith.muli %add3A_31, %mul3A_32 : i32
        "tpu.region"() ({
          %run_scoped3A_35 = tpu.sem_alloc : memref<!tpu.dma_semaphore, #tpu.memory_space<semaphore_mem>>
          %dma_start3A_36 = arith.constant 0 : i32
          %dma_start3A_37 = tpu.memref_slice %arg4[%dma_start3A_36, %mul3A_33] : memref<2x160000xi32, #tpu.memory_space<hbm>> -> memref<2x128xi32, #tpu.memory_space<hbm>>
          %dma_start3A_38 = arith.constant 0 : i32
          %dma_start3A_39 = tpu.memref_slice %arg4[%dma_start3A_38, %mul3A_33] : memref<2x160000xi32, #tpu.memory_space<hbm>> -> memref<2x128xi32, #tpu.memory_space<hbm>>
          tpu.enqueue_dma source(%dma_start3A_39 : memref<2x128xi32, #tpu.memory_space<hbm>>) target(%arg7 : memref<2x128xi32, #tpu.memory_space<vmem>>) target_semaphore(%run_scoped3A_35 : memref<!tpu.dma_semaphore, #tpu.memory_space<semaphore_mem>>)
          %dma_wait3A = arith.constant 0 : i32
          %dma_wait3A_40 = tpu.memref_slice %arg4[%dma_wait3A, %mul3A_33] : memref<2x160000xi32, #tpu.memory_space<hbm>> -> memref<2x128xi32, #tpu.memory_space<hbm>>
          %dma_wait3A_41 = arith.constant 0 : i32
          %dma_wait3A_42 = tpu.memref_slice %arg4[%dma_wait3A_41, %mul3A_33] : memref<2x160000xi32, #tpu.memory_space<hbm>> -> memref<2x128xi32, #tpu.memory_space<hbm>>
          tpu.wait_dma2 semaphore(%run_scoped3A_35 : memref<!tpu.dma_semaphore, #tpu.memory_space<semaphore_mem>>) src(%dma_wait3A_42 : memref<2x128xi32, #tpu.memory_space<hbm>>) dst(%arg7 : memref<2x128xi32, #tpu.memory_space<vmem>>)
          tpu.yield
        }) : () -> ()
        %run_scoped3A = arith.constant 0 : i32
        "tpu.region"() ({
          %run_scoped3A_35 = tpu.sem_alloc : memref<!tpu.dma_semaphore, #tpu.memory_space<semaphore_mem>>
          %dma_start3A_36 = arith.constant 0 : i32
          %dma_start3A_37 = tpu.memref_slice %arg7[%run_scoped3A, %dma_start3A_36] : memref<2x128xi32, #tpu.memory_space<vmem>> -> memref<1x128xi32, #tpu.memory_space<vmem>>
          %dma_start3A_38 = tpu.memref_squeeze %dma_start3A_37 : memref<1x128xi32, #tpu.memory_space<vmem>> -> memref<128xi32, #tpu.memory_space<vmem>>
          %dma_start3A_39 = arith.constant 0 : i32
          %dma_start3A_40 = arith.constant 0 : i32
          %dma_start3A_41 = tpu.memref_slice %arg2[%dma_start3A_39, %dma_start3A_40] : memref<10240x128xf32, #tpu.memory_space<hbm>> -> memref<10240x128xf32, #tpu.memory_space<hbm>>
          tpu.enqueue_indirect_dma source(%dma_start3A_41 : memref<10240x128xf32, #tpu.memory_space<hbm>>) target(%arg9 : memref<128x128xf32, #tpu.memory_space<vmem>>) offsets(%dma_start3A_38 : memref<128xi32, #tpu.memory_space<vmem>>) semaphore(%run_scoped3A_35 : memref<!tpu.dma_semaphore, #tpu.memory_space<semaphore_mem>>)
          %dma_wait3A = arith.constant 0 : i32
          %dma_wait3A_42 = tpu.memref_slice %arg7[%run_scoped3A, %dma_wait3A] : memref<2x128xi32, #tpu.memory_space<vmem>> -> memref<1x128xi32, #tpu.memory_space<vmem>>
          %dma_wait3A_43 = tpu.memref_squeeze %dma_wait3A_42 : memref<1x128xi32, #tpu.memory_space<vmem>> -> memref<128xi32, #tpu.memory_space<vmem>>
          %dma_wait3A_44 = arith.constant 0 : i32
          %dma_wait3A_45 = arith.constant 0 : i32
          %dma_wait3A_46 = tpu.memref_slice %arg2[%dma_wait3A_44, %dma_wait3A_45] : memref<10240x128xf32, #tpu.memory_space<hbm>> -> memref<10240x128xf32, #tpu.memory_space<hbm>>
          tpu.wait_indirect_dma semaphore(%run_scoped3A_35 : memref<!tpu.dma_semaphore, #tpu.memory_space<semaphore_mem>>) src(%dma_wait3A_46 : memref<10240x128xf32, #tpu.memory_space<hbm>>) dst(%arg9 : memref<128x128xf32, #tpu.memory_space<vmem>>)
          tpu.yield
        }) : () -> ()
        %run_scoped3A_34 = arith.constant 1 : i32
        "tpu.region"() ({
          %run_scoped3A_35 = tpu.sem_alloc : memref<!tpu.dma_semaphore, #tpu.memory_space<semaphore_mem>>
          %dma_start3A_36 = arith.constant 0 : i32
          %dma_start3A_37 = tpu.memref_slice %arg7[%run_scoped3A_34, %dma_start3A_36] : memref<2x128xi32, #tpu.memory_space<vmem>> -> memref<1x128xi32, #tpu.memory_space<vmem>>
          %dma_start3A_38 = tpu.memref_squeeze %dma_start3A_37 : memref<1x128xi32, #tpu.memory_space<vmem>> -> memref<128xi32, #tpu.memory_space<vmem>>
          %dma_start3A_39 = arith.constant 0 : i32
          %dma_start3A_40 = arith.constant 0 : i32
          %dma_start3A_41 = tpu.memref_slice %arg11[%dma_start3A_39, %dma_start3A_40] : memref<10240x128xf32, #tpu.memory_space<vmem_shared>> -> memref<10240x128xf32, #tpu.memory_space<vmem_shared>>
          tpu.enqueue_indirect_dma source(%arg9 : memref<128x128xf32, #tpu.memory_space<vmem>>) target(%dma_start3A_41 : memref<10240x128xf32, #tpu.memory_space<vmem_shared>>) offsets(%dma_start3A_38 : memref<128xi32, #tpu.memory_space<vmem>>) semaphore(%run_scoped3A_35 : memref<!tpu.dma_semaphore, #tpu.memory_space<semaphore_mem>>) {add = true}
          %dma_wait3A = arith.constant 0 : i32
          %dma_wait3A_42 = tpu.memref_slice %arg7[%run_scoped3A_34, %dma_wait3A] : memref<2x128xi32, #tpu.memory_space<vmem>> -> memref<1x128xi32, #tpu.memory_space<vmem>>
          %dma_wait3A_43 = tpu.memref_squeeze %dma_wait3A_42 : memref<1x128xi32, #tpu.memory_space<vmem>> -> memref<128xi32, #tpu.memory_space<vmem>>
          %dma_wait3A_44 = arith.constant 0 : i32
          %dma_wait3A_45 = arith.constant 0 : i32
          %dma_wait3A_46 = tpu.memref_slice %arg11[%dma_wait3A_44, %dma_wait3A_45] : memref<10240x128xf32, #tpu.memory_space<vmem_shared>> -> memref<10240x128xf32, #tpu.memory_space<vmem_shared>>
          tpu.wait_indirect_dma semaphore(%run_scoped3A_35 : memref<!tpu.dma_semaphore, #tpu.memory_space<semaphore_mem>>) src(%arg9 : memref<128x128xf32, #tpu.memory_space<vmem>>) dst(%dma_wait3A_46 : memref<10240x128xf32, #tpu.memory_space<vmem_shared>>)
          tpu.yield
        }) : () -> ()
      } else {
      }
      %barrier3A_29 = arith.constant 0 : index
      tpu.barrier barrier_id(%barrier3A_29)
      "tpu.region"() ({
        %run_scoped3A = tpu.sem_alloc : memref<!tpu.dma_semaphore, #tpu.memory_space<semaphore_mem>>
        %dma_start3A_30 = arith.constant 0 : i32
        %dma_start3A_31 = tpu.memref_slice %arg5[%mul3A_0, %dma_start3A_30] : memref<10240x128xf32, #tpu.memory_space<hbm>> -> memref<640x128xf32, #tpu.memory_space<hbm>>
        %dma_start3A_32 = arith.constant 0 : i32
        %dma_start3A_33 = tpu.memref_slice %arg11[%mul3A_0, %dma_start3A_32] : memref<10240x128xf32, #tpu.memory_space<vmem_shared>> -> memref<640x128xf32, #tpu.memory_space<vmem_shared>>
        tpu.enqueue_dma source(%dma_start3A_33 : memref<640x128xf32, #tpu.memory_space<vmem_shared>>) target(%dma_start3A_31 : memref<640x128xf32, #tpu.memory_space<hbm>>) target_semaphore(%run_scoped3A : memref<!tpu.dma_semaphore, #tpu.memory_space<semaphore_mem>>)
        %dma_wait3A = arith.constant 0 : i32
        %dma_wait3A_34 = tpu.memref_slice %arg5[%mul3A_0, %dma_wait3A] : memref<10240x128xf32, #tpu.memory_space<hbm>> -> memref<640x128xf32, #tpu.memory_space<hbm>>
        %dma_wait3A_35 = arith.constant 0 : i32
        %dma_wait3A_36 = tpu.memref_slice %arg11[%mul3A_0, %dma_wait3A_35] : memref<10240x128xf32, #tpu.memory_space<vmem_shared>> -> memref<640x128xf32, #tpu.memory_space<vmem_shared>>
        tpu.wait_dma2 semaphore(%run_scoped3A : memref<!tpu.dma_semaphore, #tpu.memory_space<semaphore_mem>>) src(%dma_wait3A_36 : memref<640x128xf32, #tpu.memory_space<vmem_shared>>) dst(%dma_wait3A_34 : memref<640x128xf32, #tpu.memory_space<hbm>>)
        tpu.yield
      }) : () -> ()
    } else {
    }
    %eq3A_6 = arith.constant 1 : i32
    %eq3A_7 = arith.cmpi eq, %arg0, %eq3A_6 : i32
    %convert_element_type3A_8 = arith.extui %eq3A_7 : i1 to i32
    %cond3A_9 = arith.constant 0 : i32
    %cond3A_10 = arith.cmpi ne, %convert_element_type3A_8, %cond3A_9 : i32
    scf.if %cond3A_10 {
      "tpu.region"() ({
        %run_scoped3A = tpu.sem_alloc : memref<!tpu.dma_semaphore, #tpu.memory_space<semaphore_mem>>
        %dma_start3A_30 = arith.constant 0 : i32
        %dma_start3A_31 = tpu.memref_slice %arg11[%mul3A_0, %dma_start3A_30] : memref<10240x128xf32, #tpu.memory_space<vmem_shared>> -> memref<640x128xf32, #tpu.memory_space<vmem_shared>>
        %dma_start3A_32 = arith.constant 0 : i32
        %dma_start3A_33 = tpu.memref_slice %arg3[%mul3A_0, %dma_start3A_32] : memref<10240x128xf32, #tpu.memory_space<hbm>> -> memref<640x128xf32, #tpu.memory_space<hbm>>
        tpu.enqueue_dma source(%dma_start3A_33 : memref<640x128xf32, #tpu.memory_space<hbm>>) target(%dma_start3A_31 : memref<640x128xf32, #tpu.memory_space<vmem_shared>>) target_semaphore(%run_scoped3A : memref<!tpu.dma_semaphore, #tpu.memory_space<semaphore_mem>>)
        %dma_wait3A = arith.constant 0 : i32
        %dma_wait3A_34 = tpu.memref_slice %arg11[%mul3A_0, %dma_wait3A] : memref<10240x128xf32, #tpu.memory_space<vmem_shared>> -> memref<640x128xf32, #tpu.memory_space<vmem_shared>>
        %dma_wait3A_35 = arith.constant 0 : i32
        %dma_wait3A_36 = tpu.memref_slice %arg3[%mul3A_0, %dma_wait3A_35] : memref<10240x128xf32, #tpu.memory_space<hbm>> -> memref<640x128xf32, #tpu.memory_space<hbm>>
        tpu.wait_dma2 semaphore(%run_scoped3A : memref<!tpu.dma_semaphore, #tpu.memory_space<semaphore_mem>>) src(%dma_wait3A_36 : memref<640x128xf32, #tpu.memory_space<hbm>>) dst(%dma_wait3A_34 : memref<640x128xf32, #tpu.memory_space<vmem_shared>>)
        tpu.yield
      }) : () -> ()
      %barrier3A = arith.constant 0 : index
      tpu.barrier barrier_id(%barrier3A)
      %add3A_11 = arith.constant 0 : i32
      %add3A_12 = arith.addi %add3A, %add3A_11 : i32
      %mul3A_13 = arith.constant 128 : i32
      %mul3A_14 = arith.muli %add3A_12, %mul3A_13 : i32
      "tpu.region"() ({
        %run_scoped3A = tpu.sem_alloc : memref<!tpu.dma_semaphore, #tpu.memory_space<semaphore_mem>>
        %dma_start3A_30 = arith.constant 0 : i32
        %dma_start3A_31 = tpu.memref_slice %arg4[%dma_start3A_30, %mul3A_14] : memref<2x160000xi32, #tpu.memory_space<hbm>> -> memref<2x128xi32, #tpu.memory_space<hbm>>
        %dma_start3A_32 = arith.constant 0 : i32
        %dma_start3A_33 = tpu.memref_slice %arg4[%dma_start3A_32, %mul3A_14] : memref<2x160000xi32, #tpu.memory_space<hbm>> -> memref<2x128xi32, #tpu.memory_space<hbm>>
        tpu.enqueue_dma source(%dma_start3A_33 : memref<2x128xi32, #tpu.memory_space<hbm>>) target(%arg7 : memref<2x128xi32, #tpu.memory_space<vmem>>) target_semaphore(%run_scoped3A : memref<!tpu.dma_semaphore, #tpu.memory_space<semaphore_mem>>)
        %dma_wait3A = arith.constant 0 : i32
        %dma_wait3A_34 = tpu.memref_slice %arg4[%dma_wait3A, %mul3A_14] : memref<2x160000xi32, #tpu.memory_space<hbm>> -> memref<2x128xi32, #tpu.memory_space<hbm>>
        %dma_wait3A_35 = arith.constant 0 : i32
        %dma_wait3A_36 = tpu.memref_slice %arg4[%dma_wait3A_35, %mul3A_14] : memref<2x160000xi32, #tpu.memory_space<hbm>> -> memref<2x128xi32, #tpu.memory_space<hbm>>
        tpu.wait_dma2 semaphore(%run_scoped3A : memref<!tpu.dma_semaphore, #tpu.memory_space<semaphore_mem>>) src(%dma_wait3A_36 : memref<2x128xi32, #tpu.memory_space<hbm>>) dst(%arg7 : memref<2x128xi32, #tpu.memory_space<vmem>>)
        tpu.yield
      }) : () -> ()
      %dma_start3A = arith.constant 0 : i32
      %dma_start3A_15 = arith.constant 0 : i32
      %dma_start3A_16 = tpu.memref_slice %arg7[%dma_start3A, %dma_start3A_15] : memref<2x128xi32, #tpu.memory_space<vmem>> -> memref<1x128xi32, #tpu.memory_space<vmem>>
      %dma_start3A_17 = tpu.memref_squeeze %dma_start3A_16 : memref<1x128xi32, #tpu.memory_space<vmem>> -> memref<128xi32, #tpu.memory_space<vmem>>
      %dma_start3A_18 = arith.constant 0 : i32
      %dma_start3A_19 = arith.constant 0 : i32
      %dma_start3A_20 = tpu.memref_slice %arg3[%dma_start3A_18, %dma_start3A_19] : memref<10240x128xf32, #tpu.memory_space<hbm>> -> memref<10240x128xf32, #tpu.memory_space<hbm>>
      tpu.enqueue_indirect_dma source(%dma_start3A_20 : memref<10240x128xf32, #tpu.memory_space<hbm>>) target(%arg9 : memref<128x128xf32, #tpu.memory_space<vmem>>) offsets(%dma_start3A_17 : memref<128xi32, #tpu.memory_space<vmem>>) semaphore(%arg12 : memref<!tpu.dma_semaphore, #tpu.memory_space<semaphore_mem>>)
      %scan3A = arith.constant 0 : i32
      %scan3A_21 = arith.constant 39 : i32
      %scan3A_22 = arith.addi %scan3A, %scan3A_21 : i32
      %scan3A_23 = arith.constant 1 : i32
      scf.for %scan3A_30 = %scan3A to %scan3A_22 step %scan3A_23  : i32 {
        %mul3A_31 = arith.constant 1 : i32
        %mul3A_32 = arith.muli %scan3A_30, %mul3A_31 : i32
        %add3A_33 = arith.constant 0 : i32
        %add3A_34 = arith.addi %add3A_33, %mul3A_32 : i32
        %mul3A_35 = arith.constant 2 : i32
        %mul3A_36 = arith.muli %mul3A_35, %add3A_34 : i32
        %add3A_37 = arith.constant 1 : i32
        %add3A_38 = arith.addi %mul3A_36, %add3A_37 : i32
        %add3A_39 = arith.addi %add3A, %add3A_38 : i32
        %mul3A_40 = arith.constant 128 : i32
        %mul3A_41 = arith.muli %add3A_39, %mul3A_40 : i32
        "tpu.region"() ({
          %run_scoped3A_68 = tpu.sem_alloc : memref<!tpu.dma_semaphore, #tpu.memory_space<semaphore_mem>>
          %dma_start3A_69 = arith.constant 0 : i32
          %dma_start3A_70 = tpu.memref_slice %arg4[%dma_start3A_69, %mul3A_41] : memref<2x160000xi32, #tpu.memory_space<hbm>> -> memref<2x128xi32, #tpu.memory_space<hbm>>
          %dma_start3A_71 = arith.constant 0 : i32
          %dma_start3A_72 = tpu.memref_slice %arg4[%dma_start3A_71, %mul3A_41] : memref<2x160000xi32, #tpu.memory_space<hbm>> -> memref<2x128xi32, #tpu.memory_space<hbm>>
          tpu.enqueue_dma source(%dma_start3A_72 : memref<2x128xi32, #tpu.memory_space<hbm>>) target(%arg8 : memref<2x128xi32, #tpu.memory_space<vmem>>) target_semaphore(%run_scoped3A_68 : memref<!tpu.dma_semaphore, #tpu.memory_space<semaphore_mem>>)
          %dma_wait3A_73 = arith.constant 0 : i32
          %dma_wait3A_74 = tpu.memref_slice %arg4[%dma_wait3A_73, %mul3A_41] : memref<2x160000xi32, #tpu.memory_space<hbm>> -> memref<2x128xi32, #tpu.memory_space<hbm>>
          %dma_wait3A_75 = arith.constant 0 : i32
          %dma_wait3A_76 = tpu.memref_slice %arg4[%dma_wait3A_75, %mul3A_41] : memref<2x160000xi32, #tpu.memory_space<hbm>> -> memref<2x128xi32, #tpu.memory_space<hbm>>
          tpu.wait_dma2 semaphore(%run_scoped3A_68 : memref<!tpu.dma_semaphore, #tpu.memory_space<semaphore_mem>>) src(%dma_wait3A_76 : memref<2x128xi32, #tpu.memory_space<hbm>>) dst(%arg8 : memref<2x128xi32, #tpu.memory_space<vmem>>)
          tpu.yield
        }) : () -> ()
        %dma_start3A_42 = arith.constant 0 : i32
        %dma_start3A_43 = arith.constant 0 : i32
        %dma_start3A_44 = tpu.memref_slice %arg8[%dma_start3A_42, %dma_start3A_43] : memref<2x128xi32, #tpu.memory_space<vmem>> -> memref<1x128xi32, #tpu.memory_space<vmem>>
        %dma_start3A_45 = tpu.memref_squeeze %dma_start3A_44 : memref<1x128xi32, #tpu.memory_space<vmem>> -> memref<128xi32, #tpu.memory_space<vmem>>
        %dma_start3A_46 = arith.constant 0 : i32
        %dma_start3A_47 = arith.constant 0 : i32
        %dma_start3A_48 = tpu.memref_slice %arg3[%dma_start3A_46, %dma_start3A_47] : memref<10240x128xf32, #tpu.memory_space<hbm>> -> memref<10240x128xf32, #tpu.memory_space<hbm>>
        tpu.enqueue_indirect_dma source(%dma_start3A_48 : memref<10240x128xf32, #tpu.memory_space<hbm>>) target(%arg10 : memref<128x128xf32, #tpu.memory_space<vmem>>) offsets(%dma_start3A_45 : memref<128xi32, #tpu.memory_space<vmem>>) semaphore(%arg13 : memref<!tpu.dma_semaphore, #tpu.memory_space<semaphore_mem>>)
        %dma_wait3A = arith.constant 0 : i32
        %dma_wait3A_49 = arith.constant 0 : i32
        %dma_wait3A_50 = tpu.memref_slice %arg7[%dma_wait3A, %dma_wait3A_49] : memref<2x128xi32, #tpu.memory_space<vmem>> -> memref<1x128xi32, #tpu.memory_space<vmem>>
        %dma_wait3A_51 = tpu.memref_squeeze %dma_wait3A_50 : memref<1x128xi32, #tpu.memory_space<vmem>> -> memref<128xi32, #tpu.memory_space<vmem>>
        %dma_wait3A_52 = arith.constant 0 : i32
        %dma_wait3A_53 = arith.constant 0 : i32
        %dma_wait3A_54 = tpu.memref_slice %arg3[%dma_wait3A_52, %dma_wait3A_53] : memref<10240x128xf32, #tpu.memory_space<hbm>> -> memref<10240x128xf32, #tpu.memory_space<hbm>>
        tpu.wait_indirect_dma semaphore(%arg12 : memref<!tpu.dma_semaphore, #tpu.memory_space<semaphore_mem>>) src(%dma_wait3A_54 : memref<10240x128xf32, #tpu.memory_space<hbm>>) dst(%arg9 : memref<128x128xf32, #tpu.memory_space<vmem>>)
        %run_scoped3A = arith.constant 1 : i32
        "tpu.region"() ({
          %run_scoped3A_68 = tpu.sem_alloc : memref<!tpu.dma_semaphore, #tpu.memory_space<semaphore_mem>>
          %dma_start3A_69 = arith.constant 0 : i32
          %dma_start3A_70 = tpu.memref_slice %arg7[%run_scoped3A, %dma_start3A_69] : memref<2x128xi32, #tpu.memory_space<vmem>> -> memref<1x128xi32, #tpu.memory_space<vmem>>
          %dma_start3A_71 = tpu.memref_squeeze %dma_start3A_70 : memref<1x128xi32, #tpu.memory_space<vmem>> -> memref<128xi32, #tpu.memory_space<vmem>>
          %dma_start3A_72 = arith.constant 0 : i32
          %dma_start3A_73 = arith.constant 0 : i32
          %dma_start3A_74 = tpu.memref_slice %arg11[%dma_start3A_72, %dma_start3A_73] : memref<10240x128xf32, #tpu.memory_space<vmem_shared>> -> memref<10240x128xf32, #tpu.memory_space<vmem_shared>>
          tpu.enqueue_indirect_dma source(%arg9 : memref<128x128xf32, #tpu.memory_space<vmem>>) target(%dma_start3A_74 : memref<10240x128xf32, #tpu.memory_space<vmem_shared>>) offsets(%dma_start3A_71 : memref<128xi32, #tpu.memory_space<vmem>>) semaphore(%run_scoped3A_68 : memref<!tpu.dma_semaphore, #tpu.memory_space<semaphore_mem>>) {add = true}
          %dma_wait3A_75 = arith.constant 0 : i32
          %dma_wait3A_76 = tpu.memref_slice %arg7[%run_scoped3A, %dma_wait3A_75] : memref<2x128xi32, #tpu.memory_space<vmem>> -> memref<1x128xi32, #tpu.memory_space<vmem>>
          %dma_wait3A_77 = tpu.memref_squeeze %dma_wait3A_76 : memref<1x128xi32, #tpu.memory_space<vmem>> -> memref<128xi32, #tpu.memory_space<vmem>>
          %dma_wait3A_78 = arith.constant 0 : i32
          %dma_wait3A_79 = arith.constant 0 : i32
          %dma_wait3A_80 = tpu.memref_slice %arg11[%dma_wait3A_78, %dma_wait3A_79] : memref<10240x128xf32, #tpu.memory_space<vmem_shared>> -> memref<10240x128xf32, #tpu.memory_space<vmem_shared>>
          tpu.wait_indirect_dma semaphore(%run_scoped3A_68 : memref<!tpu.dma_semaphore, #tpu.memory_space<semaphore_mem>>) src(%arg9 : memref<128x128xf32, #tpu.memory_space<vmem>>) dst(%dma_wait3A_80 : memref<10240x128xf32, #tpu.memory_space<vmem_shared>>)
          tpu.yield
        }) : () -> ()
        %lt3A_55 = arith.constant 38 : i32
        %lt3A_56 = arith.cmpi slt, %add3A_34, %lt3A_55 : i32
        %convert_element_type3A_57 = arith.extui %lt3A_56 : i1 to i32
        %cond3A_58 = arith.constant 0 : i32
        %cond3A_59 = arith.cmpi ne, %convert_element_type3A_57, %cond3A_58 : i32
        scf.if %cond3A_59 {
          %mul3A_68 = arith.constant 2 : i32
          %mul3A_69 = arith.muli %mul3A_68, %add3A_34 : i32
          %add3A_70 = arith.constant 2 : i32
          %add3A_71 = arith.addi %mul3A_69, %add3A_70 : i32
          %add3A_72 = arith.addi %add3A, %add3A_71 : i32
          %mul3A_73 = arith.constant 128 : i32
          %mul3A_74 = arith.muli %add3A_72, %mul3A_73 : i32
          "tpu.region"() ({
            %run_scoped3A_82 = tpu.sem_alloc : memref<!tpu.dma_semaphore, #tpu.memory_space<semaphore_mem>>
            %dma_start3A_83 = arith.constant 0 : i32
            %dma_start3A_84 = tpu.memref_slice %arg4[%dma_start3A_83, %mul3A_74] : memref<2x160000xi32, #tpu.memory_space<hbm>> -> memref<2x128xi32, #tpu.memory_space<hbm>>
            %dma_start3A_85 = arith.constant 0 : i32
            %dma_start3A_86 = tpu.memref_slice %arg4[%dma_start3A_85, %mul3A_74] : memref<2x160000xi32, #tpu.memory_space<hbm>> -> memref<2x128xi32, #tpu.memory_space<hbm>>
            tpu.enqueue_dma source(%dma_start3A_86 : memref<2x128xi32, #tpu.memory_space<hbm>>) target(%arg7 : memref<2x128xi32, #tpu.memory_space<vmem>>) target_semaphore(%run_scoped3A_82 : memref<!tpu.dma_semaphore, #tpu.memory_space<semaphore_mem>>)
            %dma_wait3A_87 = arith.constant 0 : i32
            %dma_wait3A_88 = tpu.memref_slice %arg4[%dma_wait3A_87, %mul3A_74] : memref<2x160000xi32, #tpu.memory_space<hbm>> -> memref<2x128xi32, #tpu.memory_space<hbm>>
            %dma_wait3A_89 = arith.constant 0 : i32
            %dma_wait3A_90 = tpu.memref_slice %arg4[%dma_wait3A_89, %mul3A_74] : memref<2x160000xi32, #tpu.memory_space<hbm>> -> memref<2x128xi32, #tpu.memory_space<hbm>>
            tpu.wait_dma2 semaphore(%run_scoped3A_82 : memref<!tpu.dma_semaphore, #tpu.memory_space<semaphore_mem>>) src(%dma_wait3A_90 : memref<2x128xi32, #tpu.memory_space<hbm>>) dst(%arg7 : memref<2x128xi32, #tpu.memory_space<vmem>>)
            tpu.yield
          }) : () -> ()
          %dma_start3A_75 = arith.constant 0 : i32
          %dma_start3A_76 = arith.constant 0 : i32
          %dma_start3A_77 = tpu.memref_slice %arg7[%dma_start3A_75, %dma_start3A_76] : memref<2x128xi32, #tpu.memory_space<vmem>> -> memref<1x128xi32, #tpu.memory_space<vmem>>
          %dma_start3A_78 = tpu.memref_squeeze %dma_start3A_77 : memref<1x128xi32, #tpu.memory_space<vmem>> -> memref<128xi32, #tpu.memory_space<vmem>>
          %dma_start3A_79 = arith.constant 0 : i32
          %dma_start3A_80 = arith.constant 0 : i32
          %dma_start3A_81 = tpu.memref_slice %arg3[%dma_start3A_79, %dma_start3A_80] : memref<10240x128xf32, #tpu.memory_space<hbm>> -> memref<10240x128xf32, #tpu.memory_space<hbm>>
          tpu.enqueue_indirect_dma source(%dma_start3A_81 : memref<10240x128xf32, #tpu.memory_space<hbm>>) target(%arg9 : memref<128x128xf32, #tpu.memory_space<vmem>>) offsets(%dma_start3A_78 : memref<128xi32, #tpu.memory_space<vmem>>) semaphore(%arg12 : memref<!tpu.dma_semaphore, #tpu.memory_space<semaphore_mem>>)
        } else {
        }
        %dma_wait3A_60 = arith.constant 0 : i32
        %dma_wait3A_61 = arith.constant 0 : i32
        %dma_wait3A_62 = tpu.memref_slice %arg8[%dma_wait3A_60, %dma_wait3A_61] : memref<2x128xi32, #tpu.memory_space<vmem>> -> memref<1x128xi32, #tpu.memory_space<vmem>>
        %dma_wait3A_63 = tpu.memref_squeeze %dma_wait3A_62 : memref<1x128xi32, #tpu.memory_space<vmem>> -> memref<128xi32, #tpu.memory_space<vmem>>
        %dma_wait3A_64 = arith.constant 0 : i32
        %dma_wait3A_65 = arith.constant 0 : i32
        %dma_wait3A_66 = tpu.memref_slice %arg3[%dma_wait3A_64, %dma_wait3A_65] : memref<10240x128xf32, #tpu.memory_space<hbm>> -> memref<10240x128xf32, #tpu.memory_space<hbm>>
        tpu.wait_indirect_dma semaphore(%arg13 : memref<!tpu.dma_semaphore, #tpu.memory_space<semaphore_mem>>) src(%dma_wait3A_66 : memref<10240x128xf32, #tpu.memory_space<hbm>>) dst(%arg10 : memref<128x128xf32, #tpu.memory_space<vmem>>)
        %run_scoped3A_67 = arith.constant 1 : i32
        "tpu.region"() ({
          %run_scoped3A_68 = tpu.sem_alloc : memref<!tpu.dma_semaphore, #tpu.memory_space<semaphore_mem>>
          %dma_start3A_69 = arith.constant 0 : i32
          %dma_start3A_70 = tpu.memref_slice %arg8[%run_scoped3A_67, %dma_start3A_69] : memref<2x128xi32, #tpu.memory_space<vmem>> -> memref<1x128xi32, #tpu.memory_space<vmem>>
          %dma_start3A_71 = tpu.memref_squeeze %dma_start3A_70 : memref<1x128xi32, #tpu.memory_space<vmem>> -> memref<128xi32, #tpu.memory_space<vmem>>
          %dma_start3A_72 = arith.constant 0 : i32
          %dma_start3A_73 = arith.constant 0 : i32
          %dma_start3A_74 = tpu.memref_slice %arg11[%dma_start3A_72, %dma_start3A_73] : memref<10240x128xf32, #tpu.memory_space<vmem_shared>> -> memref<10240x128xf32, #tpu.memory_space<vmem_shared>>
          tpu.enqueue_indirect_dma source(%arg10 : memref<128x128xf32, #tpu.memory_space<vmem>>) target(%dma_start3A_74 : memref<10240x128xf32, #tpu.memory_space<vmem_shared>>) offsets(%dma_start3A_71 : memref<128xi32, #tpu.memory_space<vmem>>) semaphore(%run_scoped3A_68 : memref<!tpu.dma_semaphore, #tpu.memory_space<semaphore_mem>>) {add = true}
          %dma_wait3A_75 = arith.constant 0 : i32
          %dma_wait3A_76 = tpu.memref_slice %arg8[%run_scoped3A_67, %dma_wait3A_75] : memref<2x128xi32, #tpu.memory_space<vmem>> -> memref<1x128xi32, #tpu.memory_space<vmem>>
          %dma_wait3A_77 = tpu.memref_squeeze %dma_wait3A_76 : memref<1x128xi32, #tpu.memory_space<vmem>> -> memref<128xi32, #tpu.memory_space<vmem>>
          %dma_wait3A_78 = arith.constant 0 : i32
          %dma_wait3A_79 = arith.constant 0 : i32
          %dma_wait3A_80 = tpu.memref_slice %arg11[%dma_wait3A_78, %dma_wait3A_79] : memref<10240x128xf32, #tpu.memory_space<vmem_shared>> -> memref<10240x128xf32, #tpu.memory_space<vmem_shared>>
          tpu.wait_indirect_dma semaphore(%run_scoped3A_68 : memref<!tpu.dma_semaphore, #tpu.memory_space<semaphore_mem>>) src(%arg10 : memref<128x128xf32, #tpu.memory_space<vmem>>) dst(%dma_wait3A_80 : memref<10240x128xf32, #tpu.memory_space<vmem_shared>>)
          tpu.yield
        }) : () -> ()
      }
      %scan3A_24 = arith.constant 39 : i32
      %lt3A = arith.constant 2 : i32
      %lt3A_25 = arith.cmpi slt, %arg1, %lt3A : i32
      %convert_element_type3A_26 = arith.extui %lt3A_25 : i1 to i32
      %cond3A_27 = arith.constant 0 : i32
      %cond3A_28 = arith.cmpi ne, %convert_element_type3A_26, %cond3A_27 : i32
      scf.if %cond3A_28 {
        %add3A_30 = arith.constant 78 : i32
        %add3A_31 = arith.addi %add3A, %add3A_30 : i32
        %mul3A_32 = arith.constant 128 : i32
        %mul3A_33 = arith.muli %add3A_31, %mul3A_32 : i32
        "tpu.region"() ({
          %run_scoped3A_35 = tpu.sem_alloc : memref<!tpu.dma_semaphore, #tpu.memory_space<semaphore_mem>>
          %dma_start3A_36 = arith.constant 0 : i32
          %dma_start3A_37 = tpu.memref_slice %arg4[%dma_start3A_36, %mul3A_33] : memref<2x160000xi32, #tpu.memory_space<hbm>> -> memref<2x128xi32, #tpu.memory_space<hbm>>
          %dma_start3A_38 = arith.constant 0 : i32
          %dma_start3A_39 = tpu.memref_slice %arg4[%dma_start3A_38, %mul3A_33] : memref<2x160000xi32, #tpu.memory_space<hbm>> -> memref<2x128xi32, #tpu.memory_space<hbm>>
          tpu.enqueue_dma source(%dma_start3A_39 : memref<2x128xi32, #tpu.memory_space<hbm>>) target(%arg7 : memref<2x128xi32, #tpu.memory_space<vmem>>) target_semaphore(%run_scoped3A_35 : memref<!tpu.dma_semaphore, #tpu.memory_space<semaphore_mem>>)
          %dma_wait3A = arith.constant 0 : i32
          %dma_wait3A_40 = tpu.memref_slice %arg4[%dma_wait3A, %mul3A_33] : memref<2x160000xi32, #tpu.memory_space<hbm>> -> memref<2x128xi32, #tpu.memory_space<hbm>>
          %dma_wait3A_41 = arith.constant 0 : i32
          %dma_wait3A_42 = tpu.memref_slice %arg4[%dma_wait3A_41, %mul3A_33] : memref<2x160000xi32, #tpu.memory_space<hbm>> -> memref<2x128xi32, #tpu.memory_space<hbm>>
          tpu.wait_dma2 semaphore(%run_scoped3A_35 : memref<!tpu.dma_semaphore, #tpu.memory_space<semaphore_mem>>) src(%dma_wait3A_42 : memref<2x128xi32, #tpu.memory_space<hbm>>) dst(%arg7 : memref<2x128xi32, #tpu.memory_space<vmem>>)
          tpu.yield
        }) : () -> ()
        %run_scoped3A = arith.constant 0 : i32
        "tpu.region"() ({
          %run_scoped3A_35 = tpu.sem_alloc : memref<!tpu.dma_semaphore, #tpu.memory_space<semaphore_mem>>
          %dma_start3A_36 = arith.constant 0 : i32
          %dma_start3A_37 = tpu.memref_slice %arg7[%run_scoped3A, %dma_start3A_36] : memref<2x128xi32, #tpu.memory_space<vmem>> -> memref<1x128xi32, #tpu.memory_space<vmem>>
          %dma_start3A_38 = tpu.memref_squeeze %dma_start3A_37 : memref<1x128xi32, #tpu.memory_space<vmem>> -> memref<128xi32, #tpu.memory_space<vmem>>
          %dma_start3A_39 = arith.constant 0 : i32
          %dma_start3A_40 = arith.constant 0 : i32
          %dma_start3A_41 = tpu.memref_slice %arg3[%dma_start3A_39, %dma_start3A_40] : memref<10240x128xf32, #tpu.memory_space<hbm>> -> memref<10240x128xf32, #tpu.memory_space<hbm>>
          tpu.enqueue_indirect_dma source(%dma_start3A_41 : memref<10240x128xf32, #tpu.memory_space<hbm>>) target(%arg9 : memref<128x128xf32, #tpu.memory_space<vmem>>) offsets(%dma_start3A_38 : memref<128xi32, #tpu.memory_space<vmem>>) semaphore(%run_scoped3A_35 : memref<!tpu.dma_semaphore, #tpu.memory_space<semaphore_mem>>)
          %dma_wait3A = arith.constant 0 : i32
          %dma_wait3A_42 = tpu.memref_slice %arg7[%run_scoped3A, %dma_wait3A] : memref<2x128xi32, #tpu.memory_space<vmem>> -> memref<1x128xi32, #tpu.memory_space<vmem>>
          %dma_wait3A_43 = tpu.memref_squeeze %dma_wait3A_42 : memref<1x128xi32, #tpu.memory_space<vmem>> -> memref<128xi32, #tpu.memory_space<vmem>>
          %dma_wait3A_44 = arith.constant 0 : i32
          %dma_wait3A_45 = arith.constant 0 : i32
          %dma_wait3A_46 = tpu.memref_slice %arg3[%dma_wait3A_44, %dma_wait3A_45] : memref<10240x128xf32, #tpu.memory_space<hbm>> -> memref<10240x128xf32, #tpu.memory_space<hbm>>
          tpu.wait_indirect_dma semaphore(%run_scoped3A_35 : memref<!tpu.dma_semaphore, #tpu.memory_space<semaphore_mem>>) src(%dma_wait3A_46 : memref<10240x128xf32, #tpu.memory_space<hbm>>) dst(%arg9 : memref<128x128xf32, #tpu.memory_space<vmem>>)
          tpu.yield
        }) : () -> ()
        %run_scoped3A_34 = arith.constant 1 : i32
        "tpu.region"() ({
          %run_scoped3A_35 = tpu.sem_alloc : memref<!tpu.dma_semaphore, #tpu.memory_space<semaphore_mem>>
          %dma_start3A_36 = arith.constant 0 : i32
          %dma_start3A_37 = tpu.memref_slice %arg7[%run_scoped3A_34, %dma_start3A_36] : memref<2x128xi32, #tpu.memory_space<vmem>> -> memref<1x128xi32, #tpu.memory_space<vmem>>
          %dma_start3A_38 = tpu.memref_squeeze %dma_start3A_37 : memref<1x128xi32, #tpu.memory_space<vmem>> -> memref<128xi32, #tpu.memory_space<vmem>>
          %dma_start3A_39 = arith.constant 0 : i32
          %dma_start3A_40 = arith.constant 0 : i32
          %dma_start3A_41 = tpu.memref_slice %arg11[%dma_start3A_39, %dma_start3A_40] : memref<10240x128xf32, #tpu.memory_space<vmem_shared>> -> memref<10240x128xf32, #tpu.memory_space<vmem_shared>>
          tpu.enqueue_indirect_dma source(%arg9 : memref<128x128xf32, #tpu.memory_space<vmem>>) target(%dma_start3A_41 : memref<10240x128xf32, #tpu.memory_space<vmem_shared>>) offsets(%dma_start3A_38 : memref<128xi32, #tpu.memory_space<vmem>>) semaphore(%run_scoped3A_35 : memref<!tpu.dma_semaphore, #tpu.memory_space<semaphore_mem>>) {add = true}
          %dma_wait3A = arith.constant 0 : i32
          %dma_wait3A_42 = tpu.memref_slice %arg7[%run_scoped3A_34, %dma_wait3A] : memref<2x128xi32, #tpu.memory_space<vmem>> -> memref<1x128xi32, #tpu.memory_space<vmem>>
          %dma_wait3A_43 = tpu.memref_squeeze %dma_wait3A_42 : memref<1x128xi32, #tpu.memory_space<vmem>> -> memref<128xi32, #tpu.memory_space<vmem>>
          %dma_wait3A_44 = arith.constant 0 : i32
          %dma_wait3A_45 = arith.constant 0 : i32
          %dma_wait3A_46 = tpu.memref_slice %arg11[%dma_wait3A_44, %dma_wait3A_45] : memref<10240x128xf32, #tpu.memory_space<vmem_shared>> -> memref<10240x128xf32, #tpu.memory_space<vmem_shared>>
          tpu.wait_indirect_dma semaphore(%run_scoped3A_35 : memref<!tpu.dma_semaphore, #tpu.memory_space<semaphore_mem>>) src(%arg9 : memref<128x128xf32, #tpu.memory_space<vmem>>) dst(%dma_wait3A_46 : memref<10240x128xf32, #tpu.memory_space<vmem_shared>>)
          tpu.yield
        }) : () -> ()
      } else {
      }
      %barrier3A_29 = arith.constant 0 : index
      tpu.barrier barrier_id(%barrier3A_29)
      "tpu.region"() ({
        %run_scoped3A = tpu.sem_alloc : memref<!tpu.dma_semaphore, #tpu.memory_space<semaphore_mem>>
        %dma_start3A_30 = arith.constant 0 : i32
        %dma_start3A_31 = tpu.memref_slice %arg6[%mul3A_0, %dma_start3A_30] : memref<10240x128xf32, #tpu.memory_space<hbm>> -> memref<640x128xf32, #tpu.memory_space<hbm>>
        %dma_start3A_32 = arith.constant 0 : i32
        %dma_start3A_33 = tpu.memref_slice %arg11[%mul3A_0, %dma_start3A_32] : memref<10240x128xf32, #tpu.memory_space<vmem_shared>> -> memref<640x128xf32, #tpu.memory_space<vmem_shared>>
        tpu.enqueue_dma source(%dma_start3A_33 : memref<640x128xf32, #tpu.memory_space<vmem_shared>>) target(%dma_start3A_31 : memref<640x128xf32, #tpu.memory_space<hbm>>) target_semaphore(%run_scoped3A : memref<!tpu.dma_semaphore, #tpu.memory_space<semaphore_mem>>)
        %dma_wait3A = arith.constant 0 : i32
        %dma_wait3A_34 = tpu.memref_slice %arg6[%mul3A_0, %dma_wait3A] : memref<10240x128xf32, #tpu.memory_space<hbm>> -> memref<640x128xf32, #tpu.memory_space<hbm>>
        %dma_wait3A_35 = arith.constant 0 : i32
        %dma_wait3A_36 = tpu.memref_slice %arg11[%mul3A_0, %dma_wait3A_35] : memref<10240x128xf32, #tpu.memory_space<vmem_shared>> -> memref<640x128xf32, #tpu.memory_space<vmem_shared>>
        tpu.wait_dma2 semaphore(%run_scoped3A : memref<!tpu.dma_semaphore, #tpu.memory_space<semaphore_mem>>) src(%dma_wait3A_36 : memref<640x128xf32, #tpu.memory_space<vmem_shared>>) dst(%dma_wait3A_34 : memref<640x128xf32, #tpu.memory_space<hbm>>)
        tpu.yield
      }) : () -> ()
    } else {
    }
    return
  }
}

#map = affine_map<(d0, d1) -> (0, 0)>
module attributes {stable_mosaic.version = 14 : i64} {
  func.func @_sc_prop(%arg0: i32, %arg1: i32, %arg2: memref<10240x128xf32, #tpu.memory_space<hbm>>, %arg3: memref<10240x128xf32, #tpu.memory_space<hbm>>, %arg4: memref<2x160000xi32, #tpu.memory_space<hbm>>, %arg5: memref<10240x128xf32, #tpu.memory_space<hbm>>, %arg6: memref<10240x128xf32, #tpu.memory_space<hbm>>, %arg7: memref<2x128xi32, #tpu.memory_space<vmem>>, %arg8: memref<2x128xi32, #tpu.memory_space<vmem>>, %arg9: memref<128x128xf32, #tpu.memory_space<vmem>>, %arg10: memref<128x128xf32, #tpu.memory_space<vmem>>, %arg11: memref<10240x128xf32, #tpu.memory_space<vmem_shared>>, %arg12: memref<!tpu.dma_semaphore, #tpu.memory_space<semaphore_mem>>, %arg13: memref<!tpu.dma_semaphore, #tpu.memory_space<semaphore_mem>>) attributes {dimension_semantics = [#tpu.dimension_semantics<core_parallel>, #tpu.dimension_semantics<subcore_parallel>], iteration_bounds = array<i64: 2, 16>, scalar_prefetch = 0 : i64, scratch_operands = 7 : i64, tpu.core_type = #tpu.core_type<sc_vector_subcore>, window_params = [{transform_indices = #map}, {transform_indices = #map}, {transform_indices = #map}, {transform_indices = #map}, {transform_indices = #map}]} {
    %mul3A = arith.constant 640 : i32
    %mul3A_0 = arith.muli %arg1, %mul3A : i32
    %mul3A_1 = arith.constant 78 : i32
    %mul3A_2 = arith.muli %mul3A_1, %arg1 : i32
    %min3A = arith.constant 2 : i32
    %min3A_3 = arith.minsi %arg1, %min3A : i32
    %add3A = arith.addi %mul3A_2, %min3A_3 : i32
    %eq3A = arith.constant 0 : i32
    %eq3A_4 = arith.cmpi eq, %arg0, %eq3A : i32
    %convert_element_type3A = arith.extui %eq3A_4 : i1 to i32
    %cond3A = arith.constant 0 : i32
    %cond3A_5 = arith.cmpi ne, %convert_element_type3A, %cond3A : i32
    scf.if %cond3A_5 {
      "tpu.region"() ({
        %run_scoped3A = tpu.sem_alloc : memref<!tpu.dma_semaphore, #tpu.memory_space<semaphore_mem>>
        %dma_start3A_30 = arith.constant 0 : i32
        %dma_start3A_31 = tpu.memref_slice %arg11[%mul3A_0, %dma_start3A_30] : memref<10240x128xf32, #tpu.memory_space<vmem_shared>> -> memref<640x128xf32, #tpu.memory_space<vmem_shared>>
        %dma_start3A_32 = arith.constant 0 : i32
        %dma_start3A_33 = tpu.memref_slice %arg2[%mul3A_0, %dma_start3A_32] : memref<10240x128xf32, #tpu.memory_space<hbm>> -> memref<640x128xf32, #tpu.memory_space<hbm>>
        tpu.enqueue_dma source(%dma_start3A_33 : memref<640x128xf32, #tpu.memory_space<hbm>>) target(%dma_start3A_31 : memref<640x128xf32, #tpu.memory_space<vmem_shared>>) target_semaphore(%run_scoped3A : memref<!tpu.dma_semaphore, #tpu.memory_space<semaphore_mem>>)
        %dma_wait3A = arith.constant 0 : i32
        %dma_wait3A_34 = tpu.memref_slice %arg11[%mul3A_0, %dma_wait3A] : memref<10240x128xf32, #tpu.memory_space<vmem_shared>> -> memref<640x128xf32, #tpu.memory_space<vmem_shared>>
        %dma_wait3A_35 = arith.constant 0 : i32
        %dma_wait3A_36 = tpu.memref_slice %arg2[%mul3A_0, %dma_wait3A_35] : memref<10240x128xf32, #tpu.memory_space<hbm>> -> memref<640x128xf32, #tpu.memory_space<hbm>>
        tpu.wait_dma2 semaphore(%run_scoped3A : memref<!tpu.dma_semaphore, #tpu.memory_space<semaphore_mem>>) src(%dma_wait3A_36 : memref<640x128xf32, #tpu.memory_space<hbm>>) dst(%dma_wait3A_34 : memref<640x128xf32, #tpu.memory_space<vmem_shared>>)
        tpu.yield
      }) : () -> ()
      %barrier3A = arith.constant 0 : index
      tpu.barrier barrier_id(%barrier3A)
      %add3A_11 = arith.constant 0 : i32
      %add3A_12 = arith.addi %add3A, %add3A_11 : i32
      %mul3A_13 = arith.constant 128 : i32
      %mul3A_14 = arith.muli %add3A_12, %mul3A_13 : i32
      "tpu.region"() ({
        %run_scoped3A = tpu.sem_alloc : memref<!tpu.dma_semaphore, #tpu.memory_space<semaphore_mem>>
        %dma_start3A_30 = arith.constant 0 : i32
        %dma_start3A_31 = tpu.memref_slice %arg4[%dma_start3A_30, %mul3A_14] : memref<2x160000xi32, #tpu.memory_space<hbm>> -> memref<2x128xi32, #tpu.memory_space<hbm>>
        %dma_start3A_32 = arith.constant 0 : i32
        %dma_start3A_33 = tpu.memref_slice %arg4[%dma_start3A_32, %mul3A_14] : memref<2x160000xi32, #tpu.memory_space<hbm>> -> memref<2x128xi32, #tpu.memory_space<hbm>>
        tpu.enqueue_dma source(%dma_start3A_33 : memref<2x128xi32, #tpu.memory_space<hbm>>) target(%arg7 : memref<2x128xi32, #tpu.memory_space<vmem>>) target_semaphore(%run_scoped3A : memref<!tpu.dma_semaphore, #tpu.memory_space<semaphore_mem>>)
        %dma_wait3A = arith.constant 0 : i32
        %dma_wait3A_34 = tpu.memref_slice %arg4[%dma_wait3A, %mul3A_14] : memref<2x160000xi32, #tpu.memory_space<hbm>> -> memref<2x128xi32, #tpu.memory_space<hbm>>
        %dma_wait3A_35 = arith.constant 0 : i32
        %dma_wait3A_36 = tpu.memref_slice %arg4[%dma_wait3A_35, %mul3A_14] : memref<2x160000xi32, #tpu.memory_space<hbm>> -> memref<2x128xi32, #tpu.memory_space<hbm>>
        tpu.wait_dma2 semaphore(%run_scoped3A : memref<!tpu.dma_semaphore, #tpu.memory_space<semaphore_mem>>) src(%dma_wait3A_36 : memref<2x128xi32, #tpu.memory_space<hbm>>) dst(%arg7 : memref<2x128xi32, #tpu.memory_space<vmem>>)
        tpu.yield
      }) : () -> ()
      %dma_start3A = arith.constant 0 : i32
      %dma_start3A_15 = arith.constant 0 : i32
      %dma_start3A_16 = tpu.memref_slice %arg7[%dma_start3A, %dma_start3A_15] : memref<2x128xi32, #tpu.memory_space<vmem>> -> memref<1x128xi32, #tpu.memory_space<vmem>>
      %dma_start3A_17 = tpu.memref_squeeze %dma_start3A_16 : memref<1x128xi32, #tpu.memory_space<vmem>> -> memref<128xi32, #tpu.memory_space<vmem>>
      %dma_start3A_18 = arith.constant 0 : i32
      %dma_start3A_19 = arith.constant 0 : i32
      %dma_start3A_20 = tpu.memref_slice %arg2[%dma_start3A_18, %dma_start3A_19] : memref<10240x128xf32, #tpu.memory_space<hbm>> -> memref<10240x128xf32, #tpu.memory_space<hbm>>
      tpu.enqueue_indirect_dma source(%dma_start3A_20 : memref<10240x128xf32, #tpu.memory_space<hbm>>) target(%arg9 : memref<128x128xf32, #tpu.memory_space<vmem>>) offsets(%dma_start3A_17 : memref<128xi32, #tpu.memory_space<vmem>>) semaphore(%arg12 : memref<!tpu.dma_semaphore, #tpu.memory_space<semaphore_mem>>)
      %scan3A = arith.constant 0 : i32
      %scan3A_21 = arith.constant 39 : i32
      %scan3A_22 = arith.addi %scan3A, %scan3A_21 : i32
      %scan3A_23 = arith.constant 1 : i32
      scf.for %scan3A_30 = %scan3A to %scan3A_22 step %scan3A_23  : i32 {
        %mul3A_31 = arith.constant 1 : i32
        %mul3A_32 = arith.muli %scan3A_30, %mul3A_31 : i32
        %add3A_33 = arith.constant 0 : i32
        %add3A_34 = arith.addi %add3A_33, %mul3A_32 : i32
        %mul3A_35 = arith.constant 2 : i32
        %mul3A_36 = arith.muli %mul3A_35, %add3A_34 : i32
        %add3A_37 = arith.constant 1 : i32
        %add3A_38 = arith.addi %mul3A_36, %add3A_37 : i32
        %add3A_39 = arith.addi %add3A, %add3A_38 : i32
        %mul3A_40 = arith.constant 128 : i32
        %mul3A_41 = arith.muli %add3A_39, %mul3A_40 : i32
        "tpu.region"() ({
          %run_scoped3A_68 = tpu.sem_alloc : memref<!tpu.dma_semaphore, #tpu.memory_space<semaphore_mem>>
          %dma_start3A_69 = arith.constant 0 : i32
          %dma_start3A_70 = tpu.memref_slice %arg4[%dma_start3A_69, %mul3A_41] : memref<2x160000xi32, #tpu.memory_space<hbm>> -> memref<2x128xi32, #tpu.memory_space<hbm>>
          %dma_start3A_71 = arith.constant 0 : i32
          %dma_start3A_72 = tpu.memref_slice %arg4[%dma_start3A_71, %mul3A_41] : memref<2x160000xi32, #tpu.memory_space<hbm>> -> memref<2x128xi32, #tpu.memory_space<hbm>>
          tpu.enqueue_dma source(%dma_start3A_72 : memref<2x128xi32, #tpu.memory_space<hbm>>) target(%arg8 : memref<2x128xi32, #tpu.memory_space<vmem>>) target_semaphore(%run_scoped3A_68 : memref<!tpu.dma_semaphore, #tpu.memory_space<semaphore_mem>>)
          %dma_wait3A_73 = arith.constant 0 : i32
          %dma_wait3A_74 = tpu.memref_slice %arg4[%dma_wait3A_73, %mul3A_41] : memref<2x160000xi32, #tpu.memory_space<hbm>> -> memref<2x128xi32, #tpu.memory_space<hbm>>
          %dma_wait3A_75 = arith.constant 0 : i32
          %dma_wait3A_76 = tpu.memref_slice %arg4[%dma_wait3A_75, %mul3A_41] : memref<2x160000xi32, #tpu.memory_space<hbm>> -> memref<2x128xi32, #tpu.memory_space<hbm>>
          tpu.wait_dma2 semaphore(%run_scoped3A_68 : memref<!tpu.dma_semaphore, #tpu.memory_space<semaphore_mem>>) src(%dma_wait3A_76 : memref<2x128xi32, #tpu.memory_space<hbm>>) dst(%arg8 : memref<2x128xi32, #tpu.memory_space<vmem>>)
          tpu.yield
        }) : () -> ()
        %dma_start3A_42 = arith.constant 0 : i32
        %dma_start3A_43 = arith.constant 0 : i32
        %dma_start3A_44 = tpu.memref_slice %arg8[%dma_start3A_42, %dma_start3A_43] : memref<2x128xi32, #tpu.memory_space<vmem>> -> memref<1x128xi32, #tpu.memory_space<vmem>>
        %dma_start3A_45 = tpu.memref_squeeze %dma_start3A_44 : memref<1x128xi32, #tpu.memory_space<vmem>> -> memref<128xi32, #tpu.memory_space<vmem>>
        %dma_start3A_46 = arith.constant 0 : i32
        %dma_start3A_47 = arith.constant 0 : i32
        %dma_start3A_48 = tpu.memref_slice %arg2[%dma_start3A_46, %dma_start3A_47] : memref<10240x128xf32, #tpu.memory_space<hbm>> -> memref<10240x128xf32, #tpu.memory_space<hbm>>
        tpu.enqueue_indirect_dma source(%dma_start3A_48 : memref<10240x128xf32, #tpu.memory_space<hbm>>) target(%arg10 : memref<128x128xf32, #tpu.memory_space<vmem>>) offsets(%dma_start3A_45 : memref<128xi32, #tpu.memory_space<vmem>>) semaphore(%arg13 : memref<!tpu.dma_semaphore, #tpu.memory_space<semaphore_mem>>)
        %dma_wait3A = arith.constant 0 : i32
        %dma_wait3A_49 = arith.constant 0 : i32
        %dma_wait3A_50 = tpu.memref_slice %arg7[%dma_wait3A, %dma_wait3A_49] : memref<2x128xi32, #tpu.memory_space<vmem>> -> memref<1x128xi32, #tpu.memory_space<vmem>>
        %dma_wait3A_51 = tpu.memref_squeeze %dma_wait3A_50 : memref<1x128xi32, #tpu.memory_space<vmem>> -> memref<128xi32, #tpu.memory_space<vmem>>
        %dma_wait3A_52 = arith.constant 0 : i32
        %dma_wait3A_53 = arith.constant 0 : i32
        %dma_wait3A_54 = tpu.memref_slice %arg2[%dma_wait3A_52, %dma_wait3A_53] : memref<10240x128xf32, #tpu.memory_space<hbm>> -> memref<10240x128xf32, #tpu.memory_space<hbm>>
        tpu.wait_indirect_dma semaphore(%arg12 : memref<!tpu.dma_semaphore, #tpu.memory_space<semaphore_mem>>) src(%dma_wait3A_54 : memref<10240x128xf32, #tpu.memory_space<hbm>>) dst(%arg9 : memref<128x128xf32, #tpu.memory_space<vmem>>)
        %run_scoped3A = arith.constant 1 : i32
        "tpu.region"() ({
          %run_scoped3A_68 = tpu.sem_alloc : memref<!tpu.dma_semaphore, #tpu.memory_space<semaphore_mem>>
          %dma_start3A_69 = arith.constant 0 : i32
          %dma_start3A_70 = tpu.memref_slice %arg7[%run_scoped3A, %dma_start3A_69] : memref<2x128xi32, #tpu.memory_space<vmem>> -> memref<1x128xi32, #tpu.memory_space<vmem>>
          %dma_start3A_71 = tpu.memref_squeeze %dma_start3A_70 : memref<1x128xi32, #tpu.memory_space<vmem>> -> memref<128xi32, #tpu.memory_space<vmem>>
          %dma_start3A_72 = arith.constant 0 : i32
          %dma_start3A_73 = arith.constant 0 : i32
          %dma_start3A_74 = tpu.memref_slice %arg11[%dma_start3A_72, %dma_start3A_73] : memref<10240x128xf32, #tpu.memory_space<vmem_shared>> -> memref<10240x128xf32, #tpu.memory_space<vmem_shared>>
          tpu.enqueue_indirect_dma source(%arg9 : memref<128x128xf32, #tpu.memory_space<vmem>>) target(%dma_start3A_74 : memref<10240x128xf32, #tpu.memory_space<vmem_shared>>) offsets(%dma_start3A_71 : memref<128xi32, #tpu.memory_space<vmem>>) semaphore(%run_scoped3A_68 : memref<!tpu.dma_semaphore, #tpu.memory_space<semaphore_mem>>) {add = true}
          %dma_wait3A_75 = arith.constant 0 : i32
          %dma_wait3A_76 = tpu.memref_slice %arg7[%run_scoped3A, %dma_wait3A_75] : memref<2x128xi32, #tpu.memory_space<vmem>> -> memref<1x128xi32, #tpu.memory_space<vmem>>
          %dma_wait3A_77 = tpu.memref_squeeze %dma_wait3A_76 : memref<1x128xi32, #tpu.memory_space<vmem>> -> memref<128xi32, #tpu.memory_space<vmem>>
          %dma_wait3A_78 = arith.constant 0 : i32
          %dma_wait3A_79 = arith.constant 0 : i32
          %dma_wait3A_80 = tpu.memref_slice %arg11[%dma_wait3A_78, %dma_wait3A_79] : memref<10240x128xf32, #tpu.memory_space<vmem_shared>> -> memref<10240x128xf32, #tpu.memory_space<vmem_shared>>
          tpu.wait_indirect_dma semaphore(%run_scoped3A_68 : memref<!tpu.dma_semaphore, #tpu.memory_space<semaphore_mem>>) src(%arg9 : memref<128x128xf32, #tpu.memory_space<vmem>>) dst(%dma_wait3A_80 : memref<10240x128xf32, #tpu.memory_space<vmem_shared>>)
          tpu.yield
        }) : () -> ()
        %lt3A_55 = arith.constant 38 : i32
        %lt3A_56 = arith.cmpi slt, %add3A_34, %lt3A_55 : i32
        %convert_element_type3A_57 = arith.extui %lt3A_56 : i1 to i32
        %cond3A_58 = arith.constant 0 : i32
        %cond3A_59 = arith.cmpi ne, %convert_element_type3A_57, %cond3A_58 : i32
        scf.if %cond3A_59 {
          %mul3A_68 = arith.constant 2 : i32
          %mul3A_69 = arith.muli %mul3A_68, %add3A_34 : i32
          %add3A_70 = arith.constant 2 : i32
          %add3A_71 = arith.addi %mul3A_69, %add3A_70 : i32
          %add3A_72 = arith.addi %add3A, %add3A_71 : i32
          %mul3A_73 = arith.constant 128 : i32
          %mul3A_74 = arith.muli %add3A_72, %mul3A_73 : i32
          "tpu.region"() ({
            %run_scoped3A_82 = tpu.sem_alloc : memref<!tpu.dma_semaphore, #tpu.memory_space<semaphore_mem>>
            %dma_start3A_83 = arith.constant 0 : i32
            %dma_start3A_84 = tpu.memref_slice %arg4[%dma_start3A_83, %mul3A_74] : memref<2x160000xi32, #tpu.memory_space<hbm>> -> memref<2x128xi32, #tpu.memory_space<hbm>>
            %dma_start3A_85 = arith.constant 0 : i32
            %dma_start3A_86 = tpu.memref_slice %arg4[%dma_start3A_85, %mul3A_74] : memref<2x160000xi32, #tpu.memory_space<hbm>> -> memref<2x128xi32, #tpu.memory_space<hbm>>
            tpu.enqueue_dma source(%dma_start3A_86 : memref<2x128xi32, #tpu.memory_space<hbm>>) target(%arg7 : memref<2x128xi32, #tpu.memory_space<vmem>>) target_semaphore(%run_scoped3A_82 : memref<!tpu.dma_semaphore, #tpu.memory_space<semaphore_mem>>)
            %dma_wait3A_87 = arith.constant 0 : i32
            %dma_wait3A_88 = tpu.memref_slice %arg4[%dma_wait3A_87, %mul3A_74] : memref<2x160000xi32, #tpu.memory_space<hbm>> -> memref<2x128xi32, #tpu.memory_space<hbm>>
            %dma_wait3A_89 = arith.constant 0 : i32
            %dma_wait3A_90 = tpu.memref_slice %arg4[%dma_wait3A_89, %mul3A_74] : memref<2x160000xi32, #tpu.memory_space<hbm>> -> memref<2x128xi32, #tpu.memory_space<hbm>>
            tpu.wait_dma2 semaphore(%run_scoped3A_82 : memref<!tpu.dma_semaphore, #tpu.memory_space<semaphore_mem>>) src(%dma_wait3A_90 : memref<2x128xi32, #tpu.memory_space<hbm>>) dst(%arg7 : memref<2x128xi32, #tpu.memory_space<vmem>>)
            tpu.yield
          }) : () -> ()
          %dma_start3A_75 = arith.constant 0 : i32
          %dma_start3A_76 = arith.constant 0 : i32
          %dma_start3A_77 = tpu.memref_slice %arg7[%dma_start3A_75, %dma_start3A_76] : memref<2x128xi32, #tpu.memory_space<vmem>> -> memref<1x128xi32, #tpu.memory_space<vmem>>
          %dma_start3A_78 = tpu.memref_squeeze %dma_start3A_77 : memref<1x128xi32, #tpu.memory_space<vmem>> -> memref<128xi32, #tpu.memory_space<vmem>>
          %dma_start3A_79 = arith.constant 0 : i32
          %dma_start3A_80 = arith.constant 0 : i32
          %dma_start3A_81 = tpu.memref_slice %arg2[%dma_start3A_79, %dma_start3A_80] : memref<10240x128xf32, #tpu.memory_space<hbm>> -> memref<10240x128xf32, #tpu.memory_space<hbm>>
          tpu.enqueue_indirect_dma source(%dma_start3A_81 : memref<10240x128xf32, #tpu.memory_space<hbm>>) target(%arg9 : memref<128x128xf32, #tpu.memory_space<vmem>>) offsets(%dma_start3A_78 : memref<128xi32, #tpu.memory_space<vmem>>) semaphore(%arg12 : memref<!tpu.dma_semaphore, #tpu.memory_space<semaphore_mem>>)
        } else {
        }
        %dma_wait3A_60 = arith.constant 0 : i32
        %dma_wait3A_61 = arith.constant 0 : i32
        %dma_wait3A_62 = tpu.memref_slice %arg8[%dma_wait3A_60, %dma_wait3A_61] : memref<2x128xi32, #tpu.memory_space<vmem>> -> memref<1x128xi32, #tpu.memory_space<vmem>>
        %dma_wait3A_63 = tpu.memref_squeeze %dma_wait3A_62 : memref<1x128xi32, #tpu.memory_space<vmem>> -> memref<128xi32, #tpu.memory_space<vmem>>
        %dma_wait3A_64 = arith.constant 0 : i32
        %dma_wait3A_65 = arith.constant 0 : i32
        %dma_wait3A_66 = tpu.memref_slice %arg2[%dma_wait3A_64, %dma_wait3A_65] : memref<10240x128xf32, #tpu.memory_space<hbm>> -> memref<10240x128xf32, #tpu.memory_space<hbm>>
        tpu.wait_indirect_dma semaphore(%arg13 : memref<!tpu.dma_semaphore, #tpu.memory_space<semaphore_mem>>) src(%dma_wait3A_66 : memref<10240x128xf32, #tpu.memory_space<hbm>>) dst(%arg10 : memref<128x128xf32, #tpu.memory_space<vmem>>)
        %run_scoped3A_67 = arith.constant 1 : i32
        "tpu.region"() ({
          %run_scoped3A_68 = tpu.sem_alloc : memref<!tpu.dma_semaphore, #tpu.memory_space<semaphore_mem>>
          %dma_start3A_69 = arith.constant 0 : i32
          %dma_start3A_70 = tpu.memref_slice %arg8[%run_scoped3A_67, %dma_start3A_69] : memref<2x128xi32, #tpu.memory_space<vmem>> -> memref<1x128xi32, #tpu.memory_space<vmem>>
          %dma_start3A_71 = tpu.memref_squeeze %dma_start3A_70 : memref<1x128xi32, #tpu.memory_space<vmem>> -> memref<128xi32, #tpu.memory_space<vmem>>
          %dma_start3A_72 = arith.constant 0 : i32
          %dma_start3A_73 = arith.constant 0 : i32
          %dma_start3A_74 = tpu.memref_slice %arg11[%dma_start3A_72, %dma_start3A_73] : memref<10240x128xf32, #tpu.memory_space<vmem_shared>> -> memref<10240x128xf32, #tpu.memory_space<vmem_shared>>
          tpu.enqueue_indirect_dma source(%arg10 : memref<128x128xf32, #tpu.memory_space<vmem>>) target(%dma_start3A_74 : memref<10240x128xf32, #tpu.memory_space<vmem_shared>>) offsets(%dma_start3A_71 : memref<128xi32, #tpu.memory_space<vmem>>) semaphore(%run_scoped3A_68 : memref<!tpu.dma_semaphore, #tpu.memory_space<semaphore_mem>>) {add = true}
          %dma_wait3A_75 = arith.constant 0 : i32
          %dma_wait3A_76 = tpu.memref_slice %arg8[%run_scoped3A_67, %dma_wait3A_75] : memref<2x128xi32, #tpu.memory_space<vmem>> -> memref<1x128xi32, #tpu.memory_space<vmem>>
          %dma_wait3A_77 = tpu.memref_squeeze %dma_wait3A_76 : memref<1x128xi32, #tpu.memory_space<vmem>> -> memref<128xi32, #tpu.memory_space<vmem>>
          %dma_wait3A_78 = arith.constant 0 : i32
          %dma_wait3A_79 = arith.constant 0 : i32
          %dma_wait3A_80 = tpu.memref_slice %arg11[%dma_wait3A_78, %dma_wait3A_79] : memref<10240x128xf32, #tpu.memory_space<vmem_shared>> -> memref<10240x128xf32, #tpu.memory_space<vmem_shared>>
          tpu.wait_indirect_dma semaphore(%run_scoped3A_68 : memref<!tpu.dma_semaphore, #tpu.memory_space<semaphore_mem>>) src(%arg10 : memref<128x128xf32, #tpu.memory_space<vmem>>) dst(%dma_wait3A_80 : memref<10240x128xf32, #tpu.memory_space<vmem_shared>>)
          tpu.yield
        }) : () -> ()
      }
      %scan3A_24 = arith.constant 39 : i32
      %lt3A = arith.constant 2 : i32
      %lt3A_25 = arith.cmpi slt, %arg1, %lt3A : i32
      %convert_element_type3A_26 = arith.extui %lt3A_25 : i1 to i32
      %cond3A_27 = arith.constant 0 : i32
      %cond3A_28 = arith.cmpi ne, %convert_element_type3A_26, %cond3A_27 : i32
      scf.if %cond3A_28 {
        %add3A_30 = arith.constant 78 : i32
        %add3A_31 = arith.addi %add3A, %add3A_30 : i32
        %mul3A_32 = arith.constant 128 : i32
        %mul3A_33 = arith.muli %add3A_31, %mul3A_32 : i32
        "tpu.region"() ({
          %run_scoped3A_35 = tpu.sem_alloc : memref<!tpu.dma_semaphore, #tpu.memory_space<semaphore_mem>>
          %dma_start3A_36 = arith.constant 0 : i32
          %dma_start3A_37 = tpu.memref_slice %arg4[%dma_start3A_36, %mul3A_33] : memref<2x160000xi32, #tpu.memory_space<hbm>> -> memref<2x128xi32, #tpu.memory_space<hbm>>
          %dma_start3A_38 = arith.constant 0 : i32
          %dma_start3A_39 = tpu.memref_slice %arg4[%dma_start3A_38, %mul3A_33] : memref<2x160000xi32, #tpu.memory_space<hbm>> -> memref<2x128xi32, #tpu.memory_space<hbm>>
          tpu.enqueue_dma source(%dma_start3A_39 : memref<2x128xi32, #tpu.memory_space<hbm>>) target(%arg7 : memref<2x128xi32, #tpu.memory_space<vmem>>) target_semaphore(%run_scoped3A_35 : memref<!tpu.dma_semaphore, #tpu.memory_space<semaphore_mem>>)
          %dma_wait3A = arith.constant 0 : i32
          %dma_wait3A_40 = tpu.memref_slice %arg4[%dma_wait3A, %mul3A_33] : memref<2x160000xi32, #tpu.memory_space<hbm>> -> memref<2x128xi32, #tpu.memory_space<hbm>>
          %dma_wait3A_41 = arith.constant 0 : i32
          %dma_wait3A_42 = tpu.memref_slice %arg4[%dma_wait3A_41, %mul3A_33] : memref<2x160000xi32, #tpu.memory_space<hbm>> -> memref<2x128xi32, #tpu.memory_space<hbm>>
          tpu.wait_dma2 semaphore(%run_scoped3A_35 : memref<!tpu.dma_semaphore, #tpu.memory_space<semaphore_mem>>) src(%dma_wait3A_42 : memref<2x128xi32, #tpu.memory_space<hbm>>) dst(%arg7 : memref<2x128xi32, #tpu.memory_space<vmem>>)
          tpu.yield
        }) : () -> ()
        %run_scoped3A = arith.constant 0 : i32
        "tpu.region"() ({
          %run_scoped3A_35 = tpu.sem_alloc : memref<!tpu.dma_semaphore, #tpu.memory_space<semaphore_mem>>
          %dma_start3A_36 = arith.constant 0 : i32
          %dma_start3A_37 = tpu.memref_slice %arg7[%run_scoped3A, %dma_start3A_36] : memref<2x128xi32, #tpu.memory_space<vmem>> -> memref<1x128xi32, #tpu.memory_space<vmem>>
          %dma_start3A_38 = tpu.memref_squeeze %dma_start3A_37 : memref<1x128xi32, #tpu.memory_space<vmem>> -> memref<128xi32, #tpu.memory_space<vmem>>
          %dma_start3A_39 = arith.constant 0 : i32
          %dma_start3A_40 = arith.constant 0 : i32
          %dma_start3A_41 = tpu.memref_slice %arg2[%dma_start3A_39, %dma_start3A_40] : memref<10240x128xf32, #tpu.memory_space<hbm>> -> memref<10240x128xf32, #tpu.memory_space<hbm>>
          tpu.enqueue_indirect_dma source(%dma_start3A_41 : memref<10240x128xf32, #tpu.memory_space<hbm>>) target(%arg9 : memref<128x128xf32, #tpu.memory_space<vmem>>) offsets(%dma_start3A_38 : memref<128xi32, #tpu.memory_space<vmem>>) semaphore(%run_scoped3A_35 : memref<!tpu.dma_semaphore, #tpu.memory_space<semaphore_mem>>)
          %dma_wait3A = arith.constant 0 : i32
          %dma_wait3A_42 = tpu.memref_slice %arg7[%run_scoped3A, %dma_wait3A] : memref<2x128xi32, #tpu.memory_space<vmem>> -> memref<1x128xi32, #tpu.memory_space<vmem>>
          %dma_wait3A_43 = tpu.memref_squeeze %dma_wait3A_42 : memref<1x128xi32, #tpu.memory_space<vmem>> -> memref<128xi32, #tpu.memory_space<vmem>>
          %dma_wait3A_44 = arith.constant 0 : i32
          %dma_wait3A_45 = arith.constant 0 : i32
          %dma_wait3A_46 = tpu.memref_slice %arg2[%dma_wait3A_44, %dma_wait3A_45] : memref<10240x128xf32, #tpu.memory_space<hbm>> -> memref<10240x128xf32, #tpu.memory_space<hbm>>
          tpu.wait_indirect_dma semaphore(%run_scoped3A_35 : memref<!tpu.dma_semaphore, #tpu.memory_space<semaphore_mem>>) src(%dma_wait3A_46 : memref<10240x128xf32, #tpu.memory_space<hbm>>) dst(%arg9 : memref<128x128xf32, #tpu.memory_space<vmem>>)
          tpu.yield
        }) : () -> ()
        %run_scoped3A_34 = arith.constant 1 : i32
        "tpu.region"() ({
          %run_scoped3A_35 = tpu.sem_alloc : memref<!tpu.dma_semaphore, #tpu.memory_space<semaphore_mem>>
          %dma_start3A_36 = arith.constant 0 : i32
          %dma_start3A_37 = tpu.memref_slice %arg7[%run_scoped3A_34, %dma_start3A_36] : memref<2x128xi32, #tpu.memory_space<vmem>> -> memref<1x128xi32, #tpu.memory_space<vmem>>
          %dma_start3A_38 = tpu.memref_squeeze %dma_start3A_37 : memref<1x128xi32, #tpu.memory_space<vmem>> -> memref<128xi32, #tpu.memory_space<vmem>>
          %dma_start3A_39 = arith.constant 0 : i32
          %dma_start3A_40 = arith.constant 0 : i32
          %dma_start3A_41 = tpu.memref_slice %arg11[%dma_start3A_39, %dma_start3A_40] : memref<10240x128xf32, #tpu.memory_space<vmem_shared>> -> memref<10240x128xf32, #tpu.memory_space<vmem_shared>>
          tpu.enqueue_indirect_dma source(%arg9 : memref<128x128xf32, #tpu.memory_space<vmem>>) target(%dma_start3A_41 : memref<10240x128xf32, #tpu.memory_space<vmem_shared>>) offsets(%dma_start3A_38 : memref<128xi32, #tpu.memory_space<vmem>>) semaphore(%run_scoped3A_35 : memref<!tpu.dma_semaphore, #tpu.memory_space<semaphore_mem>>) {add = true}
          %dma_wait3A = arith.constant 0 : i32
          %dma_wait3A_42 = tpu.memref_slice %arg7[%run_scoped3A_34, %dma_wait3A] : memref<2x128xi32, #tpu.memory_space<vmem>> -> memref<1x128xi32, #tpu.memory_space<vmem>>
          %dma_wait3A_43 = tpu.memref_squeeze %dma_wait3A_42 : memref<1x128xi32, #tpu.memory_space<vmem>> -> memref<128xi32, #tpu.memory_space<vmem>>
          %dma_wait3A_44 = arith.constant 0 : i32
          %dma_wait3A_45 = arith.constant 0 : i32
          %dma_wait3A_46 = tpu.memref_slice %arg11[%dma_wait3A_44, %dma_wait3A_45] : memref<10240x128xf32, #tpu.memory_space<vmem_shared>> -> memref<10240x128xf32, #tpu.memory_space<vmem_shared>>
          tpu.wait_indirect_dma semaphore(%run_scoped3A_35 : memref<!tpu.dma_semaphore, #tpu.memory_space<semaphore_mem>>) src(%arg9 : memref<128x128xf32, #tpu.memory_space<vmem>>) dst(%dma_wait3A_46 : memref<10240x128xf32, #tpu.memory_space<vmem_shared>>)
          tpu.yield
        }) : () -> ()
      } else {
      }
      %barrier3A_29 = arith.constant 0 : index
      tpu.barrier barrier_id(%barrier3A_29)
      "tpu.region"() ({
        %run_scoped3A = tpu.sem_alloc : memref<!tpu.dma_semaphore, #tpu.memory_space<semaphore_mem>>
        %dma_start3A_30 = arith.constant 0 : i32
        %dma_start3A_31 = tpu.memref_slice %arg5[%mul3A_0, %dma_start3A_30] : memref<10240x128xf32, #tpu.memory_space<hbm>> -> memref<640x128xf32, #tpu.memory_space<hbm>>
        %dma_start3A_32 = arith.constant 0 : i32
        %dma_start3A_33 = tpu.memref_slice %arg11[%mul3A_0, %dma_start3A_32] : memref<10240x128xf32, #tpu.memory_space<vmem_shared>> -> memref<640x128xf32, #tpu.memory_space<vmem_shared>>
        tpu.enqueue_dma source(%dma_start3A_33 : memref<640x128xf32, #tpu.memory_space<vmem_shared>>) target(%dma_start3A_31 : memref<640x128xf32, #tpu.memory_space<hbm>>) target_semaphore(%run_scoped3A : memref<!tpu.dma_semaphore, #tpu.memory_space<semaphore_mem>>)
        %dma_wait3A = arith.constant 0 : i32
        %dma_wait3A_34 = tpu.memref_slice %arg5[%mul3A_0, %dma_wait3A] : memref<10240x128xf32, #tpu.memory_space<hbm>> -> memref<640x128xf32, #tpu.memory_space<hbm>>
        %dma_wait3A_35 = arith.constant 0 : i32
        %dma_wait3A_36 = tpu.memref_slice %arg11[%mul3A_0, %dma_wait3A_35] : memref<10240x128xf32, #tpu.memory_space<vmem_shared>> -> memref<640x128xf32, #tpu.memory_space<vmem_shared>>
        tpu.wait_dma2 semaphore(%run_scoped3A : memref<!tpu.dma_semaphore, #tpu.memory_space<semaphore_mem>>) src(%dma_wait3A_36 : memref<640x128xf32, #tpu.memory_space<vmem_shared>>) dst(%dma_wait3A_34 : memref<640x128xf32, #tpu.memory_space<hbm>>)
        tpu.yield
      }) : () -> ()
    } else {
    }
    %eq3A_6 = arith.constant 1 : i32
    %eq3A_7 = arith.cmpi eq, %arg0, %eq3A_6 : i32
    %convert_element_type3A_8 = arith.extui %eq3A_7 : i1 to i32
    %cond3A_9 = arith.constant 0 : i32
    %cond3A_10 = arith.cmpi ne, %convert_element_type3A_8, %cond3A_9 : i32
    scf.if %cond3A_10 {
      "tpu.region"() ({
        %run_scoped3A = tpu.sem_alloc : memref<!tpu.dma_semaphore, #tpu.memory_space<semaphore_mem>>
        %dma_start3A_30 = arith.constant 0 : i32
        %dma_start3A_31 = tpu.memref_slice %arg11[%mul3A_0, %dma_start3A_30] : memref<10240x128xf32, #tpu.memory_space<vmem_shared>> -> memref<640x128xf32, #tpu.memory_space<vmem_shared>>
        %dma_start3A_32 = arith.constant 0 : i32
        %dma_start3A_33 = tpu.memref_slice %arg3[%mul3A_0, %dma_start3A_32] : memref<10240x128xf32, #tpu.memory_space<hbm>> -> memref<640x128xf32, #tpu.memory_space<hbm>>
        tpu.enqueue_dma source(%dma_start3A_33 : memref<640x128xf32, #tpu.memory_space<hbm>>) target(%dma_start3A_31 : memref<640x128xf32, #tpu.memory_space<vmem_shared>>) target_semaphore(%run_scoped3A : memref<!tpu.dma_semaphore, #tpu.memory_space<semaphore_mem>>)
        %dma_wait3A = arith.constant 0 : i32
        %dma_wait3A_34 = tpu.memref_slice %arg11[%mul3A_0, %dma_wait3A] : memref<10240x128xf32, #tpu.memory_space<vmem_shared>> -> memref<640x128xf32, #tpu.memory_space<vmem_shared>>
        %dma_wait3A_35 = arith.constant 0 : i32
        %dma_wait3A_36 = tpu.memref_slice %arg3[%mul3A_0, %dma_wait3A_35] : memref<10240x128xf32, #tpu.memory_space<hbm>> -> memref<640x128xf32, #tpu.memory_space<hbm>>
        tpu.wait_dma2 semaphore(%run_scoped3A : memref<!tpu.dma_semaphore, #tpu.memory_space<semaphore_mem>>) src(%dma_wait3A_36 : memref<640x128xf32, #tpu.memory_space<hbm>>) dst(%dma_wait3A_34 : memref<640x128xf32, #tpu.memory_space<vmem_shared>>)
        tpu.yield
      }) : () -> ()
      %barrier3A = arith.constant 0 : index
      tpu.barrier barrier_id(%barrier3A)
      %add3A_11 = arith.constant 0 : i32
      %add3A_12 = arith.addi %add3A, %add3A_11 : i32
      %mul3A_13 = arith.constant 128 : i32
      %mul3A_14 = arith.muli %add3A_12, %mul3A_13 : i32
      "tpu.region"() ({
        %run_scoped3A = tpu.sem_alloc : memref<!tpu.dma_semaphore, #tpu.memory_space<semaphore_mem>>
        %dma_start3A_30 = arith.constant 0 : i32
        %dma_start3A_31 = tpu.memref_slice %arg4[%dma_start3A_30, %mul3A_14] : memref<2x160000xi32, #tpu.memory_space<hbm>> -> memref<2x128xi32, #tpu.memory_space<hbm>>
        %dma_start3A_32 = arith.constant 0 : i32
        %dma_start3A_33 = tpu.memref_slice %arg4[%dma_start3A_32, %mul3A_14] : memref<2x160000xi32, #tpu.memory_space<hbm>> -> memref<2x128xi32, #tpu.memory_space<hbm>>
        tpu.enqueue_dma source(%dma_start3A_33 : memref<2x128xi32, #tpu.memory_space<hbm>>) target(%arg7 : memref<2x128xi32, #tpu.memory_space<vmem>>) target_semaphore(%run_scoped3A : memref<!tpu.dma_semaphore, #tpu.memory_space<semaphore_mem>>)
        %dma_wait3A = arith.constant 0 : i32
        %dma_wait3A_34 = tpu.memref_slice %arg4[%dma_wait3A, %mul3A_14] : memref<2x160000xi32, #tpu.memory_space<hbm>> -> memref<2x128xi32, #tpu.memory_space<hbm>>
        %dma_wait3A_35 = arith.constant 0 : i32
        %dma_wait3A_36 = tpu.memref_slice %arg4[%dma_wait3A_35, %mul3A_14] : memref<2x160000xi32, #tpu.memory_space<hbm>> -> memref<2x128xi32, #tpu.memory_space<hbm>>
        tpu.wait_dma2 semaphore(%run_scoped3A : memref<!tpu.dma_semaphore, #tpu.memory_space<semaphore_mem>>) src(%dma_wait3A_36 : memref<2x128xi32, #tpu.memory_space<hbm>>) dst(%arg7 : memref<2x128xi32, #tpu.memory_space<vmem>>)
        tpu.yield
      }) : () -> ()
      %dma_start3A = arith.constant 0 : i32
      %dma_start3A_15 = arith.constant 0 : i32
      %dma_start3A_16 = tpu.memref_slice %arg7[%dma_start3A, %dma_start3A_15] : memref<2x128xi32, #tpu.memory_space<vmem>> -> memref<1x128xi32, #tpu.memory_space<vmem>>
      %dma_start3A_17 = tpu.memref_squeeze %dma_start3A_16 : memref<1x128xi32, #tpu.memory_space<vmem>> -> memref<128xi32, #tpu.memory_space<vmem>>
      %dma_start3A_18 = arith.constant 0 : i32
      %dma_start3A_19 = arith.constant 0 : i32
      %dma_start3A_20 = tpu.memref_slice %arg3[%dma_start3A_18, %dma_start3A_19] : memref<10240x128xf32, #tpu.memory_space<hbm>> -> memref<10240x128xf32, #tpu.memory_space<hbm>>
      tpu.enqueue_indirect_dma source(%dma_start3A_20 : memref<10240x128xf32, #tpu.memory_space<hbm>>) target(%arg9 : memref<128x128xf32, #tpu.memory_space<vmem>>) offsets(%dma_start3A_17 : memref<128xi32, #tpu.memory_space<vmem>>) semaphore(%arg12 : memref<!tpu.dma_semaphore, #tpu.memory_space<semaphore_mem>>)
      %scan3A = arith.constant 0 : i32
      %scan3A_21 = arith.constant 39 : i32
      %scan3A_22 = arith.addi %scan3A, %scan3A_21 : i32
      %scan3A_23 = arith.constant 1 : i32
      scf.for %scan3A_30 = %scan3A to %scan3A_22 step %scan3A_23  : i32 {
        %mul3A_31 = arith.constant 1 : i32
        %mul3A_32 = arith.muli %scan3A_30, %mul3A_31 : i32
        %add3A_33 = arith.constant 0 : i32
        %add3A_34 = arith.addi %add3A_33, %mul3A_32 : i32
        %mul3A_35 = arith.constant 2 : i32
        %mul3A_36 = arith.muli %mul3A_35, %add3A_34 : i32
        %add3A_37 = arith.constant 1 : i32
        %add3A_38 = arith.addi %mul3A_36, %add3A_37 : i32
        %add3A_39 = arith.addi %add3A, %add3A_38 : i32
        %mul3A_40 = arith.constant 128 : i32
        %mul3A_41 = arith.muli %add3A_39, %mul3A_40 : i32
        "tpu.region"() ({
          %run_scoped3A_68 = tpu.sem_alloc : memref<!tpu.dma_semaphore, #tpu.memory_space<semaphore_mem>>
          %dma_start3A_69 = arith.constant 0 : i32
          %dma_start3A_70 = tpu.memref_slice %arg4[%dma_start3A_69, %mul3A_41] : memref<2x160000xi32, #tpu.memory_space<hbm>> -> memref<2x128xi32, #tpu.memory_space<hbm>>
          %dma_start3A_71 = arith.constant 0 : i32
          %dma_start3A_72 = tpu.memref_slice %arg4[%dma_start3A_71, %mul3A_41] : memref<2x160000xi32, #tpu.memory_space<hbm>> -> memref<2x128xi32, #tpu.memory_space<hbm>>
          tpu.enqueue_dma source(%dma_start3A_72 : memref<2x128xi32, #tpu.memory_space<hbm>>) target(%arg8 : memref<2x128xi32, #tpu.memory_space<vmem>>) target_semaphore(%run_scoped3A_68 : memref<!tpu.dma_semaphore, #tpu.memory_space<semaphore_mem>>)
          %dma_wait3A_73 = arith.constant 0 : i32
          %dma_wait3A_74 = tpu.memref_slice %arg4[%dma_wait3A_73, %mul3A_41] : memref<2x160000xi32, #tpu.memory_space<hbm>> -> memref<2x128xi32, #tpu.memory_space<hbm>>
          %dma_wait3A_75 = arith.constant 0 : i32
          %dma_wait3A_76 = tpu.memref_slice %arg4[%dma_wait3A_75, %mul3A_41] : memref<2x160000xi32, #tpu.memory_space<hbm>> -> memref<2x128xi32, #tpu.memory_space<hbm>>
          tpu.wait_dma2 semaphore(%run_scoped3A_68 : memref<!tpu.dma_semaphore, #tpu.memory_space<semaphore_mem>>) src(%dma_wait3A_76 : memref<2x128xi32, #tpu.memory_space<hbm>>) dst(%arg8 : memref<2x128xi32, #tpu.memory_space<vmem>>)
          tpu.yield
        }) : () -> ()
        %dma_start3A_42 = arith.constant 0 : i32
        %dma_start3A_43 = arith.constant 0 : i32
        %dma_start3A_44 = tpu.memref_slice %arg8[%dma_start3A_42, %dma_start3A_43] : memref<2x128xi32, #tpu.memory_space<vmem>> -> memref<1x128xi32, #tpu.memory_space<vmem>>
        %dma_start3A_45 = tpu.memref_squeeze %dma_start3A_44 : memref<1x128xi32, #tpu.memory_space<vmem>> -> memref<128xi32, #tpu.memory_space<vmem>>
        %dma_start3A_46 = arith.constant 0 : i32
        %dma_start3A_47 = arith.constant 0 : i32
        %dma_start3A_48 = tpu.memref_slice %arg3[%dma_start3A_46, %dma_start3A_47] : memref<10240x128xf32, #tpu.memory_space<hbm>> -> memref<10240x128xf32, #tpu.memory_space<hbm>>
        tpu.enqueue_indirect_dma source(%dma_start3A_48 : memref<10240x128xf32, #tpu.memory_space<hbm>>) target(%arg10 : memref<128x128xf32, #tpu.memory_space<vmem>>) offsets(%dma_start3A_45 : memref<128xi32, #tpu.memory_space<vmem>>) semaphore(%arg13 : memref<!tpu.dma_semaphore, #tpu.memory_space<semaphore_mem>>)
        %dma_wait3A = arith.constant 0 : i32
        %dma_wait3A_49 = arith.constant 0 : i32
        %dma_wait3A_50 = tpu.memref_slice %arg7[%dma_wait3A, %dma_wait3A_49] : memref<2x128xi32, #tpu.memory_space<vmem>> -> memref<1x128xi32, #tpu.memory_space<vmem>>
        %dma_wait3A_51 = tpu.memref_squeeze %dma_wait3A_50 : memref<1x128xi32, #tpu.memory_space<vmem>> -> memref<128xi32, #tpu.memory_space<vmem>>
        %dma_wait3A_52 = arith.constant 0 : i32
        %dma_wait3A_53 = arith.constant 0 : i32
        %dma_wait3A_54 = tpu.memref_slice %arg3[%dma_wait3A_52, %dma_wait3A_53] : memref<10240x128xf32, #tpu.memory_space<hbm>> -> memref<10240x128xf32, #tpu.memory_space<hbm>>
        tpu.wait_indirect_dma semaphore(%arg12 : memref<!tpu.dma_semaphore, #tpu.memory_space<semaphore_mem>>) src(%dma_wait3A_54 : memref<10240x128xf32, #tpu.memory_space<hbm>>) dst(%arg9 : memref<128x128xf32, #tpu.memory_space<vmem>>)
        %run_scoped3A = arith.constant 1 : i32
        "tpu.region"() ({
          %run_scoped3A_68 = tpu.sem_alloc : memref<!tpu.dma_semaphore, #tpu.memory_space<semaphore_mem>>
          %dma_start3A_69 = arith.constant 0 : i32
          %dma_start3A_70 = tpu.memref_slice %arg7[%run_scoped3A, %dma_start3A_69] : memref<2x128xi32, #tpu.memory_space<vmem>> -> memref<1x128xi32, #tpu.memory_space<vmem>>
          %dma_start3A_71 = tpu.memref_squeeze %dma_start3A_70 : memref<1x128xi32, #tpu.memory_space<vmem>> -> memref<128xi32, #tpu.memory_space<vmem>>
          %dma_start3A_72 = arith.constant 0 : i32
          %dma_start3A_73 = arith.constant 0 : i32
          %dma_start3A_74 = tpu.memref_slice %arg11[%dma_start3A_72, %dma_start3A_73] : memref<10240x128xf32, #tpu.memory_space<vmem_shared>> -> memref<10240x128xf32, #tpu.memory_space<vmem_shared>>
          tpu.enqueue_indirect_dma source(%arg9 : memref<128x128xf32, #tpu.memory_space<vmem>>) target(%dma_start3A_74 : memref<10240x128xf32, #tpu.memory_space<vmem_shared>>) offsets(%dma_start3A_71 : memref<128xi32, #tpu.memory_space<vmem>>) semaphore(%run_scoped3A_68 : memref<!tpu.dma_semaphore, #tpu.memory_space<semaphore_mem>>) {add = true}
          %dma_wait3A_75 = arith.constant 0 : i32
          %dma_wait3A_76 = tpu.memref_slice %arg7[%run_scoped3A, %dma_wait3A_75] : memref<2x128xi32, #tpu.memory_space<vmem>> -> memref<1x128xi32, #tpu.memory_space<vmem>>
          %dma_wait3A_77 = tpu.memref_squeeze %dma_wait3A_76 : memref<1x128xi32, #tpu.memory_space<vmem>> -> memref<128xi32, #tpu.memory_space<vmem>>
          %dma_wait3A_78 = arith.constant 0 : i32
          %dma_wait3A_79 = arith.constant 0 : i32
          %dma_wait3A_80 = tpu.memref_slice %arg11[%dma_wait3A_78, %dma_wait3A_79] : memref<10240x128xf32, #tpu.memory_space<vmem_shared>> -> memref<10240x128xf32, #tpu.memory_space<vmem_shared>>
          tpu.wait_indirect_dma semaphore(%run_scoped3A_68 : memref<!tpu.dma_semaphore, #tpu.memory_space<semaphore_mem>>) src(%arg9 : memref<128x128xf32, #tpu.memory_space<vmem>>) dst(%dma_wait3A_80 : memref<10240x128xf32, #tpu.memory_space<vmem_shared>>)
          tpu.yield
        }) : () -> ()
        %lt3A_55 = arith.constant 38 : i32
        %lt3A_56 = arith.cmpi slt, %add3A_34, %lt3A_55 : i32
        %convert_element_type3A_57 = arith.extui %lt3A_56 : i1 to i32
        %cond3A_58 = arith.constant 0 : i32
        %cond3A_59 = arith.cmpi ne, %convert_element_type3A_57, %cond3A_58 : i32
        scf.if %cond3A_59 {
          %mul3A_68 = arith.constant 2 : i32
          %mul3A_69 = arith.muli %mul3A_68, %add3A_34 : i32
          %add3A_70 = arith.constant 2 : i32
          %add3A_71 = arith.addi %mul3A_69, %add3A_70 : i32
          %add3A_72 = arith.addi %add3A, %add3A_71 : i32
          %mul3A_73 = arith.constant 128 : i32
          %mul3A_74 = arith.muli %add3A_72, %mul3A_73 : i32
          "tpu.region"() ({
            %run_scoped3A_82 = tpu.sem_alloc : memref<!tpu.dma_semaphore, #tpu.memory_space<semaphore_mem>>
            %dma_start3A_83 = arith.constant 0 : i32
            %dma_start3A_84 = tpu.memref_slice %arg4[%dma_start3A_83, %mul3A_74] : memref<2x160000xi32, #tpu.memory_space<hbm>> -> memref<2x128xi32, #tpu.memory_space<hbm>>
            %dma_start3A_85 = arith.constant 0 : i32
            %dma_start3A_86 = tpu.memref_slice %arg4[%dma_start3A_85, %mul3A_74] : memref<2x160000xi32, #tpu.memory_space<hbm>> -> memref<2x128xi32, #tpu.memory_space<hbm>>
            tpu.enqueue_dma source(%dma_start3A_86 : memref<2x128xi32, #tpu.memory_space<hbm>>) target(%arg7 : memref<2x128xi32, #tpu.memory_space<vmem>>) target_semaphore(%run_scoped3A_82 : memref<!tpu.dma_semaphore, #tpu.memory_space<semaphore_mem>>)
            %dma_wait3A_87 = arith.constant 0 : i32
            %dma_wait3A_88 = tpu.memref_slice %arg4[%dma_wait3A_87, %mul3A_74] : memref<2x160000xi32, #tpu.memory_space<hbm>> -> memref<2x128xi32, #tpu.memory_space<hbm>>
            %dma_wait3A_89 = arith.constant 0 : i32
            %dma_wait3A_90 = tpu.memref_slice %arg4[%dma_wait3A_89, %mul3A_74] : memref<2x160000xi32, #tpu.memory_space<hbm>> -> memref<2x128xi32, #tpu.memory_space<hbm>>
            tpu.wait_dma2 semaphore(%run_scoped3A_82 : memref<!tpu.dma_semaphore, #tpu.memory_space<semaphore_mem>>) src(%dma_wait3A_90 : memref<2x128xi32, #tpu.memory_space<hbm>>) dst(%arg7 : memref<2x128xi32, #tpu.memory_space<vmem>>)
            tpu.yield
          }) : () -> ()
          %dma_start3A_75 = arith.constant 0 : i32
          %dma_start3A_76 = arith.constant 0 : i32
          %dma_start3A_77 = tpu.memref_slice %arg7[%dma_start3A_75, %dma_start3A_76] : memref<2x128xi32, #tpu.memory_space<vmem>> -> memref<1x128xi32, #tpu.memory_space<vmem>>
          %dma_start3A_78 = tpu.memref_squeeze %dma_start3A_77 : memref<1x128xi32, #tpu.memory_space<vmem>> -> memref<128xi32, #tpu.memory_space<vmem>>
          %dma_start3A_79 = arith.constant 0 : i32
          %dma_start3A_80 = arith.constant 0 : i32
          %dma_start3A_81 = tpu.memref_slice %arg3[%dma_start3A_79, %dma_start3A_80] : memref<10240x128xf32, #tpu.memory_space<hbm>> -> memref<10240x128xf32, #tpu.memory_space<hbm>>
          tpu.enqueue_indirect_dma source(%dma_start3A_81 : memref<10240x128xf32, #tpu.memory_space<hbm>>) target(%arg9 : memref<128x128xf32, #tpu.memory_space<vmem>>) offsets(%dma_start3A_78 : memref<128xi32, #tpu.memory_space<vmem>>) semaphore(%arg12 : memref<!tpu.dma_semaphore, #tpu.memory_space<semaphore_mem>>)
        } else {
        }
        %dma_wait3A_60 = arith.constant 0 : i32
        %dma_wait3A_61 = arith.constant 0 : i32
        %dma_wait3A_62 = tpu.memref_slice %arg8[%dma_wait3A_60, %dma_wait3A_61] : memref<2x128xi32, #tpu.memory_space<vmem>> -> memref<1x128xi32, #tpu.memory_space<vmem>>
        %dma_wait3A_63 = tpu.memref_squeeze %dma_wait3A_62 : memref<1x128xi32, #tpu.memory_space<vmem>> -> memref<128xi32, #tpu.memory_space<vmem>>
        %dma_wait3A_64 = arith.constant 0 : i32
        %dma_wait3A_65 = arith.constant 0 : i32
        %dma_wait3A_66 = tpu.memref_slice %arg3[%dma_wait3A_64, %dma_wait3A_65] : memref<10240x128xf32, #tpu.memory_space<hbm>> -> memref<10240x128xf32, #tpu.memory_space<hbm>>
        tpu.wait_indirect_dma semaphore(%arg13 : memref<!tpu.dma_semaphore, #tpu.memory_space<semaphore_mem>>) src(%dma_wait3A_66 : memref<10240x128xf32, #tpu.memory_space<hbm>>) dst(%arg10 : memref<128x128xf32, #tpu.memory_space<vmem>>)
        %run_scoped3A_67 = arith.constant 1 : i32
        "tpu.region"() ({
          %run_scoped3A_68 = tpu.sem_alloc : memref<!tpu.dma_semaphore, #tpu.memory_space<semaphore_mem>>
          %dma_start3A_69 = arith.constant 0 : i32
          %dma_start3A_70 = tpu.memref_slice %arg8[%run_scoped3A_67, %dma_start3A_69] : memref<2x128xi32, #tpu.memory_space<vmem>> -> memref<1x128xi32, #tpu.memory_space<vmem>>
          %dma_start3A_71 = tpu.memref_squeeze %dma_start3A_70 : memref<1x128xi32, #tpu.memory_space<vmem>> -> memref<128xi32, #tpu.memory_space<vmem>>
          %dma_start3A_72 = arith.constant 0 : i32
          %dma_start3A_73 = arith.constant 0 : i32
          %dma_start3A_74 = tpu.memref_slice %arg11[%dma_start3A_72, %dma_start3A_73] : memref<10240x128xf32, #tpu.memory_space<vmem_shared>> -> memref<10240x128xf32, #tpu.memory_space<vmem_shared>>
          tpu.enqueue_indirect_dma source(%arg10 : memref<128x128xf32, #tpu.memory_space<vmem>>) target(%dma_start3A_74 : memref<10240x128xf32, #tpu.memory_space<vmem_shared>>) offsets(%dma_start3A_71 : memref<128xi32, #tpu.memory_space<vmem>>) semaphore(%run_scoped3A_68 : memref<!tpu.dma_semaphore, #tpu.memory_space<semaphore_mem>>) {add = true}
          %dma_wait3A_75 = arith.constant 0 : i32
          %dma_wait3A_76 = tpu.memref_slice %arg8[%run_scoped3A_67, %dma_wait3A_75] : memref<2x128xi32, #tpu.memory_space<vmem>> -> memref<1x128xi32, #tpu.memory_space<vmem>>
          %dma_wait3A_77 = tpu.memref_squeeze %dma_wait3A_76 : memref<1x128xi32, #tpu.memory_space<vmem>> -> memref<128xi32, #tpu.memory_space<vmem>>
          %dma_wait3A_78 = arith.constant 0 : i32
          %dma_wait3A_79 = arith.constant 0 : i32
          %dma_wait3A_80 = tpu.memref_slice %arg11[%dma_wait3A_78, %dma_wait3A_79] : memref<10240x128xf32, #tpu.memory_space<vmem_shared>> -> memref<10240x128xf32, #tpu.memory_space<vmem_shared>>
          tpu.wait_indirect_dma semaphore(%run_scoped3A_68 : memref<!tpu.dma_semaphore, #tpu.memory_space<semaphore_mem>>) src(%arg10 : memref<128x128xf32, #tpu.memory_space<vmem>>) dst(%dma_wait3A_80 : memref<10240x128xf32, #tpu.memory_space<vmem_shared>>)
          tpu.yield
        }) : () -> ()
      }
      %scan3A_24 = arith.constant 39 : i32
      %lt3A = arith.constant 2 : i32
      %lt3A_25 = arith.cmpi slt, %arg1, %lt3A : i32
      %convert_element_type3A_26 = arith.extui %lt3A_25 : i1 to i32
      %cond3A_27 = arith.constant 0 : i32
      %cond3A_28 = arith.cmpi ne, %convert_element_type3A_26, %cond3A_27 : i32
      scf.if %cond3A_28 {
        %add3A_30 = arith.constant 78 : i32
        %add3A_31 = arith.addi %add3A, %add3A_30 : i32
        %mul3A_32 = arith.constant 128 : i32
        %mul3A_33 = arith.muli %add3A_31, %mul3A_32 : i32
        "tpu.region"() ({
          %run_scoped3A_35 = tpu.sem_alloc : memref<!tpu.dma_semaphore, #tpu.memory_space<semaphore_mem>>
          %dma_start3A_36 = arith.constant 0 : i32
          %dma_start3A_37 = tpu.memref_slice %arg4[%dma_start3A_36, %mul3A_33] : memref<2x160000xi32, #tpu.memory_space<hbm>> -> memref<2x128xi32, #tpu.memory_space<hbm>>
          %dma_start3A_38 = arith.constant 0 : i32
          %dma_start3A_39 = tpu.memref_slice %arg4[%dma_start3A_38, %mul3A_33] : memref<2x160000xi32, #tpu.memory_space<hbm>> -> memref<2x128xi32, #tpu.memory_space<hbm>>
          tpu.enqueue_dma source(%dma_start3A_39 : memref<2x128xi32, #tpu.memory_space<hbm>>) target(%arg7 : memref<2x128xi32, #tpu.memory_space<vmem>>) target_semaphore(%run_scoped3A_35 : memref<!tpu.dma_semaphore, #tpu.memory_space<semaphore_mem>>)
          %dma_wait3A = arith.constant 0 : i32
          %dma_wait3A_40 = tpu.memref_slice %arg4[%dma_wait3A, %mul3A_33] : memref<2x160000xi32, #tpu.memory_space<hbm>> -> memref<2x128xi32, #tpu.memory_space<hbm>>
          %dma_wait3A_41 = arith.constant 0 : i32
          %dma_wait3A_42 = tpu.memref_slice %arg4[%dma_wait3A_41, %mul3A_33] : memref<2x160000xi32, #tpu.memory_space<hbm>> -> memref<2x128xi32, #tpu.memory_space<hbm>>
          tpu.wait_dma2 semaphore(%run_scoped3A_35 : memref<!tpu.dma_semaphore, #tpu.memory_space<semaphore_mem>>) src(%dma_wait3A_42 : memref<2x128xi32, #tpu.memory_space<hbm>>) dst(%arg7 : memref<2x128xi32, #tpu.memory_space<vmem>>)
          tpu.yield
        }) : () -> ()
        %run_scoped3A = arith.constant 0 : i32
        "tpu.region"() ({
          %run_scoped3A_35 = tpu.sem_alloc : memref<!tpu.dma_semaphore, #tpu.memory_space<semaphore_mem>>
          %dma_start3A_36 = arith.constant 0 : i32
          %dma_start3A_37 = tpu.memref_slice %arg7[%run_scoped3A, %dma_start3A_36] : memref<2x128xi32, #tpu.memory_space<vmem>> -> memref<1x128xi32, #tpu.memory_space<vmem>>
          %dma_start3A_38 = tpu.memref_squeeze %dma_start3A_37 : memref<1x128xi32, #tpu.memory_space<vmem>> -> memref<128xi32, #tpu.memory_space<vmem>>
          %dma_start3A_39 = arith.constant 0 : i32
          %dma_start3A_40 = arith.constant 0 : i32
          %dma_start3A_41 = tpu.memref_slice %arg3[%dma_start3A_39, %dma_start3A_40] : memref<10240x128xf32, #tpu.memory_space<hbm>> -> memref<10240x128xf32, #tpu.memory_space<hbm>>
          tpu.enqueue_indirect_dma source(%dma_start3A_41 : memref<10240x128xf32, #tpu.memory_space<hbm>>) target(%arg9 : memref<128x128xf32, #tpu.memory_space<vmem>>) offsets(%dma_start3A_38 : memref<128xi32, #tpu.memory_space<vmem>>) semaphore(%run_scoped3A_35 : memref<!tpu.dma_semaphore, #tpu.memory_space<semaphore_mem>>)
          %dma_wait3A = arith.constant 0 : i32
          %dma_wait3A_42 = tpu.memref_slice %arg7[%run_scoped3A, %dma_wait3A] : memref<2x128xi32, #tpu.memory_space<vmem>> -> memref<1x128xi32, #tpu.memory_space<vmem>>
          %dma_wait3A_43 = tpu.memref_squeeze %dma_wait3A_42 : memref<1x128xi32, #tpu.memory_space<vmem>> -> memref<128xi32, #tpu.memory_space<vmem>>
          %dma_wait3A_44 = arith.constant 0 : i32
          %dma_wait3A_45 = arith.constant 0 : i32
          %dma_wait3A_46 = tpu.memref_slice %arg3[%dma_wait3A_44, %dma_wait3A_45] : memref<10240x128xf32, #tpu.memory_space<hbm>> -> memref<10240x128xf32, #tpu.memory_space<hbm>>
          tpu.wait_indirect_dma semaphore(%run_scoped3A_35 : memref<!tpu.dma_semaphore, #tpu.memory_space<semaphore_mem>>) src(%dma_wait3A_46 : memref<10240x128xf32, #tpu.memory_space<hbm>>) dst(%arg9 : memref<128x128xf32, #tpu.memory_space<vmem>>)
          tpu.yield
        }) : () -> ()
        %run_scoped3A_34 = arith.constant 1 : i32
        "tpu.region"() ({
          %run_scoped3A_35 = tpu.sem_alloc : memref<!tpu.dma_semaphore, #tpu.memory_space<semaphore_mem>>
          %dma_start3A_36 = arith.constant 0 : i32
          %dma_start3A_37 = tpu.memref_slice %arg7[%run_scoped3A_34, %dma_start3A_36] : memref<2x128xi32, #tpu.memory_space<vmem>> -> memref<1x128xi32, #tpu.memory_space<vmem>>
          %dma_start3A_38 = tpu.memref_squeeze %dma_start3A_37 : memref<1x128xi32, #tpu.memory_space<vmem>> -> memref<128xi32, #tpu.memory_space<vmem>>
          %dma_start3A_39 = arith.constant 0 : i32
          %dma_start3A_40 = arith.constant 0 : i32
          %dma_start3A_41 = tpu.memref_slice %arg11[%dma_start3A_39, %dma_start3A_40] : memref<10240x128xf32, #tpu.memory_space<vmem_shared>> -> memref<10240x128xf32, #tpu.memory_space<vmem_shared>>
          tpu.enqueue_indirect_dma source(%arg9 : memref<128x128xf32, #tpu.memory_space<vmem>>) target(%dma_start3A_41 : memref<10240x128xf32, #tpu.memory_space<vmem_shared>>) offsets(%dma_start3A_38 : memref<128xi32, #tpu.memory_space<vmem>>) semaphore(%run_scoped3A_35 : memref<!tpu.dma_semaphore, #tpu.memory_space<semaphore_mem>>) {add = true}
          %dma_wait3A = arith.constant 0 : i32
          %dma_wait3A_42 = tpu.memref_slice %arg7[%run_scoped3A_34, %dma_wait3A] : memref<2x128xi32, #tpu.memory_space<vmem>> -> memref<1x128xi32, #tpu.memory_space<vmem>>
          %dma_wait3A_43 = tpu.memref_squeeze %dma_wait3A_42 : memref<1x128xi32, #tpu.memory_space<vmem>> -> memref<128xi32, #tpu.memory_space<vmem>>
          %dma_wait3A_44 = arith.constant 0 : i32
          %dma_wait3A_45 = arith.constant 0 : i32
          %dma_wait3A_46 = tpu.memref_slice %arg11[%dma_wait3A_44, %dma_wait3A_45] : memref<10240x128xf32, #tpu.memory_space<vmem_shared>> -> memref<10240x128xf32, #tpu.memory_space<vmem_shared>>
          tpu.wait_indirect_dma semaphore(%run_scoped3A_35 : memref<!tpu.dma_semaphore, #tpu.memory_space<semaphore_mem>>) src(%arg9 : memref<128x128xf32, #tpu.memory_space<vmem>>) dst(%dma_wait3A_46 : memref<10240x128xf32, #tpu.memory_space<vmem_shared>>)
          tpu.yield
        }) : () -> ()
      } else {
      }
      %barrier3A_29 = arith.constant 0 : index
      tpu.barrier barrier_id(%barrier3A_29)
      "tpu.region"() ({
        %run_scoped3A = tpu.sem_alloc : memref<!tpu.dma_semaphore, #tpu.memory_space<semaphore_mem>>
        %dma_start3A_30 = arith.constant 0 : i32
        %dma_start3A_31 = tpu.memref_slice %arg6[%mul3A_0, %dma_start3A_30] : memref<10240x128xf32, #tpu.memory_space<hbm>> -> memref<640x128xf32, #tpu.memory_space<hbm>>
        %dma_start3A_32 = arith.constant 0 : i32
        %dma_start3A_33 = tpu.memref_slice %arg11[%mul3A_0, %dma_start3A_32] : memref<10240x128xf32, #tpu.memory_space<vmem_shared>> -> memref<640x128xf32, #tpu.memory_space<vmem_shared>>
        tpu.enqueue_dma source(%dma_start3A_33 : memref<640x128xf32, #tpu.memory_space<vmem_shared>>) target(%dma_start3A_31 : memref<640x128xf32, #tpu.memory_space<hbm>>) target_semaphore(%run_scoped3A : memref<!tpu.dma_semaphore, #tpu.memory_space<semaphore_mem>>)
        %dma_wait3A = arith.constant 0 : i32
        %dma_wait3A_34 = tpu.memref_slice %arg6[%mul3A_0, %dma_wait3A] : memref<10240x128xf32, #tpu.memory_space<hbm>> -> memref<640x128xf32, #tpu.memory_space<hbm>>
        %dma_wait3A_35 = arith.constant 0 : i32
        %dma_wait3A_36 = tpu.memref_slice %arg11[%mul3A_0, %dma_wait3A_35] : memref<10240x128xf32, #tpu.memory_space<vmem_shared>> -> memref<640x128xf32, #tpu.memory_space<vmem_shared>>
        tpu.wait_dma2 semaphore(%run_scoped3A : memref<!tpu.dma_semaphore, #tpu.memory_space<semaphore_mem>>) src(%dma_wait3A_36 : memref<640x128xf32, #tpu.memory_space<vmem_shared>>) dst(%dma_wait3A_34 : memref<640x128xf32, #tpu.memory_space<hbm>>)
        tpu.yield
      }) : () -> ()
    } else {
    }
    return
  }
}

#map = affine_map<(d0, d1) -> (0, 0)>
module attributes {stable_mosaic.version = 14 : i64} {
  func.func @_sc_prop(%arg0: i32, %arg1: i32, %arg2: memref<10240x128xf32, #tpu.memory_space<hbm>>, %arg3: memref<10240x128xf32, #tpu.memory_space<hbm>>, %arg4: memref<2x160000xi32, #tpu.memory_space<hbm>>, %arg5: memref<10240x128xf32, #tpu.memory_space<hbm>>, %arg6: memref<10240x128xf32, #tpu.memory_space<hbm>>, %arg7: memref<2x128xi32, #tpu.memory_space<vmem>>, %arg8: memref<2x128xi32, #tpu.memory_space<vmem>>, %arg9: memref<128x128xf32, #tpu.memory_space<vmem>>, %arg10: memref<128x128xf32, #tpu.memory_space<vmem>>, %arg11: memref<10240x128xf32, #tpu.memory_space<vmem_shared>>, %arg12: memref<!tpu.dma_semaphore, #tpu.memory_space<semaphore_mem>>, %arg13: memref<!tpu.dma_semaphore, #tpu.memory_space<semaphore_mem>>) attributes {dimension_semantics = [#tpu.dimension_semantics<core_parallel>, #tpu.dimension_semantics<subcore_parallel>], iteration_bounds = array<i64: 2, 16>, scalar_prefetch = 0 : i64, scratch_operands = 7 : i64, tpu.core_type = #tpu.core_type<sc_vector_subcore>, window_params = [{transform_indices = #map}, {transform_indices = #map}, {transform_indices = #map}, {transform_indices = #map}, {transform_indices = #map}]} {
    %mul3A = arith.constant 640 : i32
    %mul3A_0 = arith.muli %arg1, %mul3A : i32
    %mul3A_1 = arith.constant 78 : i32
    %mul3A_2 = arith.muli %mul3A_1, %arg1 : i32
    %min3A = arith.constant 2 : i32
    %min3A_3 = arith.minsi %arg1, %min3A : i32
    %add3A = arith.addi %mul3A_2, %min3A_3 : i32
    %eq3A = arith.constant 0 : i32
    %eq3A_4 = arith.cmpi eq, %arg0, %eq3A : i32
    %convert_element_type3A = arith.extui %eq3A_4 : i1 to i32
    %cond3A = arith.constant 0 : i32
    %cond3A_5 = arith.cmpi ne, %convert_element_type3A, %cond3A : i32
    scf.if %cond3A_5 {
      "tpu.region"() ({
        %run_scoped3A = tpu.sem_alloc : memref<!tpu.dma_semaphore, #tpu.memory_space<semaphore_mem>>
        %dma_start3A_30 = arith.constant 0 : i32
        %dma_start3A_31 = tpu.memref_slice %arg11[%mul3A_0, %dma_start3A_30] : memref<10240x128xf32, #tpu.memory_space<vmem_shared>> -> memref<640x128xf32, #tpu.memory_space<vmem_shared>>
        %dma_start3A_32 = arith.constant 0 : i32
        %dma_start3A_33 = tpu.memref_slice %arg2[%mul3A_0, %dma_start3A_32] : memref<10240x128xf32, #tpu.memory_space<hbm>> -> memref<640x128xf32, #tpu.memory_space<hbm>>
        tpu.enqueue_dma source(%dma_start3A_33 : memref<640x128xf32, #tpu.memory_space<hbm>>) target(%dma_start3A_31 : memref<640x128xf32, #tpu.memory_space<vmem_shared>>) target_semaphore(%run_scoped3A : memref<!tpu.dma_semaphore, #tpu.memory_space<semaphore_mem>>)
        %dma_wait3A = arith.constant 0 : i32
        %dma_wait3A_34 = tpu.memref_slice %arg11[%mul3A_0, %dma_wait3A] : memref<10240x128xf32, #tpu.memory_space<vmem_shared>> -> memref<640x128xf32, #tpu.memory_space<vmem_shared>>
        %dma_wait3A_35 = arith.constant 0 : i32
        %dma_wait3A_36 = tpu.memref_slice %arg2[%mul3A_0, %dma_wait3A_35] : memref<10240x128xf32, #tpu.memory_space<hbm>> -> memref<640x128xf32, #tpu.memory_space<hbm>>
        tpu.wait_dma2 semaphore(%run_scoped3A : memref<!tpu.dma_semaphore, #tpu.memory_space<semaphore_mem>>) src(%dma_wait3A_36 : memref<640x128xf32, #tpu.memory_space<hbm>>) dst(%dma_wait3A_34 : memref<640x128xf32, #tpu.memory_space<vmem_shared>>)
        tpu.yield
      }) : () -> ()
      %barrier3A = arith.constant 0 : index
      tpu.barrier barrier_id(%barrier3A)
      %add3A_11 = arith.constant 0 : i32
      %add3A_12 = arith.addi %add3A, %add3A_11 : i32
      %mul3A_13 = arith.constant 128 : i32
      %mul3A_14 = arith.muli %add3A_12, %mul3A_13 : i32
      "tpu.region"() ({
        %run_scoped3A = tpu.sem_alloc : memref<!tpu.dma_semaphore, #tpu.memory_space<semaphore_mem>>
        %dma_start3A_30 = arith.constant 0 : i32
        %dma_start3A_31 = tpu.memref_slice %arg4[%dma_start3A_30, %mul3A_14] : memref<2x160000xi32, #tpu.memory_space<hbm>> -> memref<2x128xi32, #tpu.memory_space<hbm>>
        %dma_start3A_32 = arith.constant 0 : i32
        %dma_start3A_33 = tpu.memref_slice %arg4[%dma_start3A_32, %mul3A_14] : memref<2x160000xi32, #tpu.memory_space<hbm>> -> memref<2x128xi32, #tpu.memory_space<hbm>>
        tpu.enqueue_dma source(%dma_start3A_33 : memref<2x128xi32, #tpu.memory_space<hbm>>) target(%arg7 : memref<2x128xi32, #tpu.memory_space<vmem>>) target_semaphore(%run_scoped3A : memref<!tpu.dma_semaphore, #tpu.memory_space<semaphore_mem>>)
        %dma_wait3A = arith.constant 0 : i32
        %dma_wait3A_34 = tpu.memref_slice %arg4[%dma_wait3A, %mul3A_14] : memref<2x160000xi32, #tpu.memory_space<hbm>> -> memref<2x128xi32, #tpu.memory_space<hbm>>
        %dma_wait3A_35 = arith.constant 0 : i32
        %dma_wait3A_36 = tpu.memref_slice %arg4[%dma_wait3A_35, %mul3A_14] : memref<2x160000xi32, #tpu.memory_space<hbm>> -> memref<2x128xi32, #tpu.memory_space<hbm>>
        tpu.wait_dma2 semaphore(%run_scoped3A : memref<!tpu.dma_semaphore, #tpu.memory_space<semaphore_mem>>) src(%dma_wait3A_36 : memref<2x128xi32, #tpu.memory_space<hbm>>) dst(%arg7 : memref<2x128xi32, #tpu.memory_space<vmem>>)
        tpu.yield
      }) : () -> ()
      %dma_start3A = arith.constant 0 : i32
      %dma_start3A_15 = arith.constant 0 : i32
      %dma_start3A_16 = tpu.memref_slice %arg7[%dma_start3A, %dma_start3A_15] : memref<2x128xi32, #tpu.memory_space<vmem>> -> memref<1x128xi32, #tpu.memory_space<vmem>>
      %dma_start3A_17 = tpu.memref_squeeze %dma_start3A_16 : memref<1x128xi32, #tpu.memory_space<vmem>> -> memref<128xi32, #tpu.memory_space<vmem>>
      %dma_start3A_18 = arith.constant 0 : i32
      %dma_start3A_19 = arith.constant 0 : i32
      %dma_start3A_20 = tpu.memref_slice %arg2[%dma_start3A_18, %dma_start3A_19] : memref<10240x128xf32, #tpu.memory_space<hbm>> -> memref<10240x128xf32, #tpu.memory_space<hbm>>
      tpu.enqueue_indirect_dma source(%dma_start3A_20 : memref<10240x128xf32, #tpu.memory_space<hbm>>) target(%arg9 : memref<128x128xf32, #tpu.memory_space<vmem>>) offsets(%dma_start3A_17 : memref<128xi32, #tpu.memory_space<vmem>>) semaphore(%arg12 : memref<!tpu.dma_semaphore, #tpu.memory_space<semaphore_mem>>)
      %scan3A = arith.constant 0 : i32
      %scan3A_21 = arith.constant 39 : i32
      %scan3A_22 = arith.addi %scan3A, %scan3A_21 : i32
      %scan3A_23 = arith.constant 1 : i32
      scf.for %scan3A_30 = %scan3A to %scan3A_22 step %scan3A_23  : i32 {
        %mul3A_31 = arith.constant 1 : i32
        %mul3A_32 = arith.muli %scan3A_30, %mul3A_31 : i32
        %add3A_33 = arith.constant 0 : i32
        %add3A_34 = arith.addi %add3A_33, %mul3A_32 : i32
        %mul3A_35 = arith.constant 2 : i32
        %mul3A_36 = arith.muli %mul3A_35, %add3A_34 : i32
        %add3A_37 = arith.constant 1 : i32
        %add3A_38 = arith.addi %mul3A_36, %add3A_37 : i32
        %add3A_39 = arith.addi %add3A, %add3A_38 : i32
        %mul3A_40 = arith.constant 128 : i32
        %mul3A_41 = arith.muli %add3A_39, %mul3A_40 : i32
        "tpu.region"() ({
          %run_scoped3A_68 = tpu.sem_alloc : memref<!tpu.dma_semaphore, #tpu.memory_space<semaphore_mem>>
          %dma_start3A_69 = arith.constant 0 : i32
          %dma_start3A_70 = tpu.memref_slice %arg4[%dma_start3A_69, %mul3A_41] : memref<2x160000xi32, #tpu.memory_space<hbm>> -> memref<2x128xi32, #tpu.memory_space<hbm>>
          %dma_start3A_71 = arith.constant 0 : i32
          %dma_start3A_72 = tpu.memref_slice %arg4[%dma_start3A_71, %mul3A_41] : memref<2x160000xi32, #tpu.memory_space<hbm>> -> memref<2x128xi32, #tpu.memory_space<hbm>>
          tpu.enqueue_dma source(%dma_start3A_72 : memref<2x128xi32, #tpu.memory_space<hbm>>) target(%arg8 : memref<2x128xi32, #tpu.memory_space<vmem>>) target_semaphore(%run_scoped3A_68 : memref<!tpu.dma_semaphore, #tpu.memory_space<semaphore_mem>>)
          %dma_wait3A_73 = arith.constant 0 : i32
          %dma_wait3A_74 = tpu.memref_slice %arg4[%dma_wait3A_73, %mul3A_41] : memref<2x160000xi32, #tpu.memory_space<hbm>> -> memref<2x128xi32, #tpu.memory_space<hbm>>
          %dma_wait3A_75 = arith.constant 0 : i32
          %dma_wait3A_76 = tpu.memref_slice %arg4[%dma_wait3A_75, %mul3A_41] : memref<2x160000xi32, #tpu.memory_space<hbm>> -> memref<2x128xi32, #tpu.memory_space<hbm>>
          tpu.wait_dma2 semaphore(%run_scoped3A_68 : memref<!tpu.dma_semaphore, #tpu.memory_space<semaphore_mem>>) src(%dma_wait3A_76 : memref<2x128xi32, #tpu.memory_space<hbm>>) dst(%arg8 : memref<2x128xi32, #tpu.memory_space<vmem>>)
          tpu.yield
        }) : () -> ()
        %dma_start3A_42 = arith.constant 0 : i32
        %dma_start3A_43 = arith.constant 0 : i32
        %dma_start3A_44 = tpu.memref_slice %arg8[%dma_start3A_42, %dma_start3A_43] : memref<2x128xi32, #tpu.memory_space<vmem>> -> memref<1x128xi32, #tpu.memory_space<vmem>>
        %dma_start3A_45 = tpu.memref_squeeze %dma_start3A_44 : memref<1x128xi32, #tpu.memory_space<vmem>> -> memref<128xi32, #tpu.memory_space<vmem>>
        %dma_start3A_46 = arith.constant 0 : i32
        %dma_start3A_47 = arith.constant 0 : i32
        %dma_start3A_48 = tpu.memref_slice %arg2[%dma_start3A_46, %dma_start3A_47] : memref<10240x128xf32, #tpu.memory_space<hbm>> -> memref<10240x128xf32, #tpu.memory_space<hbm>>
        tpu.enqueue_indirect_dma source(%dma_start3A_48 : memref<10240x128xf32, #tpu.memory_space<hbm>>) target(%arg10 : memref<128x128xf32, #tpu.memory_space<vmem>>) offsets(%dma_start3A_45 : memref<128xi32, #tpu.memory_space<vmem>>) semaphore(%arg13 : memref<!tpu.dma_semaphore, #tpu.memory_space<semaphore_mem>>)
        %dma_wait3A = arith.constant 0 : i32
        %dma_wait3A_49 = arith.constant 0 : i32
        %dma_wait3A_50 = tpu.memref_slice %arg7[%dma_wait3A, %dma_wait3A_49] : memref<2x128xi32, #tpu.memory_space<vmem>> -> memref<1x128xi32, #tpu.memory_space<vmem>>
        %dma_wait3A_51 = tpu.memref_squeeze %dma_wait3A_50 : memref<1x128xi32, #tpu.memory_space<vmem>> -> memref<128xi32, #tpu.memory_space<vmem>>
        %dma_wait3A_52 = arith.constant 0 : i32
        %dma_wait3A_53 = arith.constant 0 : i32
        %dma_wait3A_54 = tpu.memref_slice %arg2[%dma_wait3A_52, %dma_wait3A_53] : memref<10240x128xf32, #tpu.memory_space<hbm>> -> memref<10240x128xf32, #tpu.memory_space<hbm>>
        tpu.wait_indirect_dma semaphore(%arg12 : memref<!tpu.dma_semaphore, #tpu.memory_space<semaphore_mem>>) src(%dma_wait3A_54 : memref<10240x128xf32, #tpu.memory_space<hbm>>) dst(%arg9 : memref<128x128xf32, #tpu.memory_space<vmem>>)
        %run_scoped3A = arith.constant 1 : i32
        "tpu.region"() ({
          %run_scoped3A_68 = tpu.sem_alloc : memref<!tpu.dma_semaphore, #tpu.memory_space<semaphore_mem>>
          %dma_start3A_69 = arith.constant 0 : i32
          %dma_start3A_70 = tpu.memref_slice %arg7[%run_scoped3A, %dma_start3A_69] : memref<2x128xi32, #tpu.memory_space<vmem>> -> memref<1x128xi32, #tpu.memory_space<vmem>>
          %dma_start3A_71 = tpu.memref_squeeze %dma_start3A_70 : memref<1x128xi32, #tpu.memory_space<vmem>> -> memref<128xi32, #tpu.memory_space<vmem>>
          %dma_start3A_72 = arith.constant 0 : i32
          %dma_start3A_73 = arith.constant 0 : i32
          %dma_start3A_74 = tpu.memref_slice %arg11[%dma_start3A_72, %dma_start3A_73] : memref<10240x128xf32, #tpu.memory_space<vmem_shared>> -> memref<10240x128xf32, #tpu.memory_space<vmem_shared>>
          tpu.enqueue_indirect_dma source(%arg9 : memref<128x128xf32, #tpu.memory_space<vmem>>) target(%dma_start3A_74 : memref<10240x128xf32, #tpu.memory_space<vmem_shared>>) offsets(%dma_start3A_71 : memref<128xi32, #tpu.memory_space<vmem>>) semaphore(%run_scoped3A_68 : memref<!tpu.dma_semaphore, #tpu.memory_space<semaphore_mem>>) {add = true}
          %dma_wait3A_75 = arith.constant 0 : i32
          %dma_wait3A_76 = tpu.memref_slice %arg7[%run_scoped3A, %dma_wait3A_75] : memref<2x128xi32, #tpu.memory_space<vmem>> -> memref<1x128xi32, #tpu.memory_space<vmem>>
          %dma_wait3A_77 = tpu.memref_squeeze %dma_wait3A_76 : memref<1x128xi32, #tpu.memory_space<vmem>> -> memref<128xi32, #tpu.memory_space<vmem>>
          %dma_wait3A_78 = arith.constant 0 : i32
          %dma_wait3A_79 = arith.constant 0 : i32
          %dma_wait3A_80 = tpu.memref_slice %arg11[%dma_wait3A_78, %dma_wait3A_79] : memref<10240x128xf32, #tpu.memory_space<vmem_shared>> -> memref<10240x128xf32, #tpu.memory_space<vmem_shared>>
          tpu.wait_indirect_dma semaphore(%run_scoped3A_68 : memref<!tpu.dma_semaphore, #tpu.memory_space<semaphore_mem>>) src(%arg9 : memref<128x128xf32, #tpu.memory_space<vmem>>) dst(%dma_wait3A_80 : memref<10240x128xf32, #tpu.memory_space<vmem_shared>>)
          tpu.yield
        }) : () -> ()
        %lt3A_55 = arith.constant 38 : i32
        %lt3A_56 = arith.cmpi slt, %add3A_34, %lt3A_55 : i32
        %convert_element_type3A_57 = arith.extui %lt3A_56 : i1 to i32
        %cond3A_58 = arith.constant 0 : i32
        %cond3A_59 = arith.cmpi ne, %convert_element_type3A_57, %cond3A_58 : i32
        scf.if %cond3A_59 {
          %mul3A_68 = arith.constant 2 : i32
          %mul3A_69 = arith.muli %mul3A_68, %add3A_34 : i32
          %add3A_70 = arith.constant 2 : i32
          %add3A_71 = arith.addi %mul3A_69, %add3A_70 : i32
          %add3A_72 = arith.addi %add3A, %add3A_71 : i32
          %mul3A_73 = arith.constant 128 : i32
          %mul3A_74 = arith.muli %add3A_72, %mul3A_73 : i32
          "tpu.region"() ({
            %run_scoped3A_82 = tpu.sem_alloc : memref<!tpu.dma_semaphore, #tpu.memory_space<semaphore_mem>>
            %dma_start3A_83 = arith.constant 0 : i32
            %dma_start3A_84 = tpu.memref_slice %arg4[%dma_start3A_83, %mul3A_74] : memref<2x160000xi32, #tpu.memory_space<hbm>> -> memref<2x128xi32, #tpu.memory_space<hbm>>
            %dma_start3A_85 = arith.constant 0 : i32
            %dma_start3A_86 = tpu.memref_slice %arg4[%dma_start3A_85, %mul3A_74] : memref<2x160000xi32, #tpu.memory_space<hbm>> -> memref<2x128xi32, #tpu.memory_space<hbm>>
            tpu.enqueue_dma source(%dma_start3A_86 : memref<2x128xi32, #tpu.memory_space<hbm>>) target(%arg7 : memref<2x128xi32, #tpu.memory_space<vmem>>) target_semaphore(%run_scoped3A_82 : memref<!tpu.dma_semaphore, #tpu.memory_space<semaphore_mem>>)
            %dma_wait3A_87 = arith.constant 0 : i32
            %dma_wait3A_88 = tpu.memref_slice %arg4[%dma_wait3A_87, %mul3A_74] : memref<2x160000xi32, #tpu.memory_space<hbm>> -> memref<2x128xi32, #tpu.memory_space<hbm>>
            %dma_wait3A_89 = arith.constant 0 : i32
            %dma_wait3A_90 = tpu.memref_slice %arg4[%dma_wait3A_89, %mul3A_74] : memref<2x160000xi32, #tpu.memory_space<hbm>> -> memref<2x128xi32, #tpu.memory_space<hbm>>
            tpu.wait_dma2 semaphore(%run_scoped3A_82 : memref<!tpu.dma_semaphore, #tpu.memory_space<semaphore_mem>>) src(%dma_wait3A_90 : memref<2x128xi32, #tpu.memory_space<hbm>>) dst(%arg7 : memref<2x128xi32, #tpu.memory_space<vmem>>)
            tpu.yield
          }) : () -> ()
          %dma_start3A_75 = arith.constant 0 : i32
          %dma_start3A_76 = arith.constant 0 : i32
          %dma_start3A_77 = tpu.memref_slice %arg7[%dma_start3A_75, %dma_start3A_76] : memref<2x128xi32, #tpu.memory_space<vmem>> -> memref<1x128xi32, #tpu.memory_space<vmem>>
          %dma_start3A_78 = tpu.memref_squeeze %dma_start3A_77 : memref<1x128xi32, #tpu.memory_space<vmem>> -> memref<128xi32, #tpu.memory_space<vmem>>
          %dma_start3A_79 = arith.constant 0 : i32
          %dma_start3A_80 = arith.constant 0 : i32
          %dma_start3A_81 = tpu.memref_slice %arg2[%dma_start3A_79, %dma_start3A_80] : memref<10240x128xf32, #tpu.memory_space<hbm>> -> memref<10240x128xf32, #tpu.memory_space<hbm>>
          tpu.enqueue_indirect_dma source(%dma_start3A_81 : memref<10240x128xf32, #tpu.memory_space<hbm>>) target(%arg9 : memref<128x128xf32, #tpu.memory_space<vmem>>) offsets(%dma_start3A_78 : memref<128xi32, #tpu.memory_space<vmem>>) semaphore(%arg12 : memref<!tpu.dma_semaphore, #tpu.memory_space<semaphore_mem>>)
        } else {
        }
        %dma_wait3A_60 = arith.constant 0 : i32
        %dma_wait3A_61 = arith.constant 0 : i32
        %dma_wait3A_62 = tpu.memref_slice %arg8[%dma_wait3A_60, %dma_wait3A_61] : memref<2x128xi32, #tpu.memory_space<vmem>> -> memref<1x128xi32, #tpu.memory_space<vmem>>
        %dma_wait3A_63 = tpu.memref_squeeze %dma_wait3A_62 : memref<1x128xi32, #tpu.memory_space<vmem>> -> memref<128xi32, #tpu.memory_space<vmem>>
        %dma_wait3A_64 = arith.constant 0 : i32
        %dma_wait3A_65 = arith.constant 0 : i32
        %dma_wait3A_66 = tpu.memref_slice %arg2[%dma_wait3A_64, %dma_wait3A_65] : memref<10240x128xf32, #tpu.memory_space<hbm>> -> memref<10240x128xf32, #tpu.memory_space<hbm>>
        tpu.wait_indirect_dma semaphore(%arg13 : memref<!tpu.dma_semaphore, #tpu.memory_space<semaphore_mem>>) src(%dma_wait3A_66 : memref<10240x128xf32, #tpu.memory_space<hbm>>) dst(%arg10 : memref<128x128xf32, #tpu.memory_space<vmem>>)
        %run_scoped3A_67 = arith.constant 1 : i32
        "tpu.region"() ({
          %run_scoped3A_68 = tpu.sem_alloc : memref<!tpu.dma_semaphore, #tpu.memory_space<semaphore_mem>>
          %dma_start3A_69 = arith.constant 0 : i32
          %dma_start3A_70 = tpu.memref_slice %arg8[%run_scoped3A_67, %dma_start3A_69] : memref<2x128xi32, #tpu.memory_space<vmem>> -> memref<1x128xi32, #tpu.memory_space<vmem>>
          %dma_start3A_71 = tpu.memref_squeeze %dma_start3A_70 : memref<1x128xi32, #tpu.memory_space<vmem>> -> memref<128xi32, #tpu.memory_space<vmem>>
          %dma_start3A_72 = arith.constant 0 : i32
          %dma_start3A_73 = arith.constant 0 : i32
          %dma_start3A_74 = tpu.memref_slice %arg11[%dma_start3A_72, %dma_start3A_73] : memref<10240x128xf32, #tpu.memory_space<vmem_shared>> -> memref<10240x128xf32, #tpu.memory_space<vmem_shared>>
          tpu.enqueue_indirect_dma source(%arg10 : memref<128x128xf32, #tpu.memory_space<vmem>>) target(%dma_start3A_74 : memref<10240x128xf32, #tpu.memory_space<vmem_shared>>) offsets(%dma_start3A_71 : memref<128xi32, #tpu.memory_space<vmem>>) semaphore(%run_scoped3A_68 : memref<!tpu.dma_semaphore, #tpu.memory_space<semaphore_mem>>) {add = true}
          %dma_wait3A_75 = arith.constant 0 : i32
          %dma_wait3A_76 = tpu.memref_slice %arg8[%run_scoped3A_67, %dma_wait3A_75] : memref<2x128xi32, #tpu.memory_space<vmem>> -> memref<1x128xi32, #tpu.memory_space<vmem>>
          %dma_wait3A_77 = tpu.memref_squeeze %dma_wait3A_76 : memref<1x128xi32, #tpu.memory_space<vmem>> -> memref<128xi32, #tpu.memory_space<vmem>>
          %dma_wait3A_78 = arith.constant 0 : i32
          %dma_wait3A_79 = arith.constant 0 : i32
          %dma_wait3A_80 = tpu.memref_slice %arg11[%dma_wait3A_78, %dma_wait3A_79] : memref<10240x128xf32, #tpu.memory_space<vmem_shared>> -> memref<10240x128xf32, #tpu.memory_space<vmem_shared>>
          tpu.wait_indirect_dma semaphore(%run_scoped3A_68 : memref<!tpu.dma_semaphore, #tpu.memory_space<semaphore_mem>>) src(%arg10 : memref<128x128xf32, #tpu.memory_space<vmem>>) dst(%dma_wait3A_80 : memref<10240x128xf32, #tpu.memory_space<vmem_shared>>)
          tpu.yield
        }) : () -> ()
      }
      %scan3A_24 = arith.constant 39 : i32
      %lt3A = arith.constant 2 : i32
      %lt3A_25 = arith.cmpi slt, %arg1, %lt3A : i32
      %convert_element_type3A_26 = arith.extui %lt3A_25 : i1 to i32
      %cond3A_27 = arith.constant 0 : i32
      %cond3A_28 = arith.cmpi ne, %convert_element_type3A_26, %cond3A_27 : i32
      scf.if %cond3A_28 {
        %add3A_30 = arith.constant 78 : i32
        %add3A_31 = arith.addi %add3A, %add3A_30 : i32
        %mul3A_32 = arith.constant 128 : i32
        %mul3A_33 = arith.muli %add3A_31, %mul3A_32 : i32
        "tpu.region"() ({
          %run_scoped3A_35 = tpu.sem_alloc : memref<!tpu.dma_semaphore, #tpu.memory_space<semaphore_mem>>
          %dma_start3A_36 = arith.constant 0 : i32
          %dma_start3A_37 = tpu.memref_slice %arg4[%dma_start3A_36, %mul3A_33] : memref<2x160000xi32, #tpu.memory_space<hbm>> -> memref<2x128xi32, #tpu.memory_space<hbm>>
          %dma_start3A_38 = arith.constant 0 : i32
          %dma_start3A_39 = tpu.memref_slice %arg4[%dma_start3A_38, %mul3A_33] : memref<2x160000xi32, #tpu.memory_space<hbm>> -> memref<2x128xi32, #tpu.memory_space<hbm>>
          tpu.enqueue_dma source(%dma_start3A_39 : memref<2x128xi32, #tpu.memory_space<hbm>>) target(%arg7 : memref<2x128xi32, #tpu.memory_space<vmem>>) target_semaphore(%run_scoped3A_35 : memref<!tpu.dma_semaphore, #tpu.memory_space<semaphore_mem>>)
          %dma_wait3A = arith.constant 0 : i32
          %dma_wait3A_40 = tpu.memref_slice %arg4[%dma_wait3A, %mul3A_33] : memref<2x160000xi32, #tpu.memory_space<hbm>> -> memref<2x128xi32, #tpu.memory_space<hbm>>
          %dma_wait3A_41 = arith.constant 0 : i32
          %dma_wait3A_42 = tpu.memref_slice %arg4[%dma_wait3A_41, %mul3A_33] : memref<2x160000xi32, #tpu.memory_space<hbm>> -> memref<2x128xi32, #tpu.memory_space<hbm>>
          tpu.wait_dma2 semaphore(%run_scoped3A_35 : memref<!tpu.dma_semaphore, #tpu.memory_space<semaphore_mem>>) src(%dma_wait3A_42 : memref<2x128xi32, #tpu.memory_space<hbm>>) dst(%arg7 : memref<2x128xi32, #tpu.memory_space<vmem>>)
          tpu.yield
        }) : () -> ()
        %run_scoped3A = arith.constant 0 : i32
        "tpu.region"() ({
          %run_scoped3A_35 = tpu.sem_alloc : memref<!tpu.dma_semaphore, #tpu.memory_space<semaphore_mem>>
          %dma_start3A_36 = arith.constant 0 : i32
          %dma_start3A_37 = tpu.memref_slice %arg7[%run_scoped3A, %dma_start3A_36] : memref<2x128xi32, #tpu.memory_space<vmem>> -> memref<1x128xi32, #tpu.memory_space<vmem>>
          %dma_start3A_38 = tpu.memref_squeeze %dma_start3A_37 : memref<1x128xi32, #tpu.memory_space<vmem>> -> memref<128xi32, #tpu.memory_space<vmem>>
          %dma_start3A_39 = arith.constant 0 : i32
          %dma_start3A_40 = arith.constant 0 : i32
          %dma_start3A_41 = tpu.memref_slice %arg2[%dma_start3A_39, %dma_start3A_40] : memref<10240x128xf32, #tpu.memory_space<hbm>> -> memref<10240x128xf32, #tpu.memory_space<hbm>>
          tpu.enqueue_indirect_dma source(%dma_start3A_41 : memref<10240x128xf32, #tpu.memory_space<hbm>>) target(%arg9 : memref<128x128xf32, #tpu.memory_space<vmem>>) offsets(%dma_start3A_38 : memref<128xi32, #tpu.memory_space<vmem>>) semaphore(%run_scoped3A_35 : memref<!tpu.dma_semaphore, #tpu.memory_space<semaphore_mem>>)
          %dma_wait3A = arith.constant 0 : i32
          %dma_wait3A_42 = tpu.memref_slice %arg7[%run_scoped3A, %dma_wait3A] : memref<2x128xi32, #tpu.memory_space<vmem>> -> memref<1x128xi32, #tpu.memory_space<vmem>>
          %dma_wait3A_43 = tpu.memref_squeeze %dma_wait3A_42 : memref<1x128xi32, #tpu.memory_space<vmem>> -> memref<128xi32, #tpu.memory_space<vmem>>
          %dma_wait3A_44 = arith.constant 0 : i32
          %dma_wait3A_45 = arith.constant 0 : i32
          %dma_wait3A_46 = tpu.memref_slice %arg2[%dma_wait3A_44, %dma_wait3A_45] : memref<10240x128xf32, #tpu.memory_space<hbm>> -> memref<10240x128xf32, #tpu.memory_space<hbm>>
          tpu.wait_indirect_dma semaphore(%run_scoped3A_35 : memref<!tpu.dma_semaphore, #tpu.memory_space<semaphore_mem>>) src(%dma_wait3A_46 : memref<10240x128xf32, #tpu.memory_space<hbm>>) dst(%arg9 : memref<128x128xf32, #tpu.memory_space<vmem>>)
          tpu.yield
        }) : () -> ()
        %run_scoped3A_34 = arith.constant 1 : i32
        "tpu.region"() ({
          %run_scoped3A_35 = tpu.sem_alloc : memref<!tpu.dma_semaphore, #tpu.memory_space<semaphore_mem>>
          %dma_start3A_36 = arith.constant 0 : i32
          %dma_start3A_37 = tpu.memref_slice %arg7[%run_scoped3A_34, %dma_start3A_36] : memref<2x128xi32, #tpu.memory_space<vmem>> -> memref<1x128xi32, #tpu.memory_space<vmem>>
          %dma_start3A_38 = tpu.memref_squeeze %dma_start3A_37 : memref<1x128xi32, #tpu.memory_space<vmem>> -> memref<128xi32, #tpu.memory_space<vmem>>
          %dma_start3A_39 = arith.constant 0 : i32
          %dma_start3A_40 = arith.constant 0 : i32
          %dma_start3A_41 = tpu.memref_slice %arg11[%dma_start3A_39, %dma_start3A_40] : memref<10240x128xf32, #tpu.memory_space<vmem_shared>> -> memref<10240x128xf32, #tpu.memory_space<vmem_shared>>
          tpu.enqueue_indirect_dma source(%arg9 : memref<128x128xf32, #tpu.memory_space<vmem>>) target(%dma_start3A_41 : memref<10240x128xf32, #tpu.memory_space<vmem_shared>>) offsets(%dma_start3A_38 : memref<128xi32, #tpu.memory_space<vmem>>) semaphore(%run_scoped3A_35 : memref<!tpu.dma_semaphore, #tpu.memory_space<semaphore_mem>>) {add = true}
          %dma_wait3A = arith.constant 0 : i32
          %dma_wait3A_42 = tpu.memref_slice %arg7[%run_scoped3A_34, %dma_wait3A] : memref<2x128xi32, #tpu.memory_space<vmem>> -> memref<1x128xi32, #tpu.memory_space<vmem>>
          %dma_wait3A_43 = tpu.memref_squeeze %dma_wait3A_42 : memref<1x128xi32, #tpu.memory_space<vmem>> -> memref<128xi32, #tpu.memory_space<vmem>>
          %dma_wait3A_44 = arith.constant 0 : i32
          %dma_wait3A_45 = arith.constant 0 : i32
          %dma_wait3A_46 = tpu.memref_slice %arg11[%dma_wait3A_44, %dma_wait3A_45] : memref<10240x128xf32, #tpu.memory_space<vmem_shared>> -> memref<10240x128xf32, #tpu.memory_space<vmem_shared>>
          tpu.wait_indirect_dma semaphore(%run_scoped3A_35 : memref<!tpu.dma_semaphore, #tpu.memory_space<semaphore_mem>>) src(%arg9 : memref<128x128xf32, #tpu.memory_space<vmem>>) dst(%dma_wait3A_46 : memref<10240x128xf32, #tpu.memory_space<vmem_shared>>)
          tpu.yield
        }) : () -> ()
      } else {
      }
      %barrier3A_29 = arith.constant 0 : index
      tpu.barrier barrier_id(%barrier3A_29)
      "tpu.region"() ({
        %run_scoped3A = tpu.sem_alloc : memref<!tpu.dma_semaphore, #tpu.memory_space<semaphore_mem>>
        %dma_start3A_30 = arith.constant 0 : i32
        %dma_start3A_31 = tpu.memref_slice %arg5[%mul3A_0, %dma_start3A_30] : memref<10240x128xf32, #tpu.memory_space<hbm>> -> memref<640x128xf32, #tpu.memory_space<hbm>>
        %dma_start3A_32 = arith.constant 0 : i32
        %dma_start3A_33 = tpu.memref_slice %arg11[%mul3A_0, %dma_start3A_32] : memref<10240x128xf32, #tpu.memory_space<vmem_shared>> -> memref<640x128xf32, #tpu.memory_space<vmem_shared>>
        tpu.enqueue_dma source(%dma_start3A_33 : memref<640x128xf32, #tpu.memory_space<vmem_shared>>) target(%dma_start3A_31 : memref<640x128xf32, #tpu.memory_space<hbm>>) target_semaphore(%run_scoped3A : memref<!tpu.dma_semaphore, #tpu.memory_space<semaphore_mem>>)
        %dma_wait3A = arith.constant 0 : i32
        %dma_wait3A_34 = tpu.memref_slice %arg5[%mul3A_0, %dma_wait3A] : memref<10240x128xf32, #tpu.memory_space<hbm>> -> memref<640x128xf32, #tpu.memory_space<hbm>>
        %dma_wait3A_35 = arith.constant 0 : i32
        %dma_wait3A_36 = tpu.memref_slice %arg11[%mul3A_0, %dma_wait3A_35] : memref<10240x128xf32, #tpu.memory_space<vmem_shared>> -> memref<640x128xf32, #tpu.memory_space<vmem_shared>>
        tpu.wait_dma2 semaphore(%run_scoped3A : memref<!tpu.dma_semaphore, #tpu.memory_space<semaphore_mem>>) src(%dma_wait3A_36 : memref<640x128xf32, #tpu.memory_space<vmem_shared>>) dst(%dma_wait3A_34 : memref<640x128xf32, #tpu.memory_space<hbm>>)
        tpu.yield
      }) : () -> ()
    } else {
    }
    %eq3A_6 = arith.constant 1 : i32
    %eq3A_7 = arith.cmpi eq, %arg0, %eq3A_6 : i32
    %convert_element_type3A_8 = arith.extui %eq3A_7 : i1 to i32
    %cond3A_9 = arith.constant 0 : i32
    %cond3A_10 = arith.cmpi ne, %convert_element_type3A_8, %cond3A_9 : i32
    scf.if %cond3A_10 {
      "tpu.region"() ({
        %run_scoped3A = tpu.sem_alloc : memref<!tpu.dma_semaphore, #tpu.memory_space<semaphore_mem>>
        %dma_start3A_30 = arith.constant 0 : i32
        %dma_start3A_31 = tpu.memref_slice %arg11[%mul3A_0, %dma_start3A_30] : memref<10240x128xf32, #tpu.memory_space<vmem_shared>> -> memref<640x128xf32, #tpu.memory_space<vmem_shared>>
        %dma_start3A_32 = arith.constant 0 : i32
        %dma_start3A_33 = tpu.memref_slice %arg3[%mul3A_0, %dma_start3A_32] : memref<10240x128xf32, #tpu.memory_space<hbm>> -> memref<640x128xf32, #tpu.memory_space<hbm>>
        tpu.enqueue_dma source(%dma_start3A_33 : memref<640x128xf32, #tpu.memory_space<hbm>>) target(%dma_start3A_31 : memref<640x128xf32, #tpu.memory_space<vmem_shared>>) target_semaphore(%run_scoped3A : memref<!tpu.dma_semaphore, #tpu.memory_space<semaphore_mem>>)
        %dma_wait3A = arith.constant 0 : i32
        %dma_wait3A_34 = tpu.memref_slice %arg11[%mul3A_0, %dma_wait3A] : memref<10240x128xf32, #tpu.memory_space<vmem_shared>> -> memref<640x128xf32, #tpu.memory_space<vmem_shared>>
        %dma_wait3A_35 = arith.constant 0 : i32
        %dma_wait3A_36 = tpu.memref_slice %arg3[%mul3A_0, %dma_wait3A_35] : memref<10240x128xf32, #tpu.memory_space<hbm>> -> memref<640x128xf32, #tpu.memory_space<hbm>>
        tpu.wait_dma2 semaphore(%run_scoped3A : memref<!tpu.dma_semaphore, #tpu.memory_space<semaphore_mem>>) src(%dma_wait3A_36 : memref<640x128xf32, #tpu.memory_space<hbm>>) dst(%dma_wait3A_34 : memref<640x128xf32, #tpu.memory_space<vmem_shared>>)
        tpu.yield
      }) : () -> ()
      %barrier3A = arith.constant 0 : index
      tpu.barrier barrier_id(%barrier3A)
      %add3A_11 = arith.constant 0 : i32
      %add3A_12 = arith.addi %add3A, %add3A_11 : i32
      %mul3A_13 = arith.constant 128 : i32
      %mul3A_14 = arith.muli %add3A_12, %mul3A_13 : i32
      "tpu.region"() ({
        %run_scoped3A = tpu.sem_alloc : memref<!tpu.dma_semaphore, #tpu.memory_space<semaphore_mem>>
        %dma_start3A_30 = arith.constant 0 : i32
        %dma_start3A_31 = tpu.memref_slice %arg4[%dma_start3A_30, %mul3A_14] : memref<2x160000xi32, #tpu.memory_space<hbm>> -> memref<2x128xi32, #tpu.memory_space<hbm>>
        %dma_start3A_32 = arith.constant 0 : i32
        %dma_start3A_33 = tpu.memref_slice %arg4[%dma_start3A_32, %mul3A_14] : memref<2x160000xi32, #tpu.memory_space<hbm>> -> memref<2x128xi32, #tpu.memory_space<hbm>>
        tpu.enqueue_dma source(%dma_start3A_33 : memref<2x128xi32, #tpu.memory_space<hbm>>) target(%arg7 : memref<2x128xi32, #tpu.memory_space<vmem>>) target_semaphore(%run_scoped3A : memref<!tpu.dma_semaphore, #tpu.memory_space<semaphore_mem>>)
        %dma_wait3A = arith.constant 0 : i32
        %dma_wait3A_34 = tpu.memref_slice %arg4[%dma_wait3A, %mul3A_14] : memref<2x160000xi32, #tpu.memory_space<hbm>> -> memref<2x128xi32, #tpu.memory_space<hbm>>
        %dma_wait3A_35 = arith.constant 0 : i32
        %dma_wait3A_36 = tpu.memref_slice %arg4[%dma_wait3A_35, %mul3A_14] : memref<2x160000xi32, #tpu.memory_space<hbm>> -> memref<2x128xi32, #tpu.memory_space<hbm>>
        tpu.wait_dma2 semaphore(%run_scoped3A : memref<!tpu.dma_semaphore, #tpu.memory_space<semaphore_mem>>) src(%dma_wait3A_36 : memref<2x128xi32, #tpu.memory_space<hbm>>) dst(%arg7 : memref<2x128xi32, #tpu.memory_space<vmem>>)
        tpu.yield
      }) : () -> ()
      %dma_start3A = arith.constant 0 : i32
      %dma_start3A_15 = arith.constant 0 : i32
      %dma_start3A_16 = tpu.memref_slice %arg7[%dma_start3A, %dma_start3A_15] : memref<2x128xi32, #tpu.memory_space<vmem>> -> memref<1x128xi32, #tpu.memory_space<vmem>>
      %dma_start3A_17 = tpu.memref_squeeze %dma_start3A_16 : memref<1x128xi32, #tpu.memory_space<vmem>> -> memref<128xi32, #tpu.memory_space<vmem>>
      %dma_start3A_18 = arith.constant 0 : i32
      %dma_start3A_19 = arith.constant 0 : i32
      %dma_start3A_20 = tpu.memref_slice %arg3[%dma_start3A_18, %dma_start3A_19] : memref<10240x128xf32, #tpu.memory_space<hbm>> -> memref<10240x128xf32, #tpu.memory_space<hbm>>
      tpu.enqueue_indirect_dma source(%dma_start3A_20 : memref<10240x128xf32, #tpu.memory_space<hbm>>) target(%arg9 : memref<128x128xf32, #tpu.memory_space<vmem>>) offsets(%dma_start3A_17 : memref<128xi32, #tpu.memory_space<vmem>>) semaphore(%arg12 : memref<!tpu.dma_semaphore, #tpu.memory_space<semaphore_mem>>)
      %scan3A = arith.constant 0 : i32
      %scan3A_21 = arith.constant 39 : i32
      %scan3A_22 = arith.addi %scan3A, %scan3A_21 : i32
      %scan3A_23 = arith.constant 1 : i32
      scf.for %scan3A_30 = %scan3A to %scan3A_22 step %scan3A_23  : i32 {
        %mul3A_31 = arith.constant 1 : i32
        %mul3A_32 = arith.muli %scan3A_30, %mul3A_31 : i32
        %add3A_33 = arith.constant 0 : i32
        %add3A_34 = arith.addi %add3A_33, %mul3A_32 : i32
        %mul3A_35 = arith.constant 2 : i32
        %mul3A_36 = arith.muli %mul3A_35, %add3A_34 : i32
        %add3A_37 = arith.constant 1 : i32
        %add3A_38 = arith.addi %mul3A_36, %add3A_37 : i32
        %add3A_39 = arith.addi %add3A, %add3A_38 : i32
        %mul3A_40 = arith.constant 128 : i32
        %mul3A_41 = arith.muli %add3A_39, %mul3A_40 : i32
        "tpu.region"() ({
          %run_scoped3A_68 = tpu.sem_alloc : memref<!tpu.dma_semaphore, #tpu.memory_space<semaphore_mem>>
          %dma_start3A_69 = arith.constant 0 : i32
          %dma_start3A_70 = tpu.memref_slice %arg4[%dma_start3A_69, %mul3A_41] : memref<2x160000xi32, #tpu.memory_space<hbm>> -> memref<2x128xi32, #tpu.memory_space<hbm>>
          %dma_start3A_71 = arith.constant 0 : i32
          %dma_start3A_72 = tpu.memref_slice %arg4[%dma_start3A_71, %mul3A_41] : memref<2x160000xi32, #tpu.memory_space<hbm>> -> memref<2x128xi32, #tpu.memory_space<hbm>>
          tpu.enqueue_dma source(%dma_start3A_72 : memref<2x128xi32, #tpu.memory_space<hbm>>) target(%arg8 : memref<2x128xi32, #tpu.memory_space<vmem>>) target_semaphore(%run_scoped3A_68 : memref<!tpu.dma_semaphore, #tpu.memory_space<semaphore_mem>>)
          %dma_wait3A_73 = arith.constant 0 : i32
          %dma_wait3A_74 = tpu.memref_slice %arg4[%dma_wait3A_73, %mul3A_41] : memref<2x160000xi32, #tpu.memory_space<hbm>> -> memref<2x128xi32, #tpu.memory_space<hbm>>
          %dma_wait3A_75 = arith.constant 0 : i32
          %dma_wait3A_76 = tpu.memref_slice %arg4[%dma_wait3A_75, %mul3A_41] : memref<2x160000xi32, #tpu.memory_space<hbm>> -> memref<2x128xi32, #tpu.memory_space<hbm>>
          tpu.wait_dma2 semaphore(%run_scoped3A_68 : memref<!tpu.dma_semaphore, #tpu.memory_space<semaphore_mem>>) src(%dma_wait3A_76 : memref<2x128xi32, #tpu.memory_space<hbm>>) dst(%arg8 : memref<2x128xi32, #tpu.memory_space<vmem>>)
          tpu.yield
        }) : () -> ()
        %dma_start3A_42 = arith.constant 0 : i32
        %dma_start3A_43 = arith.constant 0 : i32
        %dma_start3A_44 = tpu.memref_slice %arg8[%dma_start3A_42, %dma_start3A_43] : memref<2x128xi32, #tpu.memory_space<vmem>> -> memref<1x128xi32, #tpu.memory_space<vmem>>
        %dma_start3A_45 = tpu.memref_squeeze %dma_start3A_44 : memref<1x128xi32, #tpu.memory_space<vmem>> -> memref<128xi32, #tpu.memory_space<vmem>>
        %dma_start3A_46 = arith.constant 0 : i32
        %dma_start3A_47 = arith.constant 0 : i32
        %dma_start3A_48 = tpu.memref_slice %arg3[%dma_start3A_46, %dma_start3A_47] : memref<10240x128xf32, #tpu.memory_space<hbm>> -> memref<10240x128xf32, #tpu.memory_space<hbm>>
        tpu.enqueue_indirect_dma source(%dma_start3A_48 : memref<10240x128xf32, #tpu.memory_space<hbm>>) target(%arg10 : memref<128x128xf32, #tpu.memory_space<vmem>>) offsets(%dma_start3A_45 : memref<128xi32, #tpu.memory_space<vmem>>) semaphore(%arg13 : memref<!tpu.dma_semaphore, #tpu.memory_space<semaphore_mem>>)
        %dma_wait3A = arith.constant 0 : i32
        %dma_wait3A_49 = arith.constant 0 : i32
        %dma_wait3A_50 = tpu.memref_slice %arg7[%dma_wait3A, %dma_wait3A_49] : memref<2x128xi32, #tpu.memory_space<vmem>> -> memref<1x128xi32, #tpu.memory_space<vmem>>
        %dma_wait3A_51 = tpu.memref_squeeze %dma_wait3A_50 : memref<1x128xi32, #tpu.memory_space<vmem>> -> memref<128xi32, #tpu.memory_space<vmem>>
        %dma_wait3A_52 = arith.constant 0 : i32
        %dma_wait3A_53 = arith.constant 0 : i32
        %dma_wait3A_54 = tpu.memref_slice %arg3[%dma_wait3A_52, %dma_wait3A_53] : memref<10240x128xf32, #tpu.memory_space<hbm>> -> memref<10240x128xf32, #tpu.memory_space<hbm>>
        tpu.wait_indirect_dma semaphore(%arg12 : memref<!tpu.dma_semaphore, #tpu.memory_space<semaphore_mem>>) src(%dma_wait3A_54 : memref<10240x128xf32, #tpu.memory_space<hbm>>) dst(%arg9 : memref<128x128xf32, #tpu.memory_space<vmem>>)
        %run_scoped3A = arith.constant 1 : i32
        "tpu.region"() ({
          %run_scoped3A_68 = tpu.sem_alloc : memref<!tpu.dma_semaphore, #tpu.memory_space<semaphore_mem>>
          %dma_start3A_69 = arith.constant 0 : i32
          %dma_start3A_70 = tpu.memref_slice %arg7[%run_scoped3A, %dma_start3A_69] : memref<2x128xi32, #tpu.memory_space<vmem>> -> memref<1x128xi32, #tpu.memory_space<vmem>>
          %dma_start3A_71 = tpu.memref_squeeze %dma_start3A_70 : memref<1x128xi32, #tpu.memory_space<vmem>> -> memref<128xi32, #tpu.memory_space<vmem>>
          %dma_start3A_72 = arith.constant 0 : i32
          %dma_start3A_73 = arith.constant 0 : i32
          %dma_start3A_74 = tpu.memref_slice %arg11[%dma_start3A_72, %dma_start3A_73] : memref<10240x128xf32, #tpu.memory_space<vmem_shared>> -> memref<10240x128xf32, #tpu.memory_space<vmem_shared>>
          tpu.enqueue_indirect_dma source(%arg9 : memref<128x128xf32, #tpu.memory_space<vmem>>) target(%dma_start3A_74 : memref<10240x128xf32, #tpu.memory_space<vmem_shared>>) offsets(%dma_start3A_71 : memref<128xi32, #tpu.memory_space<vmem>>) semaphore(%run_scoped3A_68 : memref<!tpu.dma_semaphore, #tpu.memory_space<semaphore_mem>>) {add = true}
          %dma_wait3A_75 = arith.constant 0 : i32
          %dma_wait3A_76 = tpu.memref_slice %arg7[%run_scoped3A, %dma_wait3A_75] : memref<2x128xi32, #tpu.memory_space<vmem>> -> memref<1x128xi32, #tpu.memory_space<vmem>>
          %dma_wait3A_77 = tpu.memref_squeeze %dma_wait3A_76 : memref<1x128xi32, #tpu.memory_space<vmem>> -> memref<128xi32, #tpu.memory_space<vmem>>
          %dma_wait3A_78 = arith.constant 0 : i32
          %dma_wait3A_79 = arith.constant 0 : i32
          %dma_wait3A_80 = tpu.memref_slice %arg11[%dma_wait3A_78, %dma_wait3A_79] : memref<10240x128xf32, #tpu.memory_space<vmem_shared>> -> memref<10240x128xf32, #tpu.memory_space<vmem_shared>>
          tpu.wait_indirect_dma semaphore(%run_scoped3A_68 : memref<!tpu.dma_semaphore, #tpu.memory_space<semaphore_mem>>) src(%arg9 : memref<128x128xf32, #tpu.memory_space<vmem>>) dst(%dma_wait3A_80 : memref<10240x128xf32, #tpu.memory_space<vmem_shared>>)
          tpu.yield
        }) : () -> ()
        %lt3A_55 = arith.constant 38 : i32
        %lt3A_56 = arith.cmpi slt, %add3A_34, %lt3A_55 : i32
        %convert_element_type3A_57 = arith.extui %lt3A_56 : i1 to i32
        %cond3A_58 = arith.constant 0 : i32
        %cond3A_59 = arith.cmpi ne, %convert_element_type3A_57, %cond3A_58 : i32
        scf.if %cond3A_59 {
          %mul3A_68 = arith.constant 2 : i32
          %mul3A_69 = arith.muli %mul3A_68, %add3A_34 : i32
          %add3A_70 = arith.constant 2 : i32
          %add3A_71 = arith.addi %mul3A_69, %add3A_70 : i32
          %add3A_72 = arith.addi %add3A, %add3A_71 : i32
          %mul3A_73 = arith.constant 128 : i32
          %mul3A_74 = arith.muli %add3A_72, %mul3A_73 : i32
          "tpu.region"() ({
            %run_scoped3A_82 = tpu.sem_alloc : memref<!tpu.dma_semaphore, #tpu.memory_space<semaphore_mem>>
            %dma_start3A_83 = arith.constant 0 : i32
            %dma_start3A_84 = tpu.memref_slice %arg4[%dma_start3A_83, %mul3A_74] : memref<2x160000xi32, #tpu.memory_space<hbm>> -> memref<2x128xi32, #tpu.memory_space<hbm>>
            %dma_start3A_85 = arith.constant 0 : i32
            %dma_start3A_86 = tpu.memref_slice %arg4[%dma_start3A_85, %mul3A_74] : memref<2x160000xi32, #tpu.memory_space<hbm>> -> memref<2x128xi32, #tpu.memory_space<hbm>>
            tpu.enqueue_dma source(%dma_start3A_86 : memref<2x128xi32, #tpu.memory_space<hbm>>) target(%arg7 : memref<2x128xi32, #tpu.memory_space<vmem>>) target_semaphore(%run_scoped3A_82 : memref<!tpu.dma_semaphore, #tpu.memory_space<semaphore_mem>>)
            %dma_wait3A_87 = arith.constant 0 : i32
            %dma_wait3A_88 = tpu.memref_slice %arg4[%dma_wait3A_87, %mul3A_74] : memref<2x160000xi32, #tpu.memory_space<hbm>> -> memref<2x128xi32, #tpu.memory_space<hbm>>
            %dma_wait3A_89 = arith.constant 0 : i32
            %dma_wait3A_90 = tpu.memref_slice %arg4[%dma_wait3A_89, %mul3A_74] : memref<2x160000xi32, #tpu.memory_space<hbm>> -> memref<2x128xi32, #tpu.memory_space<hbm>>
            tpu.wait_dma2 semaphore(%run_scoped3A_82 : memref<!tpu.dma_semaphore, #tpu.memory_space<semaphore_mem>>) src(%dma_wait3A_90 : memref<2x128xi32, #tpu.memory_space<hbm>>) dst(%arg7 : memref<2x128xi32, #tpu.memory_space<vmem>>)
            tpu.yield
          }) : () -> ()
          %dma_start3A_75 = arith.constant 0 : i32
          %dma_start3A_76 = arith.constant 0 : i32
          %dma_start3A_77 = tpu.memref_slice %arg7[%dma_start3A_75, %dma_start3A_76] : memref<2x128xi32, #tpu.memory_space<vmem>> -> memref<1x128xi32, #tpu.memory_space<vmem>>
          %dma_start3A_78 = tpu.memref_squeeze %dma_start3A_77 : memref<1x128xi32, #tpu.memory_space<vmem>> -> memref<128xi32, #tpu.memory_space<vmem>>
          %dma_start3A_79 = arith.constant 0 : i32
          %dma_start3A_80 = arith.constant 0 : i32
          %dma_start3A_81 = tpu.memref_slice %arg3[%dma_start3A_79, %dma_start3A_80] : memref<10240x128xf32, #tpu.memory_space<hbm>> -> memref<10240x128xf32, #tpu.memory_space<hbm>>
          tpu.enqueue_indirect_dma source(%dma_start3A_81 : memref<10240x128xf32, #tpu.memory_space<hbm>>) target(%arg9 : memref<128x128xf32, #tpu.memory_space<vmem>>) offsets(%dma_start3A_78 : memref<128xi32, #tpu.memory_space<vmem>>) semaphore(%arg12 : memref<!tpu.dma_semaphore, #tpu.memory_space<semaphore_mem>>)
        } else {
        }
        %dma_wait3A_60 = arith.constant 0 : i32
        %dma_wait3A_61 = arith.constant 0 : i32
        %dma_wait3A_62 = tpu.memref_slice %arg8[%dma_wait3A_60, %dma_wait3A_61] : memref<2x128xi32, #tpu.memory_space<vmem>> -> memref<1x128xi32, #tpu.memory_space<vmem>>
        %dma_wait3A_63 = tpu.memref_squeeze %dma_wait3A_62 : memref<1x128xi32, #tpu.memory_space<vmem>> -> memref<128xi32, #tpu.memory_space<vmem>>
        %dma_wait3A_64 = arith.constant 0 : i32
        %dma_wait3A_65 = arith.constant 0 : i32
        %dma_wait3A_66 = tpu.memref_slice %arg3[%dma_wait3A_64, %dma_wait3A_65] : memref<10240x128xf32, #tpu.memory_space<hbm>> -> memref<10240x128xf32, #tpu.memory_space<hbm>>
        tpu.wait_indirect_dma semaphore(%arg13 : memref<!tpu.dma_semaphore, #tpu.memory_space<semaphore_mem>>) src(%dma_wait3A_66 : memref<10240x128xf32, #tpu.memory_space<hbm>>) dst(%arg10 : memref<128x128xf32, #tpu.memory_space<vmem>>)
        %run_scoped3A_67 = arith.constant 1 : i32
        "tpu.region"() ({
          %run_scoped3A_68 = tpu.sem_alloc : memref<!tpu.dma_semaphore, #tpu.memory_space<semaphore_mem>>
          %dma_start3A_69 = arith.constant 0 : i32
          %dma_start3A_70 = tpu.memref_slice %arg8[%run_scoped3A_67, %dma_start3A_69] : memref<2x128xi32, #tpu.memory_space<vmem>> -> memref<1x128xi32, #tpu.memory_space<vmem>>
          %dma_start3A_71 = tpu.memref_squeeze %dma_start3A_70 : memref<1x128xi32, #tpu.memory_space<vmem>> -> memref<128xi32, #tpu.memory_space<vmem>>
          %dma_start3A_72 = arith.constant 0 : i32
          %dma_start3A_73 = arith.constant 0 : i32
          %dma_start3A_74 = tpu.memref_slice %arg11[%dma_start3A_72, %dma_start3A_73] : memref<10240x128xf32, #tpu.memory_space<vmem_shared>> -> memref<10240x128xf32, #tpu.memory_space<vmem_shared>>
          tpu.enqueue_indirect_dma source(%arg10 : memref<128x128xf32, #tpu.memory_space<vmem>>) target(%dma_start3A_74 : memref<10240x128xf32, #tpu.memory_space<vmem_shared>>) offsets(%dma_start3A_71 : memref<128xi32, #tpu.memory_space<vmem>>) semaphore(%run_scoped3A_68 : memref<!tpu.dma_semaphore, #tpu.memory_space<semaphore_mem>>) {add = true}
          %dma_wait3A_75 = arith.constant 0 : i32
          %dma_wait3A_76 = tpu.memref_slice %arg8[%run_scoped3A_67, %dma_wait3A_75] : memref<2x128xi32, #tpu.memory_space<vmem>> -> memref<1x128xi32, #tpu.memory_space<vmem>>
          %dma_wait3A_77 = tpu.memref_squeeze %dma_wait3A_76 : memref<1x128xi32, #tpu.memory_space<vmem>> -> memref<128xi32, #tpu.memory_space<vmem>>
          %dma_wait3A_78 = arith.constant 0 : i32
          %dma_wait3A_79 = arith.constant 0 : i32
          %dma_wait3A_80 = tpu.memref_slice %arg11[%dma_wait3A_78, %dma_wait3A_79] : memref<10240x128xf32, #tpu.memory_space<vmem_shared>> -> memref<10240x128xf32, #tpu.memory_space<vmem_shared>>
          tpu.wait_indirect_dma semaphore(%run_scoped3A_68 : memref<!tpu.dma_semaphore, #tpu.memory_space<semaphore_mem>>) src(%arg10 : memref<128x128xf32, #tpu.memory_space<vmem>>) dst(%dma_wait3A_80 : memref<10240x128xf32, #tpu.memory_space<vmem_shared>>)
          tpu.yield
        }) : () -> ()
      }
      %scan3A_24 = arith.constant 39 : i32
      %lt3A = arith.constant 2 : i32
      %lt3A_25 = arith.cmpi slt, %arg1, %lt3A : i32
      %convert_element_type3A_26 = arith.extui %lt3A_25 : i1 to i32
      %cond3A_27 = arith.constant 0 : i32
      %cond3A_28 = arith.cmpi ne, %convert_element_type3A_26, %cond3A_27 : i32
      scf.if %cond3A_28 {
        %add3A_30 = arith.constant 78 : i32
        %add3A_31 = arith.addi %add3A, %add3A_30 : i32
        %mul3A_32 = arith.constant 128 : i32
        %mul3A_33 = arith.muli %add3A_31, %mul3A_32 : i32
        "tpu.region"() ({
          %run_scoped3A_35 = tpu.sem_alloc : memref<!tpu.dma_semaphore, #tpu.memory_space<semaphore_mem>>
          %dma_start3A_36 = arith.constant 0 : i32
          %dma_start3A_37 = tpu.memref_slice %arg4[%dma_start3A_36, %mul3A_33] : memref<2x160000xi32, #tpu.memory_space<hbm>> -> memref<2x128xi32, #tpu.memory_space<hbm>>
          %dma_start3A_38 = arith.constant 0 : i32
          %dma_start3A_39 = tpu.memref_slice %arg4[%dma_start3A_38, %mul3A_33] : memref<2x160000xi32, #tpu.memory_space<hbm>> -> memref<2x128xi32, #tpu.memory_space<hbm>>
          tpu.enqueue_dma source(%dma_start3A_39 : memref<2x128xi32, #tpu.memory_space<hbm>>) target(%arg7 : memref<2x128xi32, #tpu.memory_space<vmem>>) target_semaphore(%run_scoped3A_35 : memref<!tpu.dma_semaphore, #tpu.memory_space<semaphore_mem>>)
          %dma_wait3A = arith.constant 0 : i32
          %dma_wait3A_40 = tpu.memref_slice %arg4[%dma_wait3A, %mul3A_33] : memref<2x160000xi32, #tpu.memory_space<hbm>> -> memref<2x128xi32, #tpu.memory_space<hbm>>
          %dma_wait3A_41 = arith.constant 0 : i32
          %dma_wait3A_42 = tpu.memref_slice %arg4[%dma_wait3A_41, %mul3A_33] : memref<2x160000xi32, #tpu.memory_space<hbm>> -> memref<2x128xi32, #tpu.memory_space<hbm>>
          tpu.wait_dma2 semaphore(%run_scoped3A_35 : memref<!tpu.dma_semaphore, #tpu.memory_space<semaphore_mem>>) src(%dma_wait3A_42 : memref<2x128xi32, #tpu.memory_space<hbm>>) dst(%arg7 : memref<2x128xi32, #tpu.memory_space<vmem>>)
          tpu.yield
        }) : () -> ()
        %run_scoped3A = arith.constant 0 : i32
        "tpu.region"() ({
          %run_scoped3A_35 = tpu.sem_alloc : memref<!tpu.dma_semaphore, #tpu.memory_space<semaphore_mem>>
          %dma_start3A_36 = arith.constant 0 : i32
          %dma_start3A_37 = tpu.memref_slice %arg7[%run_scoped3A, %dma_start3A_36] : memref<2x128xi32, #tpu.memory_space<vmem>> -> memref<1x128xi32, #tpu.memory_space<vmem>>
          %dma_start3A_38 = tpu.memref_squeeze %dma_start3A_37 : memref<1x128xi32, #tpu.memory_space<vmem>> -> memref<128xi32, #tpu.memory_space<vmem>>
          %dma_start3A_39 = arith.constant 0 : i32
          %dma_start3A_40 = arith.constant 0 : i32
          %dma_start3A_41 = tpu.memref_slice %arg3[%dma_start3A_39, %dma_start3A_40] : memref<10240x128xf32, #tpu.memory_space<hbm>> -> memref<10240x128xf32, #tpu.memory_space<hbm>>
          tpu.enqueue_indirect_dma source(%dma_start3A_41 : memref<10240x128xf32, #tpu.memory_space<hbm>>) target(%arg9 : memref<128x128xf32, #tpu.memory_space<vmem>>) offsets(%dma_start3A_38 : memref<128xi32, #tpu.memory_space<vmem>>) semaphore(%run_scoped3A_35 : memref<!tpu.dma_semaphore, #tpu.memory_space<semaphore_mem>>)
          %dma_wait3A = arith.constant 0 : i32
          %dma_wait3A_42 = tpu.memref_slice %arg7[%run_scoped3A, %dma_wait3A] : memref<2x128xi32, #tpu.memory_space<vmem>> -> memref<1x128xi32, #tpu.memory_space<vmem>>
          %dma_wait3A_43 = tpu.memref_squeeze %dma_wait3A_42 : memref<1x128xi32, #tpu.memory_space<vmem>> -> memref<128xi32, #tpu.memory_space<vmem>>
          %dma_wait3A_44 = arith.constant 0 : i32
          %dma_wait3A_45 = arith.constant 0 : i32
          %dma_wait3A_46 = tpu.memref_slice %arg3[%dma_wait3A_44, %dma_wait3A_45] : memref<10240x128xf32, #tpu.memory_space<hbm>> -> memref<10240x128xf32, #tpu.memory_space<hbm>>
          tpu.wait_indirect_dma semaphore(%run_scoped3A_35 : memref<!tpu.dma_semaphore, #tpu.memory_space<semaphore_mem>>) src(%dma_wait3A_46 : memref<10240x128xf32, #tpu.memory_space<hbm>>) dst(%arg9 : memref<128x128xf32, #tpu.memory_space<vmem>>)
          tpu.yield
        }) : () -> ()
        %run_scoped3A_34 = arith.constant 1 : i32
        "tpu.region"() ({
          %run_scoped3A_35 = tpu.sem_alloc : memref<!tpu.dma_semaphore, #tpu.memory_space<semaphore_mem>>
          %dma_start3A_36 = arith.constant 0 : i32
          %dma_start3A_37 = tpu.memref_slice %arg7[%run_scoped3A_34, %dma_start3A_36] : memref<2x128xi32, #tpu.memory_space<vmem>> -> memref<1x128xi32, #tpu.memory_space<vmem>>
          %dma_start3A_38 = tpu.memref_squeeze %dma_start3A_37 : memref<1x128xi32, #tpu.memory_space<vmem>> -> memref<128xi32, #tpu.memory_space<vmem>>
          %dma_start3A_39 = arith.constant 0 : i32
          %dma_start3A_40 = arith.constant 0 : i32
          %dma_start3A_41 = tpu.memref_slice %arg11[%dma_start3A_39, %dma_start3A_40] : memref<10240x128xf32, #tpu.memory_space<vmem_shared>> -> memref<10240x128xf32, #tpu.memory_space<vmem_shared>>
          tpu.enqueue_indirect_dma source(%arg9 : memref<128x128xf32, #tpu.memory_space<vmem>>) target(%dma_start3A_41 : memref<10240x128xf32, #tpu.memory_space<vmem_shared>>) offsets(%dma_start3A_38 : memref<128xi32, #tpu.memory_space<vmem>>) semaphore(%run_scoped3A_35 : memref<!tpu.dma_semaphore, #tpu.memory_space<semaphore_mem>>) {add = true}
          %dma_wait3A = arith.constant 0 : i32
          %dma_wait3A_42 = tpu.memref_slice %arg7[%run_scoped3A_34, %dma_wait3A] : memref<2x128xi32, #tpu.memory_space<vmem>> -> memref<1x128xi32, #tpu.memory_space<vmem>>
          %dma_wait3A_43 = tpu.memref_squeeze %dma_wait3A_42 : memref<1x128xi32, #tpu.memory_space<vmem>> -> memref<128xi32, #tpu.memory_space<vmem>>
          %dma_wait3A_44 = arith.constant 0 : i32
          %dma_wait3A_45 = arith.constant 0 : i32
          %dma_wait3A_46 = tpu.memref_slice %arg11[%dma_wait3A_44, %dma_wait3A_45] : memref<10240x128xf32, #tpu.memory_space<vmem_shared>> -> memref<10240x128xf32, #tpu.memory_space<vmem_shared>>
          tpu.wait_indirect_dma semaphore(%run_scoped3A_35 : memref<!tpu.dma_semaphore, #tpu.memory_space<semaphore_mem>>) src(%arg9 : memref<128x128xf32, #tpu.memory_space<vmem>>) dst(%dma_wait3A_46 : memref<10240x128xf32, #tpu.memory_space<vmem_shared>>)
          tpu.yield
        }) : () -> ()
      } else {
      }
      %barrier3A_29 = arith.constant 0 : index
      tpu.barrier barrier_id(%barrier3A_29)
      "tpu.region"() ({
        %run_scoped3A = tpu.sem_alloc : memref<!tpu.dma_semaphore, #tpu.memory_space<semaphore_mem>>
        %dma_start3A_30 = arith.constant 0 : i32
        %dma_start3A_31 = tpu.memref_slice %arg6[%mul3A_0, %dma_start3A_30] : memref<10240x128xf32, #tpu.memory_space<hbm>> -> memref<640x128xf32, #tpu.memory_space<hbm>>
        %dma_start3A_32 = arith.constant 0 : i32
        %dma_start3A_33 = tpu.memref_slice %arg11[%mul3A_0, %dma_start3A_32] : memref<10240x128xf32, #tpu.memory_space<vmem_shared>> -> memref<640x128xf32, #tpu.memory_space<vmem_shared>>
        tpu.enqueue_dma source(%dma_start3A_33 : memref<640x128xf32, #tpu.memory_space<vmem_shared>>) target(%dma_start3A_31 : memref<640x128xf32, #tpu.memory_space<hbm>>) target_semaphore(%run_scoped3A : memref<!tpu.dma_semaphore, #tpu.memory_space<semaphore_mem>>)
        %dma_wait3A = arith.constant 0 : i32
        %dma_wait3A_34 = tpu.memref_slice %arg6[%mul3A_0, %dma_wait3A] : memref<10240x128xf32, #tpu.memory_space<hbm>> -> memref<640x128xf32, #tpu.memory_space<hbm>>
        %dma_wait3A_35 = arith.constant 0 : i32
        %dma_wait3A_36 = tpu.memref_slice %arg11[%mul3A_0, %dma_wait3A_35] : memref<10240x128xf32, #tpu.memory_space<vmem_shared>> -> memref<640x128xf32, #tpu.memory_space<vmem_shared>>
        tpu.wait_dma2 semaphore(%run_scoped3A : memref<!tpu.dma_semaphore, #tpu.memory_space<semaphore_mem>>) src(%dma_wait3A_36 : memref<640x128xf32, #tpu.memory_space<vmem_shared>>) dst(%dma_wait3A_34 : memref<640x128xf32, #tpu.memory_space<hbm>>)
        tpu.yield
      }) : () -> ()
    } else {
    }
    return
  }
}

module attributes {stable_mosaic.version = 14 : i64} {
  func.func @_tc_prep_kernel(%arg0: i32, %arg1: memref<1024x1xi32, #tpu.memory_space<vmem>>, %arg2: memref<128x256xf32, #tpu.memory_space<vmem>>, %arg3: memref<256x256xf32, #tpu.memory_space<vmem>>, %arg4: memref<2x1024x128xf32, #tpu.memory_space<vmem>>, %arg5: memref<1024x1xf32, #tpu.memory_space<vmem>>, %arg6: memref<1024x128xf32, #tpu.memory_space<vmem>>, %arg7: memref<1024x128xf32, #tpu.memory_space<vmem>>) attributes {dimension_semantics = [#tpu.dimension_semantics<arbitrary>], iteration_bounds = array<i64: 10>, scalar_prefetch = 0 : i64, scratch_operands = 0 : i64, tpu.core_type = #tpu.core_type<tc>, window_params = [{transform_indices = @transform_0, window_bounds = array<i64: 1024, 1>}, {pipeline_mode = #tpu.pipeline_mode<synchronous>, transform_indices = @transform_1, window_bounds = array<i64: 128, 256>}, {pipeline_mode = #tpu.pipeline_mode<synchronous>, transform_indices = @transform_2, window_bounds = array<i64: 256, 256>}, {transform_indices = @transform_3, window_bounds = array<i64: 2, 1024, 128>}, {transform_indices = @transform_4, window_bounds = array<i64: 1024, 1>}, {transform_indices = @transform_5, window_bounds = array<i64: 1024, 128>}, {transform_indices = @transform_6, window_bounds = array<i64: 1024, 128>}]} {
    %get3A = arith.constant 0 : index
    %get3A_0 = arith.constant 0 : index
    %get3A_1 = arith.constant 0 : index
    %get3A_2 = vector.load %arg4[%get3A, %get3A_0, %get3A_1] : memref<2x1024x128xf32, #tpu.memory_space<vmem>>, vector<1x1024x1xf32>
    %get3A_3 = vector.shape_cast %get3A_2 : vector<1x1024x1xf32> to vector<1024x1xf32>
    %get3A_4 = arith.constant 1 : index
    %get3A_5 = arith.constant 0 : index
    %get3A_6 = arith.constant 0 : index
    %get3A_7 = vector.load %arg4[%get3A_4, %get3A_5, %get3A_6] : memref<2x1024x128xf32, #tpu.memory_space<vmem>>, vector<1x1024x1xf32>
    %get3A_8 = vector.shape_cast %get3A_7 : vector<1x1024x1xf32> to vector<1024x1xf32>
    %add3A = arith.addf %get3A_3, %get3A_8 : vector<1024x1xf32>
    %add3A_9 = arith.constant 1.000000e+00 : f32
    %add3A_10 = vector.broadcast %add3A_9 : f32 to vector<1024x1xf32>
    %add3A_11 = arith.addf %add3A, %add3A_10 : vector<1024x1xf32>
    %rsqrt3A = math.rsqrt %add3A_11 : vector<1024x1xf32>
    %swap3A = arith.constant 0 : index
    %swap3A_12 = arith.constant 0 : index
    %swap3A_13 = vector.load %arg5[%swap3A, %swap3A_12] : memref<1024x1xf32, #tpu.memory_space<vmem>>, vector<1024x1xf32>
    tpu.vector_store %arg5[%swap3A, %swap3A_12], %rsqrt3A {strides = array<i32>} : memref<1024x1xf32, #tpu.memory_space<vmem>>, vector<1024x1xf32>,
    %iota3A = tpu.iota {dimensions = array<i32: 1>} : vector<1024x128xi32>
    %get3A_14 = arith.constant 0 : index
    %get3A_15 = arith.constant 0 : index
    %get3A_16 = vector.load %arg1[%get3A_14, %get3A_15] : memref<1024x1xi32, #tpu.memory_space<vmem>>, vector<1024x1xi32>
    %eq3A = vector.broadcast %get3A_16 : vector<1024x1xi32> to vector<1024x128xi32>
    %eq3A_17 = arith.cmpi eq, %eq3A, %iota3A : vector<1024x128xi32>
    %jit3A = arith.constant 1.000000e+00 : f32
    %jit3A_18 = arith.constant 0.000000e+00 : f32
    %broadcast_in_dim3A = vector.broadcast %jit3A : f32 to vector<1024x128xf32>
    %broadcast_in_dim3A_19 = vector.broadcast %jit3A_18 : f32 to vector<1024x128xf32>
    %select_n3A = arith.select %eq3A_17, %broadcast_in_dim3A, %broadcast_in_dim3A_19 : vector<1024x128xi1>, vector<1024x128xf32>
    %get3A_20 = arith.constant 0 : index
    %get3A_21 = arith.constant 0 : index
    %get3A_22 = vector.load %arg2[%get3A_20, %get3A_21] : memref<128x256xf32, #tpu.memory_space<vmem>>, vector<128x256xf32>
    %dot_general3A = arith.constant dense<0.000000e+00> : vector<1024x256xf32>
    %dot_general3A_23 = tpu.matmul %select_n3A, %get3A_22, %dot_general3A {dimension_numbers = #tpu.dot_dimension_numbers<[1], [0], [0], [1], [0, 0, 1, 1], [], []>, transpose_lhs_hint = false} : vector<1024x128xf32>, vector<128x256xf32>, vector<1024x256xf32> -> vector<1024x256xf32>
    %get3A_24 = arith.constant 0 : index
    %get3A_25 = arith.constant 0 : index
    %get3A_26 = vector.load %arg3[%get3A_24, %get3A_25] : memref<256x256xf32, #tpu.memory_space<vmem>>, vector<256x256xf32>
    %dot_general3A_27 = arith.constant dense<0.000000e+00> : vector<1024x256xf32>
    %dot_general3A_28 = tpu.matmul %dot_general3A_23, %get3A_26, %dot_general3A_27 {dimension_numbers = #tpu.dot_dimension_numbers<[1], [0], [0], [1], [0, 0, 1, 1], [], []>, transpose_lhs_hint = false} : vector<1024x256xf32>, vector<256x256xf32>, vector<1024x256xf32> -> vector<1024x256xf32>
    %mul3A = vector.broadcast %rsqrt3A : vector<1024x1xf32> to vector<1024x256xf32>
    %mul3A_29 = arith.mulf %dot_general3A_28, %mul3A : vector<1024x256xf32>
    %slice3A = vector.extract_strided_slice %mul3A_29 {offsets = [0, 0], sizes = [1024, 128], strides = [1, 1]} : vector<1024x256xf32> to vector<1024x128xf32>
    %swap3A_30 = arith.constant 0 : index
    %swap3A_31 = arith.constant 0 : index
    %swap3A_32 = vector.load %arg6[%swap3A_30, %swap3A_31] : memref<1024x128xf32, #tpu.memory_space<vmem>>, vector<1024x128xf32>
    tpu.vector_store %arg6[%swap3A_30, %swap3A_31], %slice3A {strides = array<i32>} : memref<1024x128xf32, #tpu.memory_space<vmem>>, vector<1024x128xf32>,
    %slice3A_33 = vector.extract_strided_slice %mul3A_29 {offsets = [0, 128], sizes = [1024, 128], strides = [1, 1]} : vector<1024x256xf32> to vector<1024x128xf32>
    %swap3A_34 = arith.constant 0 : index
    %swap3A_35 = arith.constant 0 : index
    %swap3A_36 = vector.load %arg7[%swap3A_34, %swap3A_35] : memref<1024x128xf32, #tpu.memory_space<vmem>>, vector<1024x128xf32>
    tpu.vector_store %arg7[%swap3A_34, %swap3A_35], %slice3A_33 {strides = array<i32>} : memref<1024x128xf32, #tpu.memory_space<vmem>>, vector<1024x128xf32>,
    return
  }
  func.func @transform_0(%arg0: i32) -> (i32, i32) {
    %c0_i32 = arith.constant 0 : i32
    %c0_i32_0 = arith.constant 0 : i32
    return %arg0, %c0_i32 : i32, i32
  }
  func.func @transform_1(%arg0: i32) -> (i32, i32) {
    %c0_i32 = arith.constant 0 : i32
    %c0_i32_0 = arith.constant 0 : i32
    %c0_i32_1 = arith.constant 0 : i32
    return %c0_i32, %c0_i32_0 : i32, i32
  }
  func.func @transform_2(%arg0: i32) -> (i32, i32) {
    %c0_i32 = arith.constant 0 : i32
    %c0_i32_0 = arith.constant 0 : i32
    %c0_i32_1 = arith.constant 0 : i32
    return %c0_i32, %c0_i32_0 : i32, i32
  }
  func.func @transform_3(%arg0: i32) -> (i32, i32, i32) {
    %c0_i32 = arith.constant 0 : i32
    %c0_i32_0 = arith.constant 0 : i32
    %c0_i32_1 = arith.constant 0 : i32
    return %c0_i32, %arg0, %c0_i32_0 : i32, i32, i32
  }
  func.func @transform_4(%arg0: i32) -> (i32, i32) {
    %c0_i32 = arith.constant 0 : i32
    %c0_i32_0 = arith.constant 0 : i32
    return %arg0, %c0_i32 : i32, i32
  }
  func.func @transform_5(%arg0: i32) -> (i32, i32) {
    %c0_i32 = arith.constant 0 : i32
    %c0_i32_0 = arith.constant 0 : i32
    return %arg0, %c0_i32 : i32, i32
  }
  func.func @transform_6(%arg0: i32) -> (i32, i32) {
    %c0_i32 = arith.constant 0 : i32
    %c0_i32_0 = arith.constant 0 : i32
    return %arg0, %c0_i32 : i32, i32
  }
}

module attributes {stable_mosaic.version = 14 : i64} {
  func.func @_tc_mid_kernel(%arg0: i32, %arg1: memref<1024x128xf32, #tpu.memory_space<vmem>>, %arg2: memref<1024x128xf32, #tpu.memory_space<vmem>>, %arg3: memref<1024x1xf32, #tpu.memory_space<vmem>>, %arg4: memref<1x256xf32, #tpu.memory_space<vmem>>, %arg5: memref<256x256xf32, #tpu.memory_space<vmem>>, %arg6: memref<1024x128xf32, #tpu.memory_space<vmem>>, %arg7: memref<1024x128xf32, #tpu.memory_space<vmem>>) attributes {dimension_semantics = [#tpu.dimension_semantics<arbitrary>], iteration_bounds = array<i64: 10>, scalar_prefetch = 0 : i64, scratch_operands = 0 : i64, tpu.core_type = #tpu.core_type<tc>, window_params = [{transform_indices = @transform_0, window_bounds = array<i64: 1024, 128>}, {transform_indices = @transform_1, window_bounds = array<i64: 1024, 128>}, {transform_indices = @transform_2, window_bounds = array<i64: 1024, 1>}, {pipeline_mode = #tpu.pipeline_mode<synchronous>, transform_indices = @transform_3, window_bounds = array<i64: 1, 256>}, {pipeline_mode = #tpu.pipeline_mode<synchronous>, transform_indices = @transform_4, window_bounds = array<i64: 256, 256>}, {transform_indices = @transform_5, window_bounds = array<i64: 1024, 128>}, {transform_indices = @transform_6, window_bounds = array<i64: 1024, 128>}]} {
    %get3A = arith.constant 0 : index
    %get3A_0 = arith.constant 0 : index
    %get3A_1 = vector.load %arg3[%get3A, %get3A_0] : memref<1024x1xf32, #tpu.memory_space<vmem>>, vector<1024x1xf32>
    %get3A_2 = arith.constant 0 : index
    %get3A_3 = arith.constant 0 : index
    %get3A_4 = vector.load %arg1[%get3A_2, %get3A_3] : memref<1024x128xf32, #tpu.memory_space<vmem>>, vector<1024x128xf32>
    %get3A_5 = arith.constant 0 : index
    %get3A_6 = arith.constant 0 : index
    %get3A_7 = vector.load %arg2[%get3A_5, %get3A_6] : memref<1024x128xf32, #tpu.memory_space<vmem>>, vector<1024x128xf32>
    %concatenate3A = tpu.concatenate %get3A_4, %get3A_7 in 1 : vector<1024x128xf32>, vector<1024x128xf32> -> vector<1024x256xf32>
    %mul3A = vector.broadcast %get3A_1 : vector<1024x1xf32> to vector<1024x256xf32>
    %mul3A_8 = arith.mulf %concatenate3A, %mul3A : vector<1024x256xf32>
    %get3A_9 = arith.constant 0 : index
    %get3A_10 = arith.constant 0 : index
    %get3A_11 = vector.load %arg4[%get3A_9, %get3A_10] : memref<1x256xf32, #tpu.memory_space<vmem>>, vector<1x256xf32>
    %add3A = vector.broadcast %get3A_11 : vector<1x256xf32> to vector<1024x256xf32>
    %add3A_12 = arith.addf %mul3A_8, %add3A : vector<1024x256xf32>
    %max3A = arith.constant 0.000000e+00 : f32
    %max3A_13 = vector.broadcast %max3A : f32 to vector<1024x256xf32>
    %max3A_14 = arith.maximumf %add3A_12, %max3A_13 : vector<1024x256xf32>
    %get3A_15 = arith.constant 0 : index
    %get3A_16 = arith.constant 0 : index
    %get3A_17 = vector.load %arg5[%get3A_15, %get3A_16] : memref<256x256xf32, #tpu.memory_space<vmem>>, vector<256x256xf32>
    %dot_general3A = arith.constant dense<0.000000e+00> : vector<1024x256xf32>
    %dot_general3A_18 = tpu.matmul %max3A_14, %get3A_17, %dot_general3A {dimension_numbers = #tpu.dot_dimension_numbers<[1], [0], [0], [1], [0, 0, 1, 1], [], []>, transpose_lhs_hint = false} : vector<1024x256xf32>, vector<256x256xf32>, vector<1024x256xf32> -> vector<1024x256xf32>
    %mul3A_19 = vector.broadcast %get3A_1 : vector<1024x1xf32> to vector<1024x256xf32>
    %mul3A_20 = arith.mulf %dot_general3A_18, %mul3A_19 : vector<1024x256xf32>
    %slice3A = vector.extract_strided_slice %mul3A_20 {offsets = [0, 0], sizes = [1024, 128], strides = [1, 1]} : vector<1024x256xf32> to vector<1024x128xf32>
    %swap3A = arith.constant 0 : index
    %swap3A_21 = arith.constant 0 : index
    %swap3A_22 = vector.load %arg6[%swap3A, %swap3A_21] : memref<1024x128xf32, #tpu.memory_space<vmem>>, vector<1024x128xf32>
    tpu.vector_store %arg6[%swap3A, %swap3A_21], %slice3A {strides = array<i32>} : memref<1024x128xf32, #tpu.memory_space<vmem>>, vector<1024x128xf32>,
    %slice3A_23 = vector.extract_strided_slice %mul3A_20 {offsets = [0, 128], sizes = [1024, 128], strides = [1, 1]} : vector<1024x256xf32> to vector<1024x128xf32>
    %swap3A_24 = arith.constant 0 : index
    %swap3A_25 = arith.constant 0 : index
    %swap3A_26 = vector.load %arg7[%swap3A_24, %swap3A_25] : memref<1024x128xf32, #tpu.memory_space<vmem>>, vector<1024x128xf32>
    tpu.vector_store %arg7[%swap3A_24, %swap3A_25], %slice3A_23 {strides = array<i32>} : memref<1024x128xf32, #tpu.memory_space<vmem>>, vector<1024x128xf32>,
    return
  }
  func.func @transform_0(%arg0: i32) -> (i32, i32) {
    %c0_i32 = arith.constant 0 : i32
    %c0_i32_0 = arith.constant 0 : i32
    return %arg0, %c0_i32 : i32, i32
  }
  func.func @transform_1(%arg0: i32) -> (i32, i32) {
    %c0_i32 = arith.constant 0 : i32
    %c0_i32_0 = arith.constant 0 : i32
    return %arg0, %c0_i32 : i32, i32
  }
  func.func @transform_2(%arg0: i32) -> (i32, i32) {
    %c0_i32 = arith.constant 0 : i32
    %c0_i32_0 = arith.constant 0 : i32
    return %arg0, %c0_i32 : i32, i32
  }
  func.func @transform_3(%arg0: i32) -> (i32, i32) {
    %c0_i32 = arith.constant 0 : i32
    %c0_i32_0 = arith.constant 0 : i32
    %c0_i32_1 = arith.constant 0 : i32
    return %c0_i32, %c0_i32_0 : i32, i32
  }
  func.func @transform_4(%arg0: i32) -> (i32, i32) {
    %c0_i32 = arith.constant 0 : i32
    %c0_i32_0 = arith.constant 0 : i32
    %c0_i32_1 = arith.constant 0 : i32
    return %c0_i32, %c0_i32_0 : i32, i32
  }
  func.func @transform_5(%arg0: i32) -> (i32, i32) {
    %c0_i32 = arith.constant 0 : i32
    %c0_i32_0 = arith.constant 0 : i32
    return %arg0, %c0_i32 : i32, i32
  }
  func.func @transform_6(%arg0: i32) -> (i32, i32) {
    %c0_i32 = arith.constant 0 : i32
    %c0_i32_0 = arith.constant 0 : i32
    return %arg0, %c0_i32 : i32, i32
  }
}

module attributes {stable_mosaic.version = 14 : i64} {
  func.func @_tc_h3_kernel(%arg0: i32, %arg1: memref<1024x128xf32, #tpu.memory_space<vmem>>, %arg2: memref<1024x128xf32, #tpu.memory_space<vmem>>, %arg3: memref<1024x1xf32, #tpu.memory_space<vmem>>, %arg4: memref<1x256xf32, #tpu.memory_space<vmem>>, %arg5: memref<1024x256xf32, #tpu.memory_space<vmem>>) attributes {dimension_semantics = [#tpu.dimension_semantics<arbitrary>], iteration_bounds = array<i64: 10>, scalar_prefetch = 0 : i64, scratch_operands = 0 : i64, tpu.core_type = #tpu.core_type<tc>, window_params = [{transform_indices = @transform_0, window_bounds = array<i64: 1024, 128>}, {transform_indices = @transform_1, window_bounds = array<i64: 1024, 128>}, {transform_indices = @transform_2, window_bounds = array<i64: 1024, 1>}, {pipeline_mode = #tpu.pipeline_mode<synchronous>, transform_indices = @transform_3, window_bounds = array<i64: 1, 256>}, {transform_indices = @transform_4, window_bounds = array<i64: 1024, 256>}]} {
    %get3A = arith.constant 0 : index
    %get3A_0 = arith.constant 0 : index
    %get3A_1 = vector.load %arg1[%get3A, %get3A_0] : memref<1024x128xf32, #tpu.memory_space<vmem>>, vector<1024x128xf32>
    %get3A_2 = arith.constant 0 : index
    %get3A_3 = arith.constant 0 : index
    %get3A_4 = vector.load %arg2[%get3A_2, %get3A_3] : memref<1024x128xf32, #tpu.memory_space<vmem>>, vector<1024x128xf32>
    %concatenate3A = tpu.concatenate %get3A_1, %get3A_4 in 1 : vector<1024x128xf32>, vector<1024x128xf32> -> vector<1024x256xf32>
    %get3A_5 = arith.constant 0 : index
    %get3A_6 = arith.constant 0 : index
    %get3A_7 = vector.load %arg3[%get3A_5, %get3A_6] : memref<1024x1xf32, #tpu.memory_space<vmem>>, vector<1024x1xf32>
    %mul3A = vector.broadcast %get3A_7 : vector<1024x1xf32> to vector<1024x256xf32>
    %mul3A_8 = arith.mulf %concatenate3A, %mul3A : vector<1024x256xf32>
    %get3A_9 = arith.constant 0 : index
    %get3A_10 = arith.constant 0 : index
    %get3A_11 = vector.load %arg4[%get3A_9, %get3A_10] : memref<1x256xf32, #tpu.memory_space<vmem>>, vector<1x256xf32>
    %add3A = vector.broadcast %get3A_11 : vector<1x256xf32> to vector<1024x256xf32>
    %add3A_12 = arith.addf %mul3A_8, %add3A : vector<1024x256xf32>
    %max3A = arith.constant 0.000000e+00 : f32
    %max3A_13 = vector.broadcast %max3A : f32 to vector<1024x256xf32>
    %max3A_14 = arith.maximumf %add3A_12, %max3A_13 : vector<1024x256xf32>
    %swap3A = arith.constant 0 : index
    %swap3A_15 = arith.constant 0 : index
    %swap3A_16 = vector.load %arg5[%swap3A, %swap3A_15] : memref<1024x256xf32, #tpu.memory_space<vmem>>, vector<1024x256xf32>
    tpu.vector_store %arg5[%swap3A, %swap3A_15], %max3A_14 {strides = array<i32>} : memref<1024x256xf32, #tpu.memory_space<vmem>>, vector<1024x256xf32>,
    return
  }
  func.func @transform_0(%arg0: i32) -> (i32, i32) {
    %c0_i32 = arith.constant 0 : i32
    %c0_i32_0 = arith.constant 0 : i32
    return %arg0, %c0_i32 : i32, i32
  }
  func.func @transform_1(%arg0: i32) -> (i32, i32) {
    %c0_i32 = arith.constant 0 : i32
    %c0_i32_0 = arith.constant 0 : i32
    return %arg0, %c0_i32 : i32, i32
  }
  func.func @transform_2(%arg0: i32) -> (i32, i32) {
    %c0_i32 = arith.constant 0 : i32
    %c0_i32_0 = arith.constant 0 : i32
    return %arg0, %c0_i32 : i32, i32
  }
  func.func @transform_3(%arg0: i32) -> (i32, i32) {
    %c0_i32 = arith.constant 0 : i32
    %c0_i32_0 = arith.constant 0 : i32
    %c0_i32_1 = arith.constant 0 : i32
    return %c0_i32, %c0_i32_0 : i32, i32
  }
  func.func @transform_4(%arg0: i32) -> (i32, i32) {
    %c0_i32 = arith.constant 0 : i32
    %c0_i32_0 = arith.constant 0 : i32
    return %arg0, %c0_i32 : i32, i32
  }
}

</mosaic_0001>

<sc_bundles>
// kernel: _run.10.cloned.1.call-start
scs
__scs_entry_jumppad:
0x0: {  	(pc) =	sbr.rel $0x88, $3  }
0x1: {  	(tag) =	ssettag $0x0;
	lr =	simm.s32 $0x1  }
0x2: {  	[smem:$0x3F91] =	sst lr;
	_ =	strace $0xD0000000  }
0x3: {  	_ = 	snop  }
0x4: {  	_ = 	snop  }
0x5: {  	_ = 	snop  }
0x6: {  	_ = 	snop  }
0x7: {  	_ = 	snop  }
__scs_overlays_trampoline_lowered:
0x8: {  	[smem:$0x3FA0] =	sst s0  }
0x9: {  	[smem:$0x3FA1] =	sst s1  }
0xa: {  	[smem:$0x3FA2] =	sst s2  }
0xb: {  	[smem:$0x3FA3] =	sst s3  }
0xc: {  	[smem:$0x3FA4] =	sst s4  }
0xd: {  	[smem:$0x3FA5] =	sst s5  }
0xe: {  	[smem:$0x3FA6] =	sst s6  }
0xf: {  	[smem:$0x3FA7] =	sst s7  }
0x10: {  	[smem:$0x3FA8] =	sst s8  }
0x11: {  	[smem:$0x3FA9] =	sst s9;
	s0 =	simm.s32 @!p0 $0x0  }
0x12: {  	s1 =	sld [smem:$0x3F8F];
	s0 =	simm.s32 @p0 $0x1  }
0x13: {  	[smem:$0x3FAA] =	sst s0;
	s0 =	simm.s32 @!p1 $0x0  }
0x14: {  	s2 =	sld [smem:$0x3F8E];
	s0 =	simm.s32 @p1 $0x1  }
0x15: {  	[smem:$0x3FAB] =	sst s0;
	s0 =	simm.s32 @!p2 $0x0  }
0x16: {  	s3 =	sld [smem:$0x3FDB];
	s0 =	simm.s32 @p2 $0x1  }
0x17: {  	s4 =	simm.s32 $0x1BF5;
	[smem:$0x3FAD] =	sst s0  }
0x18: {  	s0 =	sld [smem:$0x3F90];
	_ =	swait.ge [sflag:s4], $0x0  }
0x19: {  	s7 =	sld [smem:$0x3F91]  }
0x1a: {  	s8 =	sadd.s32 $0xFFFFE003, lr  }
0x1b: {  	s9 =	sadd.s32 $0xFFFFFEF7, lr;
	s5 =	simm.s32 $0xFFFFFFFF;
	p2 =	slt.u32 s8, $0xFFFFF086  }
0x1c: {  	p1 =	slt.u32 s9, $0xF7A;
	s5 =	simm.s32 @!p2 $0x0  }
0x1d: {  	s5 =	simm.s32 @p1 $0x1;
	p0 =	seq.s32 s7, s2  }
0x1e: {  	s7 =	smul.u32 @!p0 $0xF7A, s2;
	p2 =	seq.s32 @!p0 s5, $0x0  }
0x1f: {  	s9 =	smul.u32 $0xF7A, s1;
	s8 =	simm.s32 @!p0 $0x1BF5;
	p2 =	por !p2, p0  }
0x20: {  	[sflag:s8] =	ssyncset.s32 @!p0 $0xFFFFF086;
	s6 =	sadd.s32 @!p0 s3, s7;
	s7 =	simm.s32 @!p0 $0x108  }
0x21: {  	s3 =	sadd.s32 s3, s9;
	s6 =	sadd.s32 @!p0 $0x88, s6;
	s7 =	simm.s32 @p2 $0x1082  }
0x22: {  	[simem:s7], [sflag:s8] =	dma.local @!p0 [hbm:s6], $0xF7A  }
0x23: {  	s9 =	sor.u32 $0xD0000000, s2;
	s6 =	simm.s32 $0x108;
	_ =	swait.ge @!p0 [sflag:s8], $0x0  }
0x24: {  	s3 =	sadd.s32 $0x88, s3;
	s6 =	simm.s32 @!p1 $0x1082;
	[sflag:s4] =	ssyncset.s32 $0xFFFFF086  }
0x25: {  	[simem:s6], [sflag:s4] =	dma.local [hbm:s3], $0xF7A  }
0x26: {  	[smem:$0x3F91] =	sst s1;
	(tag) =	ssettag s2;
	_ =	strace s9  }
0x27: {  	s1 =	sld [smem:$0x3FA1]  }
0x28: {  	s2 =	sld [smem:$0x3FA2]  }
0x29: {  	s4 =	sld [smem:$0x3FA4]  }
0x2a: {  	p0 =	seq.s32 s5, $0x0;
	s5 =	sld [smem:$0x3FA5]  }
0x2b: {  	s6 =	sld [smem:$0x3FA6]  }
0x2c: {  	s7 =	sld [smem:$0x3FA7]  }
0x2d: {  	s3 =	simm.s32 $0x108;
	s8 =	sld [smem:$0x3FA8]  }
0x2e: {  	s3 =	simm.s32 @!p0 $0x1082;
	s9 =	sld [smem:$0x3FA9]  }
0x2f: {  	lr =	sadd.s32 s0, s3;
	s0 =	sld [smem:$0x3FA0]  }
0x30: {  	s3 =	sld [smem:$0x3FA3]  }
0x31: {  	[smem:$0x3FAC] =	sst s10  }
0x32: {  	s10 =	sld [smem:$0x3FAA];
	_ =	sdelay $0x3  }
0x33: {  	p0 =	seq.s32 s10, $0x1;
	s10 =	sld [smem:$0x3FAC];
	_ =	sdelay $0x3  }
0x34: {  	[smem:$0x3FAC] =	sst s10  }
0x35: {  	s10 =	sld [smem:$0x3FAB];
	_ =	sdelay $0x3  }
0x36: {  	p1 =	seq.s32 s10, $0x1;
	s10 =	sld [smem:$0x3FAC];
	_ =	sdelay $0x3  }
0x37: {  	[smem:$0x3FAC] =	sst s10  }
0x38: {  	s10 =	sld [smem:$0x3FAD]  }
0x39: {  	_ = 	snop;
	(pc) =	sbr.ind lr, $3  }
0x3a: {  	_ = 	snop  }
0x3b: {  	_ = 	snop  }
0x3c: {  	p2 =	seq.s32 s10, $0x1;
	s10 =	sld [smem:$0x3FAC]  }
0x3d: {  	_ =	shalt  }
0x3e: {  	_ =	shalt  }
0x3f: {  	_ =	shalt  }
0x40: {  	_ =	shalt  }
0x41: {  	_ =	shalt  }
0x42: {  	_ =	shalt  }
0x43: {  	_ =	shalt  }
0x44: {  	_ =	shalt  }
0x45: {  	_ =	shalt  }
0x46: {  	_ =	shalt  }
0x47: {  	_ =	shalt  }
0x48: {  	_ =	shalt  }
0x49: {  	_ =	shalt  }
0x4a: {  	_ =	shalt  }
0x4b: {  	_ =	shalt  }
0x4c: {  	_ =	shalt  }
0x4d: {  	_ =	shalt  }
0x4e: {  	_ =	shalt  }
0x4f: {  	_ =	shalt  }
0x50: {  	_ =	shalt  }
0x51: {  	_ =	shalt  }
0x52: {  	_ =	shalt  }
0x53: {  	_ =	shalt  }
0x54: {  	_ =	shalt  }
0x55: {  	_ =	shalt  }
0x56: {  	_ =	shalt  }
0x57: {  	_ =	shalt  }
0x58: {  	_ =	shalt  }
0x59: {  	_ =	shalt  }
0x5a: {  	_ =	shalt  }
0x5b: {  	_ =	shalt  }
0x5c: {  	_ =	shalt  }
0x5d: {  	_ =	shalt  }
0x5e: {  	_ =	shalt  }
0x5f: {  	_ =	shalt  }
0x60: {  	_ =	shalt  }
0x61: {  	_ =	shalt  }
0x62: {  	_ =	shalt  }
0x63: {  	_ =	shalt  }
0x64: {  	_ =	shalt  }
0x65: {  	_ =	shalt  }
0x66: {  	_ =	shalt  }
0x67: {  	_ =	shalt  }
0x68: {  	_ =	shalt  }
0x69: {  	_ =	shalt  }
0x6a: {  	_ =	shalt  }
0x6b: {  	_ =	shalt  }
0x6c: {  	_ =	shalt  }
0x6d: {  	_ =	shalt  }
0x6e: {  	_ =	shalt  }
0x6f: {  	_ =	shalt  }
0x70: {  	_ =	shalt  }
0x71: {  	_ =	shalt  }
0x72: {  	_ =	shalt  }
0x73: {  	_ =	shalt  }
0x74: {  	_ =	shalt  }
0x75: {  	_ =	shalt  }
0x76: {  	_ =	shalt  }
0x77: {  	_ =	shalt  }
0x78: {  	_ =	shalt  }
0x79: {  	_ =	shalt  }
0x7a: {  	_ =	shalt  }
0x7b: {  	_ =	shalt  }
0x7c: {  	_ =	shalt  }
0x7d: {  	_ =	shalt  }
0x7e: {  	_ =	shalt  }
0x7f: {  	_ =	shalt  }
0x80: {  	_ =	shalt  }
0x81: {  	_ =	shalt  }
0x82: {  	_ =	shalt  }
0x83: {  	_ =	shalt  }
0x84: {  	_ =	shalt  }
0x85: {  	_ =	shalt  }
0x86: {  	_ =	shalt  }
0x87: {  	_ =	shalt  }
.Lfunc_end0:
.L_simem_size_0:
called_computation.2_lowered:
.L_overlay_start_0:
0x88: {  	s2 =	sld [smem:$0x3FD9]  }
0x89: {  	s3 =	sld [smem:$0x3FFE];
	_ =	sdelay $0x1  }
0x8a: {  	s1 =	srdreg.scid  }
0x8b: {  	s0 =	sand.u32 $0x1, s1  }
0x8c: {  	s16 =	sshll.u32 s0, $0xA;
	s2 =	sadd.s32 s3, s2  }
0x8d: {  	s2 =	sadd.s32 s2, s16  }
0x8e: {  	[smem:$0x3FB8] =	sst s2  }
0x8f: {  	_ = 	snop  }
0x90: {  	(tm) =	ssettm $0x1  }
0x91: {  	s17 =	sld [smem:$0x3FFB];
	_ =	sdelay $0x3  }
0x92: {  	_ =	strace s17  }
0x93: {  	s2 =	sld [smem:$0x3FFC];
	_ =	sdelay $0x3  }
0x94: {  	_ =	strace s2  }
0x95: {  	s2 =	sld [smem:$0x3FFD];
	_ =	sdelay $0x3  }
0x96: {  	_ =	strace s2  }
0x97: {  	_ =	strace $0x8FFFFFFF  }
0x98: {  	s18 =	sld [smem:$0x3FDB];
	_ =	sdelay $0x1  }
0x99: {  	s19 =	simm.s32 $_scs_section_size  }
0x9a: {  	s4 =	simm.s32 $_size__tile_overlayer_lowered;
	s5 =	simm.s32 $_tile_overlayer_lowered  }
0x9b: {  	s22 =	simm.s32 $0x1BFF;
	s21 =	sshll.u32 s5, $0x1;
	s2 =	sadd.s32 s19, s18  }
0x9c: {  	s6 =	simm.s32 $0x0;
	s20 =	sshll.u32 s4, $0x1;
	s4 =	sadd.s32 s21, s2  }
0x9d: {  	[timem:s6], [sflag:s22] =	dma.local [hbm:s4], s20  }
0x9e: {  	_ =	swait.ge [sflag:s22], s20  }
0x9f: {  	s3 =	ssub.s32 $0x0, s20;
	[sflag:s22] =	ssyncset.done $0x0  }
0xa0: {  	[sflag:s22] =	ssyncadd.s32 s3;
	_ =	sdelay $0x1  }
0xa1: {  	s23 =	simm.s32 $0x1B8B  }
0xa2: {  	_ =	swait.ge [sflag:s23], $0x1  }
0xa3: {  	[sflag:s23] =	ssyncset.done $0x0  }
0xa4: {  	s25 =	simm.s32 $0x1B8E;
	s24 =	sld [smem:$0x3FFE];
	[sflag:s23] =	ssyncadd.s32 $0xFFFFFFFF  }
0xa5: {  	s26 =	simm.s32 $execute0_lowered;
	[smem:$0x3FD2] =	sst s25  }
0xa6: {  	s4 =	sshll.u32 s26, $0x1;
	_ =	strace $0x80000046;
	[dreg:$0x1] =	wrdreg $0xFFFFFFFF  }
0xa7: {  	s28 =	simm.s32 $_size_execute0_lowered;
	s2 =	sadd.s32 s2, s4;
	[dreg:$0x0] =	wrdreg $0x0  }
0xa8: {  	s4 =	sshll.u32 s28, $0x1;
	[dreg:$0x2] =	wrdreg s2  }
0xa9: {  	[dreg:$0x3] =	wrdreg s4  }
0xaa: {  	[dreg:$0x4] =	wrdreg $0xC0  }
0xab: {  	_ =	task [dreg:s6], $0x5FFFF  }
0xac: {  	[dreg:$0x1] =	wrdreg $0xFFFFFFFF  }
0xad: {  	[dreg:$0x0] =	wrdreg $0x60  }
0xae: {  	[dreg:$0x2] =	wrdreg s24  }
0xaf: {  	[dreg:$0x3] =	wrdreg $0x29000  }
0xb0: {  	[dreg:$0x4] =	wrdreg $0x9  }
0xb1: {  	_ =	task.clear_ibuf [dreg:s6], $0x5FFFF;
	_ =	strace $0x90000046  }
0xb2: {  	s29 =	simm.s32 $0x9;
	_ =	strace $0x80000048  }
0xb3: {  	_ =	swait.ge [sflag:s29], $0x1  }
0xb4: {  	[sflag:s29] =	ssyncadd.s32 $0xFFFFFFFF  }
0xb5: {  	_ =	strace $0x90000048  }
0xb6: {  	_ =	sfence  }
0xb7: {  	s30 =	sld [smem:$0x0];
	_ =	sdelay $0x2  }
0xb8: {  	s31 =	sshll.u32 s1, $0xD;
	s1 =	sshrl.u32 s1, $0x2  }
0xb9: {  	s3 =	sand.u32 $0x4000, s31;
	s1 =	sadd.s32 s1, s30  }
0xba: {  	s0 =	sor.u32 s3, s0;
	s1 =	sshll.u32 s1, $0x11  }
0xbb: {  	s0 =	sor.u32 s1, s0  }
0xbc: {  	s0 =	sadd.s32 $0x8F2B, s0  }
0xbd: {  	[sflag:s0] =	ssyncadd.remote.s32 $0x1  }
0xbe: {  	_ =	sfence.sel $0xFFFF  }
0xbf: {  	[dreg:$0x0] =	wrdreg $0xFFFFFFFF;
	(pc) =	sbr.abs _section_cstart, $3  }
0xc0: {  	[dreg:$0x1] =	wrdreg $0xFFFFFFFF  }
0xc1: {  	_ =	task.clear_ibuf [dreg:s6], $0x2FFFF;
	_ =	strace $0x9FFFFFFF  }
0xc2: {  	(tm) =	ssettm $0x7FFFFFFF  }
0xc3: {  	_ =	shalt  }
tec
execute0_lowered:
.L_overlay_start_1:
0x0: {  	(tag) =	ssettag $0x1  }
0x1: {  	s6 =	rddreg [dreg:$0x0]  }
0x2: {  	s0 =	srdreg.scid;
	s2 =	rddreg [dreg:$0x1]  }
0x3: {  	s1 =	rddreg [dreg:$0x2];
	s3 =	simm.s32 $0x0;
	s7 =	sand.u32 $0x1, s0  }
0x4: {  	s13 =	simm.s32 $0x100;
	s0 =	stileid.u32;
	s4 =	smul.u32 $0x13880, s7  }
0x5: {  	s14 =	simm.s32 $0x50;
	s15 =	simm.s32 $0x80;
	s5 =	smul.u32 $0x1388, s0  }
0x6: {  	s16 =	simm.s32 $0x28;
	[smem:$0x7FF] =	sst s3;
	s8 =	smul.u32 $0x2800, s0  }
0x7: {  	s17 =	simm.s32 $0x0;
	_ =	strace $0x80000047;
	s9 =	smul.u32 $0x28000, s7  }
0x8: {  	s11 =	smul.u32 $0x50000, s0;
	s7 =	ssub.s32 $0x2, s7;
	s31 =	sshll.u32 s0, $0x6  }
0x9: {  	s28 =	sshrl.u32 s7, $0x1;
	s4 =	sadd.s32 s5, s4;
	s5 =	sadd.s32 $0x9200, s6  }
0xa: {  	s8 =	sadd.s32 s8, s9;
	s29 =	sshrl.u32 s11, $0x2;
	s30 =	ssub.s32 s7, s28  }
0xb: {  	s4 =	sshrl.u32 s4, $0x3;
	s8 =	sadd.s32 s8, s6;
	s12 =	sadd.s32 s29, s2  }
0xc: {  	s9 =	smax.u32 s30, $0x1;
	s10 =	sadd.s32 s4, s6;
	s4 =	sadd.s32 $0xBA00, s6  }
0xd: {  	s6 =	sor.u32 $0x1C01, s31;
	s8 =	sadd.s32 $0xC000, s8;
	s11 =	sshrl.u32 s12, $0x3  }
0xe: {  	s12 =	simm.s32 $0x1;
	s7 =	sadd.s32 $0x446C, s10;
	s10 =	sadd.s32 $0x4200, s10  }
.LBB2_1:
0xf: {  	[spmem:s11], [sflag:s6] =	dma.local [hbm:s5], $0x2800  }
0x10: {  	_ =	swait.ge [sflag:s12], $0x2800  }
0x11: {  	[sflag:s12] =	ssyncset.done $0x0  }
0x12: {  	[sflag:s12] =	ssyncadd.s32 $0xFFFFD800  }
0x13: {  	[tilespmem:s13], [sflag:$0x1] =	stream.linear.gather [hbm4b:s4+s3], $0x2800, $0x38;
	[tilespmem:$0x16900] =	vst v63  }
0x14: {  	_ =	swait.ge [sflag:s12], $0x2800  }
0x15: {  	[sflag:s12] =	ssyncset.done $0x0  }
0x16: {  	[sflag:s12] =	ssyncadd.s32 $0xFFFFD800  }
0x17: {  	s18 =	sadd.s32 $0x0, s10;
	[bflag:$0x0] =	sbarrier.arrive $0xFFFF  }
0x18: {  	[tilespmem:s3], [sflag:$0x1] =	stream.linear.gather [hbm4b:s18+s3], $0x50, $0x38;
	[tilespmem:$0x16900] =	vst v63  }
0x19: {  	_ =	swait.ge [sflag:s12], $0x50  }
0x1a: {  	[sflag:s12] =	ssyncset.done $0x0  }
0x1b: {  	[sflag:s12] =	ssyncadd.s32 $0xFFFFFFB0  }
0x1c: {  	[spmem:s2] =	stream.indirect.scatter.add.f32 [tilespmem:s13], [sflag:$0x1], $0x80, s3, s14, $0xb8;
	[tilespmem:$0x16900] =	vst v63  }
0x1d: {  	_ =	swait.ge [sflag:s12], $0x2800  }
0x1e: {  	s19 =	simm.s32 $0x14;
	s18 =	simm.s32 $0xA;
	[sflag:s12] =	ssyncset.done $0x0  }
.LBB2_2:
0x1f: {  	s20 =	sadd.s32 s18, s10  }
0x20: {  	[sflag:s12] =	ssyncadd.s32 $0xFFFFD800;
	s18 =	smov.u32 s19;
	s21 =	sadd.s32 $0xA, s19  }
0x21: {  	[tilespmem:s3], [sflag:$0x1] =	stream.linear.gather [hbm4b:s20+s3], $0x50, $0x38;
	[tilespmem:$0x16900] =	vst v63  }
0x22: {  	p0 =	sne.s32 s19, $0x262;
	_ =	swait.ge [sflag:s12], $0x50  }
.Ltmp0:
0x23: {  	[sflag:s12] =	ssyncset.done $0x0;
	(pc) =	sbr.rel @p0 .LBB2_2-.Ltmp0, $4  }
0x24: {  	[sflag:s12] =	ssyncadd.s32 $0xFFFFFFB0  }
0x25: {  	[spmem:s2] =	stream.indirect.scatter.add.f32 [tilespmem:s13], [sflag:$0x1], $0x80, s3, s14, $0xb8;
	[tilespmem:$0x16900] =	vst v63  }
0x26: {  	_ =	swait.ge [sflag:s12], $0x2800  }
0x27: {  	s19 =	smov.u32 s21;
	[sflag:s12] =	ssyncset.done $0x0  }
0x28: {  	s18 =	sadd.s32 s18, s10;
	[sflag:s12] =	ssyncadd.s32 $0xFFFFD800  }
0x29: {  	[tilespmem:s3], [sflag:$0x1] =	stream.linear.gather [hbm4b:s18+s3], $0x50, $0x38;
	[tilespmem:$0x16900] =	vst v63  }
0x2a: {  	_ =	swait.ge [sflag:s12], $0x50  }
0x2b: {  	[sflag:s12] =	ssyncset.done $0x0  }
0x2c: {  	[sflag:s12] =	ssyncadd.s32 $0xFFFFFFB0  }
0x2d: {  	[spmem:s2] =	stream.indirect.scatter.add.f32 [tilespmem:s13], [sflag:$0x1], $0x80, s3, s14, $0xb8;
	[tilespmem:$0x16900] =	vst v63  }
0x2e: {  	_ =	swait.ge [sflag:s12], $0x2800  }
0x2f: {  	[sflag:s12] =	ssyncset.done $0x0  }
0x30: {  	[sflag:s12] =	ssyncadd.s32 $0xFFFFD800  }
0x31: {  	[tilespmem:s15], [sflag:$0x1] =	stream.linear.gather [hbm4b:s7+s3], $0x28, $0x38;
	[tilespmem:$0x16900] =	vst v63  }
0x32: {  	_ =	swait.ge [sflag:s12], $0x28  }
0x33: {  	[sflag:s12] =	ssyncset.done $0x0  }
0x34: {  	[sflag:s12] =	ssyncadd.s32 $0xFFFFFFD8  }
0x35: {  	[spmem:s2] =	stream.indirect.scatter.add.f32 [tilespmem:s13], [sflag:$0x1], $0x80, s15, s16, $0xb8;
	[tilespmem:$0x16900] =	vst v63  }
0x36: {  	_ =	swait.ge [sflag:s12], $0x1400  }
0x37: {  	s17 =	sadd.s32 $0x1, s17;
	[sflag:s12] =	ssyncset.done $0x0  }
0x38: {  	p0 =	sne.s32 s17, s9;
	[sflag:s12] =	ssyncadd.s32 $0xFFFFEC00  }
.Ltmp1:
0x39: {  	[bflag:$0x0] =	sbarrier.arrive $0xFFFF;
	(pc) =	sbr.rel @p0 .LBB2_1-.Ltmp1, $4  }
0x3a: {  	[hbm:s8], [sflag:s6] =	dma.local [spmem:s11], $0x2800  }
0x3b: {  	_ =	swait.ge [sflag:s12], $0x2800  }
0x3c: {  	[sflag:s12] =	ssyncset.done $0x0  }
0x3d: {  	[sflag:s12] =	ssyncadd.s32 $0xFFFFD800  }
0x3e: {  	_ =	sfence.sel $0x180000  }
0x3f: {  	[bflag:$0x0] =	sbarrier.arrive $0xFFFF  }
0x40: {  	p0 =	sne.s32 s0, $0x0;
	_ =	strace $0x90000047  }
0x41: {  	s0 =	sadd.s32 @!p0 $0x100000, s1;
	[bflag:$0x2] =	sbarrier.arrive $0xFFFF  }
0x42: {  	[sflag:s0] =	ssyncadd.tile.s32 @!p0 $0x1;
	_ =	shalt  }
.Lfunc_end2:
_tile_overlayer_lowered:
.L_overlay_start_2:
0x43: {  	(tag) =	ssettag $0x2  }
0x44: {  	s0 =	rddreg [dreg:$0x0];
	s2 =	stileid.u32  }
0x45: {  	s1 =	rddreg [dreg:$0x1];
	p0 =	sne.s32 s2, $0x0  }
0x46: {  	s3 =	rddreg [dreg:$0x2];
	[bflag:$0x3] =	sbarrier.arrive $0xFFFF;
	s2 =	simm.s32 @!p0 $0x1C01  }
0x47: {  	[timem:s3], [sflag:s2] =	dma.local @!p0 [hbm:s0], s1  }
0x48: {  	s0 =	simm.s32 @!p0 $0x1  }
0x49: {  	_ =	swait.ge @!p0 [sflag:s0], s1  }
0x4a: {  	s1 =	ssub.s32 @!p0 $0x0, s1;
	[sflag:s0] =	ssyncset.done @!p0 $0x0  }
0x4b: {  	[sflag:s0] =	ssyncadd.s32 @!p0 s1  }
0x4c: {  	[bflag:$0x3] =	sbarrier.arrive $0xFFFF  }
0x4d: {  	_ =	shalt  }

// kernel: _run.13.cloned.1.call-start
scs
__scs_entry_jumppad:
0x0: {  	(pc) =	sbr.rel $0x88, $3  }
0x1: {  	(tag) =	ssettag $0x0;
	lr =	simm.s32 $0x1  }
0x2: {  	[smem:$0x3F91] =	sst lr;
	_ =	strace $0xD0000000  }
0x3: {  	_ = 	snop  }
0x4: {  	_ = 	snop  }
0x5: {  	_ = 	snop  }
0x6: {  	_ = 	snop  }
0x7: {  	_ = 	snop  }
__scs_overlays_trampoline_lowered:
0x8: {  	[smem:$0x3FA0] =	sst s0  }
0x9: {  	[smem:$0x3FA1] =	sst s1  }
0xa: {  	[smem:$0x3FA2] =	sst s2  }
0xb: {  	[smem:$0x3FA3] =	sst s3  }
0xc: {  	[smem:$0x3FA4] =	sst s4  }
0xd: {  	[smem:$0x3FA5] =	sst s5  }
0xe: {  	[smem:$0x3FA6] =	sst s6  }
0xf: {  	[smem:$0x3FA7] =	sst s7  }
0x10: {  	[smem:$0x3FA8] =	sst s8  }
0x11: {  	[smem:$0x3FA9] =	sst s9;
	s0 =	simm.s32 @!p0 $0x0  }
0x12: {  	s1 =	sld [smem:$0x3F8F];
	s0 =	simm.s32 @p0 $0x1  }
0x13: {  	[smem:$0x3FAA] =	sst s0;
	s0 =	simm.s32 @!p1 $0x0  }
0x14: {  	s2 =	sld [smem:$0x3F8E];
	s0 =	simm.s32 @p1 $0x1  }
0x15: {  	[smem:$0x3FAB] =	sst s0;
	s0 =	simm.s32 @!p2 $0x0  }
0x16: {  	s3 =	sld [smem:$0x3FDB];
	s0 =	simm.s32 @p2 $0x1  }
0x17: {  	s4 =	simm.s32 $0x1BF5;
	[smem:$0x3FAD] =	sst s0  }
0x18: {  	s0 =	sld [smem:$0x3F90];
	_ =	swait.ge [sflag:s4], $0x0  }
0x19: {  	s7 =	sld [smem:$0x3F91]  }
0x1a: {  	s8 =	sadd.s32 $0xFFFFE003, lr  }
0x1b: {  	s9 =	sadd.s32 $0xFFFFFEF7, lr;
	s5 =	simm.s32 $0xFFFFFFFF;
	p2 =	slt.u32 s8, $0xFFFFF086  }
0x1c: {  	p1 =	slt.u32 s9, $0xF7A;
	s5 =	simm.s32 @!p2 $0x0  }
0x1d: {  	s5 =	simm.s32 @p1 $0x1;
	p0 =	seq.s32 s7, s2  }
0x1e: {  	s7 =	smul.u32 @!p0 $0xF7A, s2;
	p2 =	seq.s32 @!p0 s5, $0x0  }
0x1f: {  	s9 =	smul.u32 $0xF7A, s1;
	s8 =	simm.s32 @!p0 $0x1BF5;
	p2 =	por !p2, p0  }
0x20: {  	[sflag:s8] =	ssyncset.s32 @!p0 $0xFFFFF086;
	s6 =	sadd.s32 @!p0 s3, s7;
	s7 =	simm.s32 @!p0 $0x108  }
0x21: {  	s3 =	sadd.s32 s3, s9;
	s6 =	sadd.s32 @!p0 $0x88, s6;
	s7 =	simm.s32 @p2 $0x1082  }
0x22: {  	[simem:s7], [sflag:s8] =	dma.local @!p0 [hbm:s6], $0xF7A  }
0x23: {  	s9 =	sor.u32 $0xD0000000, s2;
	s6 =	simm.s32 $0x108;
	_ =	swait.ge @!p0 [sflag:s8], $0x0  }
0x24: {  	s3 =	sadd.s32 $0x88, s3;
	s6 =	simm.s32 @!p1 $0x1082;
	[sflag:s4] =	ssyncset.s32 $0xFFFFF086  }
0x25: {  	[simem:s6], [sflag:s4] =	dma.local [hbm:s3], $0xF7A  }
0x26: {  	[smem:$0x3F91] =	sst s1;
	(tag) =	ssettag s2;
	_ =	strace s9  }
0x27: {  	s1 =	sld [smem:$0x3FA1]  }
0x28: {  	s2 =	sld [smem:$0x3FA2]  }
0x29: {  	s4 =	sld [smem:$0x3FA4]  }
0x2a: {  	p0 =	seq.s32 s5, $0x0;
	s5 =	sld [smem:$0x3FA5]  }
0x2b: {  	s6 =	sld [smem:$0x3FA6]  }
0x2c: {  	s7 =	sld [smem:$0x3FA7]  }
0x2d: {  	s3 =	simm.s32 $0x108;
	s8 =	sld [smem:$0x3FA8]  }
0x2e: {  	s3 =	simm.s32 @!p0 $0x1082;
	s9 =	sld [smem:$0x3FA9]  }
0x2f: {  	lr =	sadd.s32 s0, s3;
	s0 =	sld [smem:$0x3FA0]  }
0x30: {  	s3 =	sld [smem:$0x3FA3]  }
0x31: {  	[smem:$0x3FAC] =	sst s10  }
0x32: {  	s10 =	sld [smem:$0x3FAA];
	_ =	sdelay $0x3  }
0x33: {  	p0 =	seq.s32 s10, $0x1;
	s10 =	sld [smem:$0x3FAC];
	_ =	sdelay $0x3  }
0x34: {  	[smem:$0x3FAC] =	sst s10  }
0x35: {  	s10 =	sld [smem:$0x3FAB];
	_ =	sdelay $0x3  }
0x36: {  	p1 =	seq.s32 s10, $0x1;
	s10 =	sld [smem:$0x3FAC];
	_ =	sdelay $0x3  }
0x37: {  	[smem:$0x3FAC] =	sst s10  }
0x38: {  	s10 =	sld [smem:$0x3FAD]  }
0x39: {  	_ = 	snop;
	(pc) =	sbr.ind lr, $3  }
0x3a: {  	_ = 	snop  }
0x3b: {  	_ = 	snop  }
0x3c: {  	p2 =	seq.s32 s10, $0x1;
	s10 =	sld [smem:$0x3FAC]  }
0x3d: {  	_ =	shalt  }
0x3e: {  	_ =	shalt  }
0x3f: {  	_ =	shalt  }
0x40: {  	_ =	shalt  }
0x41: {  	_ =	shalt  }
0x42: {  	_ =	shalt  }
0x43: {  	_ =	shalt  }
0x44: {  	_ =	shalt  }
0x45: {  	_ =	shalt  }
0x46: {  	_ =	shalt  }
0x47: {  	_ =	shalt  }
0x48: {  	_ =	shalt  }
0x49: {  	_ =	shalt  }
0x4a: {  	_ =	shalt  }
0x4b: {  	_ =	shalt  }
0x4c: {  	_ =	shalt  }
0x4d: {  	_ =	shalt  }
0x4e: {  	_ =	shalt  }
0x4f: {  	_ =	shalt  }
0x50: {  	_ =	shalt  }
0x51: {  	_ =	shalt  }
0x52: {  	_ =	shalt  }
0x53: {  	_ =	shalt  }
0x54: {  	_ =	shalt  }
0x55: {  	_ =	shalt  }
0x56: {  	_ =	shalt  }
0x57: {  	_ =	shalt  }
0x58: {  	_ =	shalt  }
0x59: {  	_ =	shalt  }
0x5a: {  	_ =	shalt  }
0x5b: {  	_ =	shalt  }
0x5c: {  	_ =	shalt  }
0x5d: {  	_ =	shalt  }
0x5e: {  	_ =	shalt  }
0x5f: {  	_ =	shalt  }
0x60: {  	_ =	shalt  }
0x61: {  	_ =	shalt  }
0x62: {  	_ =	shalt  }
0x63: {  	_ =	shalt  }
0x64: {  	_ =	shalt  }
0x65: {  	_ =	shalt  }
0x66: {  	_ =	shalt  }
0x67: {  	_ =	shalt  }
0x68: {  	_ =	shalt  }
0x69: {  	_ =	shalt  }
0x6a: {  	_ =	shalt  }
0x6b: {  	_ =	shalt  }
0x6c: {  	_ =	shalt  }
0x6d: {  	_ =	shalt  }
0x6e: {  	_ =	shalt  }
0x6f: {  	_ =	shalt  }
0x70: {  	_ =	shalt  }
0x71: {  	_ =	shalt  }
0x72: {  	_ =	shalt  }
0x73: {  	_ =	shalt  }
0x74: {  	_ =	shalt  }
0x75: {  	_ =	shalt  }
0x76: {  	_ =	shalt  }
0x77: {  	_ =	shalt  }
0x78: {  	_ =	shalt  }
0x79: {  	_ =	shalt  }
0x7a: {  	_ =	shalt  }
0x7b: {  	_ =	shalt  }
0x7c: {  	_ =	shalt  }
0x7d: {  	_ =	shalt  }
0x7e: {  	_ =	shalt  }
0x7f: {  	_ =	shalt  }
0x80: {  	_ =	shalt  }
0x81: {  	_ =	shalt  }
0x82: {  	_ =	shalt  }
0x83: {  	_ =	shalt  }
0x84: {  	_ =	shalt  }
0x85: {  	_ =	shalt  }
0x86: {  	_ =	shalt  }
0x87: {  	_ =	shalt  }
.Lfunc_end0:
.L_simem_size_0:
called_computation.3_lowered:
.L_overlay_start_0:
0x88: {  	s2 =	sld [smem:$0x3FD9]  }
0x89: {  	s3 =	sld [smem:$0x3FFE];
	_ =	sdelay $0x1  }
0x8a: {  	s1 =	srdreg.scid  }
0x8b: {  	s0 =	sand.u32 $0x1, s1  }
0x8c: {  	s17 =	sshll.u32 s0, $0xA;
	s2 =	sadd.s32 s3, s2  }
0x8d: {  	s2 =	sadd.s32 s2, s17  }
0x8e: {  	[smem:$0x3FB8] =	sst s2  }
0x8f: {  	_ = 	snop  }
0x90: {  	s2 =	sld [smem:$0x3FC8];
	(tm) =	ssettm $0x1  }
0x91: {  	s18 =	sld [smem:$0x3FFB];
	_ =	sdelay $0x3  }
0x92: {  	_ =	strace s18  }
0x93: {  	s3 =	sld [smem:$0x3FFC];
	_ =	sdelay $0x3  }
0x94: {  	_ =	strace s3  }
0x95: {  	s3 =	sld [smem:$0x3FFD];
	_ =	sdelay $0x3  }
0x96: {  	_ =	strace s3  }
0x97: {  	_ =	strace $0x8FFFFFFF  }
0x98: {  	s19 =	sld [smem:$0x3FDB];
	_ =	sdelay $0x1  }
0x99: {  	s4 =	simm.s32 $_scs_section_size  }
0x9a: {  	s5 =	simm.s32 $_size__tile_overlayer_lowered;
	s6 =	simm.s32 $_tile_overlayer_lowered  }
0x9b: {  	s22 =	simm.s32 $0x1BFF;
	s21 =	sshll.u32 s6, $0x1;
	s3 =	sadd.s32 s4, s19  }
0x9c: {  	s7 =	simm.s32 $0x0;
	s20 =	sshll.u32 s5, $0x1;
	s5 =	sadd.s32 s21, s3  }
0x9d: {  	[timem:s7], [sflag:s22] =	dma.local [hbm:s5], s20  }
0x9e: {  	_ =	swait.ge [sflag:s22], s20  }
0x9f: {  	s4 =	ssub.s32 $0x0, s20;
	[sflag:s22] =	ssyncset.done $0x0  }
0xa0: {  	[sflag:s22] =	ssyncadd.s32 s4;
	_ =	sdelay $0x1  }
0xa1: {  	s23 =	simm.s32 $0x1B8B  }
0xa2: {  	_ =	swait.ge [sflag:s23], $0x1  }
0xa3: {  	[sflag:s23] =	ssyncset.done $0x0  }
0xa4: {  	s25 =	simm.s32 $0x1B8E;
	s24 =	sld [smem:$0x3FFE];
	[sflag:s23] =	ssyncadd.s32 $0xFFFFFFFF  }
0xa5: {  	s26 =	simm.s32 $execute0_lowered;
	[smem:$0x3FD2] =	sst s25  }
0xa6: {  	s5 =	sshll.u32 s26, $0x1;
	_ =	strace $0x80000049;
	[dreg:$0x1] =	wrdreg $0xFFFFFFFF  }
0xa7: {  	s28 =	simm.s32 $_size_execute0_lowered;
	s3 =	sadd.s32 s3, s5;
	[dreg:$0x0] =	wrdreg $0x0  }
0xa8: {  	s5 =	sshll.u32 s28, $0x1;
	[dreg:$0x2] =	wrdreg s3  }
0xa9: {  	[dreg:$0x3] =	wrdreg s5  }
0xaa: {  	[dreg:$0x4] =	wrdreg $0xC0  }
0xab: {  	_ =	task [dreg:s7], $0x5FFFF  }
0xac: {  	[dreg:$0x1] =	wrdreg $0xFFFFFFFF  }
0xad: {  	[dreg:$0x0] =	wrdreg $0x60  }
0xae: {  	[dreg:$0x2] =	wrdreg s24  }
0xaf: {  	[dreg:$0x3] =	wrdreg s2  }
0xb0: {  	[dreg:$0x4] =	wrdreg $0x82000  }
0xb1: {  	[dreg:$0x5] =	wrdreg $0x9  }
0xb2: {  	_ =	task.clear_ibuf [dreg:s7], $0x6FFFF;
	_ =	strace $0x90000049  }
0xb3: {  	s29 =	simm.s32 $0x9;
	_ =	strace $0x8000004B  }
0xb4: {  	_ =	swait.ge [sflag:s29], $0x1  }
0xb5: {  	[sflag:s29] =	ssyncadd.s32 $0xFFFFFFFF  }
0xb6: {  	_ =	strace $0x9000004B  }
0xb7: {  	_ =	sfence  }
0xb8: {  	s30 =	sld [smem:$0x0];
	_ =	sdelay $0x2  }
0xb9: {  	s31 =	sshll.u32 s1, $0xD;
	s1 =	sshrl.u32 s1, $0x2  }
0xba: {  	s3 =	sand.u32 $0x4000, s31;
	s1 =	sadd.s32 s1, s30  }
0xbb: {  	s0 =	sor.u32 s3, s0;
	s1 =	sshll.u32 s1, $0x11  }
0xbc: {  	s0 =	sor.u32 s1, s0  }
0xbd: {  	s0 =	sadd.s32 $0x8F2B, s0  }
0xbe: {  	[sflag:s0] =	ssyncadd.remote.s32 $0x1  }
0xbf: {  	_ =	sfence.sel $0xFFFF  }
0xc0: {  	[dreg:$0x0] =	wrdreg $0xFFFFFFFF;
	(pc) =	sbr.abs _section_cstart, $3  }
0xc1: {  	[dreg:$0x1] =	wrdreg $0xFFFFFFFF  }
0xc2: {  	_ =	task.clear_ibuf [dreg:s7], $0x2FFFF;
	_ =	strace $0x9FFFFFFF  }
0xc3: {  	(tm) =	ssettm $0x7FFFFFFF  }
tec
execute0_lowered:
.L_overlay_start_1:
0x0: {  	(tag) =	ssettag $0x1  }
0x1: {  	s6 =	rddreg [dreg:$0x0]  }
0x2: {  	s13 =	rddreg [dreg:$0x1]  }
0x3: {  	s1 =	rddreg [dreg:$0x2]  }
0x4: {  	s3 =	simm.s32 $0x0;
	s0 =	stileid.u32;
	s5 =	srdreg.scid  }
0x5: {  	s19 =	simm.s32 $0x80;
	s20 =	simm.s32 $0x200;
	s21 =	simm.s32 $0x100  }
0x6: {  	s22 =	simm.s32 $0x4200;
	s23 =	simm.s32 $0x1;
	s24 =	simm.s32 $0x2  }
0x7: {  	s25 =	simm.s32 $0x180;
	[smem:$0x7FF] =	sst s3;
	s10 =	smul.u32 $0x2800, s0  }
0x8: {  	s4 =	sadd.s32 $0x4200, s6;
	s7 =	sand.u32 $0x1, s5;
	s9 =	smul.u32 $0x4E, s0  }
0x9: {  	s5 =	sadd.s32 $0x2C200, s6;
	s14 =	smin.u32 s0, $0x2;
	s12 =	smul.u32 $0x50000, s0  }
0xa: {  	s18 =	smul.u32 $0x9C0, s0;
	p1 =	sgt.u32 s0, $0x1;
	p2 =	slt.u32 s0, $0x2  }
0xb: {  	_ =	strace $0x8000004A;
	s8 =	ssub.s32 $0x2, s7;
	p0 =	seq.s32 s7, $0x1  }
0xc: {  	s31 =	sshll.u32 s14, $0x5;
	s11 =	sshrl.u32 s8, $0x1;
	s15 =	sadd.s32 s10, s6  }
0xd: {  	s26 =	sadd.s32 s14, s9;
	s28 =	sshrl.u32 s12, $0x2;
	s6 =	sadd.s32 s4, s10  }
0xe: {  	s10 =	sadd.s32 s5, s10;
	s30 =	sadd.s32 s18, s13;
	s18 =	simm.s32 $0x3  }
.Ltmp0:
0xf: {  	s16 =	ssub.s32 s8, s11;
	s29 =	sshll.u32 s26, $0x5;
	(pc) =	sbr.rel .LBB2_1-.Ltmp0, $4  }
0x10: {  	s17 =	sadd.s32 s28, s1;
	s9 =	sadd.s32 $0x7C200, s15;
	s11 =	sadd.s32 $0xA4200, s15  }
0x11: {  	s15 =	sadd.s32 s31, s30;
	s26 =	simm.s32 $0x0;
	s7 =	sadd.s32 s13, s29  }
0x12: {  	s12 =	smax.u32 s16, $0x1;
	s13 =	sshll.u32 s0, $0x6;
	s17 =	sshrl.u32 s17, $0x3  }
0x13: {  	s8 =	sadd.s32 $0x9C0, s7;
	s14 =	sadd.s32 $0x9A0, s7;
	s16 =	sor.u32 $0x1C03, s13  }
.LBB2_8:
0x14: {  	[tilespmem:s3], [sflag:$0x3] =	stream.linear.gather [hbm4b:s8+s3], $0x100, $0x38;
	[tilespmem:$0x1C200] =	vst v63  }
0x15: {  	_ =	swait.ge [sflag:s18], $0x100  }
0x16: {  	[sflag:s18] =	ssyncset.done $0x0  }
0x17: {  	[sflag:s18] =	ssyncadd.s32 $0xFFFFFF00  }
0x18: {  	[tilespmem:s20], [sflag:$0x3] =	stream.indirect.gather [hbm4b:s30+s19], $0x80, s3, s19, $0xb8;
	[tilespmem:$0x1C200] =	vst v63  }
0x19: {  	_ =	swait.ge [sflag:s18], $0x4000  }
0x1a: {  	[sflag:s18] =	ssyncset.done $0x0  }
0x1b: {  	[sflag:s18] =	ssyncadd.s32 $0xFFFFC000  }
0x1c: {  	[spmem:s1] =	stream.indirect.scatter.add.f32 [tilespmem:s20], [sflag:$0x3], $0x80, s19, s19, $0xb8;
	[tilespmem:$0x1C200] =	vst v63  }
0x1d: {  	_ =	swait.ge [sflag:s18], $0x4000  }
0x1e: {  	[sflag:s18] =	ssyncset.done $0x0  }
0x1f: {  	[sflag:s18] =	ssyncadd.s32 $0xFFFFC000  }
.LBB2_9:
0x20: {  	s26 =	sadd.s32 $0x1, s26  }
0x21: {  	p3 =	sne.s32 s26, s12  }
.Ltmp1:
0x22: {  	[bflag:$0x0] =	sbarrier.arrive $0xFFFF;
	(pc) =	sbr.rel @!p3 .LBB2_10-.Ltmp1, $4  }
0x23: {  	[hbm:s29], [sflag:s28] =	dma.local [spmem:s17], $0x2800  }
0x24: {  	_ =	swait.ge [sflag:s18], $0x2800  }
0x25: {  	[sflag:s18] =	ssyncset.done $0x0  }
0x26: {  	[sflag:s18] =	ssyncadd.s32 $0xFFFFD800  }
.LBB2_1:
.Ltmp2:
0x27: {  	(pc) =	sbr.rel @!p0 .LBB2_2-.Ltmp2, $1  }
0x28: {  	_ =	sdelay $0x3  }
0x29: {  	[spmem:s17], [sflag:s16] =	dma.local [hbm:s10], $0x2800  }
0x2a: {  	_ =	swait.ge [sflag:s18], $0x2800  }
0x2b: {  	[sflag:s18] =	ssyncset.done $0x0  }
0x2c: {  	[sflag:s18] =	ssyncadd.s32 $0xFFFFD800  }
0x2d: {  	[bflag:$0x0] =	sbarrier.arrive $0xFFFF  }
0x2e: {  	[tilespmem:s3], [sflag:$0x3] =	stream.linear.gather [hbm4b:s7+s3], $0x100, $0x38;
	[tilespmem:$0x1C200] =	vst v63  }
0x2f: {  	_ =	swait.ge [sflag:s18], $0x100  }
0x30: {  	[sflag:s18] =	ssyncset.done $0x0  }
0x31: {  	s0 =	sadd.s32 $0xFFFFF680, s15;
	[sflag:s18] =	ssyncadd.s32 $0xFFFFFF00  }
0x32: {  	[tilespmem:s20], [sflag:$0x1] =	stream.indirect.gather [hbm4b:s5+s19], $0x80, s3, s19, $0xb8;
	[tilespmem:$0x1C200] =	vst v63  }
0x33: {  	s2 =	sadd.s32 $0x9A0, s0  }
0x34: {  	[tilespmem:s21], [sflag:$0x3] =	stream.linear.gather [hbm4b:s2+s3], $0x100, $0x38;
	[tilespmem:$0x1C200] =	vst v63  }
0x35: {  	_ =	swait.ge [sflag:s18], $0x100  }
0x36: {  	[sflag:s18] =	ssyncset.done $0x0  }
0x37: {  	[sflag:s18] =	ssyncadd.s32 $0xFFFFFF00  }
0x38: {  	[tilespmem:s22], [sflag:$0x2] =	stream.indirect.gather [hbm4b:s5+s19], $0x80, s21, s19, $0xb8;
	[tilespmem:$0x1C200] =	vst v63  }
0x39: {  	_ =	swait.ge [sflag:s23], $0x4000  }
0x3a: {  	[sflag:s23] =	ssyncset.done $0x0  }
0x3b: {  	[sflag:s23] =	ssyncadd.s32 $0xFFFFC000  }
0x3c: {  	[spmem:s1] =	stream.indirect.scatter.add.f32 [tilespmem:s20], [sflag:$0x3], $0x80, s19, s19, $0xb8;
	[tilespmem:$0x1C200] =	vst v63  }
0x3d: {  	_ =	swait.ge [sflag:s18], $0x4000  }
0x3e: {  	[sflag:s18] =	ssyncset.done $0x0  }
0x3f: {  	s0 =	sadd.s32 $0x9C0, s0;
	[sflag:s18] =	ssyncadd.s32 $0xFFFFC000  }
0x40: {  	[tilespmem:s3], [sflag:$0x3] =	stream.linear.gather [hbm4b:s0+s3], $0x100, $0x38;
	[tilespmem:$0x1C200] =	vst v63  }
0x41: {  	_ =	swait.ge [sflag:s18], $0x100  }
0x42: {  	[sflag:s18] =	ssyncset.done $0x0  }
0x43: {  	[sflag:s18] =	ssyncadd.s32 $0xFFFFFF00  }
0x44: {  	[tilespmem:s20], [sflag:$0x1] =	stream.indirect.gather [hbm4b:s5+s19], $0x80, s3, s19, $0xb8;
	[tilespmem:$0x1C200] =	vst v63  }
0x45: {  	_ =	swait.ge [sflag:s24], $0x4000  }
0x46: {  	[sflag:s24] =	ssyncset.done $0x0  }
0x47: {  	[sflag:s24] =	ssyncadd.s32 $0xFFFFC000  }
0x48: {  	[spmem:s1] =	stream.indirect.scatter.add.f32 [tilespmem:s22], [sflag:$0x3], $0x80, s25, s19, $0xb8;
	[tilespmem:$0x1C200] =	vst v63  }
0x49: {  	_ =	swait.ge [sflag:s18], $0x4000  }
0x4a: {  	s29 =	simm.s32 $0xFFFFF700;
	s28 =	sadd.s32 $0xFFFFF6C0, s15;
	[sflag:s18] =	ssyncset.done $0x0  }
.LBB2_6:
0x4b: {  	s0 =	sadd.s32 $0x9A0, s28  }
0x4c: {  	[sflag:s18] =	ssyncadd.s32 $0xFFFFC000;
	s2 =	smov.u32 s29;
	s30 =	sadd.s32 $0x40, s29  }
0x4d: {  	[tilespmem:s21], [sflag:$0x3] =	stream.linear.gather [hbm4b:s0+s3], $0x100, $0x38;
	[tilespmem:$0x1C200] =	vst v63  }
0x4e: {  	p3 =	sne.s32 s29, $0xFFFFFFC0;
	_ =	swait.ge [sflag:s18], $0x100  }
0x4f: {  	[sflag:s18] =	ssyncset.done $0x0  }
0x50: {  	[sflag:s18] =	ssyncadd.s32 $0xFFFFFF00  }
0x51: {  	[tilespmem:s22], [sflag:$0x2] =	stream.indirect.gather [hbm4b:s5+s19], $0x80, s21, s19, $0xb8;
	[tilespmem:$0x1C200] =	vst v63  }
0x52: {  	_ =	swait.ge [sflag:s23], $0x4000  }
0x53: {  	[sflag:s23] =	ssyncset.done $0x0  }
0x54: {  	[sflag:s23] =	ssyncadd.s32 $0xFFFFC000  }
0x55: {  	[spmem:s1] =	stream.indirect.scatter.add.f32 [tilespmem:s20], [sflag:$0x3], $0x80, s19, s19, $0xb8;
	[tilespmem:$0x1C200] =	vst v63  }
0x56: {  	_ =	swait.ge [sflag:s18], $0x4000  }
0x57: {  	[sflag:s18] =	ssyncset.done $0x0  }
0x58: {  	s0 =	sadd.s32 $0x9C0, s28;
	[sflag:s18] =	ssyncadd.s32 $0xFFFFC000  }
0x59: {  	[tilespmem:s3], [sflag:$0x3] =	stream.linear.gather [hbm4b:s0+s3], $0x100, $0x38;
	[tilespmem:$0x1C200] =	vst v63  }
0x5a: {  	_ =	swait.ge [sflag:s18], $0x100  }
0x5b: {  	[sflag:s18] =	ssyncset.done $0x0  }
0x5c: {  	[sflag:s18] =	ssyncadd.s32 $0xFFFFFF00  }
0x5d: {  	[tilespmem:s20], [sflag:$0x1] =	stream.indirect.gather [hbm4b:s5+s19], $0x80, s3, s19, $0xb8;
	[tilespmem:$0x1C200] =	vst v63  }
0x5e: {  	_ =	swait.ge [sflag:s24], $0x4000  }
.Ltmp3:
0x5f: {  	[sflag:s24] =	ssyncset.done $0x0;
	(pc) =	sbr.rel @p3 .LBB2_6-.Ltmp3, $4  }
0x60: {  	[sflag:s24] =	ssyncadd.s32 $0xFFFFC000  }
0x61: {  	[spmem:s1] =	stream.indirect.scatter.add.f32 [tilespmem:s22], [sflag:$0x3], $0x80, s25, s19, $0xb8;
	[tilespmem:$0x1C200] =	vst v63  }
0x62: {  	_ =	swait.ge [sflag:s18], $0x4000  }
0x63: {  	s28 =	sadd.s32 s2, s15;
	s29 =	smov.u32 s30;
	[sflag:s18] =	ssyncset.done $0x0  }
0x64: {  	s0 =	sadd.s32 $0x9A0, s28;
	[sflag:s18] =	ssyncadd.s32 $0xFFFFC000  }
0x65: {  	[tilespmem:s21], [sflag:$0x3] =	stream.linear.gather [hbm4b:s0+s3], $0x100, $0x38;
	[tilespmem:$0x1C200] =	vst v63  }
0x66: {  	_ =	swait.ge [sflag:s18], $0x100  }
0x67: {  	[sflag:s18] =	ssyncset.done $0x0  }
0x68: {  	[sflag:s18] =	ssyncadd.s32 $0xFFFFFF00  }
0x69: {  	[tilespmem:s22], [sflag:$0x2] =	stream.indirect.gather [hbm4b:s5+s19], $0x80, s21, s19, $0xb8;
	[tilespmem:$0x1C200] =	vst v63  }
0x6a: {  	_ =	swait.ge [sflag:s23], $0x4000  }
0x6b: {  	[sflag:s23] =	ssyncset.done $0x0  }
0x6c: {  	[sflag:s23] =	ssyncadd.s32 $0xFFFFC000  }
0x6d: {  	[spmem:s1] =	stream.indirect.scatter.add.f32 [tilespmem:s20], [sflag:$0x3], $0x80, s19, s19, $0xb8;
	[tilespmem:$0x1C200] =	vst v63  }
0x6e: {  	_ =	swait.ge [sflag:s18], $0x4000  }
0x6f: {  	[sflag:s18] =	ssyncset.done $0x0  }
0x70: {  	s31 =	sadd.s32 $0x9C0, s28;
	[sflag:s18] =	ssyncadd.s32 $0xFFFFC000  }
0x71: {  	[tilespmem:s3], [sflag:$0x3] =	stream.linear.gather [hbm4b:s31+s3], $0x100, $0x38;
	[tilespmem:$0x1C200] =	vst v63  }
0x72: {  	_ =	swait.ge [sflag:s18], $0x100  }
0x73: {  	[sflag:s18] =	ssyncset.done $0x0  }
0x74: {  	[sflag:s18] =	ssyncadd.s32 $0xFFFFFF00  }
0x75: {  	[tilespmem:s20], [sflag:$0x1] =	stream.indirect.gather [hbm4b:s5+s19], $0x80, s3, s19, $0xb8;
	[tilespmem:$0x1C200] =	vst v63  }
0x76: {  	_ =	swait.ge [sflag:s24], $0x4000  }
0x77: {  	[sflag:s24] =	ssyncset.done $0x0  }
0x78: {  	[sflag:s24] =	ssyncadd.s32 $0xFFFFC000  }
0x79: {  	[spmem:s1] =	stream.indirect.scatter.add.f32 [tilespmem:s22], [sflag:$0x3], $0x80, s25, s19, $0xb8;
	[tilespmem:$0x1C200] =	vst v63  }
0x7a: {  	_ =	swait.ge [sflag:s18], $0x4000  }
0x7b: {  	[sflag:s18] =	ssyncset.done $0x0  }
0x7c: {  	[sflag:s18] =	ssyncadd.s32 $0xFFFFC000  }
0x7d: {  	[tilespmem:s21], [sflag:$0x3] =	stream.linear.gather [hbm4b:s14+s3], $0x100, $0x38;
	[tilespmem:$0x1C200] =	vst v63  }
0x7e: {  	_ =	swait.ge [sflag:s18], $0x100  }
0x7f: {  	[sflag:s18] =	ssyncset.done $0x0  }
0x80: {  	[sflag:s18] =	ssyncadd.s32 $0xFFFFFF00  }
0x81: {  	[tilespmem:s22], [sflag:$0x2] =	stream.indirect.gather [hbm4b:s5+s19], $0x80, s21, s19, $0xb8;
	[tilespmem:$0x1C200] =	vst v63  }
0x82: {  	_ =	swait.ge [sflag:s23], $0x4000  }
0x83: {  	[sflag:s23] =	ssyncset.done $0x0  }
0x84: {  	[sflag:s23] =	ssyncadd.s32 $0xFFFFC000  }
0x85: {  	[spmem:s1] =	stream.indirect.scatter.add.f32 [tilespmem:s20], [sflag:$0x3], $0x80, s19, s19, $0xb8;
	[tilespmem:$0x1C200] =	vst v63  }
0x86: {  	_ =	swait.ge [sflag:s18], $0x4000  }
0x87: {  	[sflag:s18] =	ssyncset.done $0x0  }
0x88: {  	[sflag:s18] =	ssyncadd.s32 $0xFFFFC000  }
0x89: {  	_ =	swait.ge [sflag:s24], $0x4000  }
0x8a: {  	[sflag:s24] =	ssyncset.done $0x0  }
0x8b: {  	[sflag:s24] =	ssyncadd.s32 $0xFFFFC000  }
0x8c: {  	[spmem:s1] =	stream.indirect.scatter.add.f32 [tilespmem:s22], [sflag:$0x3], $0x80, s25, s19, $0xb8;
	[tilespmem:$0x1C200] =	vst v63  }
.Ltmp4:
0x8d: {  	_ = 	snop;
	(pc) =	sbr.rel @p1 .LBB2_9-.Ltmp4, $4  }
.Ltmp5:
0x8e: {  	_ = 	snop;
	(pc) =	sbr.rel @!p1 .LBB2_8-.Ltmp5, $4  }
0x8f: {  	_ =	swait.ge [sflag:s18], $0x4000  }
0x90: {  	s30 =	smov.u32 s5;
	[sflag:s18] =	ssyncset.done $0x0  }
0x91: {  	s29 =	smov.u32 s11;
	s28 =	smov.u32 s16;
	[sflag:s18] =	ssyncadd.s32 $0xFFFFC000  }
0x92: {  	_ = 	snop  }
.LBB2_2:
0x93: {  	s28 =	sor.u32 $0x1C03, s13  }
0x94: {  	[spmem:s17], [sflag:s28] =	dma.local [hbm:s6], $0x2800  }
0x95: {  	_ =	swait.ge [sflag:s18], $0x2800  }
0x96: {  	[sflag:s18] =	ssyncset.done $0x0  }
0x97: {  	[sflag:s18] =	ssyncadd.s32 $0xFFFFD800  }
0x98: {  	[bflag:$0x0] =	sbarrier.arrive $0xFFFF  }
0x99: {  	[tilespmem:s3], [sflag:$0x3] =	stream.linear.gather [hbm4b:s7+s3], $0x100, $0x38;
	[tilespmem:$0x1C200] =	vst v63  }
0x9a: {  	_ =	swait.ge [sflag:s18], $0x100  }
0x9b: {  	[sflag:s18] =	ssyncset.done $0x0  }
0x9c: {  	s29 =	sadd.s32 $0xFFFFF680, s15;
	[sflag:s18] =	ssyncadd.s32 $0xFFFFFF00  }
0x9d: {  	[tilespmem:s20], [sflag:$0x1] =	stream.indirect.gather [hbm4b:s4+s19], $0x80, s3, s19, $0xb8;
	[tilespmem:$0x1C200] =	vst v63  }
0x9e: {  	s30 =	sadd.s32 $0x9A0, s29  }
0x9f: {  	[tilespmem:s21], [sflag:$0x3] =	stream.linear.gather [hbm4b:s30+s3], $0x100, $0x38;
	[tilespmem:$0x1C200] =	vst v63  }
0xa0: {  	_ =	swait.ge [sflag:s18], $0x100  }
0xa1: {  	[sflag:s18] =	ssyncset.done $0x0  }
0xa2: {  	[sflag:s18] =	ssyncadd.s32 $0xFFFFFF00  }
0xa3: {  	[tilespmem:s22], [sflag:$0x2] =	stream.indirect.gather [hbm4b:s4+s19], $0x80, s21, s19, $0xb8;
	[tilespmem:$0x1C200] =	vst v63  }
0xa4: {  	_ =	swait.ge [sflag:s23], $0x4000  }
0xa5: {  	[sflag:s23] =	ssyncset.done $0x0  }
0xa6: {  	[sflag:s23] =	ssyncadd.s32 $0xFFFFC000  }
0xa7: {  	[spmem:s1] =	stream.indirect.scatter.add.f32 [tilespmem:s20], [sflag:$0x3], $0x80, s19, s19, $0xb8;
	[tilespmem:$0x1C200] =	vst v63  }
0xa8: {  	_ =	swait.ge [sflag:s18], $0x4000  }
0xa9: {  	[sflag:s18] =	ssyncset.done $0x0  }
0xaa: {  	s29 =	sadd.s32 $0x9C0, s29;
	[sflag:s18] =	ssyncadd.s32 $0xFFFFC000  }
0xab: {  	[tilespmem:s3], [sflag:$0x3] =	stream.linear.gather [hbm4b:s29+s3], $0x100, $0x38;
	[tilespmem:$0x1C200] =	vst v63  }
0xac: {  	_ =	swait.ge [sflag:s18], $0x100  }
0xad: {  	[sflag:s18] =	ssyncset.done $0x0  }
0xae: {  	[sflag:s18] =	ssyncadd.s32 $0xFFFFFF00  }
0xaf: {  	[tilespmem:s20], [sflag:$0x1] =	stream.indirect.gather [hbm4b:s4+s19], $0x80, s3, s19, $0xb8;
	[tilespmem:$0x1C200] =	vst v63  }
0xb0: {  	_ =	swait.ge [sflag:s24], $0x4000  }
0xb1: {  	[sflag:s24] =	ssyncset.done $0x0  }
0xb2: {  	[sflag:s24] =	ssyncadd.s32 $0xFFFFC000  }
0xb3: {  	[spmem:s1] =	stream.indirect.scatter.add.f32 [tilespmem:s22], [sflag:$0x3], $0x80, s25, s19, $0xb8;
	[tilespmem:$0x1C200] =	vst v63  }
0xb4: {  	_ =	swait.ge [sflag:s18], $0x4000  }
0xb5: {  	s30 =	simm.s32 $0xFFFFF700;
	s29 =	sadd.s32 $0xFFFFF6C0, s15;
	[sflag:s18] =	ssyncset.done $0x0  }
.LBB2_3:
0xb6: {  	s31 =	sadd.s32 $0x9A0, s29  }
0xb7: {  	[sflag:s18] =	ssyncadd.s32 $0xFFFFC000;
	s0 =	smov.u32 s30;
	s2 =	sadd.s32 $0x40, s30  }
0xb8: {  	[tilespmem:s21], [sflag:$0x3] =	stream.linear.gather [hbm4b:s31+s3], $0x100, $0x38;
	[tilespmem:$0x1C200] =	vst v63  }
0xb9: {  	p3 =	sne.s32 s30, $0xFFFFFFC0;
	_ =	swait.ge [sflag:s18], $0x100  }
0xba: {  	[sflag:s18] =	ssyncset.done $0x0  }
0xbb: {  	[sflag:s18] =	ssyncadd.s32 $0xFFFFFF00  }
0xbc: {  	[tilespmem:s22], [sflag:$0x2] =	stream.indirect.gather [hbm4b:s4+s19], $0x80, s21, s19, $0xb8;
	[tilespmem:$0x1C200] =	vst v63  }
0xbd: {  	_ =	swait.ge [sflag:s23], $0x4000  }
0xbe: {  	[sflag:s23] =	ssyncset.done $0x0  }
0xbf: {  	[sflag:s23] =	ssyncadd.s32 $0xFFFFC000  }
0xc0: {  	[spmem:s1] =	stream.indirect.scatter.add.f32 [tilespmem:s20], [sflag:$0x3], $0x80, s19, s19, $0xb8;
	[tilespmem:$0x1C200] =	vst v63  }
0xc1: {  	_ =	swait.ge [sflag:s18], $0x4000  }
0xc2: {  	[sflag:s18] =	ssyncset.done $0x0  }
0xc3: {  	s29 =	sadd.s32 $0x9C0, s29;
	[sflag:s18] =	ssyncadd.s32 $0xFFFFC000  }
0xc4: {  	[tilespmem:s3], [sflag:$0x3] =	stream.linear.gather [hbm4b:s29+s3], $0x100, $0x38;
	[tilespmem:$0x1C200] =	vst v63  }
0xc5: {  	_ =	swait.ge [sflag:s18], $0x100  }
0xc6: {  	[sflag:s18] =	ssyncset.done $0x0  }
0xc7: {  	[sflag:s18] =	ssyncadd.s32 $0xFFFFFF00  }
0xc8: {  	[tilespmem:s20], [sflag:$0x1] =	stream.indirect.gather [hbm4b:s4+s19], $0x80, s3, s19, $0xb8;
	[tilespmem:$0x1C200] =	vst v63  }
0xc9: {  	_ =	swait.ge [sflag:s24], $0x4000  }
.Ltmp6:
0xca: {  	[sflag:s24] =	ssyncset.done $0x0;
	(pc) =	sbr.rel @p3 .LBB2_3-.Ltmp6, $4  }
0xcb: {  	[sflag:s24] =	ssyncadd.s32 $0xFFFFC000  }
0xcc: {  	[spmem:s1] =	stream.indirect.scatter.add.f32 [tilespmem:s22], [sflag:$0x3], $0x80, s25, s19, $0xb8;
	[tilespmem:$0x1C200] =	vst v63  }
0xcd: {  	_ =	swait.ge [sflag:s18], $0x4000  }
0xce: {  	s30 =	smov.u32 s2;
	s29 =	sadd.s32 s0, s15;
	[sflag:s18] =	ssyncset.done $0x0  }
0xcf: {  	s0 =	sadd.s32 $0x9A0, s29;
	[sflag:s18] =	ssyncadd.s32 $0xFFFFC000  }
0xd0: {  	[tilespmem:s21], [sflag:$0x3] =	stream.linear.gather [hbm4b:s0+s3], $0x100, $0x38;
	[tilespmem:$0x1C200] =	vst v63  }
0xd1: {  	_ =	swait.ge [sflag:s18], $0x100  }
0xd2: {  	[sflag:s18] =	ssyncset.done $0x0  }
0xd3: {  	[sflag:s18] =	ssyncadd.s32 $0xFFFFFF00  }
0xd4: {  	[tilespmem:s22], [sflag:$0x2] =	stream.indirect.gather [hbm4b:s4+s19], $0x80, s21, s19, $0xb8;
	[tilespmem:$0x1C200] =	vst v63  }
0xd5: {  	_ =	swait.ge [sflag:s23], $0x4000  }
0xd6: {  	[sflag:s23] =	ssyncset.done $0x0  }
0xd7: {  	[sflag:s23] =	ssyncadd.s32 $0xFFFFC000  }
0xd8: {  	[spmem:s1] =	stream.indirect.scatter.add.f32 [tilespmem:s20], [sflag:$0x3], $0x80, s19, s19, $0xb8;
	[tilespmem:$0x1C200] =	vst v63  }
0xd9: {  	_ =	swait.ge [sflag:s18], $0x4000  }
0xda: {  	[sflag:s18] =	ssyncset.done $0x0  }
0xdb: {  	s31 =	sadd.s32 $0x9C0, s29;
	[sflag:s18] =	ssyncadd.s32 $0xFFFFC000  }
0xdc: {  	[tilespmem:s3], [sflag:$0x3] =	stream.linear.gather [hbm4b:s31+s3], $0x100, $0x38;
	[tilespmem:$0x1C200] =	vst v63  }
0xdd: {  	_ =	swait.ge [sflag:s18], $0x100  }
0xde: {  	[sflag:s18] =	ssyncset.done $0x0  }
0xdf: {  	[sflag:s18] =	ssyncadd.s32 $0xFFFFFF00  }
0xe0: {  	[tilespmem:s20], [sflag:$0x1] =	stream.indirect.gather [hbm4b:s4+s19], $0x80, s3, s19, $0xb8;
	[tilespmem:$0x1C200] =	vst v63  }
0xe1: {  	_ =	swait.ge [sflag:s24], $0x4000  }
0xe2: {  	[sflag:s24] =	ssyncset.done $0x0  }
0xe3: {  	[sflag:s24] =	ssyncadd.s32 $0xFFFFC000  }
0xe4: {  	[spmem:s1] =	stream.indirect.scatter.add.f32 [tilespmem:s22], [sflag:$0x3], $0x80, s25, s19, $0xb8;
	[tilespmem:$0x1C200] =	vst v63  }
0xe5: {  	_ =	swait.ge [sflag:s18], $0x4000  }
0xe6: {  	[sflag:s18] =	ssyncset.done $0x0  }
0xe7: {  	[sflag:s18] =	ssyncadd.s32 $0xFFFFC000  }
0xe8: {  	[tilespmem:s21], [sflag:$0x3] =	stream.linear.gather [hbm4b:s14+s3], $0x100, $0x38;
	[tilespmem:$0x1C200] =	vst v63  }
0xe9: {  	_ =	swait.ge [sflag:s18], $0x100  }
0xea: {  	[sflag:s18] =	ssyncset.done $0x0  }
0xeb: {  	[sflag:s18] =	ssyncadd.s32 $0xFFFFFF00  }
0xec: {  	[tilespmem:s22], [sflag:$0x2] =	stream.indirect.gather [hbm4b:s4+s19], $0x80, s21, s19, $0xb8;
	[tilespmem:$0x1C200] =	vst v63  }
0xed: {  	_ =	swait.ge [sflag:s23], $0x4000  }
0xee: {  	[sflag:s23] =	ssyncset.done $0x0  }
0xef: {  	[sflag:s23] =	ssyncadd.s32 $0xFFFFC000  }
0xf0: {  	[spmem:s1] =	stream.indirect.scatter.add.f32 [tilespmem:s20], [sflag:$0x3], $0x80, s19, s19, $0xb8;
	[tilespmem:$0x1C200] =	vst v63  }
0xf1: {  	_ =	swait.ge [sflag:s18], $0x4000  }
0xf2: {  	[sflag:s18] =	ssyncset.done $0x0  }
0xf3: {  	[sflag:s18] =	ssyncadd.s32 $0xFFFFC000  }
0xf4: {  	_ =	swait.ge [sflag:s24], $0x4000  }
0xf5: {  	[sflag:s24] =	ssyncset.done $0x0  }
0xf6: {  	[sflag:s24] =	ssyncadd.s32 $0xFFFFC000  }
0xf7: {  	[spmem:s1] =	stream.indirect.scatter.add.f32 [tilespmem:s22], [sflag:$0x3], $0x80, s25, s19, $0xb8;
	[tilespmem:$0x1C200] =	vst v63  }
.Ltmp7:
0xf8: {  	_ = 	snop;
	(pc) =	sbr.rel @p2 .LBB2_8-.Ltmp7, $4  }
.Ltmp8:
0xf9: {  	_ = 	snop;
	(pc) =	sbr.rel @!p2 .LBB2_9-.Ltmp8, $4  }
0xfa: {  	_ =	swait.ge [sflag:s18], $0x4000  }
0xfb: {  	[sflag:s18] =	ssyncset.done $0x0  }
0xfc: {  	s30 =	smov.u32 s4;
	s29 =	smov.u32 s9;
	[sflag:s18] =	ssyncadd.s32 $0xFFFFC000  }
0xfd: {  	_ = 	snop  }
.LBB2_10:
0xfe: {  	_ =	sfence.sel $0x180000  }
0xff: {  	[bflag:$0x0] =	sbarrier.arrive $0xFFFF  }
0x100: {  	_ =	strace $0x9000004A  }
0x101: {  	s0 =	stileid.u32;
	[bflag:$0x2] =	sbarrier.arrive $0xFFFF  }
0x102: {  	p0 =	sne.s32 s0, $0x0;
	s0 =	rddreg [dreg:$0x3]  }
0x103: {  	s0 =	sadd.s32 @!p0 $0x100000, s0  }
0x104: {  	[sflag:s0] =	ssyncadd.tile.s32 @!p0 $0x1;
	_ =	shalt  }
.Lfunc_end2:
_tile_overlayer_lowered:
.L_overlay_start_2:
0x105: {  	(tag) =	ssettag $0x2  }
0x106: {  	s0 =	rddreg [dreg:$0x0];
	s2 =	stileid.u32  }
0x107: {  	s1 =	rddreg [dreg:$0x1];
	p0 =	sne.s32 s2, $0x0  }
0x108: {  	s3 =	rddreg [dreg:$0x2];
	[bflag:$0x3] =	sbarrier.arrive $0xFFFF;
	s2 =	simm.s32 @!p0 $0x1C03  }
0x109: {  	[timem:s3], [sflag:s2] =	dma.local @!p0 [hbm:s0], s1  }
0x10a: {  	s0 =	simm.s32 @!p0 $0x3  }
0x10b: {  	_ =	swait.ge @!p0 [sflag:s0], s1  }
0x10c: {  	s1 =	ssub.s32 @!p0 $0x0, s1;
	[sflag:s0] =	ssyncset.done @!p0 $0x0  }
0x10d: {  	[sflag:s0] =	ssyncadd.s32 @!p0 s1  }
0x10e: {  	[bflag:$0x3] =	sbarrier.arrive $0xFFFF  }
0x10f: {  	_ =	shalt  }

// kernel: _run.16.cloned.1.call-start
scs
__scs_entry_jumppad:
0x0: {  	(pc) =	sbr.rel $0x88, $3  }
0x1: {  	(tag) =	ssettag $0x0;
	lr =	simm.s32 $0x1  }
0x2: {  	[smem:$0x3F91] =	sst lr;
	_ =	strace $0xD0000000  }
0x3: {  	_ = 	snop  }
0x4: {  	_ = 	snop  }
0x5: {  	_ = 	snop  }
0x6: {  	_ = 	snop  }
0x7: {  	_ = 	snop  }
__scs_overlays_trampoline_lowered:
0x8: {  	[smem:$0x3FA0] =	sst s0  }
0x9: {  	[smem:$0x3FA1] =	sst s1  }
0xa: {  	[smem:$0x3FA2] =	sst s2  }
0xb: {  	[smem:$0x3FA3] =	sst s3  }
0xc: {  	[smem:$0x3FA4] =	sst s4  }
0xd: {  	[smem:$0x3FA5] =	sst s5  }
0xe: {  	[smem:$0x3FA6] =	sst s6  }
0xf: {  	[smem:$0x3FA7] =	sst s7  }
0x10: {  	[smem:$0x3FA8] =	sst s8  }
0x11: {  	[smem:$0x3FA9] =	sst s9;
	s0 =	simm.s32 @!p0 $0x0  }
0x12: {  	s1 =	sld [smem:$0x3F8F];
	s0 =	simm.s32 @p0 $0x1  }
0x13: {  	[smem:$0x3FAA] =	sst s0;
	s0 =	simm.s32 @!p1 $0x0  }
0x14: {  	s2 =	sld [smem:$0x3F8E];
	s0 =	simm.s32 @p1 $0x1  }
0x15: {  	[smem:$0x3FAB] =	sst s0;
	s0 =	simm.s32 @!p2 $0x0  }
0x16: {  	s3 =	sld [smem:$0x3FDB];
	s0 =	simm.s32 @p2 $0x1  }
0x17: {  	s4 =	simm.s32 $0x1BF5;
	[smem:$0x3FAD] =	sst s0  }
0x18: {  	s0 =	sld [smem:$0x3F90];
	_ =	swait.ge [sflag:s4], $0x0  }
0x19: {  	s7 =	sld [smem:$0x3F91]  }
0x1a: {  	s8 =	sadd.s32 $0xFFFFE003, lr  }
0x1b: {  	s9 =	sadd.s32 $0xFFFFFEF7, lr;
	s5 =	simm.s32 $0xFFFFFFFF;
	p2 =	slt.u32 s8, $0xFFFFF086  }
0x1c: {  	p1 =	slt.u32 s9, $0xF7A;
	s5 =	simm.s32 @!p2 $0x0  }
0x1d: {  	s5 =	simm.s32 @p1 $0x1;
	p0 =	seq.s32 s7, s2  }
0x1e: {  	s7 =	smul.u32 @!p0 $0xF7A, s2;
	p2 =	seq.s32 @!p0 s5, $0x0  }
0x1f: {  	s9 =	smul.u32 $0xF7A, s1;
	s8 =	simm.s32 @!p0 $0x1BF5;
	p2 =	por !p2, p0  }
0x20: {  	[sflag:s8] =	ssyncset.s32 @!p0 $0xFFFFF086;
	s6 =	sadd.s32 @!p0 s3, s7;
	s7 =	simm.s32 @!p0 $0x108  }
0x21: {  	s3 =	sadd.s32 s3, s9;
	s6 =	sadd.s32 @!p0 $0x88, s6;
	s7 =	simm.s32 @p2 $0x1082  }
0x22: {  	[simem:s7], [sflag:s8] =	dma.local @!p0 [hbm:s6], $0xF7A  }
0x23: {  	s9 =	sor.u32 $0xD0000000, s2;
	s6 =	simm.s32 $0x108;
	_ =	swait.ge @!p0 [sflag:s8], $0x0  }
0x24: {  	s3 =	sadd.s32 $0x88, s3;
	s6 =	simm.s32 @!p1 $0x1082;
	[sflag:s4] =	ssyncset.s32 $0xFFFFF086  }
0x25: {  	[simem:s6], [sflag:s4] =	dma.local [hbm:s3], $0xF7A  }
0x26: {  	[smem:$0x3F91] =	sst s1;
	(tag) =	ssettag s2;
	_ =	strace s9  }
0x27: {  	s1 =	sld [smem:$0x3FA1]  }
0x28: {  	s2 =	sld [smem:$0x3FA2]  }
0x29: {  	s4 =	sld [smem:$0x3FA4]  }
0x2a: {  	p0 =	seq.s32 s5, $0x0;
	s5 =	sld [smem:$0x3FA5]  }
0x2b: {  	s6 =	sld [smem:$0x3FA6]  }
0x2c: {  	s7 =	sld [smem:$0x3FA7]  }
0x2d: {  	s3 =	simm.s32 $0x108;
	s8 =	sld [smem:$0x3FA8]  }
0x2e: {  	s3 =	simm.s32 @!p0 $0x1082;
	s9 =	sld [smem:$0x3FA9]  }
0x2f: {  	lr =	sadd.s32 s0, s3;
	s0 =	sld [smem:$0x3FA0]  }
0x30: {  	s3 =	sld [smem:$0x3FA3]  }
0x31: {  	[smem:$0x3FAC] =	sst s10  }
0x32: {  	s10 =	sld [smem:$0x3FAA];
	_ =	sdelay $0x3  }
0x33: {  	p0 =	seq.s32 s10, $0x1;
	s10 =	sld [smem:$0x3FAC];
	_ =	sdelay $0x3  }
0x34: {  	[smem:$0x3FAC] =	sst s10  }
0x35: {  	s10 =	sld [smem:$0x3FAB];
	_ =	sdelay $0x3  }
0x36: {  	p1 =	seq.s32 s10, $0x1;
	s10 =	sld [smem:$0x3FAC];
	_ =	sdelay $0x3  }
0x37: {  	[smem:$0x3FAC] =	sst s10  }
0x38: {  	s10 =	sld [smem:$0x3FAD]  }
0x39: {  	_ = 	snop;
	(pc) =	sbr.ind lr, $3  }
0x3a: {  	_ = 	snop  }
0x3b: {  	_ = 	snop  }
0x3c: {  	p2 =	seq.s32 s10, $0x1;
	s10 =	sld [smem:$0x3FAC]  }
0x3d: {  	_ =	shalt  }
0x3e: {  	_ =	shalt  }
0x3f: {  	_ =	shalt  }
0x40: {  	_ =	shalt  }
0x41: {  	_ =	shalt  }
0x42: {  	_ =	shalt  }
0x43: {  	_ =	shalt  }
0x44: {  	_ =	shalt  }
0x45: {  	_ =	shalt  }
0x46: {  	_ =	shalt  }
0x47: {  	_ =	shalt  }
0x48: {  	_ =	shalt  }
0x49: {  	_ =	shalt  }
0x4a: {  	_ =	shalt  }
0x4b: {  	_ =	shalt  }
0x4c: {  	_ =	shalt  }
0x4d: {  	_ =	shalt  }
0x4e: {  	_ =	shalt  }
0x4f: {  	_ =	shalt  }
0x50: {  	_ =	shalt  }
0x51: {  	_ =	shalt  }
0x52: {  	_ =	shalt  }
0x53: {  	_ =	shalt  }
0x54: {  	_ =	shalt  }
0x55: {  	_ =	shalt  }
0x56: {  	_ =	shalt  }
0x57: {  	_ =	shalt  }
0x58: {  	_ =	shalt  }
0x59: {  	_ =	shalt  }
0x5a: {  	_ =	shalt  }
0x5b: {  	_ =	shalt  }
0x5c: {  	_ =	shalt  }
0x5d: {  	_ =	shalt  }
0x5e: {  	_ =	shalt  }
0x5f: {  	_ =	shalt  }
0x60: {  	_ =	shalt  }
0x61: {  	_ =	shalt  }
0x62: {  	_ =	shalt  }
0x63: {  	_ =	shalt  }
0x64: {  	_ =	shalt  }
0x65: {  	_ =	shalt  }
0x66: {  	_ =	shalt  }
0x67: {  	_ =	shalt  }
0x68: {  	_ =	shalt  }
0x69: {  	_ =	shalt  }
0x6a: {  	_ =	shalt  }
0x6b: {  	_ =	shalt  }
0x6c: {  	_ =	shalt  }
0x6d: {  	_ =	shalt  }
0x6e: {  	_ =	shalt  }
0x6f: {  	_ =	shalt  }
0x70: {  	_ =	shalt  }
0x71: {  	_ =	shalt  }
0x72: {  	_ =	shalt  }
0x73: {  	_ =	shalt  }
0x74: {  	_ =	shalt  }
0x75: {  	_ =	shalt  }
0x76: {  	_ =	shalt  }
0x77: {  	_ =	shalt  }
0x78: {  	_ =	shalt  }
0x79: {  	_ =	shalt  }
0x7a: {  	_ =	shalt  }
0x7b: {  	_ =	shalt  }
0x7c: {  	_ =	shalt  }
0x7d: {  	_ =	shalt  }
0x7e: {  	_ =	shalt  }
0x7f: {  	_ =	shalt  }
0x80: {  	_ =	shalt  }
0x81: {  	_ =	shalt  }
0x82: {  	_ =	shalt  }
0x83: {  	_ =	shalt  }
0x84: {  	_ =	shalt  }
0x85: {  	_ =	shalt  }
0x86: {  	_ =	shalt  }
0x87: {  	_ =	shalt  }
.Lfunc_end0:
.L_simem_size_0:
called_computation.4_lowered:
.L_overlay_start_0:
0x88: {  	s2 =	sld [smem:$0x3FD9]  }
0x89: {  	s3 =	sld [smem:$0x3FFE];
	_ =	sdelay $0x1  }
0x8a: {  	s1 =	srdreg.scid  }
0x8b: {  	s0 =	sand.u32 $0x1, s1  }
0x8c: {  	s17 =	sshll.u32 s0, $0xA;
	s2 =	sadd.s32 s3, s2  }
0x8d: {  	s2 =	sadd.s32 s2, s17  }
0x8e: {  	[smem:$0x3FB8] =	sst s2  }
0x8f: {  	_ = 	snop  }
0x90: {  	s2 =	sld [smem:$0x3FC8];
	(tm) =	ssettm $0x1  }
0x91: {  	s18 =	sld [smem:$0x3FFB];
	_ =	sdelay $0x3  }
0x92: {  	_ =	strace s18  }
0x93: {  	s3 =	sld [smem:$0x3FFC];
	_ =	sdelay $0x3  }
0x94: {  	_ =	strace s3  }
0x95: {  	s3 =	sld [smem:$0x3FFD];
	_ =	sdelay $0x3  }
0x96: {  	_ =	strace s3  }
0x97: {  	_ =	strace $0x8FFFFFFF  }
0x98: {  	s19 =	sld [smem:$0x3FDB];
	_ =	sdelay $0x1  }
0x99: {  	s4 =	simm.s32 $_scs_section_size  }
0x9a: {  	s5 =	simm.s32 $_size__tile_overlayer_lowered;
	s6 =	simm.s32 $_tile_overlayer_lowered  }
0x9b: {  	s22 =	simm.s32 $0x1BFF;
	s21 =	sshll.u32 s6, $0x1;
	s3 =	sadd.s32 s4, s19  }
0x9c: {  	s7 =	simm.s32 $0x0;
	s20 =	sshll.u32 s5, $0x1;
	s5 =	sadd.s32 s21, s3  }
0x9d: {  	[timem:s7], [sflag:s22] =	dma.local [hbm:s5], s20  }
0x9e: {  	_ =	swait.ge [sflag:s22], s20  }
0x9f: {  	s4 =	ssub.s32 $0x0, s20;
	[sflag:s22] =	ssyncset.done $0x0  }
0xa0: {  	[sflag:s22] =	ssyncadd.s32 s4;
	_ =	sdelay $0x1  }
0xa1: {  	s23 =	simm.s32 $0x1B8B  }
0xa2: {  	_ =	swait.ge [sflag:s23], $0x1  }
0xa3: {  	[sflag:s23] =	ssyncset.done $0x0  }
0xa4: {  	s25 =	simm.s32 $0x1B8E;
	s24 =	sld [smem:$0x3FFE];
	[sflag:s23] =	ssyncadd.s32 $0xFFFFFFFF  }
0xa5: {  	s26 =	simm.s32 $execute0_lowered;
	[smem:$0x3FD2] =	sst s25  }
0xa6: {  	s5 =	sshll.u32 s26, $0x1;
	_ =	strace $0x8000004C;
	[dreg:$0x1] =	wrdreg $0xFFFFFFFF  }
0xa7: {  	s28 =	simm.s32 $_size_execute0_lowered;
	s3 =	sadd.s32 s3, s5;
	[dreg:$0x0] =	wrdreg $0x0  }
0xa8: {  	s5 =	sshll.u32 s28, $0x1;
	[dreg:$0x2] =	wrdreg s3  }
0xa9: {  	[dreg:$0x3] =	wrdreg s5  }
0xaa: {  	[dreg:$0x4] =	wrdreg $0xC0  }
0xab: {  	_ =	task [dreg:s7], $0x5FFFF  }
0xac: {  	[dreg:$0x1] =	wrdreg $0xFFFFFFFF  }
0xad: {  	[dreg:$0x0] =	wrdreg $0x60  }
0xae: {  	[dreg:$0x2] =	wrdreg s24  }
0xaf: {  	[dreg:$0x3] =	wrdreg s2  }
0xb0: {  	[dreg:$0x4] =	wrdreg $0x82000  }
0xb1: {  	[dreg:$0x5] =	wrdreg $0x9  }
0xb2: {  	_ =	task.clear_ibuf [dreg:s7], $0x6FFFF;
	_ =	strace $0x9000004C  }
0xb3: {  	s29 =	simm.s32 $0x9;
	_ =	strace $0x8000004E  }
0xb4: {  	_ =	swait.ge [sflag:s29], $0x1  }
0xb5: {  	[sflag:s29] =	ssyncadd.s32 $0xFFFFFFFF  }
0xb6: {  	_ =	strace $0x9000004E  }
0xb7: {  	_ =	sfence  }
0xb8: {  	s30 =	sld [smem:$0x0];
	_ =	sdelay $0x2  }
0xb9: {  	s31 =	sshll.u32 s1, $0xD;
	s1 =	sshrl.u32 s1, $0x2  }
0xba: {  	s3 =	sand.u32 $0x4000, s31;
	s1 =	sadd.s32 s1, s30  }
0xbb: {  	s0 =	sor.u32 s3, s0;
	s1 =	sshll.u32 s1, $0x11  }
0xbc: {  	s0 =	sor.u32 s1, s0  }
0xbd: {  	s0 =	sadd.s32 $0x8F2B, s0  }
0xbe: {  	[sflag:s0] =	ssyncadd.remote.s32 $0x1  }
0xbf: {  	_ =	sfence.sel $0xFFFF  }
0xc0: {  	[dreg:$0x0] =	wrdreg $0xFFFFFFFF;
	(pc) =	sbr.abs _section_cstart, $3  }
0xc1: {  	[dreg:$0x1] =	wrdreg $0xFFFFFFFF  }
0xc2: {  	_ =	task.clear_ibuf [dreg:s7], $0x2FFFF;
	_ =	strace $0x9FFFFFFF  }
0xc3: {  	(tm) =	ssettm $0x7FFFFFFF  }
tec
execute0_lowered:
.L_overlay_start_1:
0x0: {  	(tag) =	ssettag $0x1  }
0x1: {  	s6 =	rddreg [dreg:$0x0]  }
0x2: {  	s13 =	rddreg [dreg:$0x1]  }
0x3: {  	s1 =	rddreg [dreg:$0x2]  }
0x4: {  	s3 =	simm.s32 $0x0;
	s0 =	stileid.u32;
	s5 =	srdreg.scid  }
0x5: {  	s19 =	simm.s32 $0x80;
	s20 =	simm.s32 $0x200;
	s21 =	simm.s32 $0x100  }
0x6: {  	s22 =	simm.s32 $0x4200;
	s23 =	simm.s32 $0x1;
	s24 =	simm.s32 $0x2  }
0x7: {  	s25 =	simm.s32 $0x180;
	[smem:$0x7FF] =	sst s3;
	s10 =	smul.u32 $0x2800, s0  }
0x8: {  	s4 =	sadd.s32 $0x4200, s6;
	s7 =	sand.u32 $0x1, s5;
	s9 =	smul.u32 $0x4E, s0  }
0x9: {  	s5 =	sadd.s32 $0x2C200, s6;
	s14 =	smin.u32 s0, $0x2;
	s12 =	smul.u32 $0x50000, s0  }
0xa: {  	s18 =	smul.u32 $0x9C0, s0;
	p1 =	sgt.u32 s0, $0x1;
	p2 =	slt.u32 s0, $0x2  }
0xb: {  	_ =	strace $0x8000004D;
	s8 =	ssub.s32 $0x2, s7;
	p0 =	seq.s32 s7, $0x1  }
0xc: {  	s31 =	sshll.u32 s14, $0x5;
	s11 =	sshrl.u32 s8, $0x1;
	s15 =	sadd.s32 s10, s6  }
0xd: {  	s26 =	sadd.s32 s14, s9;
	s28 =	sshrl.u32 s12, $0x2;
	s6 =	sadd.s32 s4, s10  }
0xe: {  	s10 =	sadd.s32 s5, s10;
	s30 =	sadd.s32 s18, s13;
	s18 =	simm.s32 $0x3  }
.Ltmp0:
0xf: {  	s16 =	ssub.s32 s8, s11;
	s29 =	sshll.u32 s26, $0x5;
	(pc) =	sbr.rel .LBB2_1-.Ltmp0, $4  }
0x10: {  	s17 =	sadd.s32 s28, s1;
	s9 =	sadd.s32 $0x7C200, s15;
	s11 =	sadd.s32 $0xA4200, s15  }
0x11: {  	s15 =	sadd.s32 s31, s30;
	s26 =	simm.s32 $0x0;
	s7 =	sadd.s32 s13, s29  }
0x12: {  	s12 =	smax.u32 s16, $0x1;
	s13 =	sshll.u32 s0, $0x6;
	s17 =	sshrl.u32 s17, $0x3  }
0x13: {  	s8 =	sadd.s32 $0x9C0, s7;
	s14 =	sadd.s32 $0x9A0, s7;
	s16 =	sor.u32 $0x1C03, s13  }
.LBB2_8:
0x14: {  	[tilespmem:s3], [sflag:$0x3] =	stream.linear.gather [hbm4b:s8+s3], $0x100, $0x38;
	[tilespmem:$0x1C200] =	vst v63  }
0x15: {  	_ =	swait.ge [sflag:s18], $0x100  }
0x16: {  	[sflag:s18] =	ssyncset.done $0x0  }
0x17: {  	[sflag:s18] =	ssyncadd.s32 $0xFFFFFF00  }
0x18: {  	[tilespmem:s20], [sflag:$0x3] =	stream.indirect.gather [hbm4b:s30+s19], $0x80, s3, s19, $0xb8;
	[tilespmem:$0x1C200] =	vst v63  }
0x19: {  	_ =	swait.ge [sflag:s18], $0x4000  }
0x1a: {  	[sflag:s18] =	ssyncset.done $0x0  }
0x1b: {  	[sflag:s18] =	ssyncadd.s32 $0xFFFFC000  }
0x1c: {  	[spmem:s1] =	stream.indirect.scatter.add.f32 [tilespmem:s20], [sflag:$0x3], $0x80, s19, s19, $0xb8;
	[tilespmem:$0x1C200] =	vst v63  }
0x1d: {  	_ =	swait.ge [sflag:s18], $0x4000  }
0x1e: {  	[sflag:s18] =	ssyncset.done $0x0  }
0x1f: {  	[sflag:s18] =	ssyncadd.s32 $0xFFFFC000  }
.LBB2_9:
0x20: {  	s26 =	sadd.s32 $0x1, s26  }
0x21: {  	p3 =	sne.s32 s26, s12  }
.Ltmp1:
0x22: {  	[bflag:$0x0] =	sbarrier.arrive $0xFFFF;
	(pc) =	sbr.rel @!p3 .LBB2_10-.Ltmp1, $4  }
0x23: {  	[hbm:s29], [sflag:s28] =	dma.local [spmem:s17], $0x2800  }
0x24: {  	_ =	swait.ge [sflag:s18], $0x2800  }
0x25: {  	[sflag:s18] =	ssyncset.done $0x0  }
0x26: {  	[sflag:s18] =	ssyncadd.s32 $0xFFFFD800  }
.LBB2_1:
.Ltmp2:
0x27: {  	(pc) =	sbr.rel @!p0 .LBB2_2-.Ltmp2, $1  }
0x28: {  	_ =	sdelay $0x3  }
0x29: {  	[spmem:s17], [sflag:s16] =	dma.local [hbm:s10], $0x2800  }
0x2a: {  	_ =	swait.ge [sflag:s18], $0x2800  }
0x2b: {  	[sflag:s18] =	ssyncset.done $0x0  }
0x2c: {  	[sflag:s18] =	ssyncadd.s32 $0xFFFFD800  }
0x2d: {  	[bflag:$0x0] =	sbarrier.arrive $0xFFFF  }
0x2e: {  	[tilespmem:s3], [sflag:$0x3] =	stream.linear.gather [hbm4b:s7+s3], $0x100, $0x38;
	[tilespmem:$0x1C200] =	vst v63  }
0x2f: {  	_ =	swait.ge [sflag:s18], $0x100  }
0x30: {  	[sflag:s18] =	ssyncset.done $0x0  }
0x31: {  	s0 =	sadd.s32 $0xFFFFF680, s15;
	[sflag:s18] =	ssyncadd.s32 $0xFFFFFF00  }
0x32: {  	[tilespmem:s20], [sflag:$0x1] =	stream.indirect.gather [hbm4b:s5+s19], $0x80, s3, s19, $0xb8;
	[tilespmem:$0x1C200] =	vst v63  }
0x33: {  	s2 =	sadd.s32 $0x9A0, s0  }
0x34: {  	[tilespmem:s21], [sflag:$0x3] =	stream.linear.gather [hbm4b:s2+s3], $0x100, $0x38;
	[tilespmem:$0x1C200] =	vst v63  }
0x35: {  	_ =	swait.ge [sflag:s18], $0x100  }
0x36: {  	[sflag:s18] =	ssyncset.done $0x0  }
0x37: {  	[sflag:s18] =	ssyncadd.s32 $0xFFFFFF00  }
0x38: {  	[tilespmem:s22], [sflag:$0x2] =	stream.indirect.gather [hbm4b:s5+s19], $0x80, s21, s19, $0xb8;
	[tilespmem:$0x1C200] =	vst v63  }
0x39: {  	_ =	swait.ge [sflag:s23], $0x4000  }
0x3a: {  	[sflag:s23] =	ssyncset.done $0x0  }
0x3b: {  	[sflag:s23] =	ssyncadd.s32 $0xFFFFC000  }
0x3c: {  	[spmem:s1] =	stream.indirect.scatter.add.f32 [tilespmem:s20], [sflag:$0x3], $0x80, s19, s19, $0xb8;
	[tilespmem:$0x1C200] =	vst v63  }
0x3d: {  	_ =	swait.ge [sflag:s18], $0x4000  }
0x3e: {  	[sflag:s18] =	ssyncset.done $0x0  }
0x3f: {  	s0 =	sadd.s32 $0x9C0, s0;
	[sflag:s18] =	ssyncadd.s32 $0xFFFFC000  }
0x40: {  	[tilespmem:s3], [sflag:$0x3] =	stream.linear.gather [hbm4b:s0+s3], $0x100, $0x38;
	[tilespmem:$0x1C200] =	vst v63  }
0x41: {  	_ =	swait.ge [sflag:s18], $0x100  }
0x42: {  	[sflag:s18] =	ssyncset.done $0x0  }
0x43: {  	[sflag:s18] =	ssyncadd.s32 $0xFFFFFF00  }
0x44: {  	[tilespmem:s20], [sflag:$0x1] =	stream.indirect.gather [hbm4b:s5+s19], $0x80, s3, s19, $0xb8;
	[tilespmem:$0x1C200] =	vst v63  }
0x45: {  	_ =	swait.ge [sflag:s24], $0x4000  }
0x46: {  	[sflag:s24] =	ssyncset.done $0x0  }
0x47: {  	[sflag:s24] =	ssyncadd.s32 $0xFFFFC000  }
0x48: {  	[spmem:s1] =	stream.indirect.scatter.add.f32 [tilespmem:s22], [sflag:$0x3], $0x80, s25, s19, $0xb8;
	[tilespmem:$0x1C200] =	vst v63  }
0x49: {  	_ =	swait.ge [sflag:s18], $0x4000  }
0x4a: {  	s29 =	simm.s32 $0xFFFFF700;
	s28 =	sadd.s32 $0xFFFFF6C0, s15;
	[sflag:s18] =	ssyncset.done $0x0  }
.LBB2_6:
0x4b: {  	s0 =	sadd.s32 $0x9A0, s28  }
0x4c: {  	[sflag:s18] =	ssyncadd.s32 $0xFFFFC000;
	s2 =	smov.u32 s29;
	s30 =	sadd.s32 $0x40, s29  }
0x4d: {  	[tilespmem:s21], [sflag:$0x3] =	stream.linear.gather [hbm4b:s0+s3], $0x100, $0x38;
	[tilespmem:$0x1C200] =	vst v63  }
0x4e: {  	p3 =	sne.s32 s29, $0xFFFFFFC0;
	_ =	swait.ge [sflag:s18], $0x100  }
0x4f: {  	[sflag:s18] =	ssyncset.done $0x0  }
0x50: {  	[sflag:s18] =	ssyncadd.s32 $0xFFFFFF00  }
0x51: {  	[tilespmem:s22], [sflag:$0x2] =	stream.indirect.gather [hbm4b:s5+s19], $0x80, s21, s19, $0xb8;
	[tilespmem:$0x1C200] =	vst v63  }
0x52: {  	_ =	swait.ge [sflag:s23], $0x4000  }
0x53: {  	[sflag:s23] =	ssyncset.done $0x0  }
0x54: {  	[sflag:s23] =	ssyncadd.s32 $0xFFFFC000  }
0x55: {  	[spmem:s1] =	stream.indirect.scatter.add.f32 [tilespmem:s20], [sflag:$0x3], $0x80, s19, s19, $0xb8;
	[tilespmem:$0x1C200] =	vst v63  }
0x56: {  	_ =	swait.ge [sflag:s18], $0x4000  }
0x57: {  	[sflag:s18] =	ssyncset.done $0x0  }
0x58: {  	s0 =	sadd.s32 $0x9C0, s28;
	[sflag:s18] =	ssyncadd.s32 $0xFFFFC000  }
0x59: {  	[tilespmem:s3], [sflag:$0x3] =	stream.linear.gather [hbm4b:s0+s3], $0x100, $0x38;
	[tilespmem:$0x1C200] =	vst v63  }
0x5a: {  	_ =	swait.ge [sflag:s18], $0x100  }
0x5b: {  	[sflag:s18] =	ssyncset.done $0x0  }
0x5c: {  	[sflag:s18] =	ssyncadd.s32 $0xFFFFFF00  }
0x5d: {  	[tilespmem:s20], [sflag:$0x1] =	stream.indirect.gather [hbm4b:s5+s19], $0x80, s3, s19, $0xb8;
	[tilespmem:$0x1C200] =	vst v63  }
0x5e: {  	_ =	swait.ge [sflag:s24], $0x4000  }
.Ltmp3:
0x5f: {  	[sflag:s24] =	ssyncset.done $0x0;
	(pc) =	sbr.rel @p3 .LBB2_6-.Ltmp3, $4  }
0x60: {  	[sflag:s24] =	ssyncadd.s32 $0xFFFFC000  }
0x61: {  	[spmem:s1] =	stream.indirect.scatter.add.f32 [tilespmem:s22], [sflag:$0x3], $0x80, s25, s19, $0xb8;
	[tilespmem:$0x1C200] =	vst v63  }
0x62: {  	_ =	swait.ge [sflag:s18], $0x4000  }
0x63: {  	s28 =	sadd.s32 s2, s15;
	s29 =	smov.u32 s30;
	[sflag:s18] =	ssyncset.done $0x0  }
0x64: {  	s0 =	sadd.s32 $0x9A0, s28;
	[sflag:s18] =	ssyncadd.s32 $0xFFFFC000  }
0x65: {  	[tilespmem:s21], [sflag:$0x3] =	stream.linear.gather [hbm4b:s0+s3], $0x100, $0x38;
	[tilespmem:$0x1C200] =	vst v63  }
0x66: {  	_ =	swait.ge [sflag:s18], $0x100  }
0x67: {  	[sflag:s18] =	ssyncset.done $0x0  }
0x68: {  	[sflag:s18] =	ssyncadd.s32 $0xFFFFFF00  }
0x69: {  	[tilespmem:s22], [sflag:$0x2] =	stream.indirect.gather [hbm4b:s5+s19], $0x80, s21, s19, $0xb8;
	[tilespmem:$0x1C200] =	vst v63  }
0x6a: {  	_ =	swait.ge [sflag:s23], $0x4000  }
0x6b: {  	[sflag:s23] =	ssyncset.done $0x0  }
0x6c: {  	[sflag:s23] =	ssyncadd.s32 $0xFFFFC000  }
0x6d: {  	[spmem:s1] =	stream.indirect.scatter.add.f32 [tilespmem:s20], [sflag:$0x3], $0x80, s19, s19, $0xb8;
	[tilespmem:$0x1C200] =	vst v63  }
0x6e: {  	_ =	swait.ge [sflag:s18], $0x4000  }
0x6f: {  	[sflag:s18] =	ssyncset.done $0x0  }
0x70: {  	s31 =	sadd.s32 $0x9C0, s28;
	[sflag:s18] =	ssyncadd.s32 $0xFFFFC000  }
0x71: {  	[tilespmem:s3], [sflag:$0x3] =	stream.linear.gather [hbm4b:s31+s3], $0x100, $0x38;
	[tilespmem:$0x1C200] =	vst v63  }
0x72: {  	_ =	swait.ge [sflag:s18], $0x100  }
0x73: {  	[sflag:s18] =	ssyncset.done $0x0  }
0x74: {  	[sflag:s18] =	ssyncadd.s32 $0xFFFFFF00  }
0x75: {  	[tilespmem:s20], [sflag:$0x1] =	stream.indirect.gather [hbm4b:s5+s19], $0x80, s3, s19, $0xb8;
	[tilespmem:$0x1C200] =	vst v63  }
0x76: {  	_ =	swait.ge [sflag:s24], $0x4000  }
0x77: {  	[sflag:s24] =	ssyncset.done $0x0  }
0x78: {  	[sflag:s24] =	ssyncadd.s32 $0xFFFFC000  }
0x79: {  	[spmem:s1] =	stream.indirect.scatter.add.f32 [tilespmem:s22], [sflag:$0x3], $0x80, s25, s19, $0xb8;
	[tilespmem:$0x1C200] =	vst v63  }
0x7a: {  	_ =	swait.ge [sflag:s18], $0x4000  }
0x7b: {  	[sflag:s18] =	ssyncset.done $0x0  }
0x7c: {  	[sflag:s18] =	ssyncadd.s32 $0xFFFFC000  }
0x7d: {  	[tilespmem:s21], [sflag:$0x3] =	stream.linear.gather [hbm4b:s14+s3], $0x100, $0x38;
	[tilespmem:$0x1C200] =	vst v63  }
0x7e: {  	_ =	swait.ge [sflag:s18], $0x100  }
0x7f: {  	[sflag:s18] =	ssyncset.done $0x0  }
0x80: {  	[sflag:s18] =	ssyncadd.s32 $0xFFFFFF00  }
0x81: {  	[tilespmem:s22], [sflag:$0x2] =	stream.indirect.gather [hbm4b:s5+s19], $0x80, s21, s19, $0xb8;
	[tilespmem:$0x1C200] =	vst v63  }
0x82: {  	_ =	swait.ge [sflag:s23], $0x4000  }
0x83: {  	[sflag:s23] =	ssyncset.done $0x0  }
0x84: {  	[sflag:s23] =	ssyncadd.s32 $0xFFFFC000  }
0x85: {  	[spmem:s1] =	stream.indirect.scatter.add.f32 [tilespmem:s20], [sflag:$0x3], $0x80, s19, s19, $0xb8;
	[tilespmem:$0x1C200] =	vst v63  }
0x86: {  	_ =	swait.ge [sflag:s18], $0x4000  }
0x87: {  	[sflag:s18] =	ssyncset.done $0x0  }
0x88: {  	[sflag:s18] =	ssyncadd.s32 $0xFFFFC000  }
0x89: {  	_ =	swait.ge [sflag:s24], $0x4000  }
0x8a: {  	[sflag:s24] =	ssyncset.done $0x0  }
0x8b: {  	[sflag:s24] =	ssyncadd.s32 $0xFFFFC000  }
0x8c: {  	[spmem:s1] =	stream.indirect.scatter.add.f32 [tilespmem:s22], [sflag:$0x3], $0x80, s25, s19, $0xb8;
	[tilespmem:$0x1C200] =	vst v63  }
.Ltmp4:
0x8d: {  	_ = 	snop;
	(pc) =	sbr.rel @p1 .LBB2_9-.Ltmp4, $4  }
.Ltmp5:
0x8e: {  	_ = 	snop;
	(pc) =	sbr.rel @!p1 .LBB2_8-.Ltmp5, $4  }
0x8f: {  	_ =	swait.ge [sflag:s18], $0x4000  }
0x90: {  	s30 =	smov.u32 s5;
	[sflag:s18] =	ssyncset.done $0x0  }
0x91: {  	s29 =	smov.u32 s11;
	s28 =	smov.u32 s16;
	[sflag:s18] =	ssyncadd.s32 $0xFFFFC000  }
0x92: {  	_ = 	snop  }
.LBB2_2:
0x93: {  	s28 =	sor.u32 $0x1C03, s13  }
0x94: {  	[spmem:s17], [sflag:s28] =	dma.local [hbm:s6], $0x2800  }
0x95: {  	_ =	swait.ge [sflag:s18], $0x2800  }
0x96: {  	[sflag:s18] =	ssyncset.done $0x0  }
0x97: {  	[sflag:s18] =	ssyncadd.s32 $0xFFFFD800  }
0x98: {  	[bflag:$0x0] =	sbarrier.arrive $0xFFFF  }
0x99: {  	[tilespmem:s3], [sflag:$0x3] =	stream.linear.gather [hbm4b:s7+s3], $0x100, $0x38;
	[tilespmem:$0x1C200] =	vst v63  }
0x9a: {  	_ =	swait.ge [sflag:s18], $0x100  }
0x9b: {  	[sflag:s18] =	ssyncset.done $0x0  }
0x9c: {  	s29 =	sadd.s32 $0xFFFFF680, s15;
	[sflag:s18] =	ssyncadd.s32 $0xFFFFFF00  }
0x9d: {  	[tilespmem:s20], [sflag:$0x1] =	stream.indirect.gather [hbm4b:s4+s19], $0x80, s3, s19, $0xb8;
	[tilespmem:$0x1C200] =	vst v63  }
0x9e: {  	s30 =	sadd.s32 $0x9A0, s29  }
0x9f: {  	[tilespmem:s21], [sflag:$0x3] =	stream.linear.gather [hbm4b:s30+s3], $0x100, $0x38;
	[tilespmem:$0x1C200] =	vst v63  }
0xa0: {  	_ =	swait.ge [sflag:s18], $0x100  }
0xa1: {  	[sflag:s18] =	ssyncset.done $0x0  }
0xa2: {  	[sflag:s18] =	ssyncadd.s32 $0xFFFFFF00  }
0xa3: {  	[tilespmem:s22], [sflag:$0x2] =	stream.indirect.gather [hbm4b:s4+s19], $0x80, s21, s19, $0xb8;
	[tilespmem:$0x1C200] =	vst v63  }
0xa4: {  	_ =	swait.ge [sflag:s23], $0x4000  }
0xa5: {  	[sflag:s23] =	ssyncset.done $0x0  }
0xa6: {  	[sflag:s23] =	ssyncadd.s32 $0xFFFFC000  }
0xa7: {  	[spmem:s1] =	stream.indirect.scatter.add.f32 [tilespmem:s20], [sflag:$0x3], $0x80, s19, s19, $0xb8;
	[tilespmem:$0x1C200] =	vst v63  }
0xa8: {  	_ =	swait.ge [sflag:s18], $0x4000  }
0xa9: {  	[sflag:s18] =	ssyncset.done $0x0  }
0xaa: {  	s29 =	sadd.s32 $0x9C0, s29;
	[sflag:s18] =	ssyncadd.s32 $0xFFFFC000  }
0xab: {  	[tilespmem:s3], [sflag:$0x3] =	stream.linear.gather [hbm4b:s29+s3], $0x100, $0x38;
	[tilespmem:$0x1C200] =	vst v63  }
0xac: {  	_ =	swait.ge [sflag:s18], $0x100  }
0xad: {  	[sflag:s18] =	ssyncset.done $0x0  }
0xae: {  	[sflag:s18] =	ssyncadd.s32 $0xFFFFFF00  }
0xaf: {  	[tilespmem:s20], [sflag:$0x1] =	stream.indirect.gather [hbm4b:s4+s19], $0x80, s3, s19, $0xb8;
	[tilespmem:$0x1C200] =	vst v63  }
0xb0: {  	_ =	swait.ge [sflag:s24], $0x4000  }
0xb1: {  	[sflag:s24] =	ssyncset.done $0x0  }
0xb2: {  	[sflag:s24] =	ssyncadd.s32 $0xFFFFC000  }
0xb3: {  	[spmem:s1] =	stream.indirect.scatter.add.f32 [tilespmem:s22], [sflag:$0x3], $0x80, s25, s19, $0xb8;
	[tilespmem:$0x1C200] =	vst v63  }
0xb4: {  	_ =	swait.ge [sflag:s18], $0x4000  }
0xb5: {  	s30 =	simm.s32 $0xFFFFF700;
	s29 =	sadd.s32 $0xFFFFF6C0, s15;
	[sflag:s18] =	ssyncset.done $0x0  }
.LBB2_3:
0xb6: {  	s31 =	sadd.s32 $0x9A0, s29  }
0xb7: {  	[sflag:s18] =	ssyncadd.s32 $0xFFFFC000;
	s0 =	smov.u32 s30;
	s2 =	sadd.s32 $0x40, s30  }
0xb8: {  	[tilespmem:s21], [sflag:$0x3] =	stream.linear.gather [hbm4b:s31+s3], $0x100, $0x38;
	[tilespmem:$0x1C200] =	vst v63  }
0xb9: {  	p3 =	sne.s32 s30, $0xFFFFFFC0;
	_ =	swait.ge [sflag:s18], $0x100  }
0xba: {  	[sflag:s18] =	ssyncset.done $0x0  }
0xbb: {  	[sflag:s18] =	ssyncadd.s32 $0xFFFFFF00  }
0xbc: {  	[tilespmem:s22], [sflag:$0x2] =	stream.indirect.gather [hbm4b:s4+s19], $0x80, s21, s19, $0xb8;
	[tilespmem:$0x1C200] =	vst v63  }
0xbd: {  	_ =	swait.ge [sflag:s23], $0x4000  }
0xbe: {  	[sflag:s23] =	ssyncset.done $0x0  }
0xbf: {  	[sflag:s23] =	ssyncadd.s32 $0xFFFFC000  }
0xc0: {  	[spmem:s1] =	stream.indirect.scatter.add.f32 [tilespmem:s20], [sflag:$0x3], $0x80, s19, s19, $0xb8;
	[tilespmem:$0x1C200] =	vst v63  }
0xc1: {  	_ =	swait.ge [sflag:s18], $0x4000  }
0xc2: {  	[sflag:s18] =	ssyncset.done $0x0  }
0xc3: {  	s29 =	sadd.s32 $0x9C0, s29;
	[sflag:s18] =	ssyncadd.s32 $0xFFFFC000  }
0xc4: {  	[tilespmem:s3], [sflag:$0x3] =	stream.linear.gather [hbm4b:s29+s3], $0x100, $0x38;
	[tilespmem:$0x1C200] =	vst v63  }
0xc5: {  	_ =	swait.ge [sflag:s18], $0x100  }
0xc6: {  	[sflag:s18] =	ssyncset.done $0x0  }
0xc7: {  	[sflag:s18] =	ssyncadd.s32 $0xFFFFFF00  }
0xc8: {  	[tilespmem:s20], [sflag:$0x1] =	stream.indirect.gather [hbm4b:s4+s19], $0x80, s3, s19, $0xb8;
	[tilespmem:$0x1C200] =	vst v63  }
0xc9: {  	_ =	swait.ge [sflag:s24], $0x4000  }
.Ltmp6:
0xca: {  	[sflag:s24] =	ssyncset.done $0x0;
	(pc) =	sbr.rel @p3 .LBB2_3-.Ltmp6, $4  }
0xcb: {  	[sflag:s24] =	ssyncadd.s32 $0xFFFFC000  }
0xcc: {  	[spmem:s1] =	stream.indirect.scatter.add.f32 [tilespmem:s22], [sflag:$0x3], $0x80, s25, s19, $0xb8;
	[tilespmem:$0x1C200] =	vst v63  }
0xcd: {  	_ =	swait.ge [sflag:s18], $0x4000  }
0xce: {  	s30 =	smov.u32 s2;
	s29 =	sadd.s32 s0, s15;
	[sflag:s18] =	ssyncset.done $0x0  }
0xcf: {  	s0 =	sadd.s32 $0x9A0, s29;
	[sflag:s18] =	ssyncadd.s32 $0xFFFFC000  }
0xd0: {  	[tilespmem:s21], [sflag:$0x3] =	stream.linear.gather [hbm4b:s0+s3], $0x100, $0x38;
	[tilespmem:$0x1C200] =	vst v63  }
0xd1: {  	_ =	swait.ge [sflag:s18], $0x100  }
0xd2: {  	[sflag:s18] =	ssyncset.done $0x0  }
0xd3: {  	[sflag:s18] =	ssyncadd.s32 $0xFFFFFF00  }
0xd4: {  	[tilespmem:s22], [sflag:$0x2] =	stream.indirect.gather [hbm4b:s4+s19], $0x80, s21, s19, $0xb8;
	[tilespmem:$0x1C200] =	vst v63  }
0xd5: {  	_ =	swait.ge [sflag:s23], $0x4000  }
0xd6: {  	[sflag:s23] =	ssyncset.done $0x0  }
0xd7: {  	[sflag:s23] =	ssyncadd.s32 $0xFFFFC000  }
0xd8: {  	[spmem:s1] =	stream.indirect.scatter.add.f32 [tilespmem:s20], [sflag:$0x3], $0x80, s19, s19, $0xb8;
	[tilespmem:$0x1C200] =	vst v63  }
0xd9: {  	_ =	swait.ge [sflag:s18], $0x4000  }
0xda: {  	[sflag:s18] =	ssyncset.done $0x0  }
0xdb: {  	s31 =	sadd.s32 $0x9C0, s29;
	[sflag:s18] =	ssyncadd.s32 $0xFFFFC000  }
0xdc: {  	[tilespmem:s3], [sflag:$0x3] =	stream.linear.gather [hbm4b:s31+s3], $0x100, $0x38;
	[tilespmem:$0x1C200] =	vst v63  }
0xdd: {  	_ =	swait.ge [sflag:s18], $0x100  }
0xde: {  	[sflag:s18] =	ssyncset.done $0x0  }
0xdf: {  	[sflag:s18] =	ssyncadd.s32 $0xFFFFFF00  }
0xe0: {  	[tilespmem:s20], [sflag:$0x1] =	stream.indirect.gather [hbm4b:s4+s19], $0x80, s3, s19, $0xb8;
	[tilespmem:$0x1C200] =	vst v63  }
0xe1: {  	_ =	swait.ge [sflag:s24], $0x4000  }
0xe2: {  	[sflag:s24] =	ssyncset.done $0x0  }
0xe3: {  	[sflag:s24] =	ssyncadd.s32 $0xFFFFC000  }
0xe4: {  	[spmem:s1] =	stream.indirect.scatter.add.f32 [tilespmem:s22], [sflag:$0x3], $0x80, s25, s19, $0xb8;
	[tilespmem:$0x1C200] =	vst v63  }
0xe5: {  	_ =	swait.ge [sflag:s18], $0x4000  }
0xe6: {  	[sflag:s18] =	ssyncset.done $0x0  }
0xe7: {  	[sflag:s18] =	ssyncadd.s32 $0xFFFFC000  }
0xe8: {  	[tilespmem:s21], [sflag:$0x3] =	stream.linear.gather [hbm4b:s14+s3], $0x100, $0x38;
	[tilespmem:$0x1C200] =	vst v63  }
0xe9: {  	_ =	swait.ge [sflag:s18], $0x100  }
0xea: {  	[sflag:s18] =	ssyncset.done $0x0  }
0xeb: {  	[sflag:s18] =	ssyncadd.s32 $0xFFFFFF00  }
0xec: {  	[tilespmem:s22], [sflag:$0x2] =	stream.indirect.gather [hbm4b:s4+s19], $0x80, s21, s19, $0xb8;
	[tilespmem:$0x1C200] =	vst v63  }
0xed: {  	_ =	swait.ge [sflag:s23], $0x4000  }
0xee: {  	[sflag:s23] =	ssyncset.done $0x0  }
0xef: {  	[sflag:s23] =	ssyncadd.s32 $0xFFFFC000  }
0xf0: {  	[spmem:s1] =	stream.indirect.scatter.add.f32 [tilespmem:s20], [sflag:$0x3], $0x80, s19, s19, $0xb8;
	[tilespmem:$0x1C200] =	vst v63  }
0xf1: {  	_ =	swait.ge [sflag:s18], $0x4000  }
0xf2: {  	[sflag:s18] =	ssyncset.done $0x0  }
0xf3: {  	[sflag:s18] =	ssyncadd.s32 $0xFFFFC000  }
0xf4: {  	_ =	swait.ge [sflag:s24], $0x4000  }
0xf5: {  	[sflag:s24] =	ssyncset.done $0x0  }
0xf6: {  	[sflag:s24] =	ssyncadd.s32 $0xFFFFC000  }
0xf7: {  	[spmem:s1] =	stream.indirect.scatter.add.f32 [tilespmem:s22], [sflag:$0x3], $0x80, s25, s19, $0xb8;
	[tilespmem:$0x1C200] =	vst v63  }
.Ltmp7:
0xf8: {  	_ = 	snop;
	(pc) =	sbr.rel @p2 .LBB2_8-.Ltmp7, $4  }
.Ltmp8:
0xf9: {  	_ = 	snop;
	(pc) =	sbr.rel @!p2 .LBB2_9-.Ltmp8, $4  }
0xfa: {  	_ =	swait.ge [sflag:s18], $0x4000  }
0xfb: {  	[sflag:s18] =	ssyncset.done $0x0  }
0xfc: {  	s30 =	smov.u32 s4;
	s29 =	smov.u32 s9;
	[sflag:s18] =	ssyncadd.s32 $0xFFFFC000  }
0xfd: {  	_ = 	snop  }
.LBB2_10:
0xfe: {  	_ =	sfence.sel $0x180000  }
0xff: {  	[bflag:$0x0] =	sbarrier.arrive $0xFFFF  }
0x100: {  	_ =	strace $0x9000004D  }
0x101: {  	s0 =	stileid.u32;
	[bflag:$0x2] =	sbarrier.arrive $0xFFFF  }
0x102: {  	p0 =	sne.s32 s0, $0x0;
	s0 =	rddreg [dreg:$0x3]  }
0x103: {  	s0 =	sadd.s32 @!p0 $0x100000, s0  }
0x104: {  	[sflag:s0] =	ssyncadd.tile.s32 @!p0 $0x1;
	_ =	shalt  }
.Lfunc_end2:
_tile_overlayer_lowered:
.L_overlay_start_2:
0x105: {  	(tag) =	ssettag $0x2  }
0x106: {  	s0 =	rddreg [dreg:$0x0];
	s2 =	stileid.u32  }
0x107: {  	s1 =	rddreg [dreg:$0x1];
	p0 =	sne.s32 s2, $0x0  }
0x108: {  	s3 =	rddreg [dreg:$0x2];
	[bflag:$0x3] =	sbarrier.arrive $0xFFFF;
	s2 =	simm.s32 @!p0 $0x1C03  }
0x109: {  	[timem:s3], [sflag:s2] =	dma.local @!p0 [hbm:s0], s1  }
0x10a: {  	s0 =	simm.s32 @!p0 $0x3  }
0x10b: {  	_ =	swait.ge @!p0 [sflag:s0], s1  }
0x10c: {  	s1 =	ssub.s32 @!p0 $0x0, s1;
	[sflag:s0] =	ssyncset.done @!p0 $0x0  }
0x10d: {  	[sflag:s0] =	ssyncadd.s32 @!p0 s1  }
0x10e: {  	[bflag:$0x3] =	sbarrier.arrive $0xFFFF  }
0x10f: {  	_ =	shalt  }

// kernel: _run.19.cloned.1.call-start
scs
__scs_entry_jumppad:
0x0: {  	(pc) =	sbr.rel $0x88, $3  }
0x1: {  	(tag) =	ssettag $0x0;
	lr =	simm.s32 $0x1  }
0x2: {  	[smem:$0x3F91] =	sst lr;
	_ =	strace $0xD0000000  }
0x3: {  	_ = 	snop  }
0x4: {  	_ = 	snop  }
0x5: {  	_ = 	snop  }
0x6: {  	_ = 	snop  }
0x7: {  	_ = 	snop  }
__scs_overlays_trampoline_lowered:
0x8: {  	[smem:$0x3FA0] =	sst s0  }
0x9: {  	[smem:$0x3FA1] =	sst s1  }
0xa: {  	[smem:$0x3FA2] =	sst s2  }
0xb: {  	[smem:$0x3FA3] =	sst s3  }
0xc: {  	[smem:$0x3FA4] =	sst s4  }
0xd: {  	[smem:$0x3FA5] =	sst s5  }
0xe: {  	[smem:$0x3FA6] =	sst s6  }
0xf: {  	[smem:$0x3FA7] =	sst s7  }
0x10: {  	[smem:$0x3FA8] =	sst s8  }
0x11: {  	[smem:$0x3FA9] =	sst s9;
	s0 =	simm.s32 @!p0 $0x0  }
0x12: {  	s1 =	sld [smem:$0x3F8F];
	s0 =	simm.s32 @p0 $0x1  }
0x13: {  	[smem:$0x3FAA] =	sst s0;
	s0 =	simm.s32 @!p1 $0x0  }
0x14: {  	s2 =	sld [smem:$0x3F8E];
	s0 =	simm.s32 @p1 $0x1  }
0x15: {  	[smem:$0x3FAB] =	sst s0;
	s0 =	simm.s32 @!p2 $0x0  }
0x16: {  	s3 =	sld [smem:$0x3FDB];
	s0 =	simm.s32 @p2 $0x1  }
0x17: {  	s4 =	simm.s32 $0x1BF5;
	[smem:$0x3FAD] =	sst s0  }
0x18: {  	s0 =	sld [smem:$0x3F90];
	_ =	swait.ge [sflag:s4], $0x0  }
0x19: {  	s7 =	sld [smem:$0x3F91]  }
0x1a: {  	s8 =	sadd.s32 $0xFFFFE003, lr  }
0x1b: {  	s9 =	sadd.s32 $0xFFFFFEF7, lr;
	s5 =	simm.s32 $0xFFFFFFFF;
	p2 =	slt.u32 s8, $0xFFFFF086  }
0x1c: {  	p1 =	slt.u32 s9, $0xF7A;
	s5 =	simm.s32 @!p2 $0x0  }
0x1d: {  	s5 =	simm.s32 @p1 $0x1;
	p0 =	seq.s32 s7, s2  }
0x1e: {  	s7 =	smul.u32 @!p0 $0xF7A, s2;
	p2 =	seq.s32 @!p0 s5, $0x0  }
0x1f: {  	s9 =	smul.u32 $0xF7A, s1;
	s8 =	simm.s32 @!p0 $0x1BF5;
	p2 =	por !p2, p0  }
0x20: {  	[sflag:s8] =	ssyncset.s32 @!p0 $0xFFFFF086;
	s6 =	sadd.s32 @!p0 s3, s7;
	s7 =	simm.s32 @!p0 $0x108  }
0x21: {  	s3 =	sadd.s32 s3, s9;
	s6 =	sadd.s32 @!p0 $0x88, s6;
	s7 =	simm.s32 @p2 $0x1082  }
0x22: {  	[simem:s7], [sflag:s8] =	dma.local @!p0 [hbm:s6], $0xF7A  }
0x23: {  	s9 =	sor.u32 $0xD0000000, s2;
	s6 =	simm.s32 $0x108;
	_ =	swait.ge @!p0 [sflag:s8], $0x0  }
0x24: {  	s3 =	sadd.s32 $0x88, s3;
	s6 =	simm.s32 @!p1 $0x1082;
	[sflag:s4] =	ssyncset.s32 $0xFFFFF086  }
0x25: {  	[simem:s6], [sflag:s4] =	dma.local [hbm:s3], $0xF7A  }
0x26: {  	[smem:$0x3F91] =	sst s1;
	(tag) =	ssettag s2;
	_ =	strace s9  }
0x27: {  	s1 =	sld [smem:$0x3FA1]  }
0x28: {  	s2 =	sld [smem:$0x3FA2]  }
0x29: {  	s4 =	sld [smem:$0x3FA4]  }
0x2a: {  	p0 =	seq.s32 s5, $0x0;
	s5 =	sld [smem:$0x3FA5]  }
0x2b: {  	s6 =	sld [smem:$0x3FA6]  }
0x2c: {  	s7 =	sld [smem:$0x3FA7]  }
0x2d: {  	s3 =	simm.s32 $0x108;
	s8 =	sld [smem:$0x3FA8]  }
0x2e: {  	s3 =	simm.s32 @!p0 $0x1082;
	s9 =	sld [smem:$0x3FA9]  }
0x2f: {  	lr =	sadd.s32 s0, s3;
	s0 =	sld [smem:$0x3FA0]  }
0x30: {  	s3 =	sld [smem:$0x3FA3]  }
0x31: {  	[smem:$0x3FAC] =	sst s10  }
0x32: {  	s10 =	sld [smem:$0x3FAA];
	_ =	sdelay $0x3  }
0x33: {  	p0 =	seq.s32 s10, $0x1;
	s10 =	sld [smem:$0x3FAC];
	_ =	sdelay $0x3  }
0x34: {  	[smem:$0x3FAC] =	sst s10  }
0x35: {  	s10 =	sld [smem:$0x3FAB];
	_ =	sdelay $0x3  }
0x36: {  	p1 =	seq.s32 s10, $0x1;
	s10 =	sld [smem:$0x3FAC];
	_ =	sdelay $0x3  }
0x37: {  	[smem:$0x3FAC] =	sst s10  }
0x38: {  	s10 =	sld [smem:$0x3FAD]  }
0x39: {  	_ = 	snop;
	(pc) =	sbr.ind lr, $3  }
0x3a: {  	_ = 	snop  }
0x3b: {  	_ = 	snop  }
0x3c: {  	p2 =	seq.s32 s10, $0x1;
	s10 =	sld [smem:$0x3FAC]  }
0x3d: {  	_ =	shalt  }
0x3e: {  	_ =	shalt  }
0x3f: {  	_ =	shalt  }
0x40: {  	_ =	shalt  }
0x41: {  	_ =	shalt  }
0x42: {  	_ =	shalt  }
0x43: {  	_ =	shalt  }
0x44: {  	_ =	shalt  }
0x45: {  	_ =	shalt  }
0x46: {  	_ =	shalt  }
0x47: {  	_ =	shalt  }
0x48: {  	_ =	shalt  }
0x49: {  	_ =	shalt  }
0x4a: {  	_ =	shalt  }
0x4b: {  	_ =	shalt  }
0x4c: {  	_ =	shalt  }
0x4d: {  	_ =	shalt  }
0x4e: {  	_ =	shalt  }
0x4f: {  	_ =	shalt  }
0x50: {  	_ =	shalt  }
0x51: {  	_ =	shalt  }
0x52: {  	_ =	shalt  }
0x53: {  	_ =	shalt  }
0x54: {  	_ =	shalt  }
0x55: {  	_ =	shalt  }
0x56: {  	_ =	shalt  }
0x57: {  	_ =	shalt  }
0x58: {  	_ =	shalt  }
0x59: {  	_ =	shalt  }
0x5a: {  	_ =	shalt  }
0x5b: {  	_ =	shalt  }
0x5c: {  	_ =	shalt  }
0x5d: {  	_ =	shalt  }
0x5e: {  	_ =	shalt  }
0x5f: {  	_ =	shalt  }
0x60: {  	_ =	shalt  }
0x61: {  	_ =	shalt  }
0x62: {  	_ =	shalt  }
0x63: {  	_ =	shalt  }
0x64: {  	_ =	shalt  }
0x65: {  	_ =	shalt  }
0x66: {  	_ =	shalt  }
0x67: {  	_ =	shalt  }
0x68: {  	_ =	shalt  }
0x69: {  	_ =	shalt  }
0x6a: {  	_ =	shalt  }
0x6b: {  	_ =	shalt  }
0x6c: {  	_ =	shalt  }
0x6d: {  	_ =	shalt  }
0x6e: {  	_ =	shalt  }
0x6f: {  	_ =	shalt  }
0x70: {  	_ =	shalt  }
0x71: {  	_ =	shalt  }
0x72: {  	_ =	shalt  }
0x73: {  	_ =	shalt  }
0x74: {  	_ =	shalt  }
0x75: {  	_ =	shalt  }
0x76: {  	_ =	shalt  }
0x77: {  	_ =	shalt  }
0x78: {  	_ =	shalt  }
0x79: {  	_ =	shalt  }
0x7a: {  	_ =	shalt  }
0x7b: {  	_ =	shalt  }
0x7c: {  	_ =	shalt  }
0x7d: {  	_ =	shalt  }
0x7e: {  	_ =	shalt  }
0x7f: {  	_ =	shalt  }
0x80: {  	_ =	shalt  }
0x81: {  	_ =	shalt  }
0x82: {  	_ =	shalt  }
0x83: {  	_ =	shalt  }
0x84: {  	_ =	shalt  }
0x85: {  	_ =	shalt  }
0x86: {  	_ =	shalt  }
0x87: {  	_ =	shalt  }
.Lfunc_end0:
.L_simem_size_0:
called_computation.5_lowered:
.L_overlay_start_0:
0x88: {  	s2 =	sld [smem:$0x3FD9]  }
0x89: {  	s3 =	sld [smem:$0x3FFE];
	_ =	sdelay $0x1  }
0x8a: {  	s1 =	srdreg.scid  }
0x8b: {  	s0 =	sand.u32 $0x1, s1  }
0x8c: {  	s17 =	sshll.u32 s0, $0xA;
	s2 =	sadd.s32 s3, s2  }
0x8d: {  	s2 =	sadd.s32 s2, s17  }
0x8e: {  	[smem:$0x3FB8] =	sst s2  }
0x8f: {  	_ = 	snop  }
0x90: {  	s2 =	sld [smem:$0x3FC8];
	(tm) =	ssettm $0x1  }
0x91: {  	s18 =	sld [smem:$0x3FFB];
	_ =	sdelay $0x3  }
0x92: {  	_ =	strace s18  }
0x93: {  	s3 =	sld [smem:$0x3FFC];
	_ =	sdelay $0x3  }
0x94: {  	_ =	strace s3  }
0x95: {  	s3 =	sld [smem:$0x3FFD];
	_ =	sdelay $0x3  }
0x96: {  	_ =	strace s3  }
0x97: {  	_ =	strace $0x8FFFFFFF  }
0x98: {  	s19 =	sld [smem:$0x3FDB];
	_ =	sdelay $0x1  }
0x99: {  	s4 =	simm.s32 $_scs_section_size  }
0x9a: {  	s5 =	simm.s32 $_size__tile_overlayer_lowered;
	s6 =	simm.s32 $_tile_overlayer_lowered  }
0x9b: {  	s22 =	simm.s32 $0x1BFF;
	s21 =	sshll.u32 s6, $0x1;
	s3 =	sadd.s32 s4, s19  }
0x9c: {  	s7 =	simm.s32 $0x0;
	s20 =	sshll.u32 s5, $0x1;
	s5 =	sadd.s32 s21, s3  }
0x9d: {  	[timem:s7], [sflag:s22] =	dma.local [hbm:s5], s20  }
0x9e: {  	_ =	swait.ge [sflag:s22], s20  }
0x9f: {  	s4 =	ssub.s32 $0x0, s20;
	[sflag:s22] =	ssyncset.done $0x0  }
0xa0: {  	[sflag:s22] =	ssyncadd.s32 s4;
	_ =	sdelay $0x1  }
0xa1: {  	s23 =	simm.s32 $0x1B8B  }
0xa2: {  	_ =	swait.ge [sflag:s23], $0x1  }
0xa3: {  	[sflag:s23] =	ssyncset.done $0x0  }
0xa4: {  	s25 =	simm.s32 $0x1B8E;
	s24 =	sld [smem:$0x3FFE];
	[sflag:s23] =	ssyncadd.s32 $0xFFFFFFFF  }
0xa5: {  	s26 =	simm.s32 $execute0_lowered;
	[smem:$0x3FD2] =	sst s25  }
0xa6: {  	s5 =	sshll.u32 s26, $0x1;
	_ =	strace $0x8000004F;
	[dreg:$0x1] =	wrdreg $0xFFFFFFFF  }
0xa7: {  	s28 =	simm.s32 $_size_execute0_lowered;
	s3 =	sadd.s32 s3, s5;
	[dreg:$0x0] =	wrdreg $0x0  }
0xa8: {  	s5 =	sshll.u32 s28, $0x1;
	[dreg:$0x2] =	wrdreg s3  }
0xa9: {  	[dreg:$0x3] =	wrdreg s5  }
0xaa: {  	[dreg:$0x4] =	wrdreg $0xC0  }
0xab: {  	_ =	task [dreg:s7], $0x5FFFF  }
0xac: {  	[dreg:$0x1] =	wrdreg $0xFFFFFFFF  }
0xad: {  	[dreg:$0x0] =	wrdreg $0x60  }
0xae: {  	[dreg:$0x2] =	wrdreg s24  }
0xaf: {  	[dreg:$0x3] =	wrdreg s2  }
0xb0: {  	[dreg:$0x4] =	wrdreg $0x82000  }
0xb1: {  	[dreg:$0x5] =	wrdreg $0x9  }
0xb2: {  	_ =	task.clear_ibuf [dreg:s7], $0x6FFFF;
	_ =	strace $0x9000004F  }
0xb3: {  	s29 =	simm.s32 $0x9;
	_ =	strace $0x80000051  }
0xb4: {  	_ =	swait.ge [sflag:s29], $0x1  }
0xb5: {  	[sflag:s29] =	ssyncadd.s32 $0xFFFFFFFF  }
0xb6: {  	_ =	strace $0x90000051  }
0xb7: {  	_ =	sfence  }
0xb8: {  	s30 =	sld [smem:$0x0];
	_ =	sdelay $0x2  }
0xb9: {  	s31 =	sshll.u32 s1, $0xD;
	s1 =	sshrl.u32 s1, $0x2  }
0xba: {  	s3 =	sand.u32 $0x4000, s31;
	s1 =	sadd.s32 s1, s30  }
0xbb: {  	s0 =	sor.u32 s3, s0;
	s1 =	sshll.u32 s1, $0x11  }
0xbc: {  	s0 =	sor.u32 s1, s0  }
0xbd: {  	s0 =	sadd.s32 $0x8F2B, s0  }
0xbe: {  	[sflag:s0] =	ssyncadd.remote.s32 $0x1  }
0xbf: {  	_ =	sfence.sel $0xFFFF  }
0xc0: {  	[dreg:$0x0] =	wrdreg $0xFFFFFFFF;
	(pc) =	sbr.abs _section_cstart, $3  }
0xc1: {  	[dreg:$0x1] =	wrdreg $0xFFFFFFFF  }
0xc2: {  	_ =	task.clear_ibuf [dreg:s7], $0x2FFFF;
	_ =	strace $0x9FFFFFFF  }
0xc3: {  	(tm) =	ssettm $0x7FFFFFFF  }
tec
execute0_lowered:
.L_overlay_start_1:
0x0: {  	(tag) =	ssettag $0x1  }
0x1: {  	s6 =	rddreg [dreg:$0x0]  }
0x2: {  	s13 =	rddreg [dreg:$0x1]  }
0x3: {  	s1 =	rddreg [dreg:$0x2]  }
0x4: {  	s3 =	simm.s32 $0x0;
	s0 =	stileid.u32;
	s5 =	srdreg.scid  }
0x5: {  	s19 =	simm.s32 $0x80;
	s20 =	simm.s32 $0x200;
	s21 =	simm.s32 $0x100  }
0x6: {  	s22 =	simm.s32 $0x4200;
	s23 =	simm.s32 $0x1;
	s24 =	simm.s32 $0x2  }
0x7: {  	s25 =	simm.s32 $0x180;
	[smem:$0x7FF] =	sst s3;
	s10 =	smul.u32 $0x2800, s0  }
0x8: {  	s4 =	sadd.s32 $0x4200, s6;
	s7 =	sand.u32 $0x1, s5;
	s9 =	smul.u32 $0x4E, s0  }
0x9: {  	s5 =	sadd.s32 $0x2C200, s6;
	s14 =	smin.u32 s0, $0x2;
	s12 =	smul.u32 $0x50000, s0  }
0xa: {  	s18 =	smul.u32 $0x9C0, s0;
	p1 =	sgt.u32 s0, $0x1;
	p2 =	slt.u32 s0, $0x2  }
0xb: {  	_ =	strace $0x80000050;
	s8 =	ssub.s32 $0x2, s7;
	p0 =	seq.s32 s7, $0x1  }
0xc: {  	s31 =	sshll.u32 s14, $0x5;
	s11 =	sshrl.u32 s8, $0x1;
	s15 =	sadd.s32 s10, s6  }
0xd: {  	s26 =	sadd.s32 s14, s9;
	s28 =	sshrl.u32 s12, $0x2;
	s6 =	sadd.s32 s4, s10  }
0xe: {  	s10 =	sadd.s32 s5, s10;
	s30 =	sadd.s32 s18, s13;
	s18 =	simm.s32 $0x3  }
.Ltmp0:
0xf: {  	s16 =	ssub.s32 s8, s11;
	s29 =	sshll.u32 s26, $0x5;
	(pc) =	sbr.rel .LBB2_1-.Ltmp0, $4  }
0x10: {  	s17 =	sadd.s32 s28, s1;
	s9 =	sadd.s32 $0x7C200, s15;
	s11 =	sadd.s32 $0xA4200, s15  }
0x11: {  	s15 =	sadd.s32 s31, s30;
	s26 =	simm.s32 $0x0;
	s7 =	sadd.s32 s13, s29  }
0x12: {  	s12 =	smax.u32 s16, $0x1;
	s13 =	sshll.u32 s0, $0x6;
	s17 =	sshrl.u32 s17, $0x3  }
0x13: {  	s8 =	sadd.s32 $0x9C0, s7;
	s14 =	sadd.s32 $0x9A0, s7;
	s16 =	sor.u32 $0x1C03, s13  }
.LBB2_8:
0x14: {  	[tilespmem:s3], [sflag:$0x3] =	stream.linear.gather [hbm4b:s8+s3], $0x100, $0x38;
	[tilespmem:$0x1C200] =	vst v63  }
0x15: {  	_ =	swait.ge [sflag:s18], $0x100  }
0x16: {  	[sflag:s18] =	ssyncset.done $0x0  }
0x17: {  	[sflag:s18] =	ssyncadd.s32 $0xFFFFFF00  }
0x18: {  	[tilespmem:s20], [sflag:$0x3] =	stream.indirect.gather [hbm4b:s30+s19], $0x80, s3, s19, $0xb8;
	[tilespmem:$0x1C200] =	vst v63  }
0x19: {  	_ =	swait.ge [sflag:s18], $0x4000  }
0x1a: {  	[sflag:s18] =	ssyncset.done $0x0  }
0x1b: {  	[sflag:s18] =	ssyncadd.s32 $0xFFFFC000  }
0x1c: {  	[spmem:s1] =	stream.indirect.scatter.add.f32 [tilespmem:s20], [sflag:$0x3], $0x80, s19, s19, $0xb8;
	[tilespmem:$0x1C200] =	vst v63  }
0x1d: {  	_ =	swait.ge [sflag:s18], $0x4000  }
0x1e: {  	[sflag:s18] =	ssyncset.done $0x0  }
0x1f: {  	[sflag:s18] =	ssyncadd.s32 $0xFFFFC000  }
.LBB2_9:
0x20: {  	s26 =	sadd.s32 $0x1, s26  }
0x21: {  	p3 =	sne.s32 s26, s12  }
.Ltmp1:
0x22: {  	[bflag:$0x0] =	sbarrier.arrive $0xFFFF;
	(pc) =	sbr.rel @!p3 .LBB2_10-.Ltmp1, $4  }
0x23: {  	[hbm:s29], [sflag:s28] =	dma.local [spmem:s17], $0x2800  }
0x24: {  	_ =	swait.ge [sflag:s18], $0x2800  }
0x25: {  	[sflag:s18] =	ssyncset.done $0x0  }
0x26: {  	[sflag:s18] =	ssyncadd.s32 $0xFFFFD800  }
.LBB2_1:
.Ltmp2:
0x27: {  	(pc) =	sbr.rel @!p0 .LBB2_2-.Ltmp2, $1  }
0x28: {  	_ =	sdelay $0x3  }
0x29: {  	[spmem:s17], [sflag:s16] =	dma.local [hbm:s10], $0x2800  }
0x2a: {  	_ =	swait.ge [sflag:s18], $0x2800  }
0x2b: {  	[sflag:s18] =	ssyncset.done $0x0  }
0x2c: {  	[sflag:s18] =	ssyncadd.s32 $0xFFFFD800  }
0x2d: {  	[bflag:$0x0] =	sbarrier.arrive $0xFFFF  }
0x2e: {  	[tilespmem:s3], [sflag:$0x3] =	stream.linear.gather [hbm4b:s7+s3], $0x100, $0x38;
	[tilespmem:$0x1C200] =	vst v63  }
0x2f: {  	_ =	swait.ge [sflag:s18], $0x100  }
0x30: {  	[sflag:s18] =	ssyncset.done $0x0  }
0x31: {  	s0 =	sadd.s32 $0xFFFFF680, s15;
	[sflag:s18] =	ssyncadd.s32 $0xFFFFFF00  }
0x32: {  	[tilespmem:s20], [sflag:$0x1] =	stream.indirect.gather [hbm4b:s5+s19], $0x80, s3, s19, $0xb8;
	[tilespmem:$0x1C200] =	vst v63  }
0x33: {  	s2 =	sadd.s32 $0x9A0, s0  }
0x34: {  	[tilespmem:s21], [sflag:$0x3] =	stream.linear.gather [hbm4b:s2+s3], $0x100, $0x38;
	[tilespmem:$0x1C200] =	vst v63  }
0x35: {  	_ =	swait.ge [sflag:s18], $0x100  }
0x36: {  	[sflag:s18] =	ssyncset.done $0x0  }
0x37: {  	[sflag:s18] =	ssyncadd.s32 $0xFFFFFF00  }
0x38: {  	[tilespmem:s22], [sflag:$0x2] =	stream.indirect.gather [hbm4b:s5+s19], $0x80, s21, s19, $0xb8;
	[tilespmem:$0x1C200] =	vst v63  }
0x39: {  	_ =	swait.ge [sflag:s23], $0x4000  }
0x3a: {  	[sflag:s23] =	ssyncset.done $0x0  }
0x3b: {  	[sflag:s23] =	ssyncadd.s32 $0xFFFFC000  }
0x3c: {  	[spmem:s1] =	stream.indirect.scatter.add.f32 [tilespmem:s20], [sflag:$0x3], $0x80, s19, s19, $0xb8;
	[tilespmem:$0x1C200] =	vst v63  }
0x3d: {  	_ =	swait.ge [sflag:s18], $0x4000  }
0x3e: {  	[sflag:s18] =	ssyncset.done $0x0  }
0x3f: {  	s0 =	sadd.s32 $0x9C0, s0;
	[sflag:s18] =	ssyncadd.s32 $0xFFFFC000  }
0x40: {  	[tilespmem:s3], [sflag:$0x3] =	stream.linear.gather [hbm4b:s0+s3], $0x100, $0x38;
	[tilespmem:$0x1C200] =	vst v63  }
0x41: {  	_ =	swait.ge [sflag:s18], $0x100  }
0x42: {  	[sflag:s18] =	ssyncset.done $0x0  }
0x43: {  	[sflag:s18] =	ssyncadd.s32 $0xFFFFFF00  }
0x44: {  	[tilespmem:s20], [sflag:$0x1] =	stream.indirect.gather [hbm4b:s5+s19], $0x80, s3, s19, $0xb8;
	[tilespmem:$0x1C200] =	vst v63  }
0x45: {  	_ =	swait.ge [sflag:s24], $0x4000  }
0x46: {  	[sflag:s24] =	ssyncset.done $0x0  }
0x47: {  	[sflag:s24] =	ssyncadd.s32 $0xFFFFC000  }
0x48: {  	[spmem:s1] =	stream.indirect.scatter.add.f32 [tilespmem:s22], [sflag:$0x3], $0x80, s25, s19, $0xb8;
	[tilespmem:$0x1C200] =	vst v63  }
0x49: {  	_ =	swait.ge [sflag:s18], $0x4000  }
0x4a: {  	s29 =	simm.s32 $0xFFFFF700;
	s28 =	sadd.s32 $0xFFFFF6C0, s15;
	[sflag:s18] =	ssyncset.done $0x0  }
.LBB2_6:
0x4b: {  	s0 =	sadd.s32 $0x9A0, s28  }
0x4c: {  	[sflag:s18] =	ssyncadd.s32 $0xFFFFC000;
	s2 =	smov.u32 s29;
	s30 =	sadd.s32 $0x40, s29  }
0x4d: {  	[tilespmem:s21], [sflag:$0x3] =	stream.linear.gather [hbm4b:s0+s3], $0x100, $0x38;
	[tilespmem:$0x1C200] =	vst v63  }
0x4e: {  	p3 =	sne.s32 s29, $0xFFFFFFC0;
	_ =	swait.ge [sflag:s18], $0x100  }
0x4f: {  	[sflag:s18] =	ssyncset.done $0x0  }
0x50: {  	[sflag:s18] =	ssyncadd.s32 $0xFFFFFF00  }
0x51: {  	[tilespmem:s22], [sflag:$0x2] =	stream.indirect.gather [hbm4b:s5+s19], $0x80, s21, s19, $0xb8;
	[tilespmem:$0x1C200] =	vst v63  }
0x52: {  	_ =	swait.ge [sflag:s23], $0x4000  }
0x53: {  	[sflag:s23] =	ssyncset.done $0x0  }
0x54: {  	[sflag:s23] =	ssyncadd.s32 $0xFFFFC000  }
0x55: {  	[spmem:s1] =	stream.indirect.scatter.add.f32 [tilespmem:s20], [sflag:$0x3], $0x80, s19, s19, $0xb8;
	[tilespmem:$0x1C200] =	vst v63  }
0x56: {  	_ =	swait.ge [sflag:s18], $0x4000  }
0x57: {  	[sflag:s18] =	ssyncset.done $0x0  }
0x58: {  	s0 =	sadd.s32 $0x9C0, s28;
	[sflag:s18] =	ssyncadd.s32 $0xFFFFC000  }
0x59: {  	[tilespmem:s3], [sflag:$0x3] =	stream.linear.gather [hbm4b:s0+s3], $0x100, $0x38;
	[tilespmem:$0x1C200] =	vst v63  }
0x5a: {  	_ =	swait.ge [sflag:s18], $0x100  }
0x5b: {  	[sflag:s18] =	ssyncset.done $0x0  }
0x5c: {  	[sflag:s18] =	ssyncadd.s32 $0xFFFFFF00  }
0x5d: {  	[tilespmem:s20], [sflag:$0x1] =	stream.indirect.gather [hbm4b:s5+s19], $0x80, s3, s19, $0xb8;
	[tilespmem:$0x1C200] =	vst v63  }
0x5e: {  	_ =	swait.ge [sflag:s24], $0x4000  }
.Ltmp3:
0x5f: {  	[sflag:s24] =	ssyncset.done $0x0;
	(pc) =	sbr.rel @p3 .LBB2_6-.Ltmp3, $4  }
0x60: {  	[sflag:s24] =	ssyncadd.s32 $0xFFFFC000  }
0x61: {  	[spmem:s1] =	stream.indirect.scatter.add.f32 [tilespmem:s22], [sflag:$0x3], $0x80, s25, s19, $0xb8;
	[tilespmem:$0x1C200] =	vst v63  }
0x62: {  	_ =	swait.ge [sflag:s18], $0x4000  }
0x63: {  	s28 =	sadd.s32 s2, s15;
	s29 =	smov.u32 s30;
	[sflag:s18] =	ssyncset.done $0x0  }
0x64: {  	s0 =	sadd.s32 $0x9A0, s28;
	[sflag:s18] =	ssyncadd.s32 $0xFFFFC000  }
0x65: {  	[tilespmem:s21], [sflag:$0x3] =	stream.linear.gather [hbm4b:s0+s3], $0x100, $0x38;
	[tilespmem:$0x1C200] =	vst v63  }
0x66: {  	_ =	swait.ge [sflag:s18], $0x100  }
0x67: {  	[sflag:s18] =	ssyncset.done $0x0  }
0x68: {  	[sflag:s18] =	ssyncadd.s32 $0xFFFFFF00  }
0x69: {  	[tilespmem:s22], [sflag:$0x2] =	stream.indirect.gather [hbm4b:s5+s19], $0x80, s21, s19, $0xb8;
	[tilespmem:$0x1C200] =	vst v63  }
0x6a: {  	_ =	swait.ge [sflag:s23], $0x4000  }
0x6b: {  	[sflag:s23] =	ssyncset.done $0x0  }
0x6c: {  	[sflag:s23] =	ssyncadd.s32 $0xFFFFC000  }
0x6d: {  	[spmem:s1] =	stream.indirect.scatter.add.f32 [tilespmem:s20], [sflag:$0x3], $0x80, s19, s19, $0xb8;
	[tilespmem:$0x1C200] =	vst v63  }
0x6e: {  	_ =	swait.ge [sflag:s18], $0x4000  }
0x6f: {  	[sflag:s18] =	ssyncset.done $0x0  }
0x70: {  	s31 =	sadd.s32 $0x9C0, s28;
	[sflag:s18] =	ssyncadd.s32 $0xFFFFC000  }
0x71: {  	[tilespmem:s3], [sflag:$0x3] =	stream.linear.gather [hbm4b:s31+s3], $0x100, $0x38;
	[tilespmem:$0x1C200] =	vst v63  }
0x72: {  	_ =	swait.ge [sflag:s18], $0x100  }
0x73: {  	[sflag:s18] =	ssyncset.done $0x0  }
0x74: {  	[sflag:s18] =	ssyncadd.s32 $0xFFFFFF00  }
0x75: {  	[tilespmem:s20], [sflag:$0x1] =	stream.indirect.gather [hbm4b:s5+s19], $0x80, s3, s19, $0xb8;
	[tilespmem:$0x1C200] =	vst v63  }
0x76: {  	_ =	swait.ge [sflag:s24], $0x4000  }
0x77: {  	[sflag:s24] =	ssyncset.done $0x0  }
0x78: {  	[sflag:s24] =	ssyncadd.s32 $0xFFFFC000  }
0x79: {  	[spmem:s1] =	stream.indirect.scatter.add.f32 [tilespmem:s22], [sflag:$0x3], $0x80, s25, s19, $0xb8;
	[tilespmem:$0x1C200] =	vst v63  }
0x7a: {  	_ =	swait.ge [sflag:s18], $0x4000  }
0x7b: {  	[sflag:s18] =	ssyncset.done $0x0  }
0x7c: {  	[sflag:s18] =	ssyncadd.s32 $0xFFFFC000  }
0x7d: {  	[tilespmem:s21], [sflag:$0x3] =	stream.linear.gather [hbm4b:s14+s3], $0x100, $0x38;
	[tilespmem:$0x1C200] =	vst v63  }
0x7e: {  	_ =	swait.ge [sflag:s18], $0x100  }
0x7f: {  	[sflag:s18] =	ssyncset.done $0x0  }
0x80: {  	[sflag:s18] =	ssyncadd.s32 $0xFFFFFF00  }
0x81: {  	[tilespmem:s22], [sflag:$0x2] =	stream.indirect.gather [hbm4b:s5+s19], $0x80, s21, s19, $0xb8;
	[tilespmem:$0x1C200] =	vst v63  }
0x82: {  	_ =	swait.ge [sflag:s23], $0x4000  }
0x83: {  	[sflag:s23] =	ssyncset.done $0x0  }
0x84: {  	[sflag:s23] =	ssyncadd.s32 $0xFFFFC000  }
0x85: {  	[spmem:s1] =	stream.indirect.scatter.add.f32 [tilespmem:s20], [sflag:$0x3], $0x80, s19, s19, $0xb8;
	[tilespmem:$0x1C200] =	vst v63  }
0x86: {  	_ =	swait.ge [sflag:s18], $0x4000  }
0x87: {  	[sflag:s18] =	ssyncset.done $0x0  }
0x88: {  	[sflag:s18] =	ssyncadd.s32 $0xFFFFC000  }
0x89: {  	_ =	swait.ge [sflag:s24], $0x4000  }
0x8a: {  	[sflag:s24] =	ssyncset.done $0x0  }
0x8b: {  	[sflag:s24] =	ssyncadd.s32 $0xFFFFC000  }
0x8c: {  	[spmem:s1] =	stream.indirect.scatter.add.f32 [tilespmem:s22], [sflag:$0x3], $0x80, s25, s19, $0xb8;
	[tilespmem:$0x1C200] =	vst v63  }
.Ltmp4:
0x8d: {  	_ = 	snop;
	(pc) =	sbr.rel @p1 .LBB2_9-.Ltmp4, $4  }
.Ltmp5:
0x8e: {  	_ = 	snop;
	(pc) =	sbr.rel @!p1 .LBB2_8-.Ltmp5, $4  }
0x8f: {  	_ =	swait.ge [sflag:s18], $0x4000  }
0x90: {  	s30 =	smov.u32 s5;
	[sflag:s18] =	ssyncset.done $0x0  }
0x91: {  	s29 =	smov.u32 s11;
	s28 =	smov.u32 s16;
	[sflag:s18] =	ssyncadd.s32 $0xFFFFC000  }
0x92: {  	_ = 	snop  }
.LBB2_2:
0x93: {  	s28 =	sor.u32 $0x1C03, s13  }
0x94: {  	[spmem:s17], [sflag:s28] =	dma.local [hbm:s6], $0x2800  }
0x95: {  	_ =	swait.ge [sflag:s18], $0x2800  }
0x96: {  	[sflag:s18] =	ssyncset.done $0x0  }
0x97: {  	[sflag:s18] =	ssyncadd.s32 $0xFFFFD800  }
0x98: {  	[bflag:$0x0] =	sbarrier.arrive $0xFFFF  }
0x99: {  	[tilespmem:s3], [sflag:$0x3] =	stream.linear.gather [hbm4b:s7+s3], $0x100, $0x38;
	[tilespmem:$0x1C200] =	vst v63  }
0x9a: {  	_ =	swait.ge [sflag:s18], $0x100  }
0x9b: {  	[sflag:s18] =	ssyncset.done $0x0  }
0x9c: {  	s29 =	sadd.s32 $0xFFFFF680, s15;
	[sflag:s18] =	ssyncadd.s32 $0xFFFFFF00  }
0x9d: {  	[tilespmem:s20], [sflag:$0x1] =	stream.indirect.gather [hbm4b:s4+s19], $0x80, s3, s19, $0xb8;
	[tilespmem:$0x1C200] =	vst v63  }
0x9e: {  	s30 =	sadd.s32 $0x9A0, s29  }
0x9f: {  	[tilespmem:s21], [sflag:$0x3] =	stream.linear.gather [hbm4b:s30+s3], $0x100, $0x38;
	[tilespmem:$0x1C200] =	vst v63  }
0xa0: {  	_ =	swait.ge [sflag:s18], $0x100  }
0xa1: {  	[sflag:s18] =	ssyncset.done $0x0  }
0xa2: {  	[sflag:s18] =	ssyncadd.s32 $0xFFFFFF00  }
0xa3: {  	[tilespmem:s22], [sflag:$0x2] =	stream.indirect.gather [hbm4b:s4+s19], $0x80, s21, s19, $0xb8;
	[tilespmem:$0x1C200] =	vst v63  }
0xa4: {  	_ =	swait.ge [sflag:s23], $0x4000  }
0xa5: {  	[sflag:s23] =	ssyncset.done $0x0  }
0xa6: {  	[sflag:s23] =	ssyncadd.s32 $0xFFFFC000  }
0xa7: {  	[spmem:s1] =	stream.indirect.scatter.add.f32 [tilespmem:s20], [sflag:$0x3], $0x80, s19, s19, $0xb8;
	[tilespmem:$0x1C200] =	vst v63  }
0xa8: {  	_ =	swait.ge [sflag:s18], $0x4000  }
0xa9: {  	[sflag:s18] =	ssyncset.done $0x0  }
0xaa: {  	s29 =	sadd.s32 $0x9C0, s29;
	[sflag:s18] =	ssyncadd.s32 $0xFFFFC000  }
0xab: {  	[tilespmem:s3], [sflag:$0x3] =	stream.linear.gather [hbm4b:s29+s3], $0x100, $0x38;
	[tilespmem:$0x1C200] =	vst v63  }
0xac: {  	_ =	swait.ge [sflag:s18], $0x100  }
0xad: {  	[sflag:s18] =	ssyncset.done $0x0  }
0xae: {  	[sflag:s18] =	ssyncadd.s32 $0xFFFFFF00  }
0xaf: {  	[tilespmem:s20], [sflag:$0x1] =	stream.indirect.gather [hbm4b:s4+s19], $0x80, s3, s19, $0xb8;
	[tilespmem:$0x1C200] =	vst v63  }
0xb0: {  	_ =	swait.ge [sflag:s24], $0x4000  }
0xb1: {  	[sflag:s24] =	ssyncset.done $0x0  }
0xb2: {  	[sflag:s24] =	ssyncadd.s32 $0xFFFFC000  }
0xb3: {  	[spmem:s1] =	stream.indirect.scatter.add.f32 [tilespmem:s22], [sflag:$0x3], $0x80, s25, s19, $0xb8;
	[tilespmem:$0x1C200] =	vst v63  }
0xb4: {  	_ =	swait.ge [sflag:s18], $0x4000  }
0xb5: {  	s30 =	simm.s32 $0xFFFFF700;
	s29 =	sadd.s32 $0xFFFFF6C0, s15;
	[sflag:s18] =	ssyncset.done $0x0  }
.LBB2_3:
0xb6: {  	s31 =	sadd.s32 $0x9A0, s29  }
0xb7: {  	[sflag:s18] =	ssyncadd.s32 $0xFFFFC000;
	s0 =	smov.u32 s30;
	s2 =	sadd.s32 $0x40, s30  }
0xb8: {  	[tilespmem:s21], [sflag:$0x3] =	stream.linear.gather [hbm4b:s31+s3], $0x100, $0x38;
	[tilespmem:$0x1C200] =	vst v63  }
0xb9: {  	p3 =	sne.s32 s30, $0xFFFFFFC0;
	_ =	swait.ge [sflag:s18], $0x100  }
0xba: {  	[sflag:s18] =	ssyncset.done $0x0  }
0xbb: {  	[sflag:s18] =	ssyncadd.s32 $0xFFFFFF00  }
0xbc: {  	[tilespmem:s22], [sflag:$0x2] =	stream.indirect.gather [hbm4b:s4+s19], $0x80, s21, s19, $0xb8;
	[tilespmem:$0x1C200] =	vst v63  }
0xbd: {  	_ =	swait.ge [sflag:s23], $0x4000  }
0xbe: {  	[sflag:s23] =	ssyncset.done $0x0  }
0xbf: {  	[sflag:s23] =	ssyncadd.s32 $0xFFFFC000  }
0xc0: {  	[spmem:s1] =	stream.indirect.scatter.add.f32 [tilespmem:s20], [sflag:$0x3], $0x80, s19, s19, $0xb8;
	[tilespmem:$0x1C200] =	vst v63  }
0xc1: {  	_ =	swait.ge [sflag:s18], $0x4000  }
0xc2: {  	[sflag:s18] =	ssyncset.done $0x0  }
0xc3: {  	s29 =	sadd.s32 $0x9C0, s29;
	[sflag:s18] =	ssyncadd.s32 $0xFFFFC000  }
0xc4: {  	[tilespmem:s3], [sflag:$0x3] =	stream.linear.gather [hbm4b:s29+s3], $0x100, $0x38;
	[tilespmem:$0x1C200] =	vst v63  }
0xc5: {  	_ =	swait.ge [sflag:s18], $0x100  }
0xc6: {  	[sflag:s18] =	ssyncset.done $0x0  }
0xc7: {  	[sflag:s18] =	ssyncadd.s32 $0xFFFFFF00  }
0xc8: {  	[tilespmem:s20], [sflag:$0x1] =	stream.indirect.gather [hbm4b:s4+s19], $0x80, s3, s19, $0xb8;
	[tilespmem:$0x1C200] =	vst v63  }
0xc9: {  	_ =	swait.ge [sflag:s24], $0x4000  }
.Ltmp6:
0xca: {  	[sflag:s24] =	ssyncset.done $0x0;
	(pc) =	sbr.rel @p3 .LBB2_3-.Ltmp6, $4  }
0xcb: {  	[sflag:s24] =	ssyncadd.s32 $0xFFFFC000  }
0xcc: {  	[spmem:s1] =	stream.indirect.scatter.add.f32 [tilespmem:s22], [sflag:$0x3], $0x80, s25, s19, $0xb8;
	[tilespmem:$0x1C200] =	vst v63  }
0xcd: {  	_ =	swait.ge [sflag:s18], $0x4000  }
0xce: {  	s30 =	smov.u32 s2;
	s29 =	sadd.s32 s0, s15;
	[sflag:s18] =	ssyncset.done $0x0  }
0xcf: {  	s0 =	sadd.s32 $0x9A0, s29;
	[sflag:s18] =	ssyncadd.s32 $0xFFFFC000  }
0xd0: {  	[tilespmem:s21], [sflag:$0x3] =	stream.linear.gather [hbm4b:s0+s3], $0x100, $0x38;
	[tilespmem:$0x1C200] =	vst v63  }
0xd1: {  	_ =	swait.ge [sflag:s18], $0x100  }
0xd2: {  	[sflag:s18] =	ssyncset.done $0x0  }
0xd3: {  	[sflag:s18] =	ssyncadd.s32 $0xFFFFFF00  }
0xd4: {  	[tilespmem:s22], [sflag:$0x2] =	stream.indirect.gather [hbm4b:s4+s19], $0x80, s21, s19, $0xb8;
	[tilespmem:$0x1C200] =	vst v63  }
0xd5: {  	_ =	swait.ge [sflag:s23], $0x4000  }
0xd6: {  	[sflag:s23] =	ssyncset.done $0x0  }
0xd7: {  	[sflag:s23] =	ssyncadd.s32 $0xFFFFC000  }
0xd8: {  	[spmem:s1] =	stream.indirect.scatter.add.f32 [tilespmem:s20], [sflag:$0x3], $0x80, s19, s19, $0xb8;
	[tilespmem:$0x1C200] =	vst v63  }
0xd9: {  	_ =	swait.ge [sflag:s18], $0x4000  }
0xda: {  	[sflag:s18] =	ssyncset.done $0x0  }
0xdb: {  	s31 =	sadd.s32 $0x9C0, s29;
	[sflag:s18] =	ssyncadd.s32 $0xFFFFC000  }
0xdc: {  	[tilespmem:s3], [sflag:$0x3] =	stream.linear.gather [hbm4b:s31+s3], $0x100, $0x38;
	[tilespmem:$0x1C200] =	vst v63  }
0xdd: {  	_ =	swait.ge [sflag:s18], $0x100  }
0xde: {  	[sflag:s18] =	ssyncset.done $0x0  }
0xdf: {  	[sflag:s18] =	ssyncadd.s32 $0xFFFFFF00  }
0xe0: {  	[tilespmem:s20], [sflag:$0x1] =	stream.indirect.gather [hbm4b:s4+s19], $0x80, s3, s19, $0xb8;
	[tilespmem:$0x1C200] =	vst v63  }
0xe1: {  	_ =	swait.ge [sflag:s24], $0x4000  }
0xe2: {  	[sflag:s24] =	ssyncset.done $0x0  }
0xe3: {  	[sflag:s24] =	ssyncadd.s32 $0xFFFFC000  }
0xe4: {  	[spmem:s1] =	stream.indirect.scatter.add.f32 [tilespmem:s22], [sflag:$0x3], $0x80, s25, s19, $0xb8;
	[tilespmem:$0x1C200] =	vst v63  }
0xe5: {  	_ =	swait.ge [sflag:s18], $0x4000  }
0xe6: {  	[sflag:s18] =	ssyncset.done $0x0  }
0xe7: {  	[sflag:s18] =	ssyncadd.s32 $0xFFFFC000  }
0xe8: {  	[tilespmem:s21], [sflag:$0x3] =	stream.linear.gather [hbm4b:s14+s3], $0x100, $0x38;
	[tilespmem:$0x1C200] =	vst v63  }
0xe9: {  	_ =	swait.ge [sflag:s18], $0x100  }
0xea: {  	[sflag:s18] =	ssyncset.done $0x0  }
0xeb: {  	[sflag:s18] =	ssyncadd.s32 $0xFFFFFF00  }
0xec: {  	[tilespmem:s22], [sflag:$0x2] =	stream.indirect.gather [hbm4b:s4+s19], $0x80, s21, s19, $0xb8;
	[tilespmem:$0x1C200] =	vst v63  }
0xed: {  	_ =	swait.ge [sflag:s23], $0x4000  }
0xee: {  	[sflag:s23] =	ssyncset.done $0x0  }
0xef: {  	[sflag:s23] =	ssyncadd.s32 $0xFFFFC000  }
0xf0: {  	[spmem:s1] =	stream.indirect.scatter.add.f32 [tilespmem:s20], [sflag:$0x3], $0x80, s19, s19, $0xb8;
	[tilespmem:$0x1C200] =	vst v63  }
0xf1: {  	_ =	swait.ge [sflag:s18], $0x4000  }
0xf2: {  	[sflag:s18] =	ssyncset.done $0x0  }
0xf3: {  	[sflag:s18] =	ssyncadd.s32 $0xFFFFC000  }
0xf4: {  	_ =	swait.ge [sflag:s24], $0x4000  }
0xf5: {  	[sflag:s24] =	ssyncset.done $0x0  }
0xf6: {  	[sflag:s24] =	ssyncadd.s32 $0xFFFFC000  }
0xf7: {  	[spmem:s1] =	stream.indirect.scatter.add.f32 [tilespmem:s22], [sflag:$0x3], $0x80, s25, s19, $0xb8;
	[tilespmem:$0x1C200] =	vst v63  }
.Ltmp7:
0xf8: {  	_ = 	snop;
	(pc) =	sbr.rel @p2 .LBB2_8-.Ltmp7, $4  }
.Ltmp8:
0xf9: {  	_ = 	snop;
	(pc) =	sbr.rel @!p2 .LBB2_9-.Ltmp8, $4  }
0xfa: {  	_ =	swait.ge [sflag:s18], $0x4000  }
0xfb: {  	[sflag:s18] =	ssyncset.done $0x0  }
0xfc: {  	s30 =	smov.u32 s4;
	s29 =	smov.u32 s9;
	[sflag:s18] =	ssyncadd.s32 $0xFFFFC000  }
0xfd: {  	_ = 	snop  }
.LBB2_10:
0xfe: {  	_ =	sfence.sel $0x180000  }
0xff: {  	[bflag:$0x0] =	sbarrier.arrive $0xFFFF  }
0x100: {  	_ =	strace $0x90000050  }
0x101: {  	s0 =	stileid.u32;
	[bflag:$0x2] =	sbarrier.arrive $0xFFFF  }
0x102: {  	p0 =	sne.s32 s0, $0x0;
	s0 =	rddreg [dreg:$0x3]  }
0x103: {  	s0 =	sadd.s32 @!p0 $0x100000, s0  }
0x104: {  	[sflag:s0] =	ssyncadd.tile.s32 @!p0 $0x1;
	_ =	shalt  }
.Lfunc_end2:
_tile_overlayer_lowered:
.L_overlay_start_2:
0x105: {  	(tag) =	ssettag $0x2  }
0x106: {  	s0 =	rddreg [dreg:$0x0];
	s2 =	stileid.u32  }
0x107: {  	s1 =	rddreg [dreg:$0x1];
	p0 =	sne.s32 s2, $0x0  }
0x108: {  	s3 =	rddreg [dreg:$0x2];
	[bflag:$0x3] =	sbarrier.arrive $0xFFFF;
	s2 =	simm.s32 @!p0 $0x1C03  }
0x109: {  	[timem:s3], [sflag:s2] =	dma.local @!p0 [hbm:s0], s1  }
0x10a: {  	s0 =	simm.s32 @!p0 $0x3  }
0x10b: {  	_ =	swait.ge @!p0 [sflag:s0], s1  }
0x10c: {  	s1 =	ssub.s32 @!p0 $0x0, s1;
	[sflag:s0] =	ssyncset.done @!p0 $0x0  }
0x10d: {  	[sflag:s0] =	ssyncadd.s32 @!p0 s1  }
0x10e: {  	[bflag:$0x3] =	sbarrier.arrive $0xFFFF  }
0x10f: {  	_ =	shalt  }

// kernel: scatter_offload_async_start.1
scs
__scs_entry_jumppad:
0x0: {  	(pc) =	sbr.rel $0x88, $3  }
0x1: {  	(tag) =	ssettag $0x0;
	lr =	simm.s32 $0x1  }
0x2: {  	[smem:$0x3F91] =	sst lr;
	_ =	strace $0xD0000000  }
0x3: {  	_ = 	snop  }
0x4: {  	_ = 	snop  }
0x5: {  	_ = 	snop  }
0x6: {  	_ = 	snop  }
0x7: {  	_ = 	snop  }
__scs_overlays_trampoline_lowered:
0x8: {  	[smem:$0x3FA0] =	sst s0  }
0x9: {  	[smem:$0x3FA1] =	sst s1  }
0xa: {  	[smem:$0x3FA2] =	sst s2  }
0xb: {  	[smem:$0x3FA3] =	sst s3  }
0xc: {  	[smem:$0x3FA4] =	sst s4  }
0xd: {  	[smem:$0x3FA5] =	sst s5  }
0xe: {  	[smem:$0x3FA6] =	sst s6  }
0xf: {  	[smem:$0x3FA7] =	sst s7  }
0x10: {  	[smem:$0x3FA8] =	sst s8  }
0x11: {  	[smem:$0x3FA9] =	sst s9;
	s0 =	simm.s32 @!p0 $0x0  }
0x12: {  	s1 =	sld [smem:$0x3F8F];
	s0 =	simm.s32 @p0 $0x1  }
0x13: {  	[smem:$0x3FAA] =	sst s0;
	s0 =	simm.s32 @!p1 $0x0  }
0x14: {  	s2 =	sld [smem:$0x3F8E];
	s0 =	simm.s32 @p1 $0x1  }
0x15: {  	[smem:$0x3FAB] =	sst s0;
	s0 =	simm.s32 @!p2 $0x0  }
0x16: {  	s3 =	sld [smem:$0x3FDB];
	s0 =	simm.s32 @p2 $0x1  }
0x17: {  	s4 =	simm.s32 $0x1BF5;
	[smem:$0x3FAD] =	sst s0  }
0x18: {  	s0 =	sld [smem:$0x3F90];
	_ =	swait.ge [sflag:s4], $0x0  }
0x19: {  	s7 =	sld [smem:$0x3F91]  }
0x1a: {  	s8 =	sadd.s32 $0xFFFFE003, lr  }
0x1b: {  	s9 =	sadd.s32 $0xFFFFFEF7, lr;
	s5 =	simm.s32 $0xFFFFFFFF;
	p2 =	slt.u32 s8, $0xFFFFF086  }
0x1c: {  	p1 =	slt.u32 s9, $0xF7A;
	s5 =	simm.s32 @!p2 $0x0  }
0x1d: {  	s5 =	simm.s32 @p1 $0x1;
	p0 =	seq.s32 s7, s2  }
0x1e: {  	s7 =	smul.u32 @!p0 $0xF7A, s2;
	p2 =	seq.s32 @!p0 s5, $0x0  }
0x1f: {  	s9 =	smul.u32 $0xF7A, s1;
	s8 =	simm.s32 @!p0 $0x1BF5;
	p2 =	por !p2, p0  }
0x20: {  	[sflag:s8] =	ssyncset.s32 @!p0 $0xFFFFF086;
	s6 =	sadd.s32 @!p0 s3, s7;
	s7 =	simm.s32 @!p0 $0x108  }
0x21: {  	s3 =	sadd.s32 s3, s9;
	s6 =	sadd.s32 @!p0 $0x88, s6;
	s7 =	simm.s32 @p2 $0x1082  }
0x22: {  	[simem:s7], [sflag:s8] =	dma.local @!p0 [hbm:s6], $0xF7A  }
0x23: {  	s9 =	sor.u32 $0xD0000000, s2;
	s6 =	simm.s32 $0x108;
	_ =	swait.ge @!p0 [sflag:s8], $0x0  }
0x24: {  	s3 =	sadd.s32 $0x88, s3;
	s6 =	simm.s32 @!p1 $0x1082;
	[sflag:s4] =	ssyncset.s32 $0xFFFFF086  }
0x25: {  	[simem:s6], [sflag:s4] =	dma.local [hbm:s3], $0xF7A  }
0x26: {  	[smem:$0x3F91] =	sst s1;
	(tag) =	ssettag s2;
	_ =	strace s9  }
0x27: {  	s1 =	sld [smem:$0x3FA1]  }
0x28: {  	s2 =	sld [smem:$0x3FA2]  }
0x29: {  	s4 =	sld [smem:$0x3FA4]  }
0x2a: {  	p0 =	seq.s32 s5, $0x0;
	s5 =	sld [smem:$0x3FA5]  }
0x2b: {  	s6 =	sld [smem:$0x3FA6]  }
0x2c: {  	s7 =	sld [smem:$0x3FA7]  }
0x2d: {  	s3 =	simm.s32 $0x108;
	s8 =	sld [smem:$0x3FA8]  }
0x2e: {  	s3 =	simm.s32 @!p0 $0x1082;
	s9 =	sld [smem:$0x3FA9]  }
0x2f: {  	lr =	sadd.s32 s0, s3;
	s0 =	sld [smem:$0x3FA0]  }
0x30: {  	s3 =	sld [smem:$0x3FA3]  }
0x31: {  	[smem:$0x3FAC] =	sst s10  }
0x32: {  	s10 =	sld [smem:$0x3FAA];
	_ =	sdelay $0x3  }
0x33: {  	p0 =	seq.s32 s10, $0x1;
	s10 =	sld [smem:$0x3FAC];
	_ =	sdelay $0x3  }
0x34: {  	[smem:$0x3FAC] =	sst s10  }
0x35: {  	s10 =	sld [smem:$0x3FAB];
	_ =	sdelay $0x3  }
0x36: {  	p1 =	seq.s32 s10, $0x1;
	s10 =	sld [smem:$0x3FAC];
	_ =	sdelay $0x3  }
0x37: {  	[smem:$0x3FAC] =	sst s10  }
0x38: {  	s10 =	sld [smem:$0x3FAD]  }
0x39: {  	_ = 	snop;
	(pc) =	sbr.ind lr, $3  }
0x3a: {  	_ = 	snop  }
0x3b: {  	_ = 	snop  }
0x3c: {  	p2 =	seq.s32 s10, $0x1;
	s10 =	sld [smem:$0x3FAC]  }
0x3d: {  	_ =	shalt  }
0x3e: {  	_ =	shalt  }
0x3f: {  	_ =	shalt  }
0x40: {  	_ =	shalt  }
0x41: {  	_ =	shalt  }
0x42: {  	_ =	shalt  }
0x43: {  	_ =	shalt  }
0x44: {  	_ =	shalt  }
0x45: {  	_ =	shalt  }
0x46: {  	_ =	shalt  }
0x47: {  	_ =	shalt  }
0x48: {  	_ =	shalt  }
0x49: {  	_ =	shalt  }
0x4a: {  	_ =	shalt  }
0x4b: {  	_ =	shalt  }
0x4c: {  	_ =	shalt  }
0x4d: {  	_ =	shalt  }
0x4e: {  	_ =	shalt  }
0x4f: {  	_ =	shalt  }
0x50: {  	_ =	shalt  }
0x51: {  	_ =	shalt  }
0x52: {  	_ =	shalt  }
0x53: {  	_ =	shalt  }
0x54: {  	_ =	shalt  }
0x55: {  	_ =	shalt  }
0x56: {  	_ =	shalt  }
0x57: {  	_ =	shalt  }
0x58: {  	_ =	shalt  }
0x59: {  	_ =	shalt  }
0x5a: {  	_ =	shalt  }
0x5b: {  	_ =	shalt  }
0x5c: {  	_ =	shalt  }
0x5d: {  	_ =	shalt  }
0x5e: {  	_ =	shalt  }
0x5f: {  	_ =	shalt  }
0x60: {  	_ =	shalt  }
0x61: {  	_ =	shalt  }
0x62: {  	_ =	shalt  }
0x63: {  	_ =	shalt  }
0x64: {  	_ =	shalt  }
0x65: {  	_ =	shalt  }
0x66: {  	_ =	shalt  }
0x67: {  	_ =	shalt  }
0x68: {  	_ =	shalt  }
0x69: {  	_ =	shalt  }
0x6a: {  	_ =	shalt  }
0x6b: {  	_ =	shalt  }
0x6c: {  	_ =	shalt  }
0x6d: {  	_ =	shalt  }
0x6e: {  	_ =	shalt  }
0x6f: {  	_ =	shalt  }
0x70: {  	_ =	shalt  }
0x71: {  	_ =	shalt  }
0x72: {  	_ =	shalt  }
0x73: {  	_ =	shalt  }
0x74: {  	_ =	shalt  }
0x75: {  	_ =	shalt  }
0x76: {  	_ =	shalt  }
0x77: {  	_ =	shalt  }
0x78: {  	_ =	shalt  }
0x79: {  	_ =	shalt  }
0x7a: {  	_ =	shalt  }
0x7b: {  	_ =	shalt  }
0x7c: {  	_ =	shalt  }
0x7d: {  	_ =	shalt  }
0x7e: {  	_ =	shalt  }
0x7f: {  	_ =	shalt  }
0x80: {  	_ =	shalt  }
0x81: {  	_ =	shalt  }
0x82: {  	_ =	shalt  }
0x83: {  	_ =	shalt  }
0x84: {  	_ =	shalt  }
0x85: {  	_ =	shalt  }
0x86: {  	_ =	shalt  }
0x87: {  	_ =	shalt  }
.Lfunc_end0:
.L_simem_size_0:
called_computation.1_lowered:
.L_overlay_start_0:
0x88: {  	s0 =	sld [smem:$0x3FD9]  }
0x89: {  	s1 =	sld [smem:$0x3FFE];
	_ =	sdelay $0x3  }
0x8a: {  	s0 =	sadd.s32 s1, s0  }
0x8b: {  	[smem:$0x3FB8] =	sst s0  }
0x8c: {  	_ = 	snop  }
0x8d: {  	s0 =	sld [smem:$0x3FD0];
	(tm) =	ssettm $0x1  }
0x8e: {  	s16 =	sld [smem:$0x3FFB];
	_ =	sdelay $0x3  }
0x8f: {  	_ =	strace s16  }
0x90: {  	s1 =	sld [smem:$0x3FFC];
	_ =	sdelay $0x3  }
0x91: {  	_ =	strace s1  }
0x92: {  	s1 =	sld [smem:$0x3FFD];
	_ =	sdelay $0x3  }
0x93: {  	_ =	strace s1  }
0x94: {  	_ =	strace $0x8FFFFFFF  }
0x95: {  	s17 =	sld [smem:$0x3FDB];
	_ =	sdelay $0x1  }
0x96: {  	s2 =	simm.s32 $_scs_section_size  }
0x97: {  	s3 =	simm.s32 $_size__tile_overlayer_lowered;
	s4 =	simm.s32 $_tile_overlayer_lowered  }
0x98: {  	s20 =	simm.s32 $0x1BFF;
	s19 =	sshll.u32 s4, $0x1;
	s1 =	sadd.s32 s2, s17  }
0x99: {  	s5 =	simm.s32 $0x0;
	s18 =	sshll.u32 s3, $0x1;
	s3 =	sadd.s32 s19, s1  }
0x9a: {  	[timem:s5], [sflag:s20] =	dma.local [hbm:s3], s18  }
0x9b: {  	_ =	swait.ge [sflag:s20], s18  }
0x9c: {  	s2 =	ssub.s32 $0x0, s18;
	[sflag:s20] =	ssyncset.done $0x0  }
0x9d: {  	[sflag:s20] =	ssyncadd.s32 s2;
	_ =	sdelay $0x1  }
0x9e: {  	s21 =	simm.s32 $0x1B8B  }
0x9f: {  	_ =	swait.ge [sflag:s21], $0x1  }
0xa0: {  	[sflag:s21] =	ssyncset.done $0x0  }
0xa1: {  	s23 =	simm.s32 $0x1B8E;
	s22 =	sld [smem:$0x3FFE];
	[sflag:s21] =	ssyncadd.s32 $0xFFFFFFFF  }
0xa2: {  	s24 =	simm.s32 $execute0_lowered;
	[smem:$0x3FD2] =	sst s23  }
0xa3: {  	s3 =	sshll.u32 s24, $0x1;
	_ =	strace $0x80000052;
	[dreg:$0x1] =	wrdreg $0xFFFFFFFF  }
0xa4: {  	s25 =	simm.s32 $_size_execute0_lowered;
	s1 =	sadd.s32 s1, s3;
	[dreg:$0x0] =	wrdreg $0x0  }
0xa5: {  	s3 =	sshll.u32 s25, $0x1;
	[dreg:$0x2] =	wrdreg s1  }
0xa6: {  	[dreg:$0x3] =	wrdreg s3  }
0xa7: {  	[dreg:$0x4] =	wrdreg $0xC0  }
0xa8: {  	_ =	task [dreg:s5], $0x5FFFF  }
0xa9: {  	[dreg:$0x1] =	wrdreg $0xFFFFFFFF  }
0xaa: {  	[dreg:$0x0] =	wrdreg $0x60  }
0xab: {  	[dreg:$0x2] =	wrdreg s0  }
0xac: {  	[dreg:$0x3] =	wrdreg s22  }
0xad: {  	[dreg:$0x4] =	wrdreg $0xA  }
0xae: {  	_ =	task.clear_ibuf [dreg:s5], $0x5FFFF;
	_ =	strace $0x90000052  }
0xaf: {  	s26 =	simm.s32 $0xA;
	_ =	strace $0x80000054  }
0xb0: {  	_ =	swait.ge [sflag:s26], $0x1  }
0xb1: {  	[sflag:s26] =	ssyncadd.s32 $0xFFFFFFFF  }
0xb2: {  	_ =	strace $0x90000054  }
0xb3: {  	_ =	sfence  }
0xb4: {  	s28 =	sld [smem:$0x0];
	_ =	sdelay $0x1  }
0xb5: {  	s29 =	srdreg.scid  }
0xb6: {  	s30 =	sshll.u32 s29, $0xD;
	s31 =	sshrl.u32 s29, $0x2  }
0xb7: {  	s2 =	sand.u32 $0x4000, s30;
	s1 =	sand.u32 $0x1, s29;
	s0 =	sadd.s32 s31, s28  }
0xb8: {  	s1 =	sor.u32 s2, s1;
	s0 =	sshll.u32 s0, $0x11  }
0xb9: {  	s0 =	sor.u32 s0, s1  }
0xba: {  	s0 =	sadd.s32 $0x8F2B, s0  }
0xbb: {  	[sflag:s0] =	ssyncadd.remote.s32 $0x1  }
0xbc: {  	_ =	sfence.sel $0xFFFF  }
0xbd: {  	[dreg:$0x0] =	wrdreg $0xFFFFFFFF;
	(pc) =	sbr.abs _section_cstart, $3  }
0xbe: {  	[dreg:$0x1] =	wrdreg $0xFFFFFFFF  }
0xbf: {  	_ =	task.clear_ibuf [dreg:s5], $0x2FFFF;
	_ =	strace $0x9FFFFFFF  }
0xc0: {  	(tm) =	ssettm $0x7FFFFFFF  }
0xc1: {  	_ =	shalt  }
tec
execute0_lowered:
.L_overlay_start_1:
0x0: {  	(tag) =	ssettag $0x1  }
0x1: {  	s1 =	rddreg [dreg:$0x0];
	s6 =	stileid.u32  }
0x2: {  	s0 =	rddreg [dreg:$0x1];
	_ =	strace $0x80000053;
	s2 =	smin.u32 s6, $0x9  }
0x3: {  	s9 =	simm.s32 $0x1;
	p0 =	slt.u32 s6, $0x9;
	s2 =	sadd.s32 s6, s2  }
0x4: {  	v1 =	vimm.s32 $0xFFFFFFFF;
	[sflag:s9] =	ssyncpa.u1 $0x0;
	s3 =	smul.u32 $0x190, s2;
	s2 =	simm.s32 $0x320  }
0x5: {  	[tilespmem:$0x10] =	vst v1;
	s2 =	simm.s32 @!p0 $0x190  }
0x6: {  	v0 =	vimm.f32 $0.0e+00;
	[tilespmem:$0x20] =	vst v1;
	s2 =	sadd.s32 s2, s3  }
0x7: {  	[tilespmem:$0x30] =	vst v0;
	s4 =	smin.u32 s2, $0x2710  }
0x8: {  	[tilespmem:$0x40] =	vst v0;
	s2 =	ssub.s32 s4, s3  }
0x9: {  	[tilespmem:$0x50] =	vst v0;
	p0 =	sgt.s32 s2, $0x0  }
0xa: {  	[tilespmem:$0x60] =	vst v1;
	s2 =	simm.s32 @!p0 $0x0  }
0xb: {  	s7 =	simm.s32 $0x2;
	s8 =	simm.s32 $0x8;
	[tilespmem:$0x70] =	vst v1;
	s5 =	sand.u32 $0xFFF0, s2  }
0xc: {  	s31 =	simm.s32 $0x9;
	s16 =	simm.s32 $0x0;
	[tilespmem:$0x80] =	vst v1;
	s5 =	sshrl.u32 s5, $0x4  }
0xd: {  	s17 =	simm.s32 $0xF0;
	s18 =	simm.s32 $0xFFFFFFFF;
	v1 =	vimm.s32 $0x0;
	[tilespmem:$0xB0] =	vst v0;
	s5 =	smul.u32 $0xA3E, s5  }
0xe: {  	s19 =	simm.s32 $0xFFFFFDE0;
	s20 =	simm.s32 $0xFFFFFFFE;
	s21 =	simm.s32 $0xF;
	[tilespmem:$0x90] =	vst v1  }
0xf: {  	[tilespmem:$0xA0] =	vst v1;
	[sflag:s7] =	ssyncpa.u1 $0x0;
	s7 =	simm.s32 $0x7;
	s10 =	sshrl.u32 s5, $0x10  }
0x10: {  	s25 =	simm.s32 $0x0;
	[sflag:s7] =	ssyncpa.u1 $0x0;
	s11 =	smul.u32 $0x190, s10  }
0x11: {  	s24 =	simm.s32 $0x0;
	s14 =	sshllo.u32 s6, $0x1;
	[sflag:s8] =	ssyncpa.u1 $0x0  }
.Ltmp0:
0x12: {  	s23 =	smov.u32 s3;
	p0 =	sne.s32 s2, s11;
	(pc) =	sbr.rel .LBB2_1-.Ltmp0, $4  }
0x13: {  	s5 =	sadd.s32 $0xCCE00, s0;
	s0 =	sadd.s32 $0xCD400, s0;
	s9 =	simm.s32 @!p0 $0x0  }
0x14: {  	[sflag:s31] =	ssyncpa.u1 $0x0;
	[dreg:$0x3] =	wrdreg s0;
	s9 =	sadd.s32 s10, s9  }
0x15: {  	vm0 =	vmmov $0xffff;
	v2 =	vlaneseq.u32;
	p0 =	por $0x0, $0x0;
	s10 =	sshll.u32 s6, $0x1;
	s11 =	sadd.s32 $0x1, s9  }
0x16: {  	vm1 =	vmxor vm1, vm1;
	vm2 =	vmmov $0x1;
	vm3 =	vcmask $0x3F3C;
	s12 =	sadd.s32 $0x2, s9;
	s13 =	sor.u32 $0x81, s10;
	s15 =	sor.u32 $0x80, s10  }
.LBB2_9:
0x17: {  	p1 =	slt.u32 s24, $0x3  }
0x18: {  	s0 =	simm.s32 @!p1 $0x2  }
0x19: {  	_ =	swait.ge @!p1 [sflag:s0], $0x190  }
0x1a: {  	[sflag:s0] =	ssyncset.done @!p1 $0x0  }
0x1b: {  	[sflag:s0] =	ssyncadd.s32 @!p1 $0xFFFFFE70;
	s0 =	simm.s32 @!p1 $0x9  }
0x1c: {  	_ =	swait.ge @!p1 [sflag:s0], $0x10  }
0x1d: {  	[sflag:s0] =	ssyncset.done @!p1 $0x0  }
0x1e: {  	[sflag:s0] =	ssyncadd.s32 @!p1 $0xFFFFFFF0;
	p1 =	sne.s32 s24, s12  }
.Ltmp1:
0x1f: {  	s2 =	sadd.s32 $0x190, s23;
	(pc) =	sbr.rel @!p1 .LBB2_10-.Ltmp1, $4  }
0x20: {  	s6 =	smov.u32 s3;
	s31 =	sadd.s32 $0x1, s24;
	s17 =	sadd.s32 $0x190, s17  }
0x21: {  	s18 =	sadd.s32 $0x1, s18;
	s25 =	smov.u32 s23;
	p2 =	slt.s32 s2, s4  }
0x22: {  	p0 =	por !p0, !p0;
	s19 =	sadd.s32 $0x190, s19;
	s6 =	smov.u32 @p2 s2  }
0x23: {  	s20 =	sadd.s32 $0x1, s20;
	s23 =	smov.u32 s6;
	s24 =	smov.u32 s31  }
.LBB2_1:
0x24: {  	p1 =	sge.u32 s24, s9  }
0x25: {  	s0 =	smulhi.u32 @!p1 $0xAAAAAAAB, s24;
	_ =	sdelay $0x1  }
0x26: {  	s0 =	sshrl.u32 @!p1 s0, $0x1  }
0x27: {  	s0 =	smul.u32 @!p1 $0x3, s0;
	_ =	sdelay $0x1  }
0x28: {  	s0 =	ssub.s32 @!p1 s24, s0  }
0x29: {  	s0 =	smul.u32 @!p1 $0x640, s0;
	_ =	sdelay $0x1  }
0x2a: {  	s2 =	sshrl.u32 @!p1 s23, $0x3;
	s0 =	sshrl.u32 @!p1 s0, $0x2  }
0x2b: {  	s22 =	sand.u32 @!p1 $0x7, s23;
	s2 =	sadd.s32 @!p1 s5, s2;
	s0 =	sadd.s32 @!p1 $0x100, s0  }
0x2c: {  	[tilespmem:s0], [sflag:$0x7] =	stream.linear.gather @!p1 [hbm4b:s2+s22], $0x190, $0x38;
	[tilespmem:$0xF30] =	vst v63  }
0x2d: {  	s0 =	sadd.s32 $0xFFFFFFFF, s24  }
0x2e: {  	p1 =	sge.u32 s0, s9  }
.Ltmp2:
0x2f: {  	_ = 	snop;
	(pc) =	sbr.rel @p1 .LBB2_5-.Ltmp2, $1  }
0x30: {  	_ =	sdelay $0x3  }
0x31: {  	s2 =	smulhi.u32 $0xAAAAAAAB, s0;
	_ =	sdelay $0x1  }
0x32: {  	s2 =	sshrl.u32 s2, $0x1  }
0x33: {  	s2 =	smul.u32 $0x3, s2;
	_ =	sdelay $0x1  }
0x34: {  	s2 =	ssub.s32 s0, s2  }
0x35: {  	s2 =	smul.u32 $0x640, s2  }
0x36: {  	_ =	swait.ge [sflag:s7], $0x190  }
0x37: {  	[sflag:s7] =	ssyncset.done $0x0;
	s2 =	sshrl.u32 s2, $0x2  }
0x38: {  	[sflag:s7] =	ssyncadd.s32 $0xFFFFFE70;
	(ifvalue) =	ssetifvalue $0xFFFFFFFF;
	v3 =	vld.msk [tilespmem:s2+$0x100 ss:$0x1], $0xffff;
	_ =	sdelay $0x2  }
0x39: {  	s30 =	smulhi.u32 $0xAAAAAAAB, s18;
	p1 =	sne.s32 s24, $0x1  }
0x3a: {  	v4 =	vimm.s32 @!p1 $0x0  }
0x3b: {  	s2 =	sshrl.u32 s30, $0x1;
	v4 =	vperm.xlane @!p1 v3, v4  }
0x3c: {  	s22 =	sshll.u32 s24, $0x4;
	s2 =	smul.u32 $0xFFFFED40, s2;
	vm4 =	vlt.u32 v3, $0x80  }
0x3d: {  	s22 =	sand.u32 $0x10, s22;
	v3 =	vnsel vm4, $0xFFFFFFFE, v3;
	vm4 =	vlt.u32 @!p1 v4, $0x80  }
0x3e: {  	s2 =	sshra.s32 s2, $0x2;
	[tilespmem:s22+$0x60] =	vst v3;
	v3 =	vnsel @!p1 vm4, $0xFFFFFFFE, v4  }
0x3f: {  	s28 =	sadd.s32 s2, s17;
	[tilespmem:$0x80] =	vst @!p1 v3  }
0x40: {  	v3 =	vld.msk [tilespmem:s28+$0x0 ss:$0x1], $0xffff;
	_ =	sdelay $0x4  }
0x41: {  	(xrf1) =	vunique.msk.u32 $0xffff, v3;
	_ =	sdelay $0xd  }
0x42: {  	v4 =	vimm.s32 $0xFFFFFFFF;
	v5, _, _ =	vpop (xrf1)  }
0x43: {  	vm5 =	vne.s32 v3, v4;
	vm4 =	veq.s32 v5, v2  }
0x44: {  	vm6 =	vlt.u32 v3, $0x80;
	vm4 =	vmand vm5, vm4  }
0x45: {  	vm4 =	vmand vm6, vm4  }
0x46: {  	v4 =	vnsel vm4, $0xFFFFFFFF, v3  }
0x47: {  	s31 =	sand.u32 $0x1, s0  }
0x48: {  	s0 =	simm.s32 $0x190;
	p1 =	seq.s32 s31, $0x1  }
0x49: {  	s0 =	simm.s32 @!p1 $0x0  }
0x4a: {  	s26 =	sadd.s32 $0x730, s0;
	(ifvalue) =	ssetifvalue $0xFFFFFFFF  }
0x4b: {  	v3 =	vperm.xlane v3, v1;
	[tilespmem:s26], [sflag:$0x8] =	stream.indirect_vreg.gather [hbm4b:s1+s16], $0x1, v4, vm0, $0x4038;
	v4 =	vnsel vm6, $0xFFFFFFFE, v4;
	[tilespmem:$0xF30] =	vst v63  }
0x4c: {  	s2 =	simm.s32 $0x0;
	s22 =	sadd.s32 $0xFFFFFFF0, s28;
	[tilespmem:s28+$0x0] =	vst v4  }
.LBB2_3:
0x4d: {  	v4 =	vld.msk [tilespmem:s22+$0x0 ss:$0x1], $0xffff;
	s2 =	sadd.s32 $0x10, s2;
	v5 =	vmov v3;
	s28 =	smov.u32 s22  }
0x4e: {  	p1 =	slt.u32 s2, $0x180;
	_ =	sdelay $0x4  }
0x4f: {  	v3 =	vperm.xlane v4, v1;
	(xrf1) =	vunique.msk.u32 $0xffff, v4;
	_ =	sdelay $0xd  }
0x50: {  	v6, _, _ =	vpop (xrf1)  }
0x51: {  	vm5 =	vne.s32 v4, v5;
	vm4 =	veq.s32 v6, v2  }
0x52: {  	vm6 =	vlt.u32 v4, $0x80;
	vm4 =	vmand vm5, vm4  }
0x53: {  	vm4 =	vmand vm6, vm4  }
0x54: {  	v4 =	vnsel vm4, $0xFFFFFFFF, v4  }
.Ltmp3:
0x55: {  	v5 =	vnsel vm6, $0xFFFFFFFE, v4;
	(pc) =	sbr.rel @p1 .LBB2_3-.Ltmp3, $3  }
0x56: {  	_ =	sdelay $0x1  }
0x57: {  	s22 =	sadd.s32 $0xFFFFFFF0, s22;
	s26 =	sadd.s32 $0xFFFFFFF0, s26;
	(ifvalue) =	ssetifvalue $0xFFFFFFFF  }
0x58: {  	[tilespmem:s26], [sflag:$0x8] =	stream.indirect_vreg.gather [hbm4b:s1+s16], $0x1, v4, vm0, $0x4038;
	[tilespmem:s28+$0x0] =	vst v5  }
0x59: {  	s2 =	sshrl.u32 s25, $0x3;
	s6 =	rddreg [dreg:$0x3]  }
0x5a: {  	s0 =	sadd.s32 $0x8D0, s0;
	s2 =	sadd.s32 s6, s2  }
0x5b: {  	[tilespmem:s0], [sflag:$0x8] =	stream.linear.gather [hbm:s2], $0x190, $0x38;
	[tilespmem:$0xF30] =	vst v63  }
.LBB2_5:
0x5c: {  	p1 =	slt.u32 s24, $0x2  }
0x5d: {  	p2 =	sge.u32 @!p1 s24, s12  }
0x5e: {  	p1 =	por p1, p2  }
.Ltmp4:
0x5f: {  	_ = 	snop;
	(pc) =	sbr.rel @p1 .LBB2_9-.Ltmp4, $1  }
0x60: {  	_ =	sdelay $0x3  }
0x61: {  	s0 =	sadd.s32 $0xFFFFFFFE, s24  }
0x62: {  	s2 =	smulhi.u32 $0xAAAAAAAB, s0;
	_ =	sdelay $0x1  }
0x63: {  	s2 =	sshrl.u32 s2, $0x1  }
0x64: {  	s2 =	smul.u32 $0x3, s2;
	_ =	sdelay $0x1  }
0x65: {  	s0 =	ssub.s32 s0, s2  }
0x66: {  	_ =	swait.ge [sflag:s8], $0x320;
	s0 =	smul.u32 $0x190, s0  }
0x67: {  	p1 =	sne.s32 s24, s11;
	[sflag:s8] =	ssyncset.done $0x0  }
0x68: {  	[sflag:s8] =	ssyncadd.s32 $0xFFFFFCE0;
	s2 =	sadd.s32 @!p1 $0x28F, s0  }
0x69: {  	[spmem:s13] =	stream.linear.scatter @!p1 [tilespmem:s2], [sflag:$0x1], $0x1, $0x38;
	[tilespmem:$0xF30] =	vst v63  }
0x6a: {  	s2 =	simm.s32 @!p1 $0x1  }
0x6b: {  	_ =	swait.ge @!p1 [sflag:s2], $0x1  }
0x6c: {  	s22 =	sshll.u32 s24, $0x4;
	[sflag:s2] =	ssyncset.done @!p1 $0x0  }
0x6d: {  	s25 =	sand.u32 $0x10, s22;
	[sflag:s2] =	ssyncadd.s32 @!p1 $0xFFFFFFFF  }
0x6e: {  	s2 =	sxor.u32 $0x10, s25;
	v4 =	vld [tilespmem:s25+$0x10]  }
0x6f: {  	v5 =	vld [tilespmem:s2+$0x60]  }
0x70: {  	v3 =	vld [tilespmem:$0x80];
	_ =	sdelay $0x2  }
0x71: {  	(v2sf) =	vpush v4, $0x0  }
0x72: {  	(v2sf) =	vpush v5, $0x0  }
0x73: {  	(v2sf) =	vpush v3, $0x0;
	_ =	sdelay $0xc  }
0x74: {  	s6 =	spop (v2sf)  }
0x75: {  	s28 =	spop (v2sf)  }
0x76: {  	s26 =	spop (v2sf)  }
0x77: {  	p2 =	seq.s32 s6, s28;
	p3 =	seq.s32 s26, s6  }
0x78: {  	p3 =	por p2, p3  }
0x79: {  	s6 =	sand.u32 $0x1, s24;
	v4 =	vpsel p3, $0xFFFFFFFF, v4  }
0x7a: {  	s28 =	smul.u32 $0x190, s6;
	[tilespmem:s25+$0x10] =	vst.msk $0x1, v4  }
0x7b: {  	v4 =	vld [tilespmem:$0x30]  }
0x7c: {  	v5 =	vld [tilespmem:s28+$0x8D0]  }
0x7d: {  	v6 =	vld [tilespmem:s25+$0x40];
	_ =	sdelay $0x3  }
0x7e: {  	vm4 =	vmmov vm1;
	v5 =	vadd.f32 v5, v4  }
0x7f: {  	vm5 =	vmmov vm2;
	vm4 =	vmmov @p2 vm2;
	v4 =	vadd.f32 v6, v4  }
0x80: {  	s22 =	sshll.u32 s6, $0x4;
	vm5 =	vmmov @p3 vm1;
	[tilespmem:s28+$0x8D0] =	vst.msk vm4, v5  }
0x81: {  	[tilespmem:s22+$0xF10] =	vst.msk vm5, v4  }
0x82: {  	v4 =	vld [tilespmem:s28+$0x730];
	_ =	sdelay $0x3  }
0x83: {  	v5 =	vimm.f32 $0.0e+00  }
0x84: {  	v4 =	vshift.insert v4, v5, s21  }
0x85: {  	s29 =	sor.u32 $0x40, s2  }
0x86: {  	[tilespmem:s29+$0x0] =	vst.msk $0x1, v4  }
0x87: {  	[tilespmem:s28+$0x73F] =	vst.msk $0x1, v5  }
0x88: {  	v4 =	vld [tilespmem:s0+$0x280];
	_ =	sdelay $0x1  }
0x89: {  	s29 =	smulhi.u32 $0xAAAAAAAB, s20;
	s0 =	simm.s32 $0x1  }
0x8a: {  	s0 =	simm.s32 @!p0 $0x0  }
0x8b: {  	s29 =	sshrl.u32 s29, $0x1;
	s0 =	smul.u32 $0x640, s0  }
0x8c: {  	s29 =	smul.u32 $0xFFFFED40, s29;
	v4 =	vshift.insert v4, v1, s21  }
0x8d: {  	s0 =	sshrl.u32 s0, $0x2  }
0x8e: {  	s29 =	sshra.s32 s29, $0x2;
	s30 =	sadd.s32 $0x8D0, s0;
	[tilespmem:s2+$0x10] =	vst.msk $0x1, v4  }
0x8f: {  	s6 =	sadd.s32 s29, s19;
	v6 =	vld [tilespmem:s30+$0x0]  }
0x90: {  	v7 =	vld [tilespmem:s6+$0x0];
	_ =	sdelay $0x3  }
0x91: {  	v5 =	vadd.f32 v6, v5  }
0x92: {  	vm4 =	vne.s32 v7, $0xFFFFFFFF  }
0x93: {  	(xrf2) =	vadd.seg.scan.f32 vm4, v5;
	_ =	sdelay $0x3  }
0x94: {  	s31 =	sadd.s32 $0x5B0, s0;
	v5 =	vperm.xlane v4, v1  }
0x95: {  	v6 =	vld [tilespmem:s31+$0x0]  }
0x96: {  	vm5 =	veq.s32 v7, v3;
	vm6 =	veq.s32 v7, v5  }
0x97: {  	vm7 =	vgt.u32 v7, $0xFFFFFFFD;
	vm6 =	vmor vm6, vm5  }
0x98: {  	vm6 =	vmor vm6, vm7  }
0x99: {  	v9 =	vld [tilespmem:$0xA0];
	v7 =	vsel vm6, $0xFFFFFFFF, v7  }
0x9a: {  	v10 =	vld [tilespmem:$0x90];
	v6 =	vsel vm5, $0x0, v6;
	v8, _, _ =	vpop (xrf2)  }
0x9b: {  	v6 =	vadd.f32 v8, v6  }
0x9c: {  	s0 =	sadd.s32 $0xBF0, s0  }
0x9d: {  	vm4 =	vmand vm4, vm3;
	[tilespmem:s0+$0x0] =	vst v6;
	(ifvalue) =	ssetifvalue $0xFFFFFFFF  }
0x9e: {  	vm6 =	veq.s32 v9, $0x1;
	[hbm4b:s1+s16] =	stream.indirect_vreg.scatter [tilespmem:s0], [sflag:$0x2], $0x1, v7, vm0, $0x4038;
	v7 =	vsel vm4, $0x0, v8;
	[tilespmem:$0xF30] =	vst v63  }
0x9f: {  	s29 =	sadd.s32 $0xF10, s22;
	s22 =	sadd.s32 $0x10, s6;
	s2 =	simm.s32 $0x0;
	vm4 =	vmor vm6, vm5;
	v6 =	vsel vm5, v8, v10;
	v7 =	vshift.insert v7, v0, s21  }
.LBB2_7:
0xa0: {  	v8 =	vld [tilespmem:s22+$0x0];
	s30 =	sadd.s32 $0x10, s30  }
0xa1: {  	s31 =	sadd.s32 $0x10, s31;
	v9 =	vld [tilespmem:s30+$0x0]  }
0xa2: {  	s2 =	sadd.s32 $0x10, s2;
	v10 =	vld [tilespmem:s31+$0x0]  }
0xa3: {  	p2 =	slt.u32 s2, $0x180;
	_ =	sdelay $0x2  }
0xa4: {  	v7 =	vadd.f32 v9, v7  }
0xa5: {  	vm5 =	vne.s32 v8, $0xFFFFFFFF  }
0xa6: {  	vm6 =	vmand vm5, vm3;
	(xrf2) =	vadd.seg.scan.f32 vm5, v7;
	_ =	sdelay $0x5  }
0xa7: {  	vm7 =	veq.s32 v8, v5;
	vm5 =	veq.s32 v8, v3  }
0xa8: {  	vm8 =	vgt.u32 v8, $0xFFFFFFFD;
	vm4 =	vmor vm4, vm5;
	vm7 =	vmor vm7, vm5  }
0xa9: {  	vm7 =	vmor vm7, vm8  }
0xaa: {  	v8 =	vsel vm7, $0xFFFFFFFF, v8  }
.Ltmp5:
0xab: {  	v7 =	vsel vm5, $0x0, v10;
	v9, _, _ =	vpop (xrf2);
	(pc) =	sbr.rel @p2 .LBB2_7-.Ltmp5, $4  }
0xac: {  	v6 =	vsel vm5, v9, v6;
	v10 =	vadd.f32 v9, v7;
	v7 =	vsel vm6, $0x0, v9  }
0xad: {  	s0 =	sadd.s32 $0x10, s0;
	v7 =	vshift.insert v7, v0, s21  }
0xae: {  	s22 =	sadd.s32 $0x10, s22;
	[tilespmem:s0+$0x0] =	vst v10;
	(ifvalue) =	ssetifvalue $0xFFFFFFFF  }
0xaf: {  	[hbm4b:s1+s16] =	stream.indirect_vreg.scatter [tilespmem:s0], [sflag:$0x2], $0x1, v8, vm0, $0x4038;
	[tilespmem:$0xF30] =	vst v63  }
0xb0: {  	v3 =	vld [tilespmem:s28+$0xD70];
	_ =	sdelay $0x4  }
0xb1: {  	v3 =	vshift.insert v3, v0, s21  }
0xb2: {  	s0 =	simm.s32 $0x30  }
0xb3: {  	[tilespmem:s0+$0x0] =	vst.msk $0x1, v3  }
0xb4: {  	v3 =	vsel vm4, $0x1, v1;
	[tilespmem:$0x90] =	vst v6  }
0xb5: {  	s0 =	sadd.s32 @!p1 $0xD7F, s28;
	[tilespmem:$0xA0] =	vst v3  }
0xb6: {  	[spmem:s14] =	stream.linear.scatter @!p1 [tilespmem:s0], [sflag:$0x1], $0x1, $0x38;
	[tilespmem:$0xF30] =	vst v63  }
0xb7: {  	s0 =	simm.s32 @!p1 $0x1  }
0xb8: {  	v3 =	vmctz.xlane @!p1 vm4;
	_ =	swait.ge @!p1 [sflag:s0], $0x1  }
0xb9: {  	(v2sf) =	vpush @!p1 v4, $0x0  }
0xba: {  	(v2sf) =	vpush @!p1 v3, $0x0;
	_ =	sdelay $0xd  }
0xbb: {  	s2 =	spop @!p1 (v2sf)  }
0xbc: {  	s6 =	spop @!p1 (v2sf)  }
0xbd: {  	p2 =	sne.s32 @!p1 s26, s2;
	p3 =	slt.s32 @!p1 s6, $0xF  }
0xbe: {  	[sflag:s0] =	ssyncset.done @!p1 $0x0;
	p2 =	por p2, p1;
	p3 =	por !p3, p1  }
0xbf: {  	[sflag:s0] =	ssyncadd.s32 @!p1 $0xFFFFFFFF;
	v3 =	vimm.s32 @!p2 $0xFFFFFFFF;
	s6 =	simm.s32 @p3 $0xF  }
0xc0: {  	[tilespmem:$0x80] =	vst @!p2 v3;
	s2 =	sadd.s32 @!p1 $0x90, s6  }
0xc1: {  	[spmem:s10] =	stream.linear.scatter @!p1 [tilespmem:s2], [sflag:$0x1], $0x1, $0x38;
	[tilespmem:$0xF30] =	vst v63  }
0xc2: {  	_ =	swait.ge @!p1 [sflag:s0], $0x1  }
0xc3: {  	[sflag:s0] =	ssyncset.done @!p1 $0x0  }
0xc4: {  	s2 =	simm.s32 @!p1 $0x80;
	[sflag:s0] =	ssyncadd.s32 @!p1 $0xFFFFFFFF  }
0xc5: {  	[spmem:s15] =	stream.linear.scatter @!p1 [tilespmem:s2], [sflag:$0x1], $0x1, $0x38;
	[tilespmem:$0xF30] =	vst v63  }
0xc6: {  	_ =	swait.ge @!p1 [sflag:s0], $0x1  }
0xc7: {  	[sflag:s0] =	ssyncset.done @!p1 $0x0  }
0xc8: {  	[sflag:s0] =	ssyncadd.s32 @!p1 $0xFFFFFFFF;
	(ifvalue) =	ssetifvalue $0xFFFFFFFF;
	v3 =	vld [tilespmem:s25+$0x10];
	_ =	sdelay $0x3  }
.Ltmp6:
0xc9: {  	_ = 	snop;
	(pc) =	sbr.rel .LBB2_9-.Ltmp6, $3  }
0xca: {  	_ =	sdelay $0x1  }
0xcb: {  	(ifvalue) =	ssetifvalue $0xFFFFFFFF  }
0xcc: {  	[hbm4b:s1+s16] =	stream.indirect_vreg.scatter [tilespmem:s29], [sflag:$0x9], $0x1, v3, vm0, $0x4038;
	[tilespmem:$0xF30] =	vst v63  }
.LBB2_10:
0xcd: {  	_ =	sfence.sel $0x180000  }
0xce: {  	s0 =	simm.s32 $0x7;
	[bflag:$0x0] =	sbarrier.arrive $0xFFFF  }
0xcf: {  	s26 =	simm.s32 $0x8;
	[sflag:s0] =	ssyncpa.u1 $0x1  }
0xd0: {  	s28 =	simm.s32 $0x9;
	[sflag:s26] =	ssyncpa.u1 $0x1  }
0xd1: {  	[sflag:s28] =	ssyncpa.u1 $0x1  }
0xd2: {  	_ =	sfence.stream.spmem  }
0xd3: {  	s29 =	simm.s32 $0x3;
	[bflag:$0x0] =	sbarrier.arrive $0xFFFF  }
0xd4: {  	s30 =	simm.s32 $0x4;
	[sflag:s29] =	ssyncpa.u1 $0x1  }
0xd5: {  	s31 =	simm.s32 $0x3C;
	s2 =	stileid.u32;
	[sflag:s30] =	ssyncpa.u1 $0x1  }
0xd6: {  	p0 =	sne.s32 s2, $0x0;
	[sflag:s31] =	ssyncpa.u1 $0x1  }
0xd7: {  	s0 =	simm.s32 @p0 $0x1;
	_ =	sfence @p0  }
0xd8: {  	[sflag:s0] =	ssyncpa.u1 @p0 $0x1;
	s0 =	simm.s32 @p0 $0x2  }
0xd9: {  	[sflag:s0] =	ssyncpa.u1 @p0 $0x1  }
0xda: {  	_ =	strace @p0 $0x90000053  }
0xdb: {  	[bflag:$0x2] =	sbarrier.arrive @p0 $0xFFFF  }
0xdc: {  	_ =	shalt @p0  }
.LBB2_11:
0xdd: {  	_ =	sfence.stream.spmem;
	s0 =	simm.s32 $0x5  }
0xde: {  	s2 =	simm.s32 $0x80;
	s3 =	simm.s32 $0xC0;
	[sflag:s0] =	ssyncpa.u1 $0x0  }
0xdf: {  	[tilespmem:s3], [sflag:$0x5] =	stream.linear.gather [spmem:s2], $0x20, $0x38;
	[tilespmem:$0xF30] =	vst v63  }
0xe0: {  	s2 =	simm.s32 $0x0;
	s3 =	simm.s32 $0xE0  }
0xe1: {  	[tilespmem:s3], [sflag:$0x5] =	stream.linear.gather [spmem:s2], $0x20, $0x38;
	[tilespmem:$0xF30] =	vst v63  }
.Ltmp7:
0xe2: {  	_ = 	snop;
	(pc) =	sbr.rel .LBB2_12-.Ltmp7, $4  }
0xe3: {  	_ =	swait.ge [sflag:s0], $0x40  }
0xe4: {  	[sflag:s0] =	ssyncset.done $0x0  }
0xe5: {  	s31 =	simm.s32 $0x6;
	[sflag:s0] =	ssyncadd.s32 $0xFFFFFFC0  }
0xe6: {  	s4 =	simm.s32 $0x0;
	[sflag:s31] =	ssyncpa.u1 $0x0  }
.LBB2_17:
0xe7: {  	p0 =	sgt.u32 s5, $0x7F  }
0xe8: {  	s0 =	sshrl.u32 @!p0 s5, $0x3  }
0xe9: {  	s5 =	sand.u32 @!p0 $0x7, s5;
	s6 =	simm.s32 @!p0 $0xB0;
	s0 =	sadd.s32 @!p0 s1, s0  }
0xea: {  	[tilespmem:s6], [sflag:$0x6] =	stream.linear.gather @!p0 [hbm4b:s0+s5], $0x1, $0x38;
	[tilespmem:$0xF30] =	vst v63  }
0xeb: {  	s0 =	simm.s32 @!p0 $0x6  }
0xec: {  	_ =	swait.ge @!p0 [sflag:s0], $0x1  }
0xed: {  	[sflag:s0] =	ssyncset.done @!p0 $0x0  }
0xee: {  	[sflag:s0] =	ssyncadd.s32 @!p0 $0xFFFFFFFF  }
0xef: {  	v2 =	vmov @!p0 s4;
	v1 =	vld.msk @!p0 [tilespmem:$0xB0], $0x1;
	_ =	sdelay $0x3  }
0xf0: {  	s0 =	simm.s32 @!p0 $0xE0  }
0xf1: {  	[tilespmem:v2+s0+$0x0], v1 =	vst.idx.ret.add.f32.msk @!p0 $0x1, v1  }
0xf2: {  	[tilespmem:s2+$0xC0] =	vst.msk $0x1, v0  }
0xf3: {  	v0 =	vld.msk [tilespmem:s4+$0xE0], $0x1;
	_ =	sdelay $0x4  }
0xf4: {  	[tilespmem:s2+$0xE0] =	vst.msk $0x1, v0;
	s2 =	sadd.s32 $0x1, s2  }
.LBB2_19:
0xf5: {  	s4 =	sadd.s32 $0x1, s4  }
0xf6: {  	p0 =	sne.s32 s4, $0x20  }
.Ltmp8:
0xf7: {  	_ = 	snop;
	(pc) =	sbr.rel @!p0 .LBB2_20-.Ltmp8, $1  }
0xf8: {  	_ =	sdelay $0x3  }
.LBB2_12:
0xf9: {  	v0 =	vld.msk [tilespmem:s4+$0xC0], $0x1;
	_ =	sdelay $0x4  }
0xfa: {  	(v2sf) =	vpush v0, $0x0;
	_ =	sdelay $0xe  }
0xfb: {  	s5 =	spop (v2sf)  }
0xfc: {  	p0 =	seq.s32 s5, $0xFFFFFFFF  }
.Ltmp9:
0xfd: {  	_ = 	snop;
	(pc) =	sbr.rel @p0 .LBB2_19-.Ltmp9, $1  }
0xfe: {  	_ =	sdelay $0x3  }
0xff: {  	p0 =	slt.s32 s2, $0x1  }
.Ltmp10:
0x100: {  	_ = 	snop;
	(pc) =	sbr.rel @p0 .LBB2_17-.Ltmp10, $1  }
0x101: {  	_ =	sdelay $0x3  }
0x102: {  	s0 =	simm.s32 $0xC0;
	p0 =	por $0x0, $0x0  }
0x103: {  	v1 =	vld.msk @!p0 [tilespmem:s0+$0x0], $0x1;
	_ =	sdelay $0x4  }
0x104: {  	(v2sf) =	vpush @!p0 v1, $0x0;
	_ =	sdelay $0xd  }
0x105: {  	p2 =	sne.s32 s2, $0x1  }
.Ltmp11:
0x106: {  	s6 =	spop @!p0 (v2sf);
	(pc) =	sbr.rel @!p2 .LBB2_16-.Ltmp11, $4  }
0x107: {  	p1 =	seq.s32 @!p0 s5, s6  }
0x108: {  	s6 =	simm.s32 $0x0;
	p1 =	por !p1, p0  }
0x109: {  	s8 =	simm.s32 $0xFFFFFFFF;
	s6 =	simm.s32 @p1 $0xFFFFFFFF  }
0x10a: {  	s7 =	simm.s32 $0x1;
	s6 =	smov.u32 @p0 s8  }
.LBB2_15:
0x10b: {  	s8 =	smov.u32 s6;
	p0 =	sne.s32 s6, $0xFFFFFFFF  }
0x10c: {  	s0 =	sadd.s32 $0x1, s0;
	s6 =	smov.u32 s7;
	s7 =	sadd.s32 $0x1, s7  }
0x10d: {  	p1 =	sne.s32 s2, s7;
	v1 =	vld.msk @!p0 [tilespmem:s0+$0x0], $0x1;
	_ =	sdelay $0x4  }
0x10e: {  	(v2sf) =	vpush @!p0 v1, $0x0;
	_ =	sdelay $0xe  }
.Ltmp12:
0x10f: {  	s9 =	spop @!p0 (v2sf);
	(pc) =	sbr.rel @p1 .LBB2_15-.Ltmp12, $4  }
0x110: {  	p2 =	seq.s32 @!p0 s5, s9  }
0x111: {  	p2 =	por !p2, p0  }
0x112: {  	s6 =	simm.s32 @p2 $0xFFFFFFFF  }
0x113: {  	s6 =	smov.u32 @p0 s8  }
.LBB2_16:
0x114: {  	p0 =	sne.s32 s6, $0xFFFFFFFF  }
.Ltmp13:
0x115: {  	_ = 	snop;
	(pc) =	sbr.rel @!p0 .LBB2_17-.Ltmp13, $1  }
0x116: {  	_ =	sdelay $0x3  }
0x117: {  	v0 =	vld.msk [tilespmem:s4+$0xE0], $0x1;
	v1 =	vmov s6  }
.Ltmp14:
0x118: {  	_ = 	snop;
	(pc) =	sbr.rel .LBB2_19-.Ltmp14, $2  }
0x119: {  	_ =	sdelay $0x2  }
0x11a: {  	[tilespmem:v1+s3+$0x0], v0 =	vst.idx.ret.add.f32.msk $0x1, v0  }
.LBB2_20:
0x11b: {  	p0 =	slt.s32 s2, $0x1  }
.Ltmp15:
0x11c: {  	_ = 	snop;
	(pc) =	sbr.rel @p0 .LBB2_24-.Ltmp15, $3  }
0x11d: {  	_ =	sdelay $0x1  }
0x11e: {  	s0 =	simm.s32 $0x6  }
0x11f: {  	s3 =	simm.s32 $0x0;
	[sflag:s0] =	ssyncpa.u1 $0x1  }
0x120: {  	s0 =	simm.s32 $0xC0  }
0x121: {  	v0 =	vld.msk [tilespmem:s0+$0x0], $0x1;
	_ =	sdelay $0x4  }
0x122: {  	(v2sf) =	vpush v0, $0x0;
	_ =	sdelay $0xe  }
0x123: {  	s2 =	sadd.s32 $0xFFFFFFFF, s2;
	s4 =	spop (v2sf)  }
0x124: {  	p1 =	sne.s32 s2, $0x0;
	p0 =	sgt.u32 s4, $0x7F  }
.Ltmp16:
0x125: {  	s5 =	sshrl.u32 @!p0 s4, $0x3;
	(pc) =	sbr.rel @!p1 .LBB2_23-.Ltmp16, $4  }
0x126: {  	s0 =	simm.s32 $0xE0;
	s4 =	sand.u32 @!p0 $0x7, s4;
	s5 =	sadd.s32 @!p0 s1, s5  }
0x127: {  	[hbm4b:s5+s4] =	stream.linear.scatter @!p0 [tilespmem:s0], [sflag:$0x5], $0x1, $0x38;
	[tilespmem:$0xF30] =	vst v63  }
0x128: {  	s5 =	simm.s32 $0x0  }
0x129: {  	s4 =	simm.s32 $0xC1;
	s5 =	simm.s32 @!p0 $0x4  }
.LBB2_22:
0x12a: {  	v0 =	vld.msk [tilespmem:s4+$0x0], $0x1;
	s2 =	sadd.s32 $0xFFFFFFFF, s2;
	s3 =	sadd.s32 s3, s5  }
0x12b: {  	p0 =	sne.s32 s2, $0x0;
	_ =	sdelay $0x3  }
0x12c: {  	(v2sf) =	vpush v0, $0x0;
	_ =	sdelay $0xe  }
.Ltmp17:
0x12d: {  	s6 =	spop (v2sf);
	(pc) =	sbr.rel @p0 .LBB2_22-.Ltmp17, $4  }
0x12e: {  	s5 =	simm.s32 $0x0;
	p1 =	sgt.u32 s6, $0x7F  }
0x12f: {  	s0 =	sadd.s32 $0x1, s0;
	s5 =	simm.s32 @!p1 $0x4;
	s7 =	sshrl.u32 @!p1 s6, $0x3  }
0x130: {  	s4 =	sadd.s32 $0x1, s4;
	s6 =	sand.u32 @!p1 $0x7, s6;
	s7 =	sadd.s32 @!p1 s1, s7  }
0x131: {  	[hbm4b:s7+s6] =	stream.linear.scatter @!p1 [tilespmem:s0], [sflag:$0x5], $0x1, $0x38;
	[tilespmem:$0xF30] =	vst v63  }
.LBB2_23:
0x132: {  	s0 =	sadd.s32 s3, s5  }
0x133: {  	s3 =	sshrl.u32 s0, $0x2  }
.LBB2_24:
0x134: {  	s0 =	simm.s32 $0x5  }
0x135: {  	_ =	swait.ge [sflag:s0], s3  }
0x136: {  	s1 =	ssub.s32 $0x0, s3;
	[sflag:s0] =	ssyncset.done $0x0  }
0x137: {  	[sflag:s0] =	ssyncadd.s32 s1  }
0x138: {  	[sflag:s0] =	ssyncpa.u1 $0x1  }
0x139: {  	s29 =	simm.s32 $0x1;
	_ =	sfence  }
0x13a: {  	s30 =	simm.s32 $0x2;
	[sflag:s29] =	ssyncpa.u1 $0x1  }
0x13b: {  	[sflag:s30] =	ssyncpa.u1 $0x1  }
0x13c: {  	_ =	strace $0x90000053  }
0x13d: {  	[bflag:$0x2] =	sbarrier.arrive $0xFFFF  }
0x13e: {  	s31 =	rddreg [dreg:$0x2]  }
0x13f: {  	s0 =	sadd.s32 $0x100000, s31  }
0x140: {  	[sflag:s0] =	ssyncadd.tile.s32 $0x1;
	_ =	shalt  }
.Lfunc_end2:
_tile_overlayer_lowered:
.L_overlay_start_2:
0x141: {  	(tag) =	ssettag $0x2  }
0x142: {  	s0 =	rddreg [dreg:$0x0];
	s2 =	stileid.u32  }
0x143: {  	s1 =	rddreg [dreg:$0x1];
	p0 =	sne.s32 s2, $0x0  }
0x144: {  	s3 =	rddreg [dreg:$0x2];
	[bflag:$0x3] =	sbarrier.arrive $0xFFFF;
	s2 =	simm.s32 @!p0 $0x1C01  }
0x145: {  	[timem:s3], [sflag:s2] =	dma.local @!p0 [hbm:s0], s1  }
0x146: {  	s0 =	simm.s32 @!p0 $0x1  }
0x147: {  	_ =	swait.ge @!p0 [sflag:s0], s1  }
0x148: {  	s1 =	ssub.s32 @!p0 $0x0, s1;
	[sflag:s0] =	ssyncset.done @!p0 $0x0  }
0x149: {  	[sflag:s0] =	ssyncadd.s32 @!p0 s1  }
0x14a: {  	[bflag:$0x3] =	sbarrier.arrive $0xFFFF  }
0x14b: {  	_ =	shalt  }

// kernel: scatter_offload_async_start
scs
__scs_entry_jumppad:
0x0: {  	(pc) =	sbr.rel $0x88, $3  }
0x1: {  	(tag) =	ssettag $0x0;
	lr =	simm.s32 $0x1  }
0x2: {  	[smem:$0x3F91] =	sst lr;
	_ =	strace $0xD0000000  }
0x3: {  	_ = 	snop  }
0x4: {  	_ = 	snop  }
0x5: {  	_ = 	snop  }
0x6: {  	_ = 	snop  }
0x7: {  	_ = 	snop  }
__scs_overlays_trampoline_lowered:
0x8: {  	[smem:$0x3FA0] =	sst s0  }
0x9: {  	[smem:$0x3FA1] =	sst s1  }
0xa: {  	[smem:$0x3FA2] =	sst s2  }
0xb: {  	[smem:$0x3FA3] =	sst s3  }
0xc: {  	[smem:$0x3FA4] =	sst s4  }
0xd: {  	[smem:$0x3FA5] =	sst s5  }
0xe: {  	[smem:$0x3FA6] =	sst s6  }
0xf: {  	[smem:$0x3FA7] =	sst s7  }
0x10: {  	[smem:$0x3FA8] =	sst s8  }
0x11: {  	[smem:$0x3FA9] =	sst s9;
	s0 =	simm.s32 @!p0 $0x0  }
0x12: {  	s1 =	sld [smem:$0x3F8F];
	s0 =	simm.s32 @p0 $0x1  }
0x13: {  	[smem:$0x3FAA] =	sst s0;
	s0 =	simm.s32 @!p1 $0x0  }
0x14: {  	s2 =	sld [smem:$0x3F8E];
	s0 =	simm.s32 @p1 $0x1  }
0x15: {  	[smem:$0x3FAB] =	sst s0;
	s0 =	simm.s32 @!p2 $0x0  }
0x16: {  	s3 =	sld [smem:$0x3FDB];
	s0 =	simm.s32 @p2 $0x1  }
0x17: {  	s4 =	simm.s32 $0x1BF5;
	[smem:$0x3FAD] =	sst s0  }
0x18: {  	s0 =	sld [smem:$0x3F90];
	_ =	swait.ge [sflag:s4], $0x0  }
0x19: {  	s7 =	sld [smem:$0x3F91]  }
0x1a: {  	s8 =	sadd.s32 $0xFFFFE003, lr  }
0x1b: {  	s9 =	sadd.s32 $0xFFFFFEF7, lr;
	s5 =	simm.s32 $0xFFFFFFFF;
	p2 =	slt.u32 s8, $0xFFFFF086  }
0x1c: {  	p1 =	slt.u32 s9, $0xF7A;
	s5 =	simm.s32 @!p2 $0x0  }
0x1d: {  	s5 =	simm.s32 @p1 $0x1;
	p0 =	seq.s32 s7, s2  }
0x1e: {  	s7 =	smul.u32 @!p0 $0xF7A, s2;
	p2 =	seq.s32 @!p0 s5, $0x0  }
0x1f: {  	s9 =	smul.u32 $0xF7A, s1;
	s8 =	simm.s32 @!p0 $0x1BF5;
	p2 =	por !p2, p0  }
0x20: {  	[sflag:s8] =	ssyncset.s32 @!p0 $0xFFFFF086;
	s6 =	sadd.s32 @!p0 s3, s7;
	s7 =	simm.s32 @!p0 $0x108  }
0x21: {  	s3 =	sadd.s32 s3, s9;
	s6 =	sadd.s32 @!p0 $0x88, s6;
	s7 =	simm.s32 @p2 $0x1082  }
0x22: {  	[simem:s7], [sflag:s8] =	dma.local @!p0 [hbm:s6], $0xF7A  }
0x23: {  	s9 =	sor.u32 $0xD0000000, s2;
	s6 =	simm.s32 $0x108;
	_ =	swait.ge @!p0 [sflag:s8], $0x0  }
0x24: {  	s3 =	sadd.s32 $0x88, s3;
	s6 =	simm.s32 @!p1 $0x1082;
	[sflag:s4] =	ssyncset.s32 $0xFFFFF086  }
0x25: {  	[simem:s6], [sflag:s4] =	dma.local [hbm:s3], $0xF7A  }
0x26: {  	[smem:$0x3F91] =	sst s1;
	(tag) =	ssettag s2;
	_ =	strace s9  }
0x27: {  	s1 =	sld [smem:$0x3FA1]  }
0x28: {  	s2 =	sld [smem:$0x3FA2]  }
0x29: {  	s4 =	sld [smem:$0x3FA4]  }
0x2a: {  	p0 =	seq.s32 s5, $0x0;
	s5 =	sld [smem:$0x3FA5]  }
0x2b: {  	s6 =	sld [smem:$0x3FA6]  }
0x2c: {  	s7 =	sld [smem:$0x3FA7]  }
0x2d: {  	s3 =	simm.s32 $0x108;
	s8 =	sld [smem:$0x3FA8]  }
0x2e: {  	s3 =	simm.s32 @!p0 $0x1082;
	s9 =	sld [smem:$0x3FA9]  }
0x2f: {  	lr =	sadd.s32 s0, s3;
	s0 =	sld [smem:$0x3FA0]  }
0x30: {  	s3 =	sld [smem:$0x3FA3]  }
0x31: {  	[smem:$0x3FAC] =	sst s10  }
0x32: {  	s10 =	sld [smem:$0x3FAA];
	_ =	sdelay $0x3  }
0x33: {  	p0 =	seq.s32 s10, $0x1;
	s10 =	sld [smem:$0x3FAC];
	_ =	sdelay $0x3  }
0x34: {  	[smem:$0x3FAC] =	sst s10  }
0x35: {  	s10 =	sld [smem:$0x3FAB];
	_ =	sdelay $0x3  }
0x36: {  	p1 =	seq.s32 s10, $0x1;
	s10 =	sld [smem:$0x3FAC];
	_ =	sdelay $0x3  }
0x37: {  	[smem:$0x3FAC] =	sst s10  }
0x38: {  	s10 =	sld [smem:$0x3FAD]  }
0x39: {  	_ = 	snop;
	(pc) =	sbr.ind lr, $3  }
0x3a: {  	_ = 	snop  }
0x3b: {  	_ = 	snop  }
0x3c: {  	p2 =	seq.s32 s10, $0x1;
	s10 =	sld [smem:$0x3FAC]  }
0x3d: {  	_ =	shalt  }
0x3e: {  	_ =	shalt  }
0x3f: {  	_ =	shalt  }
0x40: {  	_ =	shalt  }
0x41: {  	_ =	shalt  }
0x42: {  	_ =	shalt  }
0x43: {  	_ =	shalt  }
0x44: {  	_ =	shalt  }
0x45: {  	_ =	shalt  }
0x46: {  	_ =	shalt  }
0x47: {  	_ =	shalt  }
0x48: {  	_ =	shalt  }
0x49: {  	_ =	shalt  }
0x4a: {  	_ =	shalt  }
0x4b: {  	_ =	shalt  }
0x4c: {  	_ =	shalt  }
0x4d: {  	_ =	shalt  }
0x4e: {  	_ =	shalt  }
0x4f: {  	_ =	shalt  }
0x50: {  	_ =	shalt  }
0x51: {  	_ =	shalt  }
0x52: {  	_ =	shalt  }
0x53: {  	_ =	shalt  }
0x54: {  	_ =	shalt  }
0x55: {  	_ =	shalt  }
0x56: {  	_ =	shalt  }
0x57: {  	_ =	shalt  }
0x58: {  	_ =	shalt  }
0x59: {  	_ =	shalt  }
0x5a: {  	_ =	shalt  }
0x5b: {  	_ =	shalt  }
0x5c: {  	_ =	shalt  }
0x5d: {  	_ =	shalt  }
0x5e: {  	_ =	shalt  }
0x5f: {  	_ =	shalt  }
0x60: {  	_ =	shalt  }
0x61: {  	_ =	shalt  }
0x62: {  	_ =	shalt  }
0x63: {  	_ =	shalt  }
0x64: {  	_ =	shalt  }
0x65: {  	_ =	shalt  }
0x66: {  	_ =	shalt  }
0x67: {  	_ =	shalt  }
0x68: {  	_ =	shalt  }
0x69: {  	_ =	shalt  }
0x6a: {  	_ =	shalt  }
0x6b: {  	_ =	shalt  }
0x6c: {  	_ =	shalt  }
0x6d: {  	_ =	shalt  }
0x6e: {  	_ =	shalt  }
0x6f: {  	_ =	shalt  }
0x70: {  	_ =	shalt  }
0x71: {  	_ =	shalt  }
0x72: {  	_ =	shalt  }
0x73: {  	_ =	shalt  }
0x74: {  	_ =	shalt  }
0x75: {  	_ =	shalt  }
0x76: {  	_ =	shalt  }
0x77: {  	_ =	shalt  }
0x78: {  	_ =	shalt  }
0x79: {  	_ =	shalt  }
0x7a: {  	_ =	shalt  }
0x7b: {  	_ =	shalt  }
0x7c: {  	_ =	shalt  }
0x7d: {  	_ =	shalt  }
0x7e: {  	_ =	shalt  }
0x7f: {  	_ =	shalt  }
0x80: {  	_ =	shalt  }
0x81: {  	_ =	shalt  }
0x82: {  	_ =	shalt  }
0x83: {  	_ =	shalt  }
0x84: {  	_ =	shalt  }
0x85: {  	_ =	shalt  }
0x86: {  	_ =	shalt  }
0x87: {  	_ =	shalt  }
.Lfunc_end0:
.L_simem_size_0:
called_computation_lowered:
.L_overlay_start_0:
0x88: {  	s0 =	sld [smem:$0x3FD9]  }
0x89: {  	s1 =	sld [smem:$0x3FFE];
	_ =	sdelay $0x3  }
0x8a: {  	s0 =	sadd.s32 s1, s0  }
0x8b: {  	[smem:$0x3FB8] =	sst s0  }
0x8c: {  	_ = 	snop  }
0x8d: {  	(tm) =	ssettm $0x1  }
0x8e: {  	s15 =	sld [smem:$0x3FFB];
	_ =	sdelay $0x3  }
0x8f: {  	_ =	strace s15  }
0x90: {  	s0 =	sld [smem:$0x3FFC];
	_ =	sdelay $0x3  }
0x91: {  	_ =	strace s0  }
0x92: {  	s0 =	sld [smem:$0x3FFD];
	_ =	sdelay $0x3  }
0x93: {  	_ =	strace s0  }
0x94: {  	_ =	strace $0x8FFFFFFF  }
0x95: {  	s16 =	sld [smem:$0x3FDB];
	_ =	sdelay $0x1  }
0x96: {  	s17 =	simm.s32 $_scs_section_size  }
0x97: {  	s2 =	simm.s32 $_size__tile_overlayer_lowered;
	s3 =	simm.s32 $_tile_overlayer_lowered  }
0x98: {  	s20 =	simm.s32 $0x1BFF;
	s19 =	sshll.u32 s3, $0x1;
	s0 =	sadd.s32 s17, s16  }
0x99: {  	s4 =	simm.s32 $0x0;
	s18 =	sshll.u32 s2, $0x1;
	s2 =	sadd.s32 s19, s0  }
0x9a: {  	[timem:s4], [sflag:s20] =	dma.local [hbm:s2], s18  }
0x9b: {  	_ =	swait.ge [sflag:s20], s18  }
0x9c: {  	s1 =	ssub.s32 $0x0, s18;
	[sflag:s20] =	ssyncset.done $0x0  }
0x9d: {  	[sflag:s20] =	ssyncadd.s32 s1;
	_ =	sdelay $0x1  }
0x9e: {  	s21 =	simm.s32 $0x1B8B  }
0x9f: {  	_ =	swait.ge [sflag:s21], $0x1  }
0xa0: {  	[sflag:s21] =	ssyncset.done $0x0  }
0xa1: {  	s23 =	simm.s32 $0x1B8E;
	s22 =	sld [smem:$0x3FFE];
	[sflag:s21] =	ssyncadd.s32 $0xFFFFFFFF  }
0xa2: {  	s24 =	simm.s32 $execute0_lowered;
	[smem:$0x3FD2] =	sst s23  }
0xa3: {  	s2 =	sshll.u32 s24, $0x1;
	_ =	strace $0x80000055;
	[dreg:$0x1] =	wrdreg $0xFFFFFFFF  }
0xa4: {  	s25 =	simm.s32 $_size_execute0_lowered;
	s0 =	sadd.s32 s0, s2;
	[dreg:$0x0] =	wrdreg $0x0  }
0xa5: {  	s2 =	sshll.u32 s25, $0x1;
	[dreg:$0x2] =	wrdreg s0  }
0xa6: {  	[dreg:$0x3] =	wrdreg s2  }
0xa7: {  	[dreg:$0x4] =	wrdreg $0xC0  }
0xa8: {  	_ =	task [dreg:s4], $0x5FFFF  }
0xa9: {  	[dreg:$0x1] =	wrdreg $0xFFFFFFFF  }
0xaa: {  	[dreg:$0x0] =	wrdreg $0x60  }
0xab: {  	[dreg:$0x2] =	wrdreg s22  }
0xac: {  	[dreg:$0x3] =	wrdreg $0x9  }
0xad: {  	_ =	task.clear_ibuf [dreg:s4], $0x4FFFF;
	_ =	strace $0x90000055  }
0xae: {  	s26 =	simm.s32 $0x9;
	_ =	strace $0x80000057  }
0xaf: {  	_ =	swait.ge [sflag:s26], $0x1  }
0xb0: {  	[sflag:s26] =	ssyncadd.s32 $0xFFFFFFFF  }
0xb1: {  	_ =	strace $0x90000057  }
0xb2: {  	_ =	sfence  }
0xb3: {  	s28 =	sld [smem:$0x0];
	_ =	sdelay $0x1  }
0xb4: {  	s29 =	srdreg.scid  }
0xb5: {  	s30 =	sshll.u32 s29, $0xD;
	s31 =	sshrl.u32 s29, $0x2  }
0xb6: {  	s1 =	sand.u32 $0x1, s29;
	s2 =	sand.u32 $0x4000, s30;
	s0 =	sadd.s32 s31, s28  }
0xb7: {  	s1 =	sor.u32 s2, s1;
	s0 =	sshll.u32 s0, $0x11  }
0xb8: {  	s0 =	sor.u32 s0, s1  }
0xb9: {  	s0 =	sadd.s32 $0x8F2B, s0  }
0xba: {  	[sflag:s0] =	ssyncadd.remote.s32 $0x1  }
0xbb: {  	_ =	sfence.sel $0xFFFF  }
0xbc: {  	[dreg:$0x0] =	wrdreg $0xFFFFFFFF;
	(pc) =	sbr.abs _section_cstart, $3  }
0xbd: {  	[dreg:$0x1] =	wrdreg $0xFFFFFFFF  }
0xbe: {  	_ =	task.clear_ibuf [dreg:s4], $0x2FFFF;
	_ =	strace $0x9FFFFFFF  }
0xbf: {  	(tm) =	ssettm $0x7FFFFFFF  }
tec
execute0_lowered:
.L_overlay_start_1:
0x0: {  	(tag) =	ssettag $0x1  }
0x1: {  	s0 =	rddreg [dreg:$0x0];
	_ =	strace $0x80000056;
	s1 =	simm.s32 $0x1  }
0x2: {  	s8 =	simm.s32 $0x208;
	v0 =	vimm.s32 $0x0;
	[sflag:s1] =	ssyncpa.u1 $0x0  }
0x3: {  	[tilespmem:s8+$0x70] =	vst v0  }
0x4: {  	[tilespmem:s8+$0x60] =	vst v0  }
0x5: {  	[tilespmem:s8+$0x50] =	vst v0  }
0x6: {  	[tilespmem:s8+$0x40] =	vst v0  }
0x7: {  	[tilespmem:s8+$0x30] =	vst v0  }
0x8: {  	s1 =	sadd.s32 $0xA2400, s0;
	s10 =	sadd.s32 $0xCC200, s0;
	[tilespmem:s8+$0x20] =	vst v0  }
0x9: {  	s4 =	sadd.s32 $0x54200, s0;
	s5 =	sadd.s32 $0xCC800, s0;
	s0 =	simm.s32 $0x40;
	[tilespmem:s8+$0x10] =	vst v0  }
.LBB2_1:
0xa: {  	s0 =	sadd.s32 $0x40, s0;
	[tilespmem:s8+$0x0] =	vst v0;
	s8 =	sadd.s32 $0x80, s8  }
0xb: {  	p0 =	slt.u32 s0, $0x3880;
	[tilespmem:s8+$0x70] =	vst v0  }
0xc: {  	[tilespmem:s8+$0x60] =	vst v0  }
.Ltmp0:
0xd: {  	[tilespmem:s8+$0x50] =	vst v0;
	(pc) =	sbr.rel @p0 .LBB2_1-.Ltmp0, $4  }
0xe: {  	[tilespmem:s8+$0x40] =	vst v0  }
0xf: {  	[tilespmem:s8+$0x30] =	vst v0  }
0x10: {  	[tilespmem:s8+$0x20] =	vst v0  }
0x11: {  	[tilespmem:s8+$0x10] =	vst v0  }
0x12: {  	s3 =	stileid.u32  }
0x13: {  	s0 =	smul.u32 $0x5, s3  }
0x14: {  	s2 =	smin.u32 s3, $0xA  }
0x15: {  	s0 =	sadd.s32 s2, s0  }
0x16: {  	p0 =	slt.u32 s3, $0xA;
	s6 =	smul.u32 $0x70, s0;
	s0 =	simm.s32 $0x2A0  }
0x17: {  	s0 =	simm.s32 @!p0 $0x230  }
0x18: {  	s0 =	sadd.s32 s0, s6  }
0x19: {  	s7 =	smin.u32 s0, $0x2710  }
0x1a: {  	s0 =	ssub.s32 s7, s6  }
0x1b: {  	p0 =	sgt.s32 s0, $0x0  }
0x1c: {  	s0 =	simm.s32 @!p0 $0x0  }
0x1d: {  	s26 =	sand.u32 $0xFFF0, s0  }
0x1e: {  	s28 =	simm.s32 $0x2;
	s2 =	sshrl.u32 s26, $0x4  }
0x1f: {  	s29 =	simm.s32 $0x7;
	s30 =	simm.s32 $0x8;
	s2 =	smul.u32 $0x2493, s2  }
0x20: {  	s31 =	simm.s32 $0x9;
	s11 =	simm.s32 $0x1;
	s21 =	simm.s32 $0x0  }
0x21: {  	p1 =	por $0x0, $0x0;
	s15 =	simm.s32 $0x80;
	s2 =	sshrl.u32 s2, $0x10  }
0x22: {  	s16 =	simm.s32 $0x400;
	s17 =	simm.s32 $0xA;
	s9 =	smul.u32 $0x70, s2  }
.Ltmp1:
0x23: {  	[tilespmem:s8+$0x0] =	vst v0;
	v0 =	vimm.s32 $0xFFFFFFFF;
	s18 =	simm.s32 $0x0;
	[sflag:s28] =	ssyncpa.u1 $0x0;
	(pc) =	sbr.rel .LBB2_3-.Ltmp1, $4  }
0x24: {  	[tilespmem:$0xE408] =	vst v0;
	[sflag:s29] =	ssyncpa.u1 $0x0;
	p0 =	sne.s32 s0, s9;
	s0 =	simm.s32 $0x1  }
0x25: {  	s20 =	simm.s32 $0x0;
	[sflag:s30] =	ssyncpa.u1 $0x0;
	s0 =	simm.s32 @!p0 $0x0  }
0x26: {  	s13 =	sshll.u32 s3, $0x9;
	[sflag:s31] =	ssyncpa.u1 $0x0;
	s12 =	sadd.s32 s2, s0  }
0x27: {  	v0 =	vlaneseq.u32;
	s19 =	smov.u32 s6;
	p0 =	por $0x1, $0x1;
	s14 =	sadd.s32 $0x1, s12  }
.LBB2_24:
0x28: {  	s0 =	sshrl.u32 s30, $0x2  }
.LBB2_26:
0x29: {  	_ =	swait.ge [sflag:s17], s0  }
0x2a: {  	s31 =	ssub.s32 $0x0, s0;
	v1 =	vmov s23;
	vm0 =	veq.s32 v0, $0x0;
	[sflag:s17] =	ssyncset.done $0x0  }
0x2b: {  	vm15 =	veq.s32 v0, $0x2;
	v1 =	vsel vm0, s29, v1;
	[sflag:s17] =	ssyncadd.s32 s31  }
0x2c: {  	v1 =	vsel vm15, s21, v1;
	[sflag:s17] =	ssyncpa.u1 $0x1  }
0x2d: {  	[tilespmem:$0xE408] =	vst v1  }
.LBB2_27:
0x2e: {  	s0 =	sadd.s32 $0x70, s19  }
0x2f: {  	s2 =	smov.u32 s6;
	p2 =	slt.s32 s0, s7  }
0x30: {  	s2 =	smov.u32 @p2 s0;
	p2 =	sne.s32 s20, s14  }
.Ltmp2:
0x31: {  	_ = 	snop;
	(pc) =	sbr.rel @!p2 .LBB2_28-.Ltmp2, $4  }
0x32: {  	_ = 	snop  }
0x33: {  	s21 =	smov.u32 s18  }
0x34: {  	s31 =	sadd.s32 $0x1, s20;
	s18 =	smov.u32 s19;
	p0 =	por !p0, !p0  }
0x35: {  	p1 =	por !p1, !p1;
	s20 =	smov.u32 s31;
	s19 =	smov.u32 s2  }
.LBB2_3:
0x36: {  	p2 =	sge.u32 s20, s12  }
0x37: {  	s0 =	smulhi.u32 @!p2 $0xAAAAAAAB, s20  }
0x38: {  	s2 =	smov.u32 s19;
	p3 =	sgt.s32 @!p2 s19, $0x26A0  }
0x39: {  	s8 =	sshra.s32 @!p2 s19, $0x1F;
	p3 =	por !p3, p2;
	s0 =	sshrl.u32 @!p2 s0, $0x1  }
0x3a: {  	s8 =	sand.u32 @!p2 s8, s19;
	s2 =	simm.s32 @p3 $0x26A0;
	s0 =	smul.u32 @!p2 $0x3, s0  }
0x3b: {  	s2 =	ssub.s32 @!p2 s2, s8  }
0x3c: {  	s2 =	sadd.s32 @!p2 $0xFFFFD960, s2;
	s0 =	ssub.s32 @!p2 s20, s0  }
0x3d: {  	s8 =	sshll.u32 @!p2 s2, $0x2;
	p3 =	sgt.s32 @!p2 s2, $0x6F;
	s0 =	smul.u32 @!p2 $0x1C0, s0  }
0x3e: {  	s9 =	sand.u32 @!p2 $0x7, s19;
	s2 =	ssub.s32 @!p2 $0x1C0, s8;
	p3 =	por !p3, p2  }
0x3f: {  	s8 =	sshrl.u32 @!p2 s19, $0x3;
	s2 =	sshrl.u32 @!p2 s2, $0x2;
	s0 =	sshrl.u32 @!p2 s0, $0x2  }
0x40: {  	s8 =	sadd.s32 @!p2 s5, s8;
	s2 =	simm.s32 @!p3 $0x0;
	s0 =	sadd.s32 @!p2 $0x10438, s0  }
0x41: {  	[tilespmem:s0], [sflag:$0x8] =	stream.linear.gather @!p2 [hbm4b:s8+s9], s2, $0x38;
	[tilespmem:$0x1E668] =	vst v63  }
0x42: {  	s0 =	sadd.s32 $0xFFFFFFFF, s20  }
0x43: {  	p2 =	sge.u32 s0, s12  }
0x44: {  	p3 =	sgt.s32 @!p2 s18, $0x26A0  }
0x45: {  	s2 =	smov.u32 s18;
	s8 =	sshra.s32 @!p2 s18, $0x1F;
	p3 =	por !p3, p2  }
0x46: {  	s8 =	sand.u32 @!p2 s8, s18;
	s2 =	simm.s32 @p3 $0x26A0  }
0x47: {  	s2 =	ssub.s32 @!p2 s2, s8  }
0x48: {  	s2 =	sadd.s32 @!p2 $0xFFFFD960, s2  }
0x49: {  	s8 =	sshll.u32 @!p2 s2, $0x2  }
0x4a: {  	p3 =	sgt.s32 @!p2 s2, $0x6F;
	s2 =	ssub.s32 @!p2 $0x1C0, s8  }
0x4b: {  	p3 =	por !p3, p2;
	s2 =	sshrl.u32 @!p2 s2, $0x2  }
0x4c: {  	s9 =	simm.s32 @!p2 $0x8;
	s8 =	sand.u32 @!p2 $0x1, s0;
	s2 =	simm.s32 @!p3 $0x0  }
0x4d: {  	s8 =	smul.u32 @!p2 $0x1C0, s8;
	_ =	swait.ge @!p2 [sflag:s9], s2  }
0x4e: {  	s22 =	ssub.s32 @!p2 $0x0, s2;
	[sflag:s9] =	ssyncset.done @!p2 $0x0  }
0x4f: {  	s8 =	sshrl.u32 @!p2 s8, $0x2;
	[sflag:s9] =	ssyncadd.s32 @!p2 s22;
	s9 =	sshrl.u32 @!p2 s18, $0x3  }
0x50: {  	s8 =	sor.u32 @!p2 $0x10588, s8;
	s22 =	sand.u32 @!p2 $0x7, s18;
	s9 =	sadd.s32 @!p2 s10, s9  }
0x51: {  	[tilespmem:s8], [sflag:$0x9] =	stream.linear.gather @!p2 [hbm4b:s9+s22], s2, $0x38;
	[tilespmem:$0x1E668] =	vst v63  }
0x52: {  	s22 =	ssub.s32 @!p2 $0x2710, s18  }
0x53: {  	p3 =	slt.s32 @!p2 s22, $0x1  }
0x54: {  	p3 =	por p2, p3  }
.Ltmp3:
0x55: {  	_ = 	snop;
	(pc) =	sbr.rel @p3 .LBB2_9-.Ltmp3, $1  }
0x56: {  	_ =	sdelay $0x3  }
0x57: {  	s2 =	smulhi.u32 $0xAAAAAAAB, s0;
	_ =	sdelay $0x1  }
0x58: {  	s2 =	sshrl.u32 s2, $0x1  }
0x59: {  	s2 =	smul.u32 $0x3, s2;
	_ =	sdelay $0x1  }
0x5a: {  	s29 =	ssub.s32 s0, s2  }
0x5b: {  	s8 =	simm.s32 $0x1;
	s0 =	smul.u32 $0x1C0, s29  }
.Ltmp4:
0x5c: {  	s8 =	simm.s32 @!p0 $0x0;
	(pc) =	sbr.rel .LBB2_6-.Ltmp4, $4  }
0x5d: {  	s30 =	smul.u32 $0x1C000, s8  }
0x5e: {  	p3 =	slt.s32 @!p2 s22, $0x70;
	s0 =	sshrl.u32 s0, $0x2  }
0x5f: {  	p2 =	por !p3, p2;
	s2 =	sshrl.u32 s30, $0x2;
	s31 =	sadd.s32 $0x10438, s0  }
0x60: {  	s22 =	simm.s32 @p2 $0x70;
	s23 =	sor.u32 $0x10668, s2;
	s0 =	simm.s32 $0x0;
	v1 =	vmov s31  }
.LBB2_5:
0x61: {  	p2 =	sge.s32 s0, s22  }
.Ltmp5:
0x62: {  	_ = 	snop;
	(pc) =	sbr.rel @p2 .LBB2_9-.Ltmp5, $2  }
0x63: {  	_ =	sdelay $0x2  }
0x64: {  	s23 =	sadd.s32 $0x1000, s23  }
.LBB2_6:
0x65: {  	p2 =	sle.s32 s22, s0  }
.Ltmp6:
0x66: {  	_ = 	snop;
	(pc) =	sbr.rel @p2 .LBB2_5-.Ltmp6, $2  }
0x67: {  	_ =	sdelay $0x2  }
0x68: {  	s24 =	smov.u32 s0;
	s0 =	sadd.s32 $0x10, s0  }
0x69: {  	s2 =	ssub.s32 s22, s24  }
0x6a: {  	p2 =	slt.s32 s2, $0x10  }
0x6b: {  	s2 =	simm.s32 @!p2 $0x10  }
0x6c: {  	v2 =	vmov s2  }
0x6d: {  	vm0 =	vgt.s32 v2, v0;
	_ =	sdelay $0x5  }
0x6e: {  	v2 =	vld.idx.msk [tilespmem:v1+s24+$0x0 ss:$0x1], vm0;
	_ =	sdelay $0x2  }
0x6f: {  	p2 =	slt.s32 s0, s22;
	s2 =	smov.u32 s22  }
0x70: {  	s8 =	smov.u32 s23;
	s25 =	simm.s32 $0x0;
	s2 =	smov.u32 @p2 s0  }
.LBB2_8:
0x71: {  	(v2sf) =	vpush v2, s25;
	_ =	sdelay $0xe  }
0x72: {  	s25 =	sadd.s32 $0x1, s25;
	s9 =	spop (v2sf)  }
0x73: {  	s31 =	sadd.s32 s25, s24;
	s26 =	sshll.u32 s9, $0x8;
	s9 =	sshll.u32 s9, $0x7  }
0x74: {  	p2 =	slt.s32 s31, s2;
	s26 =	sand.u32 $0xFFFFF800, s26;
	s9 =	sand.u32 $0x380, s9  }
.Ltmp7:
0x75: {  	s9 =	sor.u32 s9, s26;
	(pc) =	sbr.rel @p2 .LBB2_8-.Ltmp7, $4  }
0x76: {  	s9 =	sshrl.u32 s9, $0x3  }
0x77: {  	s9 =	sadd.s32 s4, s9  }
0x78: {  	[tilespmem:s8], [sflag:$0x7] =	stream.strided.gather [hbm4b:s9+s15], $0x100, s16, s15, $0x38;
	[tilespmem:$0x1E668] =	vst v63  }
0x79: {  	s8 =	sadd.s32 $0x100, s8  }
.Ltmp8:
0x7a: {  	_ = 	snop;
	(pc) =	sbr.rel .LBB2_5-.Ltmp8, $1  }
0x7b: {  	_ =	sdelay $0x3  }
.LBB2_9:
0x7c: {  	p2 =	slt.u32 s20, $0x2  }
.Ltmp9:
0x7d: {  	_ = 	snop;
	(pc) =	sbr.rel @p2 .LBB2_27-.Ltmp9, $1  }
0x7e: {  	_ =	sdelay $0x3  }
0x7f: {  	p2 =	sgt.s32 s21, $0x26A0;
	s0 =	smov.u32 s21  }
0x80: {  	s2 =	sshra.s32 s21, $0x1F;
	s8 =	ssub.s32 $0x2710, s21;
	s0 =	simm.s32 @!p2 $0x26A0  }
0x81: {  	s2 =	sand.u32 s2, s21;
	p2 =	slt.s32 s8, $0x70;
	s9 =	smov.u32 s8  }
0x82: {  	s0 =	ssub.s32 s0, s2;
	s9 =	simm.s32 @!p2 $0x70  }
0x83: {  	s0 =	sadd.s32 $0xFFFFD960, s0;
	s25 =	sshll.u32 s9, $0x8  }
0x84: {  	s3 =	simm.s32 $0x7;
	s26 =	sshll.u32 s0, $0x2;
	s2 =	sand.u32 $0x3FFFFF00, s25  }
0x85: {  	p2 =	sgt.s32 s0, $0x6F;
	s28 =	ssub.s32 $0x1C0, s26;
	_ =	swait.ge [sflag:s3], s2  }
0x86: {  	s2 =	ssub.s32 $0x0, s2;
	[sflag:s3] =	ssyncset.done $0x0;
	s0 =	sshrl.u32 s28, $0x2  }
0x87: {  	s30 =	simm.s32 $0x9;
	[sflag:s3] =	ssyncadd.s32 s2;
	s0 =	simm.s32 @p2 $0x0  }
0x88: {  	_ =	swait.ge [sflag:s30], s0  }
0x89: {  	s0 =	ssub.s32 $0x0, s0;
	[sflag:s30] =	ssyncset.done $0x0  }
0x8a: {  	[sflag:s30] =	ssyncadd.s32 s0  }
0x8b: {  	v1 =	vld [tilespmem:$0xE408];
	_ =	sdelay $0x4  }
0x8c: {  	(v2sf) =	vpush v1, $0x0  }
0x8d: {  	(v2sf) =	vpush v1, $0x1  }
0x8e: {  	(v2sf) =	vpush v1, $0x2;
	_ =	sdelay $0x3  }
0x8f: {  	s0 =	sadd.s32 $0x70, s21  }
0x90: {  	p2 =	slt.s32 s7, s0  }
0x91: {  	s0 =	smov.u32 @p2 s7;
	p2 =	sgt.s32 s8, $0x0  }
0x92: {  	s25 =	ssub.s32 s0, s21;
	s8 =	simm.s32 @!p2 $0x0  }
0x93: {  	p2 =	slt.s32 s8, s25  }
0x94: {  	s25 =	smov.u32 @p2 s8  }
0x95: {  	s24 =	simm.s32 $0x1;
	p2 =	slt.s32 s25, $0x1  }
.Ltmp10:
0x96: {  	s24 =	simm.s32 @!p1 $0x0;
	(pc) =	sbr.rel @p2 .LBB2_14-.Ltmp10, $4  }
0x97: {  	s31 =	smul.u32 $0x1C0, s24  }
0x98: {  	s26 =	spop (v2sf)  }
0x99: {  	s0 =	sshrl.u32 s31, $0x2;
	s29 =	spop (v2sf)  }
0x9a: {  	s22 =	sor.u32 $0x10588, s0;
	s21 =	spop (v2sf)  }
0x9b: {  	s0 =	smin.u32 s25, $0x10  }
0x9c: {  	v1 =	vmov s0  }
0x9d: {  	vm1 =	vgt.u32 v1, v0  }
0x9e: {  	p3 =	sgt.s32 s25, $0x10  }
.Ltmp11:
0x9f: {  	_ = 	snop;
	(pc) =	sbr.rel @!p3 .LBB2_13-.Ltmp11, $2  }
0xa0: {  	_ =	sdelay $0x2  }
0xa1: {  	s23 =	simm.s32 $0x10;
	s28 =	sadd.s32 $0xFFFFFFF0, s25;
	s0 =	smov.u32 s22;
	vm0 =	vmmov vm1;
	v1 =	vld.msk [tilespmem:s22+$0x0 ss:$0x1], vm1  }
.LBB2_12:
0xa2: {  	s2 =	smin.u32 s28, $0x10;
	s23 =	sadd.s32 $0x10, s23  }
0xa3: {  	v2 =	vmov s2;
	p3 =	slt.s32 s23, s25  }
0xa4: {  	vm1 =	vgt.u32 v2, v0;
	_ =	sdelay $0x1  }
0xa5: {  	v2 =	vshll.u32 v1, $0x5;
	v1 =	vshll.u32 v1, $0x4  }
.Ltmp12:
0xa6: {  	v2 =	vand.u32 $0xFFFFFF00, v2;
	v1 =	vand.u32 $0x70, v1;
	(pc) =	sbr.rel @p3 .LBB2_12-.Ltmp12, $4  }
0xa7: {  	v1 =	vor.u32 v1, v2  }
0xa8: {  	[tilespmem:s0+$0x0] =	vst.msk vm0, v1;
	s0 =	sadd.s32 $0x10, s0;
	vm0 =	vmmov vm1  }
0xa9: {  	v1 =	vld.msk [tilespmem:s0+$0x0 ss:$0x1], vm1  }
0xaa: {  	s28 =	sadd.s32 $0xFFFFFFF0, s28  }
.LBB2_13:
0xab: {  	_ =	sdelay $0x3  }
0xac: {  	v2 =	vshll.u32 v1, $0x5;
	v1 =	vshll.u32 v1, $0x4  }
0xad: {  	v2 =	vand.u32 $0xFFFFFF00, v2;
	v1 =	vand.u32 $0x70, v1  }
0xae: {  	v1 =	vor.u32 v1, v2  }
0xaf: {  	[tilespmem:s0+$0x0] =	vst.msk vm0, v1  }
.LBB2_14:
0xb0: {  	s0 =	sand.u32 $0x1, s20  }
0xb1: {  	s0 =	smul.u32 $0x70, s0  }
0xb2: {  	p3 =	sne.s32 s29, $0xFFFFFFFF  }
0xb3: {  	v1 =	vld.msk @!p3 [tilespmem:s0+$0x10588], $0x1;
	_ =	sdelay $0x4  }
0xb4: {  	(v2sf) =	vpush @!p3 v1, $0x0;
	_ =	sdelay $0xc  }
.Ltmp13:
0xb5: {  	_ = 	snop;
	(pc) =	sbr.rel @p2 .LBB2_25-.Ltmp13, $4  }
0xb6: {  	_ = 	snop  }
0xb7: {  	s28 =	spop @!p3 (v2sf)  }
0xb8: {  	s21 =	simm.s32 @!p3 $0x0;
	s23 =	smov.u32 s28  }
0xb9: {  	[sflag:s17] =	ssyncpa.u1 $0x0;
	s28 =	smov.u32 @p3 s26;
	s23 =	smov.u32 @p3 s29  }
0xba: {  	v1 =	vld.msk [tilespmem:s22+$0x0], $0x1;
	_ =	sdelay $0x4  }
0xbb: {  	(v2sf) =	vpush v1, $0x0;
	_ =	sdelay $0xd  }
0xbc: {  	s17 =	smov.u32 s6  }
0xbd: {  	s6 =	smov.u32 s14;
	s14 =	smov.u32 s5;
	s30 =	spop (v2sf)  }
0xbe: {  	s5 =	smov.u32 s10;
	s0 =	smul.u32 $0x1C000, s24;
	p2 =	seq.s32 s28, s30  }
0xbf: {  	s2 =	smov.u32 s28;
	s25 =	ssub.s32 $0x0, s25;
	p3 =	sgt.s32 @!p2 s28, $0x0  }
0xc0: {  	s26 =	simm.s32 $0x0;
	s0 =	sshrl.u32 s0, $0x2;
	p3 =	por !p3, p2  }
0xc1: {  	s29 =	sadd.s32 $0x1, s25;
	s24 =	sor.u32 $0x106E8, s0;
	s2 =	simm.s32 @p3 $0x0  }
0xc2: {  	s0 =	simm.s32 @!p2 $0x1;
	p3 =	seq.s32 s29, $0x0;
	s2 =	smin.u32 @!p2 s2, $0x770  }
.Ltmp14:
0xc3: {  	s9 =	simm.s32 @!p2 $0x7308;
	s8 =	sand.u32 @!p2 $0x7F8, s2;
	(pc) =	sbr.rel @p3 .LBB2_17-.Ltmp14, $4  }
0xc4: {  	s31 =	sadd.s32 @!p2 $0x80, s2;
	s10 =	sadd.s32 @!p2 s1, s8;
	s8 =	sand.u32 @!p2 $0x7, s2  }
0xc5: {  	[tilespmem:s9], [sflag:$0x2] =	stream.linear.gather @!p2 [hbm4b:s10+s8], $0x80, $0x38;
	[tilespmem:$0x1E668] =	vst v63  }
0xc6: {  	s0 =	smov.u32 @p2 s26;
	s9 =	sand.u32 @!p2 $0xFF8, s31  }
0xc7: {  	s2 =	simm.s32 @!p2 $0x7388;
	s31 =	sadd.s32 $0x1, s22;
	s9 =	sadd.s32 @!p2 s1, s9  }
.LBB2_16:
0xc8: {  	s10 =	smov.u32 s0  }
0xc9: {  	[tilespmem:s2], [sflag:$0x2] =	stream.linear.gather @!p2 [hbm4b:s9+s8], $0x80, $0x38;
	[tilespmem:$0x1E668] =	vst v63  }
0xca: {  	s29 =	sadd.s32 $0x1, s29;
	s8 =	smov.u32 s30;
	v1 =	vld.msk [tilespmem:s31+$0x0], $0x1  }
0xcb: {  	p3 =	seq.s32 s29, $0x0;
	_ =	sdelay $0x3  }
0xcc: {  	(v2sf) =	vpush v1, $0x0;
	_ =	sdelay $0xe  }
0xcd: {  	s30 =	spop (v2sf)  }
0xce: {  	p2 =	seq.s32 s8, s30  }
0xcf: {  	p4 =	sgt.s32 @!p2 s8, $0x0;
	s2 =	sshll.u32 @!p2 s0, $0xA;
	s0 =	sadd.s32 @!p2 $0x1, s0  }
0xd0: {  	p4 =	por !p4, p2;
	s2 =	sshra.s32 @!p2 s2, $0x2;
	s0 =	smov.u32 @p2 s10  }
0xd1: {  	s8 =	simm.s32 @p4 $0x0;
	s9 =	sadd.s32 @!p2 $0x7308, s2;
	s2 =	sadd.s32 @!p2 $0x7388, s2  }
.Ltmp15:
0xd2: {  	s8 =	smin.u32 @!p2 s8, $0x770;
	(pc) =	sbr.rel @!p3 .LBB2_16-.Ltmp15, $4  }
0xd3: {  	s10 =	sand.u32 @!p2 $0x7F8, s8;
	s3 =	sadd.s32 @!p2 $0x80, s8  }
0xd4: {  	s8 =	sand.u32 @!p2 $0x7, s8;
	s10 =	sadd.s32 @!p2 s1, s10;
	s3 =	sand.u32 @!p2 $0xFF8, s3  }
0xd5: {  	[tilespmem:s9], [sflag:$0x2] =	stream.linear.gather @!p2 [hbm4b:s10+s8], $0x80, $0x38;
	[tilespmem:$0x1E668] =	vst v63  }
0xd6: {  	s31 =	sadd.s32 $0x1, s31;
	s9 =	sadd.s32 @!p2 s1, s3  }
.LBB2_17:
0xd7: {  	[tilespmem:s2], [sflag:$0x2] =	stream.linear.gather @!p2 [hbm4b:s9+s8], $0x80, $0x38;
	[tilespmem:$0x1E668] =	vst v63  }
.Ltmp16:
0xd8: {  	s0 =	sshll.u32 s0, $0x8;
	(pc) =	sbr.rel .LBB2_18-.Ltmp16, $4  }
0xd9: {  	s31 =	simm.s32 $0x2;
	s30 =	simm.s32 $0x0;
	s0 =	sand.u32 $0x3FFFFF00, s0  }
0xda: {  	s10 =	smov.u32 s5;
	s5 =	smov.u32 s14;
	_ =	swait.ge [sflag:s31], s0  }
0xdb: {  	s14 =	smov.u32 s6;
	s0 =	ssub.s32 $0x0, s0;
	[sflag:s31] =	ssyncset.done $0x0  }
0xdc: {  	s6 =	smov.u32 s17;
	s17 =	simm.s32 $0xA;
	[sflag:s31] =	ssyncadd.s32 s0  }
.LBB2_19:
0xdd: {  	v1 =	vld [tilespmem:s24+$0xFFFFFF80];
	_ =	sdelay $0x4  }
0xde: {  	[tilespmem:s31+$0x208] =	vst.add.f32.msk $0xffff, v1  }
0xdf: {  	v1 =	vld [tilespmem:s24+$0xFFFFFF90];
	_ =	sdelay $0x4  }
0xe0: {  	[tilespmem:s31+$0x218] =	vst.add.f32.msk $0xffff, v1  }
0xe1: {  	v1 =	vld [tilespmem:s24+$0xFFFFFFA0];
	_ =	sdelay $0x4  }
0xe2: {  	[tilespmem:s31+$0x228] =	vst.add.f32.msk $0xffff, v1  }
0xe3: {  	v1 =	vld [tilespmem:s24+$0xFFFFFFB0];
	_ =	sdelay $0x4  }
0xe4: {  	[tilespmem:s31+$0x238] =	vst.add.f32.msk $0xffff, v1  }
0xe5: {  	v1 =	vld [tilespmem:s24+$0xFFFFFFC0];
	_ =	sdelay $0x4  }
0xe6: {  	[tilespmem:s31+$0x248] =	vst.add.f32.msk $0xffff, v1  }
0xe7: {  	v1 =	vld [tilespmem:s24+$0xFFFFFFD0];
	_ =	sdelay $0x4  }
0xe8: {  	[tilespmem:s31+$0x258] =	vst.add.f32.msk $0xffff, v1  }
0xe9: {  	v1 =	vld [tilespmem:s24+$0xFFFFFFE0];
	_ =	sdelay $0x4  }
0xea: {  	[tilespmem:s31+$0x268] =	vst.add.f32.msk $0xffff, v1  }
0xeb: {  	v1 =	vld [tilespmem:s24+$0xFFFFFFF0];
	_ =	sdelay $0x4  }
0xec: {  	[tilespmem:s31+$0x278] =	vst.add.f32.msk $0xffff, v1  }
0xed: {  	v1 =	vld [tilespmem:s24+$0x0];
	_ =	sdelay $0x4  }
0xee: {  	[tilespmem:s31+$0x288] =	vst.add.f32.msk $0xffff, v1  }
0xef: {  	v1 =	vld [tilespmem:s24+$0x10];
	_ =	sdelay $0x4  }
0xf0: {  	[tilespmem:s31+$0x298] =	vst.add.f32.msk $0xffff, v1  }
0xf1: {  	v1 =	vld [tilespmem:s24+$0x20];
	_ =	sdelay $0x4  }
0xf2: {  	[tilespmem:s31+$0x2A8] =	vst.add.f32.msk $0xffff, v1  }
0xf3: {  	v1 =	vld [tilespmem:s24+$0x30];
	_ =	sdelay $0x4  }
0xf4: {  	[tilespmem:s31+$0x2B8] =	vst.add.f32.msk $0xffff, v1  }
0xf5: {  	v1 =	vld [tilespmem:s24+$0x40];
	_ =	sdelay $0x4  }
0xf6: {  	[tilespmem:s31+$0x2C8] =	vst.add.f32.msk $0xffff, v1  }
0xf7: {  	v1 =	vld [tilespmem:s24+$0x50];
	_ =	sdelay $0x4  }
0xf8: {  	[tilespmem:s31+$0x2D8] =	vst.add.f32.msk $0xffff, v1  }
0xf9: {  	v1 =	vld [tilespmem:s24+$0x60];
	_ =	sdelay $0x4  }
0xfa: {  	[tilespmem:s31+$0x2E8] =	vst.add.f32.msk $0xffff, v1  }
0xfb: {  	v1 =	vld [tilespmem:s24+$0x70];
	_ =	sdelay $0x4  }
0xfc: {  	[tilespmem:s31+$0x2F8] =	vst.add.f32.msk $0xffff, v1  }
.LBB2_23:
0xfd: {  	s25 =	sadd.s32 $0x1, s25  }
0xfe: {  	p2 =	seq.s32 s25, $0x0  }
.Ltmp17:
0xff: {  	_ = 	snop;
	(pc) =	sbr.rel @p2 .LBB2_24-.Ltmp17, $2  }
0x100: {  	_ =	sdelay $0x2  }
0x101: {  	s22 =	sadd.s32 $0x1, s22;
	s24 =	sadd.s32 $0x100, s24;
	s28 =	smov.u32 s29  }
.LBB2_18:
0x102: {  	v1 =	vld.msk [tilespmem:s22+$0x0], $0x1;
	_ =	sdelay $0x4  }
0x103: {  	(v2sf) =	vpush v1, $0x0;
	_ =	sdelay $0xe  }
0x104: {  	s29 =	spop (v2sf)  }
0x105: {  	p2 =	sne.s32 s28, s29  }
.Ltmp18:
0x106: {  	_ = 	snop;
	(pc) =	sbr.rel @!p2 .LBB2_19-.Ltmp18, $3  }
0x107: {  	_ =	sdelay $0x1  }
0x108: {  	s0 =	sshll.u32 s21, $0xA  }
0x109: {  	s31 =	sshra.s32 s0, $0x2  }
0x10a: {  	p2 =	seq.s32 s28, s23  }
.Ltmp19:
0x10b: {  	_ = 	snop;
	(pc) =	sbr.rel @!p2 .LBB2_21-.Ltmp19, $1  }
0x10c: {  	_ =	sdelay $0x3  }
.Ltmp20:
0x10d: {  	s0 =	sadd.s32 $0x208, s31;
	(pc) =	sbr.rel .LBB2_22-.Ltmp20, $4  }
0x10e: {  	[spmem:s13] =	stream.linear.scatter [tilespmem:s0], [sflag:$0x1], $0x100, $0x38;
	[tilespmem:$0x1E668] =	vst v63  }
0x10f: {  	_ =	swait.ge [sflag:s11], $0x100  }
0x110: {  	[sflag:s11] =	ssyncset.done $0x0  }
0x111: {  	[sflag:s11] =	ssyncadd.s32 $0xFFFFFF00  }
.LBB2_21:
0x112: {  	s0 =	sshll.u32 s26, $0xA  }
0x113: {  	s0 =	sshra.s32 s0, $0x2  }
0x114: {  	v1 =	vld [tilespmem:s0+$0x7308];
	_ =	sdelay $0x4  }
0x115: {  	[tilespmem:s31+$0x208] =	vst.add.f32.msk $0xffff, v1  }
0x116: {  	v1 =	vld [tilespmem:s0+$0x7318];
	_ =	sdelay $0x4  }
0x117: {  	[tilespmem:s31+$0x218] =	vst.add.f32.msk $0xffff, v1  }
0x118: {  	v1 =	vld [tilespmem:s0+$0x7328];
	_ =	sdelay $0x4  }
0x119: {  	[tilespmem:s31+$0x228] =	vst.add.f32.msk $0xffff, v1  }
0x11a: {  	v1 =	vld [tilespmem:s0+$0x7338];
	_ =	sdelay $0x4  }
0x11b: {  	[tilespmem:s31+$0x238] =	vst.add.f32.msk $0xffff, v1  }
0x11c: {  	v1 =	vld [tilespmem:s0+$0x7348];
	_ =	sdelay $0x4  }
0x11d: {  	[tilespmem:s31+$0x248] =	vst.add.f32.msk $0xffff, v1  }
0x11e: {  	v1 =	vld [tilespmem:s0+$0x7358];
	_ =	sdelay $0x4  }
0x11f: {  	[tilespmem:s31+$0x258] =	vst.add.f32.msk $0xffff, v1  }
0x120: {  	v1 =	vld [tilespmem:s0+$0x7368];
	_ =	sdelay $0x4  }
0x121: {  	[tilespmem:s31+$0x268] =	vst.add.f32.msk $0xffff, v1  }
0x122: {  	v1 =	vld [tilespmem:s0+$0x7378];
	_ =	sdelay $0x4  }
0x123: {  	[tilespmem:s31+$0x278] =	vst.add.f32.msk $0xffff, v1  }
0x124: {  	v1 =	vld [tilespmem:s0+$0x7388];
	_ =	sdelay $0x4  }
0x125: {  	[tilespmem:s31+$0x288] =	vst.add.f32.msk $0xffff, v1  }
0x126: {  	v1 =	vld [tilespmem:s0+$0x7398];
	_ =	sdelay $0x4  }
0x127: {  	[tilespmem:s31+$0x298] =	vst.add.f32.msk $0xffff, v1  }
0x128: {  	v1 =	vld [tilespmem:s0+$0x73A8];
	_ =	sdelay $0x4  }
0x129: {  	[tilespmem:s31+$0x2A8] =	vst.add.f32.msk $0xffff, v1  }
0x12a: {  	v1 =	vld [tilespmem:s0+$0x73B8];
	_ =	sdelay $0x4  }
0x12b: {  	[tilespmem:s31+$0x2B8] =	vst.add.f32.msk $0xffff, v1  }
0x12c: {  	v1 =	vld [tilespmem:s0+$0x73C8];
	_ =	sdelay $0x4  }
0x12d: {  	[tilespmem:s31+$0x2C8] =	vst.add.f32.msk $0xffff, v1  }
0x12e: {  	v1 =	vld [tilespmem:s0+$0x73D8];
	_ =	sdelay $0x4  }
0x12f: {  	[tilespmem:s31+$0x2D8] =	vst.add.f32.msk $0xffff, v1  }
0x130: {  	v1 =	vld [tilespmem:s0+$0x73E8];
	_ =	sdelay $0x4  }
0x131: {  	[tilespmem:s31+$0x2E8] =	vst.add.f32.msk $0xffff, v1  }
0x132: {  	v1 =	vld [tilespmem:s0+$0x73F8];
	_ =	sdelay $0x2  }
0x133: {  	p2 =	sgt.u32 s28, $0x770  }
0x134: {  	s0 =	sand.u32 @!p2 $0x7F8, s28  }
0x135: {  	s2 =	sadd.s32 $0x208, s31;
	s3 =	sand.u32 @!p2 $0x7, s28;
	s0 =	sadd.s32 @!p2 s1, s0;
	[tilespmem:s31+$0x2F8] =	vst.add.f32.msk $0xffff, v1  }
0x136: {  	[hbm4b:s0+s3] =	stream.linear.scatter @!p2 [tilespmem:s2], [sflag:$0xA], $0x80, $0x38;
	[tilespmem:$0x1E668] =	vst v63  }
0x137: {  	s0 =	sadd.s32 @!p2 $0x80, s28  }
0x138: {  	s0 =	sand.u32 @!p2 $0xFF8, s0  }
0x139: {  	s2 =	sadd.s32 $0x288, s31;
	s0 =	sadd.s32 @!p2 s1, s0  }
0x13a: {  	[hbm4b:s0+s3] =	stream.linear.scatter @!p2 [tilespmem:s2], [sflag:$0xA], $0x80, $0x38;
	[tilespmem:$0x1E668] =	vst v63  }
0x13b: {  	s0 =	simm.s32 $0x0  }
0x13c: {  	s0 =	simm.s32 @!p2 $0x400  }
0x13d: {  	s30 =	sadd.s32 s0, s30  }
.LBB2_22:
0x13e: {  	s0 =	sadd.s32 $0x1, s21  }
0x13f: {  	s2 =	sshrl.u32 s0, $0x4  }
0x140: {  	s2 =	smulhi.u32 $0x24924925, s2  }
0x141: {  	v1 =	vld [tilespmem:s24+$0xFFFFFF80]  }
0x142: {  	s2 =	smul.u32 $0x70, s2;
	_ =	sdelay $0x1  }
0x143: {  	s21 =	ssub.s32 s0, s2  }
0x144: {  	s0 =	sshll.u32 s21, $0x8  }
0x145: {  	[tilespmem:s0+$0x208] =	vst v1  }
0x146: {  	v1 =	vld [tilespmem:s24+$0xFFFFFF90];
	_ =	sdelay $0x4  }
0x147: {  	[tilespmem:s0+$0x218] =	vst v1  }
0x148: {  	v1 =	vld [tilespmem:s24+$0xFFFFFFA0];
	_ =	sdelay $0x4  }
0x149: {  	[tilespmem:s0+$0x228] =	vst v1  }
0x14a: {  	v1 =	vld [tilespmem:s24+$0xFFFFFFB0];
	_ =	sdelay $0x4  }
0x14b: {  	[tilespmem:s0+$0x238] =	vst v1  }
0x14c: {  	v1 =	vld [tilespmem:s24+$0xFFFFFFC0];
	_ =	sdelay $0x4  }
0x14d: {  	[tilespmem:s0+$0x248] =	vst v1  }
0x14e: {  	v1 =	vld [tilespmem:s24+$0xFFFFFFD0];
	_ =	sdelay $0x4  }
0x14f: {  	[tilespmem:s0+$0x258] =	vst v1  }
0x150: {  	v1 =	vld [tilespmem:s24+$0xFFFFFFE0];
	_ =	sdelay $0x4  }
0x151: {  	[tilespmem:s0+$0x268] =	vst v1  }
0x152: {  	v1 =	vld [tilespmem:s24+$0xFFFFFFF0];
	_ =	sdelay $0x4  }
0x153: {  	[tilespmem:s0+$0x278] =	vst v1  }
0x154: {  	v1 =	vld [tilespmem:s24+$0x0];
	_ =	sdelay $0x4  }
0x155: {  	[tilespmem:s0+$0x288] =	vst v1  }
0x156: {  	v1 =	vld [tilespmem:s24+$0x10];
	_ =	sdelay $0x4  }
0x157: {  	[tilespmem:s0+$0x298] =	vst v1  }
0x158: {  	v1 =	vld [tilespmem:s24+$0x20];
	_ =	sdelay $0x4  }
0x159: {  	[tilespmem:s0+$0x2A8] =	vst v1  }
0x15a: {  	v1 =	vld [tilespmem:s24+$0x30];
	_ =	sdelay $0x4  }
0x15b: {  	[tilespmem:s0+$0x2B8] =	vst v1  }
0x15c: {  	v1 =	vld [tilespmem:s24+$0x40];
	_ =	sdelay $0x4  }
0x15d: {  	[tilespmem:s0+$0x2C8] =	vst v1  }
0x15e: {  	v1 =	vld [tilespmem:s24+$0x50];
	_ =	sdelay $0x4  }
0x15f: {  	[tilespmem:s0+$0x2D8] =	vst v1  }
0x160: {  	v1 =	vld [tilespmem:s24+$0x60];
	_ =	sdelay $0x4  }
0x161: {  	[tilespmem:s0+$0x2E8] =	vst v1  }
0x162: {  	v1 =	vld [tilespmem:s24+$0x70]  }
.Ltmp21:
0x163: {  	_ = 	snop;
	(pc) =	sbr.rel .LBB2_23-.Ltmp21, $2  }
0x164: {  	_ =	sdelay $0x2  }
0x165: {  	s26 =	sadd.s32 $0x1, s26;
	[tilespmem:s0+$0x2F8] =	vst v1  }
.LBB2_25:
.Ltmp22:
0x166: {  	(pc) =	sbr.rel .LBB2_26-.Ltmp22, $4  }
0x167: {  	_ = 	snop  }
0x168: {  	s0 =	simm.s32 $0x2  }
0x169: {  	_ =	swait.ge [sflag:s0], $0x0  }
0x16a: {  	s29 =	smov.u32 s28;
	[sflag:s0] =	ssyncset.done $0x0;
	s0 =	simm.s32 $0x0  }
.LBB2_28:
0x16b: {  	_ =	sfence.sel $0x180000  }
0x16c: {  	s0 =	simm.s32 $0x7;
	[bflag:$0x0] =	sbarrier.arrive $0xFFFF  }
0x16d: {  	s25 =	simm.s32 $0x8;
	[sflag:s0] =	ssyncpa.u1 $0x1  }
0x16e: {  	s26 =	simm.s32 $0x9;
	[sflag:s25] =	ssyncpa.u1 $0x1  }
0x16f: {  	s28 =	simm.s32 $0x2;
	[sflag:s26] =	ssyncpa.u1 $0x1  }
0x170: {  	[sflag:s28] =	ssyncpa.u1 $0x1  }
0x171: {  	v0 =	vld [tilespmem:$0xE408];
	_ =	sdelay $0x4  }
0x172: {  	(v2sf) =	vpush v0, $0x0  }
0x173: {  	(v2sf) =	vpush v0, $0x1;
	_ =	sdelay $0x1  }
0x174: {  	(v2sf) =	vpush v0, $0x2;
	_ =	sdelay $0xb  }
0x175: {  	s0 =	spop (v2sf)  }
0x176: {  	s2 =	spop (v2sf)  }
0x177: {  	s3 =	smov.u32 s0;
	p0 =	sne.s32 s0, s2  }
0x178: {  	s4 =	spop (v2sf);
	s3 =	simm.s32 @!p0 $0xFFFFFFFF  }
0x179: {  	v2 =	vimm.s32 $0x1;
	v3 =	vlaneseq.u32;
	p0 =	seq.s32 s4, $0xFFFFFFFF;
	v1 =	vmov s3  }
0x17a: {  	s7 =	stileid.u32;
	v0 =	vperm.xlane v0, v2;
	p1 =	sne.s32 @!p0 s0, s2;
	v1 =	vperm.xlane v1, v3  }
0x17b: {  	vm0 =	vcmask $0x3F04;
	s6 =	simm.s32 $0xE408;
	s0 =	simm.s32 @!p0 $0x1;
	p1 =	por !p1, p0  }
0x17c: {  	s3 =	sshll.u32 s7, $0x1;
	s2 =	sshll.u32 @!p0 s4, $0xA;
	s0 =	simm.s32 @p1 $0x0;
	v0 =	vsel vm0, v1, v0  }
0x17d: {  	s5 =	sor.u32 $0x2000, s3;
	s2 =	sshra.s32 @!p0 s2, $0x2;
	s0 =	sor.u32 @!p0 s0, s3;
	[tilespmem:$0xE408] =	vst v0  }
0x17e: {  	[spmem:s5] =	stream.linear.scatter [tilespmem:s6], [sflag:$0x1], $0x2, $0x38;
	[tilespmem:$0x1E668] =	vst v63  }
0x17f: {  	s2 =	sadd.s32 @!p0 $0x208, s2;
	s0 =	sshll.u32 @!p0 s0, $0x8  }
0x180: {  	[spmem:s0] =	stream.linear.scatter @!p0 [tilespmem:s2], [sflag:$0x1], $0x100, $0x38;
	[tilespmem:$0x1E668] =	vst v63  }
0x181: {  	s2 =	simm.s32 @!p0 $0x102  }
0x182: {  	s0 =	simm.s32 $0x1;
	s2 =	simm.s32 @p0 $0x2  }
0x183: {  	_ =	swait.ge [sflag:s0], s2  }
0x184: {  	s2 =	ssub.s32 $0x0, s2;
	[sflag:s0] =	ssyncset.done $0x0  }
0x185: {  	[sflag:s0] =	ssyncadd.s32 s2  }
0x186: {  	_ =	sfence.stream.spmem  }
0x187: {  	s29 =	simm.s32 $0x3;
	[bflag:$0x0] =	sbarrier.arrive $0xFFFF  }
0x188: {  	s30 =	simm.s32 $0x4;
	[sflag:s29] =	ssyncpa.u1 $0x1  }
0x189: {  	s31 =	simm.s32 $0x3C;
	[sflag:s30] =	ssyncpa.u1 $0x1  }
0x18a: {  	p0 =	sne.s32 s7, $0x0;
	[sflag:s31] =	ssyncpa.u1 $0x1  }
0x18b: {  	_ =	sfence @p0  }
0x18c: {  	[sflag:s0] =	ssyncpa.u1 @p0 $0x1  }
0x18d: {  	_ =	strace @p0 $0x90000056  }
0x18e: {  	[bflag:$0x2] =	sbarrier.arrive @p0 $0xFFFF  }
0x18f: {  	_ =	shalt @p0  }
.LBB2_29:
0x190: {  	_ =	sfence.stream.spmem;
	s0 =	simm.s32 $0x5  }
0x191: {  	s2 =	simm.s32 $0x2000;
	s3 =	simm.s32 $0xE418;
	[sflag:s0] =	ssyncpa.u1 $0x0  }
0x192: {  	[tilespmem:s3], [sflag:$0x5] =	stream.linear.gather [spmem:s2], $0x20, $0x38;
	[tilespmem:$0x1E668] =	vst v63  }
0x193: {  	s30 =	simm.s32 $0xE438;
	s2 =	simm.s32 $0x0  }
0x194: {  	[tilespmem:s30], [sflag:$0x5] =	stream.linear.gather [spmem:s2], $0x2000, $0x38;
	[tilespmem:$0x1E668] =	vst v63  }
.Ltmp23:
0x195: {  	_ = 	snop;
	(pc) =	sbr.rel .LBB2_30-.Ltmp23, $4  }
0x196: {  	_ =	swait.ge [sflag:s0], $0x2020  }
0x197: {  	[sflag:s0] =	ssyncset.done $0x0  }
0x198: {  	s31 =	simm.s32 $0x6;
	[sflag:s0] =	ssyncadd.s32 $0xFFFFDFE0  }
0x199: {  	s3 =	simm.s32 $0x0;
	[sflag:s31] =	ssyncpa.u1 $0x0  }
.LBB2_36:
0x19a: {  	p0 =	slt.u32 s4, $0x771  }
0x19b: {  	s0 =	sand.u32 @p0 $0x7F8, s4  }
0x19c: {  	s5 =	sand.u32 @p0 $0x7, s4;
	s6 =	simm.s32 @p0 $0xE308;
	s0 =	sadd.s32 @p0 s1, s0  }
0x19d: {  	[tilespmem:s6], [sflag:$0x6] =	stream.linear.gather @p0 [hbm4b:s0+s5], $0x80, $0x38;
	[tilespmem:$0x1E668] =	vst v63  }
0x19e: {  	s0 =	sadd.s32 @p0 $0x80, s4  }
0x19f: {  	s0 =	sand.u32 @p0 $0xFF8, s0  }
0x1a0: {  	s4 =	simm.s32 @p0 $0xE388;
	s0 =	sadd.s32 @p0 s1, s0  }
0x1a1: {  	[tilespmem:s4], [sflag:$0x6] =	stream.linear.gather @p0 [hbm4b:s0+s5], $0x80, $0x38;
	[tilespmem:$0x1E668] =	vst v63  }
0x1a2: {  	s0 =	simm.s32 @p0 $0x6  }
0x1a3: {  	_ =	swait.ge @p0 [sflag:s0], $0x100  }
0x1a4: {  	[sflag:s0] =	ssyncset.done @p0 $0x0  }
0x1a5: {  	[sflag:s0] =	ssyncadd.s32 @p0 $0xFFFFFF00  }
0x1a6: {  	v1 =	vld @p0 [tilespmem:$0xE308];
	_ =	sdelay $0x2  }
0x1a7: {  	s0 =	sshll.u32 @p0 s3, $0xA  }
0x1a8: {  	s4 =	sshrl.u32 @p0 s0, $0x2  }
0x1a9: {  	[tilespmem:s4+$0xE438] =	vst.add.f32.msk @p0 $0xffff, v1  }
0x1aa: {  	v1 =	vld @p0 [tilespmem:$0xE318];
	_ =	sdelay $0x4  }
0x1ab: {  	[tilespmem:s4+$0xE448] =	vst.add.f32.msk @p0 $0xffff, v1  }
0x1ac: {  	v1 =	vld @p0 [tilespmem:$0xE328];
	_ =	sdelay $0x4  }
0x1ad: {  	[tilespmem:s4+$0xE458] =	vst.add.f32.msk @p0 $0xffff, v1  }
0x1ae: {  	v1 =	vld @p0 [tilespmem:$0xE338];
	_ =	sdelay $0x4  }
0x1af: {  	[tilespmem:s4+$0xE468] =	vst.add.f32.msk @p0 $0xffff, v1  }
0x1b0: {  	v1 =	vld @p0 [tilespmem:$0xE348];
	_ =	sdelay $0x4  }
0x1b1: {  	[tilespmem:s4+$0xE478] =	vst.add.f32.msk @p0 $0xffff, v1  }
0x1b2: {  	v1 =	vld @p0 [tilespmem:$0xE358];
	_ =	sdelay $0x4  }
0x1b3: {  	[tilespmem:s4+$0xE488] =	vst.add.f32.msk @p0 $0xffff, v1  }
0x1b4: {  	v1 =	vld @p0 [tilespmem:$0xE368];
	_ =	sdelay $0x4  }
0x1b5: {  	[tilespmem:s4+$0xE498] =	vst.add.f32.msk @p0 $0xffff, v1  }
0x1b6: {  	v1 =	vld @p0 [tilespmem:$0xE378];
	_ =	sdelay $0x4  }
0x1b7: {  	[tilespmem:s4+$0xE4A8] =	vst.add.f32.msk @p0 $0xffff, v1  }
0x1b8: {  	v1 =	vld @p0 [tilespmem:$0xE388];
	_ =	sdelay $0x4  }
0x1b9: {  	[tilespmem:s4+$0xE4B8] =	vst.add.f32.msk @p0 $0xffff, v1  }
0x1ba: {  	v1 =	vld @p0 [tilespmem:$0xE398];
	_ =	sdelay $0x4  }
0x1bb: {  	[tilespmem:s4+$0xE4C8] =	vst.add.f32.msk @p0 $0xffff, v1  }
0x1bc: {  	v1 =	vld @p0 [tilespmem:$0xE3A8];
	_ =	sdelay $0x4  }
0x1bd: {  	[tilespmem:s4+$0xE4D8] =	vst.add.f32.msk @p0 $0xffff, v1  }
0x1be: {  	v1 =	vld @p0 [tilespmem:$0xE3B8];
	_ =	sdelay $0x4  }
0x1bf: {  	[tilespmem:s4+$0xE4E8] =	vst.add.f32.msk @p0 $0xffff, v1  }
0x1c0: {  	v1 =	vld @p0 [tilespmem:$0xE3C8];
	_ =	sdelay $0x4  }
0x1c1: {  	[tilespmem:s4+$0xE4F8] =	vst.add.f32.msk @p0 $0xffff, v1  }
0x1c2: {  	v1 =	vld @p0 [tilespmem:$0xE3D8];
	_ =	sdelay $0x4  }
0x1c3: {  	[tilespmem:s4+$0xE508] =	vst.add.f32.msk @p0 $0xffff, v1  }
0x1c4: {  	v1 =	vld @p0 [tilespmem:$0xE3E8];
	_ =	sdelay $0x4  }
0x1c5: {  	[tilespmem:s4+$0xE518] =	vst.add.f32.msk @p0 $0xffff, v1  }
0x1c6: {  	v1 =	vld @p0 [tilespmem:$0xE3F8];
	_ =	sdelay $0x3  }
0x1c7: {  	s5 =	sshll.u32 @!p0 s3, $0xA  }
0x1c8: {  	s5 =	smov.u32 @p0 s0;
	[tilespmem:s4+$0xE528] =	vst.add.f32.msk @p0 $0xffff, v1  }
0x1c9: {  	s0 =	sshrl.u32 s5, $0x2;
	[tilespmem:s2+$0xE418] =	vst.msk $0x1, v0  }
0x1ca: {  	v0 =	vld [tilespmem:s0+$0xE438];
	_ =	sdelay $0x2  }
0x1cb: {  	s31 =	sshll.u32 s2, $0xA  }
0x1cc: {  	s4 =	sshra.s32 s31, $0x2  }
0x1cd: {  	[tilespmem:s4+$0xE438] =	vst v0  }
0x1ce: {  	v0 =	vld [tilespmem:s0+$0xE448];
	_ =	sdelay $0x4  }
0x1cf: {  	[tilespmem:s4+$0xE448] =	vst v0  }
0x1d0: {  	v0 =	vld [tilespmem:s0+$0xE458];
	_ =	sdelay $0x4  }
0x1d1: {  	[tilespmem:s4+$0xE458] =	vst v0  }
0x1d2: {  	v0 =	vld [tilespmem:s0+$0xE468];
	_ =	sdelay $0x4  }
0x1d3: {  	[tilespmem:s4+$0xE468] =	vst v0  }
0x1d4: {  	v0 =	vld [tilespmem:s0+$0xE478];
	_ =	sdelay $0x4  }
0x1d5: {  	[tilespmem:s4+$0xE478] =	vst v0  }
0x1d6: {  	v0 =	vld [tilespmem:s0+$0xE488];
	_ =	sdelay $0x4  }
0x1d7: {  	[tilespmem:s4+$0xE488] =	vst v0  }
0x1d8: {  	v0 =	vld [tilespmem:s0+$0xE498];
	_ =	sdelay $0x4  }
0x1d9: {  	[tilespmem:s4+$0xE498] =	vst v0  }
0x1da: {  	v0 =	vld [tilespmem:s0+$0xE4A8];
	_ =	sdelay $0x4  }
0x1db: {  	[tilespmem:s4+$0xE4A8] =	vst v0  }
0x1dc: {  	v0 =	vld [tilespmem:s0+$0xE4B8];
	_ =	sdelay $0x4  }
0x1dd: {  	[tilespmem:s4+$0xE4B8] =	vst v0  }
0x1de: {  	v0 =	vld [tilespmem:s0+$0xE4C8];
	_ =	sdelay $0x4  }
0x1df: {  	[tilespmem:s4+$0xE4C8] =	vst v0  }
0x1e0: {  	v0 =	vld [tilespmem:s0+$0xE4D8];
	_ =	sdelay $0x4  }
0x1e1: {  	[tilespmem:s4+$0xE4D8] =	vst v0  }
0x1e2: {  	v0 =	vld [tilespmem:s0+$0xE4E8];
	_ =	sdelay $0x4  }
0x1e3: {  	[tilespmem:s4+$0xE4E8] =	vst v0  }
0x1e4: {  	v0 =	vld [tilespmem:s0+$0xE4F8];
	_ =	sdelay $0x4  }
0x1e5: {  	[tilespmem:s4+$0xE4F8] =	vst v0  }
0x1e6: {  	v0 =	vld [tilespmem:s0+$0xE508];
	_ =	sdelay $0x4  }
0x1e7: {  	[tilespmem:s4+$0xE508] =	vst v0  }
0x1e8: {  	v0 =	vld [tilespmem:s0+$0xE518];
	_ =	sdelay $0x4  }
0x1e9: {  	[tilespmem:s4+$0xE518] =	vst v0  }
0x1ea: {  	v0 =	vld [tilespmem:s0+$0xE528];
	_ =	sdelay $0x4  }
0x1eb: {  	s2 =	sadd.s32 $0x1, s2;
	[tilespmem:s4+$0xE528] =	vst v0  }
.LBB2_37:
0x1ec: {  	s3 =	sadd.s32 $0x1, s3  }
0x1ed: {  	p0 =	sne.s32 s3, $0x20  }
.Ltmp24:
0x1ee: {  	_ = 	snop;
	(pc) =	sbr.rel @!p0 .LBB2_38-.Ltmp24, $1  }
0x1ef: {  	_ =	sdelay $0x3  }
.LBB2_30:
0x1f0: {  	v0 =	vld.msk [tilespmem:s3+$0xE418], $0x1;
	_ =	sdelay $0x4  }
0x1f1: {  	(v2sf) =	vpush v0, $0x0;
	_ =	sdelay $0xe  }
0x1f2: {  	s4 =	spop (v2sf)  }
0x1f3: {  	p0 =	seq.s32 s4, $0xFFFFFFFF  }
.Ltmp25:
0x1f4: {  	_ = 	snop;
	(pc) =	sbr.rel @p0 .LBB2_37-.Ltmp25, $1  }
0x1f5: {  	_ =	sdelay $0x3  }
0x1f6: {  	p0 =	slt.s32 s2, $0x1  }
.Ltmp26:
0x1f7: {  	_ = 	snop;
	(pc) =	sbr.rel @p0 .LBB2_36-.Ltmp26, $1  }
0x1f8: {  	_ =	sdelay $0x3  }
0x1f9: {  	s5 =	simm.s32 $0xE418;
	p0 =	por $0x0, $0x0  }
0x1fa: {  	v1 =	vld.msk @!p0 [tilespmem:s5+$0x0], $0x1;
	_ =	sdelay $0x4  }
0x1fb: {  	(v2sf) =	vpush @!p0 v1, $0x0;
	_ =	sdelay $0xd  }
0x1fc: {  	p2 =	sne.s32 s2, $0x1  }
.Ltmp27:
0x1fd: {  	s0 =	spop @!p0 (v2sf);
	(pc) =	sbr.rel @!p2 .LBB2_34-.Ltmp27, $4  }
0x1fe: {  	p1 =	seq.s32 @!p0 s4, s0  }
0x1ff: {  	s6 =	simm.s32 $0x0;
	p1 =	por !p1, p0  }
0x200: {  	s0 =	simm.s32 $0xFFFFFFFF;
	s6 =	simm.s32 @p1 $0xFFFFFFFF  }
0x201: {  	s7 =	simm.s32 $0x1;
	s6 =	smov.u32 @p0 s0  }
.LBB2_33:
0x202: {  	s0 =	smov.u32 s6;
	p0 =	sne.s32 s6, $0xFFFFFFFF  }
0x203: {  	s5 =	sadd.s32 $0x1, s5;
	s6 =	smov.u32 s7;
	s7 =	sadd.s32 $0x1, s7  }
0x204: {  	p1 =	sne.s32 s2, s7;
	v1 =	vld.msk @!p0 [tilespmem:s5+$0x0], $0x1;
	_ =	sdelay $0x4  }
0x205: {  	(v2sf) =	vpush @!p0 v1, $0x0;
	_ =	sdelay $0xe  }
.Ltmp28:
0x206: {  	s8 =	spop @!p0 (v2sf);
	(pc) =	sbr.rel @p1 .LBB2_33-.Ltmp28, $4  }
0x207: {  	p2 =	seq.s32 @!p0 s4, s8  }
0x208: {  	p2 =	por !p2, p0  }
0x209: {  	s6 =	simm.s32 @p2 $0xFFFFFFFF  }
0x20a: {  	s6 =	smov.u32 @p0 s0  }
.LBB2_34:
0x20b: {  	p0 =	seq.s32 s6, $0xFFFFFFFF  }
.Ltmp29:
0x20c: {  	_ = 	snop;
	(pc) =	sbr.rel @p0 .LBB2_36-.Ltmp29, $1  }
0x20d: {  	_ =	sdelay $0x3  }
0x20e: {  	s0 =	sshll.u32 s3, $0x8  }
0x20f: {  	s0 =	sand.u32 $0x3FFFFF00, s0  }
0x210: {  	v0 =	vld [tilespmem:s0+$0xE438];
	_ =	sdelay $0x2  }
0x211: {  	s4 =	sshll.u32 s6, $0xA  }
0x212: {  	s4 =	sshra.s32 s4, $0x2  }
0x213: {  	[tilespmem:s4+$0xE438] =	vst.add.f32.msk $0xffff, v0  }
0x214: {  	v0 =	vld [tilespmem:s0+$0xE448];
	_ =	sdelay $0x4  }
0x215: {  	[tilespmem:s4+$0xE448] =	vst.add.f32.msk $0xffff, v0  }
0x216: {  	v0 =	vld [tilespmem:s0+$0xE458];
	_ =	sdelay $0x4  }
0x217: {  	[tilespmem:s4+$0xE458] =	vst.add.f32.msk $0xffff, v0  }
0x218: {  	v0 =	vld [tilespmem:s0+$0xE468];
	_ =	sdelay $0x4  }
0x219: {  	[tilespmem:s4+$0xE468] =	vst.add.f32.msk $0xffff, v0  }
0x21a: {  	v0 =	vld [tilespmem:s0+$0xE478];
	_ =	sdelay $0x4  }
0x21b: {  	[tilespmem:s4+$0xE478] =	vst.add.f32.msk $0xffff, v0  }
0x21c: {  	v0 =	vld [tilespmem:s0+$0xE488];
	_ =	sdelay $0x4  }
0x21d: {  	[tilespmem:s4+$0xE488] =	vst.add.f32.msk $0xffff, v0  }
0x21e: {  	v0 =	vld [tilespmem:s0+$0xE498];
	_ =	sdelay $0x4  }
0x21f: {  	[tilespmem:s4+$0xE498] =	vst.add.f32.msk $0xffff, v0  }
0x220: {  	v0 =	vld [tilespmem:s0+$0xE4A8];
	_ =	sdelay $0x4  }
0x221: {  	[tilespmem:s4+$0xE4A8] =	vst.add.f32.msk $0xffff, v0  }
0x222: {  	v0 =	vld [tilespmem:s0+$0xE4B8];
	_ =	sdelay $0x4  }
0x223: {  	[tilespmem:s4+$0xE4B8] =	vst.add.f32.msk $0xffff, v0  }
0x224: {  	v0 =	vld [tilespmem:s0+$0xE4C8];
	_ =	sdelay $0x4  }
0x225: {  	[tilespmem:s4+$0xE4C8] =	vst.add.f32.msk $0xffff, v0  }
0x226: {  	v0 =	vld [tilespmem:s0+$0xE4D8];
	_ =	sdelay $0x4  }
0x227: {  	[tilespmem:s4+$0xE4D8] =	vst.add.f32.msk $0xffff, v0  }
0x228: {  	v0 =	vld [tilespmem:s0+$0xE4E8];
	_ =	sdelay $0x4  }
0x229: {  	[tilespmem:s4+$0xE4E8] =	vst.add.f32.msk $0xffff, v0  }
0x22a: {  	v0 =	vld [tilespmem:s0+$0xE4F8];
	_ =	sdelay $0x4  }
0x22b: {  	[tilespmem:s4+$0xE4F8] =	vst.add.f32.msk $0xffff, v0  }
0x22c: {  	v0 =	vld [tilespmem:s0+$0xE508];
	_ =	sdelay $0x4  }
0x22d: {  	[tilespmem:s4+$0xE508] =	vst.add.f32.msk $0xffff, v0  }
0x22e: {  	v0 =	vld [tilespmem:s0+$0xE518];
	_ =	sdelay $0x4  }
0x22f: {  	[tilespmem:s4+$0xE518] =	vst.add.f32.msk $0xffff, v0  }
0x230: {  	v0 =	vld [tilespmem:s0+$0xE528]  }
.Ltmp30:
0x231: {  	_ = 	snop;
	(pc) =	sbr.rel .LBB2_37-.Ltmp30, $2  }
0x232: {  	_ =	sdelay $0x2  }
0x233: {  	[tilespmem:s4+$0xE528] =	vst.add.f32.msk $0xffff, v0  }
.LBB2_38:
0x234: {  	p0 =	slt.s32 s2, $0x1  }
.Ltmp31:
0x235: {  	_ = 	snop;
	(pc) =	sbr.rel @p0 .LBB2_42-.Ltmp31, $3  }
0x236: {  	_ =	sdelay $0x1  }
0x237: {  	s0 =	simm.s32 $0x6  }
0x238: {  	[sflag:s0] =	ssyncpa.u1 $0x1;
	s0 =	simm.s32 $0x0  }
0x239: {  	s3 =	simm.s32 $0xE418  }
0x23a: {  	v0 =	vld.msk [tilespmem:s3+$0x0], $0x1;
	_ =	sdelay $0x4  }
0x23b: {  	(v2sf) =	vpush v0, $0x0;
	_ =	sdelay $0xe  }
0x23c: {  	s2 =	sadd.s32 $0xFFFFFFFF, s2;
	s4 =	spop (v2sf)  }
0x23d: {  	s5 =	simm.s32 $0xE438;
	p0 =	sne.s32 s2, $0x0;
	p1 =	sgt.u32 s4, $0x770  }
.Ltmp32:
0x23e: {  	s3 =	simm.s32 $0xE538;
	s6 =	sand.u32 @!p1 $0x7F8, s4;
	(pc) =	sbr.rel @!p0 .LBB2_41-.Ltmp32, $4  }
0x23f: {  	s7 =	sadd.s32 @!p1 $0x80, s4;
	s8 =	sadd.s32 @!p1 s1, s6;
	s6 =	sand.u32 @!p1 $0x7, s4  }
0x240: {  	[hbm4b:s8+s6] =	stream.linear.scatter @!p1 [tilespmem:s5], [sflag:$0x5], $0x80, $0x38;
	[tilespmem:$0x1E668] =	vst v63  }
0x241: {  	s0 =	simm.s32 @!p1 $0x400;
	s4 =	simm.s32 $0xE419;
	s5 =	sand.u32 @!p1 $0xFF8, s7  }
0x242: {  	s7 =	simm.s32 @!p1 $0xE4B8;
	s8 =	sadd.s32 @!p1 s1, s5;
	s5 =	sadd.s32 $0x0, s0  }
.LBB2_40:
0x243: {  	[hbm4b:s8+s6] =	stream.linear.scatter @!p1 [tilespmem:s7], [sflag:$0x5], $0x80, $0x38;
	[tilespmem:$0x1E668] =	vst v63  }
0x244: {  	s2 =	sadd.s32 $0xFFFFFFFF, s2;
	s0 =	smov.u32 s3;
	v0 =	vld.msk [tilespmem:s4+$0x0], $0x1  }
0x245: {  	p0 =	sne.s32 s2, $0x0;
	_ =	sdelay $0x3  }
0x246: {  	(v2sf) =	vpush v0, $0x0;
	_ =	sdelay $0xe  }
0x247: {  	s3 =	sadd.s32 $0x100, s3;
	s9 =	simm.s32 $0x0;
	s6 =	spop (v2sf)  }
.Ltmp33:
0x248: {  	s4 =	sadd.s32 $0x1, s4;
	p1 =	sgt.u32 s6, $0x770;
	(pc) =	sbr.rel @p0 .LBB2_40-.Ltmp33, $4  }
0x249: {  	s9 =	simm.s32 @!p1 $0x400;
	s7 =	sand.u32 @!p1 $0x7F8, s6;
	s8 =	sadd.s32 @!p1 $0x80, s6  }
0x24a: {  	s6 =	sand.u32 @!p1 $0x7, s6;
	s7 =	sadd.s32 @!p1 s1, s7;
	s8 =	sand.u32 @!p1 $0xFF8, s8  }
0x24b: {  	[hbm4b:s7+s6] =	stream.linear.scatter @!p1 [tilespmem:s0], [sflag:$0x5], $0x80, $0x38;
	[tilespmem:$0x1E668] =	vst v63  }
0x24c: {  	s5 =	sadd.s32 s5, s9;
	s7 =	sadd.s32 @!p1 $0x80, s0;
	s8 =	sadd.s32 @!p1 s1, s8  }
.LBB2_41:
0x24d: {  	[hbm4b:s8+s6] =	stream.linear.scatter @!p1 [tilespmem:s7], [sflag:$0x5], $0x80, $0x38;
	[tilespmem:$0x1E668] =	vst v63  }
0x24e: {  	s0 =	sshrl.u32 s5, $0x2  }
.LBB2_42:
0x24f: {  	s1 =	simm.s32 $0x5  }
0x250: {  	_ =	swait.ge [sflag:s1], s0  }
0x251: {  	s29 =	ssub.s32 $0x0, s0;
	[sflag:s1] =	ssyncset.done $0x0  }
0x252: {  	[sflag:s1] =	ssyncadd.s32 s29  }
0x253: {  	[sflag:s1] =	ssyncpa.u1 $0x1  }
0x254: {  	s30 =	simm.s32 $0x1;
	_ =	sfence  }
0x255: {  	[sflag:s30] =	ssyncpa.u1 $0x1  }
0x256: {  	_ =	strace $0x90000056  }
0x257: {  	[bflag:$0x2] =	sbarrier.arrive $0xFFFF  }
0x258: {  	s31 =	rddreg [dreg:$0x1]  }
0x259: {  	s0 =	sadd.s32 $0x100000, s31  }
0x25a: {  	[sflag:s0] =	ssyncadd.tile.s32 $0x1;
	_ =	shalt  }
.Lfunc_end2:
_tile_overlayer_lowered:
.L_overlay_start_2:
0x25b: {  	(tag) =	ssettag $0x2  }
0x25c: {  	s0 =	rddreg [dreg:$0x0];
	s2 =	stileid.u32  }
0x25d: {  	s1 =	rddreg [dreg:$0x1];
	p0 =	sne.s32 s2, $0x0  }
0x25e: {  	s3 =	rddreg [dreg:$0x2];
	[bflag:$0x3] =	sbarrier.arrive $0xFFFF;
	s2 =	simm.s32 @!p0 $0x1C01  }
0x25f: {  	[timem:s3], [sflag:s2] =	dma.local @!p0 [hbm:s0], s1  }
0x260: {  	s0 =	simm.s32 @!p0 $0x1  }
0x261: {  	_ =	swait.ge @!p0 [sflag:s0], s1  }
0x262: {  	s1 =	ssub.s32 @!p0 $0x0, s1;
	[sflag:s0] =	ssyncset.done @!p0 $0x0  }
0x263: {  	[sflag:s0] =	ssyncadd.s32 @!p0 s1  }
0x264: {  	[bflag:$0x3] =	sbarrier.arrive $0xFFFF  }
0x265: {  	_ =	shalt  }

</sc_bundles>
